<compile_context>
chip_gen: v7x
topology: tpu7x:2x2x1
jax: 0.10.2.dev20260603
libtpu: 0.0.44.dev20260713+nightly
codegen_flags: <defaults>
</compile_context>

<pallas_src>
import functools

import jax
import jax.numpy as jnp
from jax import lax
from jax.experimental import pallas as pl
from jax.experimental.pallas import tpu as pltpu
from jax.experimental.pallas import tpu_sc as plsc

N = 10000
E = 320000
D = 128
H = 64
WAUG = 80
NPAD = 10240
NTILES = 32
CHUNK = 80
EPT = E // NTILES
CHUNKS = EPT // CHUNK
TAIL = EPT - CHUNKS * CHUNK
ROWS_PER_TILE = NPAD // 16


def _proj_body(x_ref, w1_ref, o_ref):
    xb = x_ref[...]
    w = w1_ref[...]
    p = lax.dot_general(xb, w, (((1,), (1,)), ((), ())),
                        preferred_element_type=jnp.float32)
    o_ref[:, 0:64] = p
    col = lax.broadcasted_iota(jnp.int32, (xb.shape[0], 16), 1)
    o_ref[:, 64:80] = jnp.where(col == 0, 1.0, 0.0)


def _project(x, W1):
    return pl.pallas_call(
        _proj_body,
        out_shape=jax.ShapeDtypeStruct((N, WAUG), jnp.float32),
    )(x, W1)


_sc_mesh = plsc.VectorSubcoreMesh(core_axis_name="c", subcore_axis_name="s")


@functools.partial(
    pl.kernel,
    out_type=jax.ShapeDtypeStruct((2, NPAD, WAUG), jnp.float32),
    mesh=_sc_mesh,
    scratch_types=[
        pltpu.VMEM((EPT,), jnp.int32),
        pltpu.VMEM((EPT,), jnp.int32),
        [pltpu.VMEM((CHUNK, WAUG), jnp.float32) for _ in range(7)],
        pltpu.VMEM((CHUNK, WAUG), jnp.float32),
        pltpu.VMEM_SHARED((NPAD, WAUG), jnp.float32),
        [pltpu.SemaphoreType.DMA for _ in range(7)],
        [pltpu.SemaphoreType.DMA for _ in range(7)],
        pltpu.SemaphoreType.DMA,
        pltpu.SemaphoreType.DMA,
    ],
    compiler_params=pltpu.CompilerParams(use_tc_tiling_on_sc=False),
)
def _sc_scatter(xp_hbm, edge_hbm, out_hbm, nidx, hidx, bufs, zbuf, accum,
                gsems, ssems, isem, zsem):
    cid = lax.axis_index("c")
    sid = lax.axis_index("s")
    wid = sid * 2 + cid
    row0 = sid * ROWS_PER_TILE

    e0 = wid * EPT
    pltpu.async_copy(edge_hbm.at[0, pl.ds(e0, EPT)], nidx, isem)
    pltpu.async_copy(edge_hbm.at[1, pl.ds(e0, EPT)], hidx, isem)

    zeros16 = jnp.zeros((16,), jnp.float32)

    def _zrow(r, _):
        for c in range(WAUG // 16):
            zbuf[r, pl.ds(c * 16, 16)] = zeros16
        return 0

    ZREM = ROWS_PER_TILE % CHUNK
    lax.fori_loop(0, CHUNK, _zrow, 0)
    for r in range(ROWS_PER_TILE // CHUNK):
        pltpu.async_copy(zbuf, accum.at[pl.ds(row0 + r * CHUNK, CHUNK)], zsem)
    if ZREM:
        pltpu.async_copy(
            zbuf.at[pl.ds(0, ZREM)],
            accum.at[pl.ds(row0 + (ROWS_PER_TILE // CHUNK) * CHUNK, ZREM)],
            zsem)

    pltpu.make_async_copy(edge_hbm.at[0, pl.ds(e0, EPT)], nidx, isem).wait()
    pltpu.make_async_copy(edge_hbm.at[1, pl.ds(e0, EPT)], hidx, isem).wait()

    NBUF = 7
    NLOOK = 4
    for b in range(NLOOK):
        pltpu.async_copy(xp_hbm.at[nidx.at[pl.ds(b * CHUNK, CHUNK)]],
                         bufs[b], gsems[b])

    for r in range(ROWS_PER_TILE // CHUNK):
        pltpu.make_async_copy(zbuf, accum.at[pl.ds(row0 + r * CHUNK, CHUNK)],
                              zsem).wait()
    if ZREM:
        pltpu.make_async_copy(
            zbuf.at[pl.ds(0, ZREM)],
            accum.at[pl.ds(row0 + (ROWS_PER_TILE // CHUNK) * CHUNK, ZREM)],
            zsem).wait()
    plsc.subcore_barrier()

    def _hslice(j):
        return hidx.at[pl.ds(j * CHUNK, CHUNK)]

    def _nslice(j):
        return nidx.at[pl.ds(j * CHUNK, CHUNK)]

    def _body(i, _):
        for b in range(NBUF):
            j = NBUF * i + b
            bp = (b + NLOOK) % NBUF

            @pl.when(j + NLOOK < CHUNKS)
            def _():
                @pl.when(j >= NBUF - NLOOK)
                def _():
                    pltpu.make_async_copy(
                        bufs[bp], accum.at[_hslice(j - (NBUF - NLOOK))],
                        ssems[bp]).wait()
                pltpu.async_copy(xp_hbm.at[_nslice(j + NLOOK)], bufs[bp],
                                 gsems[bp])

            @pl.when(j < CHUNKS)
            def _():
                pltpu.make_async_copy(xp_hbm.at[_nslice(j)], bufs[b],
                                      gsems[b]).wait()
                pltpu.async_copy(bufs[b], accum.at[_hslice(j)], ssems[b],
                                 add=True)
        return 0

    lax.fori_loop(0, (CHUNKS + NBUF - 1) // NBUF, _body, 0)

    for b in range(NBUF):
        j = CHUNKS - NBUF + b
        pltpu.make_async_copy(bufs[j % NBUF], accum.at[_hslice(j)],
                              ssems[j % NBUF]).wait()

    if TAIL:
        pltpu.sync_copy(xp_hbm.at[nidx.at[pl.ds(CHUNKS * CHUNK, TAIL)]],
                        zbuf.at[pl.ds(0, TAIL)])
        pltpu.sync_copy(zbuf.at[pl.ds(0, TAIL)],
                        accum.at[hidx.at[pl.ds(CHUNKS * CHUNK, TAIL)]],
                        add=True)
    plsc.subcore_barrier()

    pltpu.sync_copy(accum.at[pl.ds(row0, ROWS_PER_TILE)],
                    out_hbm.at[cid, pl.ds(row0, ROWS_PER_TILE)])


RPT2 = NPAD // NTILES
GROUPS_FULL = RPT2 // 16
TAIL_GROUPS = (N - (NTILES - 1) * RPT2) // 16


@functools.partial(
    pl.kernel,
    out_type=jax.ShapeDtypeStruct((N,), jnp.float32),
    mesh=_sc_mesh,
    scratch_types=[
        pltpu.VMEM((RPT2, WAUG), jnp.float32),
        pltpu.VMEM((RPT2, WAUG), jnp.float32),
        pltpu.VMEM((H,), jnp.float32),
        pltpu.VMEM((WAUG,), jnp.float32),
        pltpu.VMEM((RPT2,), jnp.float32),
        pltpu.SemaphoreType.DMA,
    ],
    compiler_params=pltpu.CompilerParams(use_tc_tiling_on_sc=False,
                                         needs_layout_passes=False),
)
def _sc_post(acc_hbm, b1_hbm, pw_hbm, out_hbm, a0, a1, b1v, pwv, obuf, dsem):
    cid = lax.axis_index("c")
    sid = lax.axis_index("s")
    wid = sid * 2 + cid
    r0 = wid * RPT2

    pltpu.async_copy(acc_hbm.at[0, pl.ds(r0, RPT2)], a0, dsem)
    pltpu.async_copy(acc_hbm.at[1, pl.ds(r0, RPT2)], a1, dsem)
    pltpu.async_copy(b1_hbm, b1v, dsem)
    pltpu.async_copy(pw_hbm, pwv, dsem)
    pltpu.make_async_copy(acc_hbm.at[0, pl.ds(r0, RPT2)], a0, dsem).wait()
    pltpu.make_async_copy(acc_hbm.at[1, pl.ds(r0, RPT2)], a1, dsem).wait()
    pltpu.make_async_copy(b1_hbm, b1v, dsem).wait()
    pltpu.make_async_copy(pw_hbm, pwv, dsem).wait()

    cnt_col = jnp.full((16,), H, jnp.int32)
    b1a = [b1v[pl.ds(k * 16, 16)] for k in range(H // 16)]
    pwa = [pwv[pl.ds(k * 16, 16)] for k in range(WAUG // 16)]

    def _one_group(g):
        rows = g * 16 + lax.iota(jnp.int32, 16)
        cnt = (plsc.load_gather(a0, [rows, cnt_col])
               + plsc.load_gather(a1, [rows, cnt_col]))
        rinv = 1.0 / jnp.maximum(cnt, 1.0)
        alpha = jnp.zeros((16,), jnp.float32)
        for c in range(H):
            colv = jnp.full((16,), c, jnp.int32)
            f = (plsc.load_gather(a0, [rows, colv])
                 + plsc.load_gather(a1, [rows, colv]))
            h = jnp.maximum(f * rinv + b1a[c // 16][c % 16], 0.0)
            alpha = alpha + h * pwa[c // 16][c % 16]
        alpha = jnp.clip(alpha + pwa[H // 16][0], -5.0, 5.0)
        sig = 1.0 / (1.0 + jnp.exp(-alpha))
        obuf[pl.ds(g * 16, 16)] = sig * 0.9 + 0.1

    ngroups = jnp.where(wid == NTILES - 1, TAIL_GROUPS, GROUPS_FULL)

    def _group(g, _):
        _one_group(g)
        return 0

    lax.fori_loop(0, ngroups, _group, 0)

    @pl.when(wid < NTILES - 1)
    def _():
        pltpu.sync_copy(obuf, out_hbm.at[pl.ds(r0, RPT2)])

    @pl.when(wid == NTILES - 1)
    def _():
        pltpu.sync_copy(obuf.at[pl.ds(0, TAIL_GROUPS * 16)],
                        out_hbm.at[pl.ds((NTILES - 1) * RPT2,
                                         TAIL_GROUPS * 16)])


def kernel(x, edge_index, W1, b1, W2, b2):
    xp_aug = _project(x, W1)

    acc = _sc_scatter(xp_aug, edge_index)

    pw = jnp.concatenate(
        [W2[0], b2, jnp.zeros((WAUG - H - 1,), jnp.float32)])
    return _sc_post(acc, b1, pw)

# --- scband reference (transcript-rebuilt; emitter-appended) ---
"""Pipeline reference for scband-hyperedge-attention-20220706030435 (READ-ONLY COPY).

The authoritative reference and input builder live on the scoring server;
editing this copy changes nothing except your own understanding.
"""

import jax, jax.numpy as jnp
import numpy as np


def setup_inputs(seed: int = 0) -> dict:
    key = jax.random.key(seed)
    k1, k2, k3, k4, k5, k6 = jax.random.split(key, 6)
    N, E, D, H = 10000, 320000, 128, 64
    x = jax.random.normal(k1, (N, D), dtype=jnp.float32)
    edge_index = jax.random.randint(k2, (2, E), 0, N, dtype=jnp.int32)
    # Xavier-uniform initialized MLP params (Linear stores weight as [out, in])
    l1 = float(np.sqrt(6.0 / (D + H)))
    W1 = jax.random.uniform(k3, (H, D), minval=-l1, maxval=l1, dtype=jnp.float32)
    b1 = jnp.zeros((H,), dtype=jnp.float32)
    l2 = float(np.sqrt(6.0 / (H + 1)))
    W2 = jax.random.uniform(k4, (1, H), minval=-l2, maxval=l2, dtype=jnp.float32)
    b2 = jnp.zeros((1,), dtype=jnp.float32)
    return {"x": x, "edge_index": edge_index, "W1": W1, "b1": b1, "W2": W2, "b2": b2}


def reference(x, edge_index, W1, b1, W2, b2):
    node_idx = edge_index[0]
    hyperedge_idx = edge_index[1]
    num_hyperedges = x.shape[0]
    # gather node features per connection, scatter-add into hyperedge buckets
    gathered = x[node_idx]  # [E, D]
    hyperedge_feats = jax.ops.segment_sum(gathered, hyperedge_idx, num_segments=num_hyperedges)
    counts = jax.ops.segment_sum(jnp.ones(node_idx.shape[0], dtype=x.dtype), hyperedge_idx, num_segments=num_hyperedges)
    hyperedge_feats = hyperedge_feats / jnp.clip(counts, 1.0, None)[:, None]
    # MLP: Linear -> ReLU -> Linear
    h = jnp.maximum(hyperedge_feats @ W1.T + b1, 0.0)
    alpha = (h @ W2.T + b2)[:, 0]
    alpha = jnp.clip(alpha, -5.0, 5.0)
    return jax.nn.sigmoid(alpha) * 0.9 + 0.1

if __name__ == "__main__":
    import jax
    _d = setup_inputs()
    print(jax.jit(kernel)(*tuple(_d.values())))

</pallas_src>

<mosaic_0001>
#map = affine_map<(d0, d1) -> (0, 0, 0)>
#map1 = affine_map<(d0, d1) -> (0)>
module attributes {stable_mosaic.version = 14 : i64} {
  func.func @_sc_post(%arg0: i32, %arg1: i32, %arg2: memref<2x10240x80xf32, #tpu.memory_space<hbm>>, %arg3: memref<64xf32, #tpu.memory_space<hbm>>, %arg4: memref<80xf32, #tpu.memory_space<hbm>>, %arg5: memref<10000xf32, #tpu.memory_space<hbm>>, %arg6: memref<320x80xf32, #tpu.memory_space<vmem>>, %arg7: memref<320x80xf32, #tpu.memory_space<vmem>>, %arg8: memref<64xf32, #tpu.memory_space<vmem>>, %arg9: memref<80xf32, #tpu.memory_space<vmem>>, %arg10: memref<320xf32, #tpu.memory_space<vmem>>, %arg11: memref<!tpu.dma_semaphore, #tpu.memory_space<semaphore_mem>>) attributes {dimension_semantics = [#tpu.dimension_semantics<core_parallel>, #tpu.dimension_semantics<subcore_parallel>], iteration_bounds = array<i64: 2, 16>, scalar_prefetch = 0 : i64, scratch_operands = 6 : i64, tpu.core_type = #tpu.core_type<sc_vector_subcore>, window_params = [{transform_indices = #map}, {transform_indices = #map1}, {transform_indices = #map1}, {transform_indices = #map1}]} {
    %mul3A = arith.constant 2 : i32
    %mul3A_0 = arith.muli %arg1, %mul3A : i32
    %add3A = arith.addi %mul3A_0, %arg0 : i32
    %mul3A_1 = arith.constant 320 : i32
    %mul3A_2 = arith.muli %add3A, %mul3A_1 : i32
    %dma_start3A = arith.constant 0 : i32
    %dma_start3A_3 = arith.constant 0 : i32
    %dma_start3A_4 = tpu.memref_slice %arg2[%dma_start3A, %mul3A_2, %dma_start3A_3] : memref<2x10240x80xf32, #tpu.memory_space<hbm>> -> memref<1x320x80xf32, #tpu.memory_space<hbm>>
    %dma_start3A_5 = tpu.memref_squeeze %dma_start3A_4 : memref<1x320x80xf32, #tpu.memory_space<hbm>> -> memref<320x80xf32, #tpu.memory_space<hbm>>
    %dma_start3A_6 = arith.constant 0 : i32
    %dma_start3A_7 = tpu.memref_slice %arg2[%dma_start3A, %mul3A_2, %dma_start3A_6] : memref<2x10240x80xf32, #tpu.memory_space<hbm>> -> memref<1x320x80xf32, #tpu.memory_space<hbm>>
    %dma_start3A_8 = tpu.memref_squeeze %dma_start3A_7 : memref<1x320x80xf32, #tpu.memory_space<hbm>> -> memref<320x80xf32, #tpu.memory_space<hbm>>
    tpu.enqueue_dma source(%dma_start3A_8 : memref<320x80xf32, #tpu.memory_space<hbm>>) target(%arg6 : memref<320x80xf32, #tpu.memory_space<vmem>>) target_semaphore(%arg11 : memref<!tpu.dma_semaphore, #tpu.memory_space<semaphore_mem>>)
    %dma_start3A_9 = arith.constant 1 : i32
    %dma_start3A_10 = arith.constant 0 : i32
    %dma_start3A_11 = tpu.memref_slice %arg2[%dma_start3A_9, %mul3A_2, %dma_start3A_10] : memref<2x10240x80xf32, #tpu.memory_space<hbm>> -> memref<1x320x80xf32, #tpu.memory_space<hbm>>
    %dma_start3A_12 = tpu.memref_squeeze %dma_start3A_11 : memref<1x320x80xf32, #tpu.memory_space<hbm>> -> memref<320x80xf32, #tpu.memory_space<hbm>>
    %dma_start3A_13 = arith.constant 0 : i32
    %dma_start3A_14 = tpu.memref_slice %arg2[%dma_start3A_9, %mul3A_2, %dma_start3A_13] : memref<2x10240x80xf32, #tpu.memory_space<hbm>> -> memref<1x320x80xf32, #tpu.memory_space<hbm>>
    %dma_start3A_15 = tpu.memref_squeeze %dma_start3A_14 : memref<1x320x80xf32, #tpu.memory_space<hbm>> -> memref<320x80xf32, #tpu.memory_space<hbm>>
    tpu.enqueue_dma source(%dma_start3A_15 : memref<320x80xf32, #tpu.memory_space<hbm>>) target(%arg7 : memref<320x80xf32, #tpu.memory_space<vmem>>) target_semaphore(%arg11 : memref<!tpu.dma_semaphore, #tpu.memory_space<semaphore_mem>>)
    tpu.enqueue_dma source(%arg3 : memref<64xf32, #tpu.memory_space<hbm>>) target(%arg8 : memref<64xf32, #tpu.memory_space<vmem>>) target_semaphore(%arg11 : memref<!tpu.dma_semaphore, #tpu.memory_space<semaphore_mem>>)
    tpu.enqueue_dma source(%arg4 : memref<80xf32, #tpu.memory_space<hbm>>) target(%arg9 : memref<80xf32, #tpu.memory_space<vmem>>) target_semaphore(%arg11 : memref<!tpu.dma_semaphore, #tpu.memory_space<semaphore_mem>>)
    %dma_wait3A = arith.constant 0 : i32
    %dma_wait3A_16 = arith.constant 0 : i32
    %dma_wait3A_17 = tpu.memref_slice %arg2[%dma_wait3A, %mul3A_2, %dma_wait3A_16] : memref<2x10240x80xf32, #tpu.memory_space<hbm>> -> memref<1x320x80xf32, #tpu.memory_space<hbm>>
    %dma_wait3A_18 = tpu.memref_squeeze %dma_wait3A_17 : memref<1x320x80xf32, #tpu.memory_space<hbm>> -> memref<320x80xf32, #tpu.memory_space<hbm>>
    %dma_wait3A_19 = arith.constant 0 : i32
    %dma_wait3A_20 = tpu.memref_slice %arg2[%dma_wait3A, %mul3A_2, %dma_wait3A_19] : memref<2x10240x80xf32, #tpu.memory_space<hbm>> -> memref<1x320x80xf32, #tpu.memory_space<hbm>>
    %dma_wait3A_21 = tpu.memref_squeeze %dma_wait3A_20 : memref<1x320x80xf32, #tpu.memory_space<hbm>> -> memref<320x80xf32, #tpu.memory_space<hbm>>
    tpu.wait_dma2 semaphore(%arg11 : memref<!tpu.dma_semaphore, #tpu.memory_space<semaphore_mem>>) src(%dma_wait3A_21 : memref<320x80xf32, #tpu.memory_space<hbm>>) dst(%arg6 : memref<320x80xf32, #tpu.memory_space<vmem>>)
    %dma_wait3A_22 = arith.constant 1 : i32
    %dma_wait3A_23 = arith.constant 0 : i32
    %dma_wait3A_24 = tpu.memref_slice %arg2[%dma_wait3A_22, %mul3A_2, %dma_wait3A_23] : memref<2x10240x80xf32, #tpu.memory_space<hbm>> -> memref<1x320x80xf32, #tpu.memory_space<hbm>>
    %dma_wait3A_25 = tpu.memref_squeeze %dma_wait3A_24 : memref<1x320x80xf32, #tpu.memory_space<hbm>> -> memref<320x80xf32, #tpu.memory_space<hbm>>
    %dma_wait3A_26 = arith.constant 0 : i32
    %dma_wait3A_27 = tpu.memref_slice %arg2[%dma_wait3A_22, %mul3A_2, %dma_wait3A_26] : memref<2x10240x80xf32, #tpu.memory_space<hbm>> -> memref<1x320x80xf32, #tpu.memory_space<hbm>>
    %dma_wait3A_28 = tpu.memref_squeeze %dma_wait3A_27 : memref<1x320x80xf32, #tpu.memory_space<hbm>> -> memref<320x80xf32, #tpu.memory_space<hbm>>
    tpu.wait_dma2 semaphore(%arg11 : memref<!tpu.dma_semaphore, #tpu.memory_space<semaphore_mem>>) src(%dma_wait3A_28 : memref<320x80xf32, #tpu.memory_space<hbm>>) dst(%arg7 : memref<320x80xf32, #tpu.memory_space<vmem>>)
    tpu.wait_dma2 semaphore(%arg11 : memref<!tpu.dma_semaphore, #tpu.memory_space<semaphore_mem>>) src(%arg3 : memref<64xf32, #tpu.memory_space<hbm>>) dst(%arg8 : memref<64xf32, #tpu.memory_space<vmem>>)
    tpu.wait_dma2 semaphore(%arg11 : memref<!tpu.dma_semaphore, #tpu.memory_space<semaphore_mem>>) src(%arg4 : memref<80xf32, #tpu.memory_space<hbm>>) dst(%arg9 : memref<80xf32, #tpu.memory_space<vmem>>)
    %broadcast_in_dim3A = arith.constant 64 : i32
    %broadcast_in_dim3A_29 = vector.broadcast %broadcast_in_dim3A : i32 to vector<16xi32>
    %get3A = arith.constant 0 : index
    %get3A_30 = tpu.vector_load %arg8[%get3A] {strides = array<i32>} : memref<64xf32, #tpu.memory_space<vmem>>, vector<16xf32>,
    %get3A_31 = arith.constant 16 : index
    %get3A_32 = tpu.vector_load %arg8[%get3A_31] {strides = array<i32>} : memref<64xf32, #tpu.memory_space<vmem>>, vector<16xf32>,
    %get3A_33 = arith.constant 32 : index
    %get3A_34 = tpu.vector_load %arg8[%get3A_33] {strides = array<i32>} : memref<64xf32, #tpu.memory_space<vmem>>, vector<16xf32>,
    %get3A_35 = arith.constant 48 : index
    %get3A_36 = tpu.vector_load %arg8[%get3A_35] {strides = array<i32>} : memref<64xf32, #tpu.memory_space<vmem>>, vector<16xf32>,
    %get3A_37 = arith.constant 0 : index
    %get3A_38 = tpu.vector_load %arg9[%get3A_37] {strides = array<i32>} : memref<80xf32, #tpu.memory_space<vmem>>, vector<16xf32>,
    %get3A_39 = arith.constant 16 : index
    %get3A_40 = tpu.vector_load %arg9[%get3A_39] {strides = array<i32>} : memref<80xf32, #tpu.memory_space<vmem>>, vector<16xf32>,
    %get3A_41 = arith.constant 32 : index
    %get3A_42 = tpu.vector_load %arg9[%get3A_41] {strides = array<i32>} : memref<80xf32, #tpu.memory_space<vmem>>, vector<16xf32>,
    %get3A_43 = arith.constant 48 : index
    %get3A_44 = tpu.vector_load %arg9[%get3A_43] {strides = array<i32>} : memref<80xf32, #tpu.memory_space<vmem>>, vector<16xf32>,
    %get3A_45 = arith.constant 64 : index
    %get3A_46 = tpu.vector_load %arg9[%get3A_45] {strides = array<i32>} : memref<80xf32, #tpu.memory_space<vmem>>, vector<16xf32>,
    %eq3A = arith.constant 31 : i32
    %eq3A_47 = arith.cmpi eq, %add3A, %eq3A : i32
    %jit3A = arith.constant 5 : i32
    %jit3A_48 = arith.constant 20 : i32
    %select_n3A = arith.select %eq3A_47, %jit3A, %jit3A_48 : i32
    %while3A = arith.constant 0 : i32
    %while3A_49 = arith.constant 0 : i32
    %while3A_50 = arith.subi %select_n3A, %while3A : i32
    %while3A_51 = arith.addi %while3A, %while3A_50 : i32
    %while3A_52 = arith.constant 1 : i32
    %while3A_53 = arith.divsi %while3A_50, %while3A_52 : i32
    %while3A_54 = arith.muli %while3A_53, %while3A_52 : i32
    %while3A_55 = arith.addi %while3A, %while3A_54 : i32
    %while3A_56 = arith.constant 1 : i32
    %while3A_57 = scf.for %while3A_67 = %while3A to %while3A_55 step %while3A_56 iter_args(%while3A_68 = %while3A_49) -> (i32)  : i32 {
      %mul3A_69 = arith.constant 16 : i32
      %mul3A_70 = arith.muli %while3A_67, %mul3A_69 : i32
      %iota3A = tpu.iota {dimensions = array<i32: 0>} : vector<16xi32>
      %add3A_71 = vector.broadcast %mul3A_70 : i32 to vector<16xi32>
      %add3A_72 = arith.addi %add3A_71, %iota3A : vector<16xi32>
      %gather3A = tpu.vector_load_idx %arg6[%add3A_72, %broadcast_in_dim3A_29] : memref<320x80xf32, #tpu.memory_space<vmem>>[vector<16xi32>, vector<16xi32>], vector<16xf32>,
      %gather3A_73 = tpu.vector_load_idx %arg7[%add3A_72, %broadcast_in_dim3A_29] : memref<320x80xf32, #tpu.memory_space<vmem>>[vector<16xi32>, vector<16xi32>], vector<16xf32>,
      %add3A_74 = arith.addf %gather3A, %gather3A_73 : vector<16xf32>
      %max3A = arith.constant 1.000000e+00 : f32
      %max3A_75 = vector.broadcast %max3A : f32 to vector<16xf32>
      %max3A_76 = arith.maximumf %add3A_74, %max3A_75 : vector<16xf32>
      %div3A = arith.constant 1.000000e+00 : f32
      %div3A_77 = vector.broadcast %div3A : f32 to vector<16xf32>
      %div3A_78 = arith.divf %div3A_77, %max3A_76 : vector<16xf32>
      %broadcast_in_dim3A_79 = arith.constant 0.000000e+00 : f32
      %broadcast_in_dim3A_80 = vector.broadcast %broadcast_in_dim3A_79 : f32 to vector<16xf32>
      %broadcast_in_dim3A_81 = arith.constant 0 : i32
      %broadcast_in_dim3A_82 = vector.broadcast %broadcast_in_dim3A_81 : i32 to vector<16xi32>
      %gather3A_83 = tpu.vector_load_idx %arg6[%add3A_72, %broadcast_in_dim3A_82] : memref<320x80xf32, #tpu.memory_space<vmem>>[vector<16xi32>, vector<16xi32>], vector<16xf32>,
      %gather3A_84 = tpu.vector_load_idx %arg7[%add3A_72, %broadcast_in_dim3A_82] : memref<320x80xf32, #tpu.memory_space<vmem>>[vector<16xi32>, vector<16xi32>], vector<16xf32>,
      %add3A_85 = arith.addf %gather3A_83, %gather3A_84 : vector<16xf32>
      %mul3A_86 = arith.mulf %add3A_85, %div3A_78 : vector<16xf32>
      %slice3A = vector.extract_strided_slice %get3A_30 {offsets = [0], sizes = [1], strides = [1]} : vector<16xf32> to vector<1xf32>
      %squeeze3A = vector.extract %slice3A[0] : f32 from vector<1xf32>
      %add3A_87 = vector.broadcast %squeeze3A : f32 to vector<16xf32>
      %add3A_88 = arith.addf %mul3A_86, %add3A_87 : vector<16xf32>
      %max3A_89 = arith.constant 0.000000e+00 : f32
      %max3A_90 = vector.broadcast %max3A_89 : f32 to vector<16xf32>
      %max3A_91 = arith.maximumf %add3A_88, %max3A_90 : vector<16xf32>
      %slice3A_92 = vector.extract_strided_slice %get3A_38 {offsets = [0], sizes = [1], strides = [1]} : vector<16xf32> to vector<1xf32>
      %squeeze3A_93 = vector.extract %slice3A_92[0] : f32 from vector<1xf32>
      %mul3A_94 = vector.broadcast %squeeze3A_93 : f32 to vector<16xf32>
      %mul3A_95 = arith.mulf %max3A_91, %mul3A_94 : vector<16xf32>
      %add3A_96 = arith.addf %broadcast_in_dim3A_80, %mul3A_95 : vector<16xf32>
      %broadcast_in_dim3A_97 = arith.constant 1 : i32
      %broadcast_in_dim3A_98 = vector.broadcast %broadcast_in_dim3A_97 : i32 to vector<16xi32>
      %gather3A_99 = tpu.vector_load_idx %arg6[%add3A_72, %broadcast_in_dim3A_98] : memref<320x80xf32, #tpu.memory_space<vmem>>[vector<16xi32>, vector<16xi32>], vector<16xf32>,
      %gather3A_100 = tpu.vector_load_idx %arg7[%add3A_72, %broadcast_in_dim3A_98] : memref<320x80xf32, #tpu.memory_space<vmem>>[vector<16xi32>, vector<16xi32>], vector<16xf32>,
      %add3A_101 = arith.addf %gather3A_99, %gather3A_100 : vector<16xf32>
      %mul3A_102 = arith.mulf %add3A_101, %div3A_78 : vector<16xf32>
      %slice3A_103 = vector.extract_strided_slice %get3A_30 {offsets = [1], sizes = [1], strides = [1]} : vector<16xf32> to vector<1xf32>
      %squeeze3A_104 = vector.extract %slice3A_103[0] : f32 from vector<1xf32>
      %add3A_105 = vector.broadcast %squeeze3A_104 : f32 to vector<16xf32>
      %add3A_106 = arith.addf %mul3A_102, %add3A_105 : vector<16xf32>
      %max3A_107 = arith.constant 0.000000e+00 : f32
      %max3A_108 = vector.broadcast %max3A_107 : f32 to vector<16xf32>
      %max3A_109 = arith.maximumf %add3A_106, %max3A_108 : vector<16xf32>
      %slice3A_110 = vector.extract_strided_slice %get3A_38 {offsets = [1], sizes = [1], strides = [1]} : vector<16xf32> to vector<1xf32>
      %squeeze3A_111 = vector.extract %slice3A_110[0] : f32 from vector<1xf32>
      %mul3A_112 = vector.broadcast %squeeze3A_111 : f32 to vector<16xf32>
      %mul3A_113 = arith.mulf %max3A_109, %mul3A_112 : vector<16xf32>
      %add3A_114 = arith.addf %add3A_96, %mul3A_113 : vector<16xf32>
      %broadcast_in_dim3A_115 = arith.constant 2 : i32
      %broadcast_in_dim3A_116 = vector.broadcast %broadcast_in_dim3A_115 : i32 to vector<16xi32>
      %gather3A_117 = tpu.vector_load_idx %arg6[%add3A_72, %broadcast_in_dim3A_116] : memref<320x80xf32, #tpu.memory_space<vmem>>[vector<16xi32>, vector<16xi32>], vector<16xf32>,
      %gather3A_118 = tpu.vector_load_idx %arg7[%add3A_72, %broadcast_in_dim3A_116] : memref<320x80xf32, #tpu.memory_space<vmem>>[vector<16xi32>, vector<16xi32>], vector<16xf32>,
      %add3A_119 = arith.addf %gather3A_117, %gather3A_118 : vector<16xf32>
      %mul3A_120 = arith.mulf %add3A_119, %div3A_78 : vector<16xf32>
      %slice3A_121 = vector.extract_strided_slice %get3A_30 {offsets = [2], sizes = [1], strides = [1]} : vector<16xf32> to vector<1xf32>
      %squeeze3A_122 = vector.extract %slice3A_121[0] : f32 from vector<1xf32>
      %add3A_123 = vector.broadcast %squeeze3A_122 : f32 to vector<16xf32>
      %add3A_124 = arith.addf %mul3A_120, %add3A_123 : vector<16xf32>
      %max3A_125 = arith.constant 0.000000e+00 : f32
      %max3A_126 = vector.broadcast %max3A_125 : f32 to vector<16xf32>
      %max3A_127 = arith.maximumf %add3A_124, %max3A_126 : vector<16xf32>
      %slice3A_128 = vector.extract_strided_slice %get3A_38 {offsets = [2], sizes = [1], strides = [1]} : vector<16xf32> to vector<1xf32>
      %squeeze3A_129 = vector.extract %slice3A_128[0] : f32 from vector<1xf32>
      %mul3A_130 = vector.broadcast %squeeze3A_129 : f32 to vector<16xf32>
      %mul3A_131 = arith.mulf %max3A_127, %mul3A_130 : vector<16xf32>
      %add3A_132 = arith.addf %add3A_114, %mul3A_131 : vector<16xf32>
      %broadcast_in_dim3A_133 = arith.constant 3 : i32
      %broadcast_in_dim3A_134 = vector.broadcast %broadcast_in_dim3A_133 : i32 to vector<16xi32>
      %gather3A_135 = tpu.vector_load_idx %arg6[%add3A_72, %broadcast_in_dim3A_134] : memref<320x80xf32, #tpu.memory_space<vmem>>[vector<16xi32>, vector<16xi32>], vector<16xf32>,
      %gather3A_136 = tpu.vector_load_idx %arg7[%add3A_72, %broadcast_in_dim3A_134] : memref<320x80xf32, #tpu.memory_space<vmem>>[vector<16xi32>, vector<16xi32>], vector<16xf32>,
      %add3A_137 = arith.addf %gather3A_135, %gather3A_136 : vector<16xf32>
      %mul3A_138 = arith.mulf %add3A_137, %div3A_78 : vector<16xf32>
      %slice3A_139 = vector.extract_strided_slice %get3A_30 {offsets = [3], sizes = [1], strides = [1]} : vector<16xf32> to vector<1xf32>
      %squeeze3A_140 = vector.extract %slice3A_139[0] : f32 from vector<1xf32>
      %add3A_141 = vector.broadcast %squeeze3A_140 : f32 to vector<16xf32>
      %add3A_142 = arith.addf %mul3A_138, %add3A_141 : vector<16xf32>
      %max3A_143 = arith.constant 0.000000e+00 : f32
      %max3A_144 = vector.broadcast %max3A_143 : f32 to vector<16xf32>
      %max3A_145 = arith.maximumf %add3A_142, %max3A_144 : vector<16xf32>
      %slice3A_146 = vector.extract_strided_slice %get3A_38 {offsets = [3], sizes = [1], strides = [1]} : vector<16xf32> to vector<1xf32>
      %squeeze3A_147 = vector.extract %slice3A_146[0] : f32 from vector<1xf32>
      %mul3A_148 = vector.broadcast %squeeze3A_147 : f32 to vector<16xf32>
      %mul3A_149 = arith.mulf %max3A_145, %mul3A_148 : vector<16xf32>
      %add3A_150 = arith.addf %add3A_132, %mul3A_149 : vector<16xf32>
      %broadcast_in_dim3A_151 = arith.constant 4 : i32
      %broadcast_in_dim3A_152 = vector.broadcast %broadcast_in_dim3A_151 : i32 to vector<16xi32>
      %gather3A_153 = tpu.vector_load_idx %arg6[%add3A_72, %broadcast_in_dim3A_152] : memref<320x80xf32, #tpu.memory_space<vmem>>[vector<16xi32>, vector<16xi32>], vector<16xf32>,
      %gather3A_154 = tpu.vector_load_idx %arg7[%add3A_72, %broadcast_in_dim3A_152] : memref<320x80xf32, #tpu.memory_space<vmem>>[vector<16xi32>, vector<16xi32>], vector<16xf32>,
      %add3A_155 = arith.addf %gather3A_153, %gather3A_154 : vector<16xf32>
      %mul3A_156 = arith.mulf %add3A_155, %div3A_78 : vector<16xf32>
      %slice3A_157 = vector.extract_strided_slice %get3A_30 {offsets = [4], sizes = [1], strides = [1]} : vector<16xf32> to vector<1xf32>
      %squeeze3A_158 = vector.extract %slice3A_157[0] : f32 from vector<1xf32>
      %add3A_159 = vector.broadcast %squeeze3A_158 : f32 to vector<16xf32>
      %add3A_160 = arith.addf %mul3A_156, %add3A_159 : vector<16xf32>
      %max3A_161 = arith.constant 0.000000e+00 : f32
      %max3A_162 = vector.broadcast %max3A_161 : f32 to vector<16xf32>
      %max3A_163 = arith.maximumf %add3A_160, %max3A_162 : vector<16xf32>
      %slice3A_164 = vector.extract_strided_slice %get3A_38 {offsets = [4], sizes = [1], strides = [1]} : vector<16xf32> to vector<1xf32>
      %squeeze3A_165 = vector.extract %slice3A_164[0] : f32 from vector<1xf32>
      %mul3A_166 = vector.broadcast %squeeze3A_165 : f32 to vector<16xf32>
      %mul3A_167 = arith.mulf %max3A_163, %mul3A_166 : vector<16xf32>
      %add3A_168 = arith.addf %add3A_150, %mul3A_167 : vector<16xf32>
      %broadcast_in_dim3A_169 = arith.constant 5 : i32
      %broadcast_in_dim3A_170 = vector.broadcast %broadcast_in_dim3A_169 : i32 to vector<16xi32>
      %gather3A_171 = tpu.vector_load_idx %arg6[%add3A_72, %broadcast_in_dim3A_170] : memref<320x80xf32, #tpu.memory_space<vmem>>[vector<16xi32>, vector<16xi32>], vector<16xf32>,
      %gather3A_172 = tpu.vector_load_idx %arg7[%add3A_72, %broadcast_in_dim3A_170] : memref<320x80xf32, #tpu.memory_space<vmem>>[vector<16xi32>, vector<16xi32>], vector<16xf32>,
      %add3A_173 = arith.addf %gather3A_171, %gather3A_172 : vector<16xf32>
      %mul3A_174 = arith.mulf %add3A_173, %div3A_78 : vector<16xf32>
      %slice3A_175 = vector.extract_strided_slice %get3A_30 {offsets = [5], sizes = [1], strides = [1]} : vector<16xf32> to vector<1xf32>
      %squeeze3A_176 = vector.extract %slice3A_175[0] : f32 from vector<1xf32>
      %add3A_177 = vector.broadcast %squeeze3A_176 : f32 to vector<16xf32>
      %add3A_178 = arith.addf %mul3A_174, %add3A_177 : vector<16xf32>
      %max3A_179 = arith.constant 0.000000e+00 : f32
      %max3A_180 = vector.broadcast %max3A_179 : f32 to vector<16xf32>
      %max3A_181 = arith.maximumf %add3A_178, %max3A_180 : vector<16xf32>
      %slice3A_182 = vector.extract_strided_slice %get3A_38 {offsets = [5], sizes = [1], strides = [1]} : vector<16xf32> to vector<1xf32>
      %squeeze3A_183 = vector.extract %slice3A_182[0] : f32 from vector<1xf32>
      %mul3A_184 = vector.broadcast %squeeze3A_183 : f32 to vector<16xf32>
      %mul3A_185 = arith.mulf %max3A_181, %mul3A_184 : vector<16xf32>
      %add3A_186 = arith.addf %add3A_168, %mul3A_185 : vector<16xf32>
      %broadcast_in_dim3A_187 = arith.constant 6 : i32
      %broadcast_in_dim3A_188 = vector.broadcast %broadcast_in_dim3A_187 : i32 to vector<16xi32>
      %gather3A_189 = tpu.vector_load_idx %arg6[%add3A_72, %broadcast_in_dim3A_188] : memref<320x80xf32, #tpu.memory_space<vmem>>[vector<16xi32>, vector<16xi32>], vector<16xf32>,
      %gather3A_190 = tpu.vector_load_idx %arg7[%add3A_72, %broadcast_in_dim3A_188] : memref<320x80xf32, #tpu.memory_space<vmem>>[vector<16xi32>, vector<16xi32>], vector<16xf32>,
      %add3A_191 = arith.addf %gather3A_189, %gather3A_190 : vector<16xf32>
      %mul3A_192 = arith.mulf %add3A_191, %div3A_78 : vector<16xf32>
      %slice3A_193 = vector.extract_strided_slice %get3A_30 {offsets = [6], sizes = [1], strides = [1]} : vector<16xf32> to vector<1xf32>
      %squeeze3A_194 = vector.extract %slice3A_193[0] : f32 from vector<1xf32>
      %add3A_195 = vector.broadcast %squeeze3A_194 : f32 to vector<16xf32>
      %add3A_196 = arith.addf %mul3A_192, %add3A_195 : vector<16xf32>
      %max3A_197 = arith.constant 0.000000e+00 : f32
      %max3A_198 = vector.broadcast %max3A_197 : f32 to vector<16xf32>
      %max3A_199 = arith.maximumf %add3A_196, %max3A_198 : vector<16xf32>
      %slice3A_200 = vector.extract_strided_slice %get3A_38 {offsets = [6], sizes = [1], strides = [1]} : vector<16xf32> to vector<1xf32>
      %squeeze3A_201 = vector.extract %slice3A_200[0] : f32 from vector<1xf32>
      %mul3A_202 = vector.broadcast %squeeze3A_201 : f32 to vector<16xf32>
      %mul3A_203 = arith.mulf %max3A_199, %mul3A_202 : vector<16xf32>
      %add3A_204 = arith.addf %add3A_186, %mul3A_203 : vector<16xf32>
      %broadcast_in_dim3A_205 = arith.constant 7 : i32
      %broadcast_in_dim3A_206 = vector.broadcast %broadcast_in_dim3A_205 : i32 to vector<16xi32>
      %gather3A_207 = tpu.vector_load_idx %arg6[%add3A_72, %broadcast_in_dim3A_206] : memref<320x80xf32, #tpu.memory_space<vmem>>[vector<16xi32>, vector<16xi32>], vector<16xf32>,
      %gather3A_208 = tpu.vector_load_idx %arg7[%add3A_72, %broadcast_in_dim3A_206] : memref<320x80xf32, #tpu.memory_space<vmem>>[vector<16xi32>, vector<16xi32>], vector<16xf32>,
      %add3A_209 = arith.addf %gather3A_207, %gather3A_208 : vector<16xf32>
      %mul3A_210 = arith.mulf %add3A_209, %div3A_78 : vector<16xf32>
      %slice3A_211 = vector.extract_strided_slice %get3A_30 {offsets = [7], sizes = [1], strides = [1]} : vector<16xf32> to vector<1xf32>
      %squeeze3A_212 = vector.extract %slice3A_211[0] : f32 from vector<1xf32>
      %add3A_213 = vector.broadcast %squeeze3A_212 : f32 to vector<16xf32>
      %add3A_214 = arith.addf %mul3A_210, %add3A_213 : vector<16xf32>
      %max3A_215 = arith.constant 0.000000e+00 : f32
      %max3A_216 = vector.broadcast %max3A_215 : f32 to vector<16xf32>
      %max3A_217 = arith.maximumf %add3A_214, %max3A_216 : vector<16xf32>
      %slice3A_218 = vector.extract_strided_slice %get3A_38 {offsets = [7], sizes = [1], strides = [1]} : vector<16xf32> to vector<1xf32>
      %squeeze3A_219 = vector.extract %slice3A_218[0] : f32 from vector<1xf32>
      %mul3A_220 = vector.broadcast %squeeze3A_219 : f32 to vector<16xf32>
      %mul3A_221 = arith.mulf %max3A_217, %mul3A_220 : vector<16xf32>
      %add3A_222 = arith.addf %add3A_204, %mul3A_221 : vector<16xf32>
      %broadcast_in_dim3A_223 = arith.constant 8 : i32
      %broadcast_in_dim3A_224 = vector.broadcast %broadcast_in_dim3A_223 : i32 to vector<16xi32>
      %gather3A_225 = tpu.vector_load_idx %arg6[%add3A_72, %broadcast_in_dim3A_224] : memref<320x80xf32, #tpu.memory_space<vmem>>[vector<16xi32>, vector<16xi32>], vector<16xf32>,
      %gather3A_226 = tpu.vector_load_idx %arg7[%add3A_72, %broadcast_in_dim3A_224] : memref<320x80xf32, #tpu.memory_space<vmem>>[vector<16xi32>, vector<16xi32>], vector<16xf32>,
      %add3A_227 = arith.addf %gather3A_225, %gather3A_226 : vector<16xf32>
      %mul3A_228 = arith.mulf %add3A_227, %div3A_78 : vector<16xf32>
      %slice3A_229 = vector.extract_strided_slice %get3A_30 {offsets = [8], sizes = [1], strides = [1]} : vector<16xf32> to vector<1xf32>
      %squeeze3A_230 = vector.extract %slice3A_229[0] : f32 from vector<1xf32>
      %add3A_231 = vector.broadcast %squeeze3A_230 : f32 to vector<16xf32>
      %add3A_232 = arith.addf %mul3A_228, %add3A_231 : vector<16xf32>
      %max3A_233 = arith.constant 0.000000e+00 : f32
      %max3A_234 = vector.broadcast %max3A_233 : f32 to vector<16xf32>
      %max3A_235 = arith.maximumf %add3A_232, %max3A_234 : vector<16xf32>
      %slice3A_236 = vector.extract_strided_slice %get3A_38 {offsets = [8], sizes = [1], strides = [1]} : vector<16xf32> to vector<1xf32>
      %squeeze3A_237 = vector.extract %slice3A_236[0] : f32 from vector<1xf32>
      %mul3A_238 = vector.broadcast %squeeze3A_237 : f32 to vector<16xf32>
      %mul3A_239 = arith.mulf %max3A_235, %mul3A_238 : vector<16xf32>
      %add3A_240 = arith.addf %add3A_222, %mul3A_239 : vector<16xf32>
      %broadcast_in_dim3A_241 = arith.constant 9 : i32
      %broadcast_in_dim3A_242 = vector.broadcast %broadcast_in_dim3A_241 : i32 to vector<16xi32>
      %gather3A_243 = tpu.vector_load_idx %arg6[%add3A_72, %broadcast_in_dim3A_242] : memref<320x80xf32, #tpu.memory_space<vmem>>[vector<16xi32>, vector<16xi32>], vector<16xf32>,
      %gather3A_244 = tpu.vector_load_idx %arg7[%add3A_72, %broadcast_in_dim3A_242] : memref<320x80xf32, #tpu.memory_space<vmem>>[vector<16xi32>, vector<16xi32>], vector<16xf32>,
      %add3A_245 = arith.addf %gather3A_243, %gather3A_244 : vector<16xf32>
      %mul3A_246 = arith.mulf %add3A_245, %div3A_78 : vector<16xf32>
      %slice3A_247 = vector.extract_strided_slice %get3A_30 {offsets = [9], sizes = [1], strides = [1]} : vector<16xf32> to vector<1xf32>
      %squeeze3A_248 = vector.extract %slice3A_247[0] : f32 from vector<1xf32>
      %add3A_249 = vector.broadcast %squeeze3A_248 : f32 to vector<16xf32>
      %add3A_250 = arith.addf %mul3A_246, %add3A_249 : vector<16xf32>
      %max3A_251 = arith.constant 0.000000e+00 : f32
      %max3A_252 = vector.broadcast %max3A_251 : f32 to vector<16xf32>
      %max3A_253 = arith.maximumf %add3A_250, %max3A_252 : vector<16xf32>
      %slice3A_254 = vector.extract_strided_slice %get3A_38 {offsets = [9], sizes = [1], strides = [1]} : vector<16xf32> to vector<1xf32>
      %squeeze3A_255 = vector.extract %slice3A_254[0] : f32 from vector<1xf32>
      %mul3A_256 = vector.broadcast %squeeze3A_255 : f32 to vector<16xf32>
      %mul3A_257 = arith.mulf %max3A_253, %mul3A_256 : vector<16xf32>
      %add3A_258 = arith.addf %add3A_240, %mul3A_257 : vector<16xf32>
      %broadcast_in_dim3A_259 = arith.constant 10 : i32
      %broadcast_in_dim3A_260 = vector.broadcast %broadcast_in_dim3A_259 : i32 to vector<16xi32>
      %gather3A_261 = tpu.vector_load_idx %arg6[%add3A_72, %broadcast_in_dim3A_260] : memref<320x80xf32, #tpu.memory_space<vmem>>[vector<16xi32>, vector<16xi32>], vector<16xf32>,
      %gather3A_262 = tpu.vector_load_idx %arg7[%add3A_72, %broadcast_in_dim3A_260] : memref<320x80xf32, #tpu.memory_space<vmem>>[vector<16xi32>, vector<16xi32>], vector<16xf32>,
      %add3A_263 = arith.addf %gather3A_261, %gather3A_262 : vector<16xf32>
      %mul3A_264 = arith.mulf %add3A_263, %div3A_78 : vector<16xf32>
      %slice3A_265 = vector.extract_strided_slice %get3A_30 {offsets = [10], sizes = [1], strides = [1]} : vector<16xf32> to vector<1xf32>
      %squeeze3A_266 = vector.extract %slice3A_265[0] : f32 from vector<1xf32>
      %add3A_267 = vector.broadcast %squeeze3A_266 : f32 to vector<16xf32>
      %add3A_268 = arith.addf %mul3A_264, %add3A_267 : vector<16xf32>
      %max3A_269 = arith.constant 0.000000e+00 : f32
      %max3A_270 = vector.broadcast %max3A_269 : f32 to vector<16xf32>
      %max3A_271 = arith.maximumf %add3A_268, %max3A_270 : vector<16xf32>
      %slice3A_272 = vector.extract_strided_slice %get3A_38 {offsets = [10], sizes = [1], strides = [1]} : vector<16xf32> to vector<1xf32>
      %squeeze3A_273 = vector.extract %slice3A_272[0] : f32 from vector<1xf32>
      %mul3A_274 = vector.broadcast %squeeze3A_273 : f32 to vector<16xf32>
      %mul3A_275 = arith.mulf %max3A_271, %mul3A_274 : vector<16xf32>
      %add3A_276 = arith.addf %add3A_258, %mul3A_275 : vector<16xf32>
      %broadcast_in_dim3A_277 = arith.constant 11 : i32
      %broadcast_in_dim3A_278 = vector.broadcast %broadcast_in_dim3A_277 : i32 to vector<16xi32>
      %gather3A_279 = tpu.vector_load_idx %arg6[%add3A_72, %broadcast_in_dim3A_278] : memref<320x80xf32, #tpu.memory_space<vmem>>[vector<16xi32>, vector<16xi32>], vector<16xf32>,
      %gather3A_280 = tpu.vector_load_idx %arg7[%add3A_72, %broadcast_in_dim3A_278] : memref<320x80xf32, #tpu.memory_space<vmem>>[vector<16xi32>, vector<16xi32>], vector<16xf32>,
      %add3A_281 = arith.addf %gather3A_279, %gather3A_280 : vector<16xf32>
      %mul3A_282 = arith.mulf %add3A_281, %div3A_78 : vector<16xf32>
      %slice3A_283 = vector.extract_strided_slice %get3A_30 {offsets = [11], sizes = [1], strides = [1]} : vector<16xf32> to vector<1xf32>
      %squeeze3A_284 = vector.extract %slice3A_283[0] : f32 from vector<1xf32>
      %add3A_285 = vector.broadcast %squeeze3A_284 : f32 to vector<16xf32>
      %add3A_286 = arith.addf %mul3A_282, %add3A_285 : vector<16xf32>
      %max3A_287 = arith.constant 0.000000e+00 : f32
      %max3A_288 = vector.broadcast %max3A_287 : f32 to vector<16xf32>
      %max3A_289 = arith.maximumf %add3A_286, %max3A_288 : vector<16xf32>
      %slice3A_290 = vector.extract_strided_slice %get3A_38 {offsets = [11], sizes = [1], strides = [1]} : vector<16xf32> to vector<1xf32>
      %squeeze3A_291 = vector.extract %slice3A_290[0] : f32 from vector<1xf32>
      %mul3A_292 = vector.broadcast %squeeze3A_291 : f32 to vector<16xf32>
      %mul3A_293 = arith.mulf %max3A_289, %mul3A_292 : vector<16xf32>
      %add3A_294 = arith.addf %add3A_276, %mul3A_293 : vector<16xf32>
      %broadcast_in_dim3A_295 = arith.constant 12 : i32
      %broadcast_in_dim3A_296 = vector.broadcast %broadcast_in_dim3A_295 : i32 to vector<16xi32>
      %gather3A_297 = tpu.vector_load_idx %arg6[%add3A_72, %broadcast_in_dim3A_296] : memref<320x80xf32, #tpu.memory_space<vmem>>[vector<16xi32>, vector<16xi32>], vector<16xf32>,
      %gather3A_298 = tpu.vector_load_idx %arg7[%add3A_72, %broadcast_in_dim3A_296] : memref<320x80xf32, #tpu.memory_space<vmem>>[vector<16xi32>, vector<16xi32>], vector<16xf32>,
      %add3A_299 = arith.addf %gather3A_297, %gather3A_298 : vector<16xf32>
      %mul3A_300 = arith.mulf %add3A_299, %div3A_78 : vector<16xf32>
      %slice3A_301 = vector.extract_strided_slice %get3A_30 {offsets = [12], sizes = [1], strides = [1]} : vector<16xf32> to vector<1xf32>
      %squeeze3A_302 = vector.extract %slice3A_301[0] : f32 from vector<1xf32>
      %add3A_303 = vector.broadcast %squeeze3A_302 : f32 to vector<16xf32>
      %add3A_304 = arith.addf %mul3A_300, %add3A_303 : vector<16xf32>
      %max3A_305 = arith.constant 0.000000e+00 : f32
      %max3A_306 = vector.broadcast %max3A_305 : f32 to vector<16xf32>
      %max3A_307 = arith.maximumf %add3A_304, %max3A_306 : vector<16xf32>
      %slice3A_308 = vector.extract_strided_slice %get3A_38 {offsets = [12], sizes = [1], strides = [1]} : vector<16xf32> to vector<1xf32>
      %squeeze3A_309 = vector.extract %slice3A_308[0] : f32 from vector<1xf32>
      %mul3A_310 = vector.broadcast %squeeze3A_309 : f32 to vector<16xf32>
      %mul3A_311 = arith.mulf %max3A_307, %mul3A_310 : vector<16xf32>
      %add3A_312 = arith.addf %add3A_294, %mul3A_311 : vector<16xf32>
      %broadcast_in_dim3A_313 = arith.constant 13 : i32
      %broadcast_in_dim3A_314 = vector.broadcast %broadcast_in_dim3A_313 : i32 to vector<16xi32>
      %gather3A_315 = tpu.vector_load_idx %arg6[%add3A_72, %broadcast_in_dim3A_314] : memref<320x80xf32, #tpu.memory_space<vmem>>[vector<16xi32>, vector<16xi32>], vector<16xf32>,
      %gather3A_316 = tpu.vector_load_idx %arg7[%add3A_72, %broadcast_in_dim3A_314] : memref<320x80xf32, #tpu.memory_space<vmem>>[vector<16xi32>, vector<16xi32>], vector<16xf32>,
      %add3A_317 = arith.addf %gather3A_315, %gather3A_316 : vector<16xf32>
      %mul3A_318 = arith.mulf %add3A_317, %div3A_78 : vector<16xf32>
      %slice3A_319 = vector.extract_strided_slice %get3A_30 {offsets = [13], sizes = [1], strides = [1]} : vector<16xf32> to vector<1xf32>
      %squeeze3A_320 = vector.extract %slice3A_319[0] : f32 from vector<1xf32>
      %add3A_321 = vector.broadcast %squeeze3A_320 : f32 to vector<16xf32>
      %add3A_322 = arith.addf %mul3A_318, %add3A_321 : vector<16xf32>
      %max3A_323 = arith.constant 0.000000e+00 : f32
      %max3A_324 = vector.broadcast %max3A_323 : f32 to vector<16xf32>
      %max3A_325 = arith.maximumf %add3A_322, %max3A_324 : vector<16xf32>
      %slice3A_326 = vector.extract_strided_slice %get3A_38 {offsets = [13], sizes = [1], strides = [1]} : vector<16xf32> to vector<1xf32>
      %squeeze3A_327 = vector.extract %slice3A_326[0] : f32 from vector<1xf32>
      %mul3A_328 = vector.broadcast %squeeze3A_327 : f32 to vector<16xf32>
      %mul3A_329 = arith.mulf %max3A_325, %mul3A_328 : vector<16xf32>
      %add3A_330 = arith.addf %add3A_312, %mul3A_329 : vector<16xf32>
      %broadcast_in_dim3A_331 = arith.constant 14 : i32
      %broadcast_in_dim3A_332 = vector.broadcast %broadcast_in_dim3A_331 : i32 to vector<16xi32>
      %gather3A_333 = tpu.vector_load_idx %arg6[%add3A_72, %broadcast_in_dim3A_332] : memref<320x80xf32, #tpu.memory_space<vmem>>[vector<16xi32>, vector<16xi32>], vector<16xf32>,
      %gather3A_334 = tpu.vector_load_idx %arg7[%add3A_72, %broadcast_in_dim3A_332] : memref<320x80xf32, #tpu.memory_space<vmem>>[vector<16xi32>, vector<16xi32>], vector<16xf32>,
      %add3A_335 = arith.addf %gather3A_333, %gather3A_334 : vector<16xf32>
      %mul3A_336 = arith.mulf %add3A_335, %div3A_78 : vector<16xf32>
      %slice3A_337 = vector.extract_strided_slice %get3A_30 {offsets = [14], sizes = [1], strides = [1]} : vector<16xf32> to vector<1xf32>
      %squeeze3A_338 = vector.extract %slice3A_337[0] : f32 from vector<1xf32>
      %add3A_339 = vector.broadcast %squeeze3A_338 : f32 to vector<16xf32>
      %add3A_340 = arith.addf %mul3A_336, %add3A_339 : vector<16xf32>
      %max3A_341 = arith.constant 0.000000e+00 : f32
      %max3A_342 = vector.broadcast %max3A_341 : f32 to vector<16xf32>
      %max3A_343 = arith.maximumf %add3A_340, %max3A_342 : vector<16xf32>
      %slice3A_344 = vector.extract_strided_slice %get3A_38 {offsets = [14], sizes = [1], strides = [1]} : vector<16xf32> to vector<1xf32>
      %squeeze3A_345 = vector.extract %slice3A_344[0] : f32 from vector<1xf32>
      %mul3A_346 = vector.broadcast %squeeze3A_345 : f32 to vector<16xf32>
      %mul3A_347 = arith.mulf %max3A_343, %mul3A_346 : vector<16xf32>
      %add3A_348 = arith.addf %add3A_330, %mul3A_347 : vector<16xf32>
      %broadcast_in_dim3A_349 = arith.constant 15 : i32
      %broadcast_in_dim3A_350 = vector.broadcast %broadcast_in_dim3A_349 : i32 to vector<16xi32>
      %gather3A_351 = tpu.vector_load_idx %arg6[%add3A_72, %broadcast_in_dim3A_350] : memref<320x80xf32, #tpu.memory_space<vmem>>[vector<16xi32>, vector<16xi32>], vector<16xf32>,
      %gather3A_352 = tpu.vector_load_idx %arg7[%add3A_72, %broadcast_in_dim3A_350] : memref<320x80xf32, #tpu.memory_space<vmem>>[vector<16xi32>, vector<16xi32>], vector<16xf32>,
      %add3A_353 = arith.addf %gather3A_351, %gather3A_352 : vector<16xf32>
      %mul3A_354 = arith.mulf %add3A_353, %div3A_78 : vector<16xf32>
      %slice3A_355 = vector.extract_strided_slice %get3A_30 {offsets = [15], sizes = [1], strides = [1]} : vector<16xf32> to vector<1xf32>
      %squeeze3A_356 = vector.extract %slice3A_355[0] : f32 from vector<1xf32>
      %add3A_357 = vector.broadcast %squeeze3A_356 : f32 to vector<16xf32>
      %add3A_358 = arith.addf %mul3A_354, %add3A_357 : vector<16xf32>
      %max3A_359 = arith.constant 0.000000e+00 : f32
      %max3A_360 = vector.broadcast %max3A_359 : f32 to vector<16xf32>
      %max3A_361 = arith.maximumf %add3A_358, %max3A_360 : vector<16xf32>
      %slice3A_362 = vector.extract_strided_slice %get3A_38 {offsets = [15], sizes = [1], strides = [1]} : vector<16xf32> to vector<1xf32>
      %squeeze3A_363 = vector.extract %slice3A_362[0] : f32 from vector<1xf32>
      %mul3A_364 = vector.broadcast %squeeze3A_363 : f32 to vector<16xf32>
      %mul3A_365 = arith.mulf %max3A_361, %mul3A_364 : vector<16xf32>
      %add3A_366 = arith.addf %add3A_348, %mul3A_365 : vector<16xf32>
      %broadcast_in_dim3A_367 = arith.constant 16 : i32
      %broadcast_in_dim3A_368 = vector.broadcast %broadcast_in_dim3A_367 : i32 to vector<16xi32>
      %gather3A_369 = tpu.vector_load_idx %arg6[%add3A_72, %broadcast_in_dim3A_368] : memref<320x80xf32, #tpu.memory_space<vmem>>[vector<16xi32>, vector<16xi32>], vector<16xf32>,
      %gather3A_370 = tpu.vector_load_idx %arg7[%add3A_72, %broadcast_in_dim3A_368] : memref<320x80xf32, #tpu.memory_space<vmem>>[vector<16xi32>, vector<16xi32>], vector<16xf32>,
      %add3A_371 = arith.addf %gather3A_369, %gather3A_370 : vector<16xf32>
      %mul3A_372 = arith.mulf %add3A_371, %div3A_78 : vector<16xf32>
      %slice3A_373 = vector.extract_strided_slice %get3A_32 {offsets = [0], sizes = [1], strides = [1]} : vector<16xf32> to vector<1xf32>
      %squeeze3A_374 = vector.extract %slice3A_373[0] : f32 from vector<1xf32>
      %add3A_375 = vector.broadcast %squeeze3A_374 : f32 to vector<16xf32>
      %add3A_376 = arith.addf %mul3A_372, %add3A_375 : vector<16xf32>
      %max3A_377 = arith.constant 0.000000e+00 : f32
      %max3A_378 = vector.broadcast %max3A_377 : f32 to vector<16xf32>
      %max3A_379 = arith.maximumf %add3A_376, %max3A_378 : vector<16xf32>
      %slice3A_380 = vector.extract_strided_slice %get3A_40 {offsets = [0], sizes = [1], strides = [1]} : vector<16xf32> to vector<1xf32>
      %squeeze3A_381 = vector.extract %slice3A_380[0] : f32 from vector<1xf32>
      %mul3A_382 = vector.broadcast %squeeze3A_381 : f32 to vector<16xf32>
      %mul3A_383 = arith.mulf %max3A_379, %mul3A_382 : vector<16xf32>
      %add3A_384 = arith.addf %add3A_366, %mul3A_383 : vector<16xf32>
      %broadcast_in_dim3A_385 = arith.constant 17 : i32
      %broadcast_in_dim3A_386 = vector.broadcast %broadcast_in_dim3A_385 : i32 to vector<16xi32>
      %gather3A_387 = tpu.vector_load_idx %arg6[%add3A_72, %broadcast_in_dim3A_386] : memref<320x80xf32, #tpu.memory_space<vmem>>[vector<16xi32>, vector<16xi32>], vector<16xf32>,
      %gather3A_388 = tpu.vector_load_idx %arg7[%add3A_72, %broadcast_in_dim3A_386] : memref<320x80xf32, #tpu.memory_space<vmem>>[vector<16xi32>, vector<16xi32>], vector<16xf32>,
      %add3A_389 = arith.addf %gather3A_387, %gather3A_388 : vector<16xf32>
      %mul3A_390 = arith.mulf %add3A_389, %div3A_78 : vector<16xf32>
      %slice3A_391 = vector.extract_strided_slice %get3A_32 {offsets = [1], sizes = [1], strides = [1]} : vector<16xf32> to vector<1xf32>
      %squeeze3A_392 = vector.extract %slice3A_391[0] : f32 from vector<1xf32>
      %add3A_393 = vector.broadcast %squeeze3A_392 : f32 to vector<16xf32>
      %add3A_394 = arith.addf %mul3A_390, %add3A_393 : vector<16xf32>
      %max3A_395 = arith.constant 0.000000e+00 : f32
      %max3A_396 = vector.broadcast %max3A_395 : f32 to vector<16xf32>
      %max3A_397 = arith.maximumf %add3A_394, %max3A_396 : vector<16xf32>
      %slice3A_398 = vector.extract_strided_slice %get3A_40 {offsets = [1], sizes = [1], strides = [1]} : vector<16xf32> to vector<1xf32>
      %squeeze3A_399 = vector.extract %slice3A_398[0] : f32 from vector<1xf32>
      %mul3A_400 = vector.broadcast %squeeze3A_399 : f32 to vector<16xf32>
      %mul3A_401 = arith.mulf %max3A_397, %mul3A_400 : vector<16xf32>
      %add3A_402 = arith.addf %add3A_384, %mul3A_401 : vector<16xf32>
      %broadcast_in_dim3A_403 = arith.constant 18 : i32
      %broadcast_in_dim3A_404 = vector.broadcast %broadcast_in_dim3A_403 : i32 to vector<16xi32>
      %gather3A_405 = tpu.vector_load_idx %arg6[%add3A_72, %broadcast_in_dim3A_404] : memref<320x80xf32, #tpu.memory_space<vmem>>[vector<16xi32>, vector<16xi32>], vector<16xf32>,
      %gather3A_406 = tpu.vector_load_idx %arg7[%add3A_72, %broadcast_in_dim3A_404] : memref<320x80xf32, #tpu.memory_space<vmem>>[vector<16xi32>, vector<16xi32>], vector<16xf32>,
      %add3A_407 = arith.addf %gather3A_405, %gather3A_406 : vector<16xf32>
      %mul3A_408 = arith.mulf %add3A_407, %div3A_78 : vector<16xf32>
      %slice3A_409 = vector.extract_strided_slice %get3A_32 {offsets = [2], sizes = [1], strides = [1]} : vector<16xf32> to vector<1xf32>
      %squeeze3A_410 = vector.extract %slice3A_409[0] : f32 from vector<1xf32>
      %add3A_411 = vector.broadcast %squeeze3A_410 : f32 to vector<16xf32>
      %add3A_412 = arith.addf %mul3A_408, %add3A_411 : vector<16xf32>
      %max3A_413 = arith.constant 0.000000e+00 : f32
      %max3A_414 = vector.broadcast %max3A_413 : f32 to vector<16xf32>
      %max3A_415 = arith.maximumf %add3A_412, %max3A_414 : vector<16xf32>
      %slice3A_416 = vector.extract_strided_slice %get3A_40 {offsets = [2], sizes = [1], strides = [1]} : vector<16xf32> to vector<1xf32>
      %squeeze3A_417 = vector.extract %slice3A_416[0] : f32 from vector<1xf32>
      %mul3A_418 = vector.broadcast %squeeze3A_417 : f32 to vector<16xf32>
      %mul3A_419 = arith.mulf %max3A_415, %mul3A_418 : vector<16xf32>
      %add3A_420 = arith.addf %add3A_402, %mul3A_419 : vector<16xf32>
      %broadcast_in_dim3A_421 = arith.constant 19 : i32
      %broadcast_in_dim3A_422 = vector.broadcast %broadcast_in_dim3A_421 : i32 to vector<16xi32>
      %gather3A_423 = tpu.vector_load_idx %arg6[%add3A_72, %broadcast_in_dim3A_422] : memref<320x80xf32, #tpu.memory_space<vmem>>[vector<16xi32>, vector<16xi32>], vector<16xf32>,
      %gather3A_424 = tpu.vector_load_idx %arg7[%add3A_72, %broadcast_in_dim3A_422] : memref<320x80xf32, #tpu.memory_space<vmem>>[vector<16xi32>, vector<16xi32>], vector<16xf32>,
      %add3A_425 = arith.addf %gather3A_423, %gather3A_424 : vector<16xf32>
      %mul3A_426 = arith.mulf %add3A_425, %div3A_78 : vector<16xf32>
      %slice3A_427 = vector.extract_strided_slice %get3A_32 {offsets = [3], sizes = [1], strides = [1]} : vector<16xf32> to vector<1xf32>
      %squeeze3A_428 = vector.extract %slice3A_427[0] : f32 from vector<1xf32>
      %add3A_429 = vector.broadcast %squeeze3A_428 : f32 to vector<16xf32>
      %add3A_430 = arith.addf %mul3A_426, %add3A_429 : vector<16xf32>
      %max3A_431 = arith.constant 0.000000e+00 : f32
      %max3A_432 = vector.broadcast %max3A_431 : f32 to vector<16xf32>
      %max3A_433 = arith.maximumf %add3A_430, %max3A_432 : vector<16xf32>
      %slice3A_434 = vector.extract_strided_slice %get3A_40 {offsets = [3], sizes = [1], strides = [1]} : vector<16xf32> to vector<1xf32>
      %squeeze3A_435 = vector.extract %slice3A_434[0] : f32 from vector<1xf32>
      %mul3A_436 = vector.broadcast %squeeze3A_435 : f32 to vector<16xf32>
      %mul3A_437 = arith.mulf %max3A_433, %mul3A_436 : vector<16xf32>
      %add3A_438 = arith.addf %add3A_420, %mul3A_437 : vector<16xf32>
      %broadcast_in_dim3A_439 = arith.constant 20 : i32
      %broadcast_in_dim3A_440 = vector.broadcast %broadcast_in_dim3A_439 : i32 to vector<16xi32>
      %gather3A_441 = tpu.vector_load_idx %arg6[%add3A_72, %broadcast_in_dim3A_440] : memref<320x80xf32, #tpu.memory_space<vmem>>[vector<16xi32>, vector<16xi32>], vector<16xf32>,
      %gather3A_442 = tpu.vector_load_idx %arg7[%add3A_72, %broadcast_in_dim3A_440] : memref<320x80xf32, #tpu.memory_space<vmem>>[vector<16xi32>, vector<16xi32>], vector<16xf32>,
      %add3A_443 = arith.addf %gather3A_441, %gather3A_442 : vector<16xf32>
      %mul3A_444 = arith.mulf %add3A_443, %div3A_78 : vector<16xf32>
      %slice3A_445 = vector.extract_strided_slice %get3A_32 {offsets = [4], sizes = [1], strides = [1]} : vector<16xf32> to vector<1xf32>
      %squeeze3A_446 = vector.extract %slice3A_445[0] : f32 from vector<1xf32>
      %add3A_447 = vector.broadcast %squeeze3A_446 : f32 to vector<16xf32>
      %add3A_448 = arith.addf %mul3A_444, %add3A_447 : vector<16xf32>
      %max3A_449 = arith.constant 0.000000e+00 : f32
      %max3A_450 = vector.broadcast %max3A_449 : f32 to vector<16xf32>
      %max3A_451 = arith.maximumf %add3A_448, %max3A_450 : vector<16xf32>
      %slice3A_452 = vector.extract_strided_slice %get3A_40 {offsets = [4], sizes = [1], strides = [1]} : vector<16xf32> to vector<1xf32>
      %squeeze3A_453 = vector.extract %slice3A_452[0] : f32 from vector<1xf32>
      %mul3A_454 = vector.broadcast %squeeze3A_453 : f32 to vector<16xf32>
      %mul3A_455 = arith.mulf %max3A_451, %mul3A_454 : vector<16xf32>
      %add3A_456 = arith.addf %add3A_438, %mul3A_455 : vector<16xf32>
      %broadcast_in_dim3A_457 = arith.constant 21 : i32
      %broadcast_in_dim3A_458 = vector.broadcast %broadcast_in_dim3A_457 : i32 to vector<16xi32>
      %gather3A_459 = tpu.vector_load_idx %arg6[%add3A_72, %broadcast_in_dim3A_458] : memref<320x80xf32, #tpu.memory_space<vmem>>[vector<16xi32>, vector<16xi32>], vector<16xf32>,
      %gather3A_460 = tpu.vector_load_idx %arg7[%add3A_72, %broadcast_in_dim3A_458] : memref<320x80xf32, #tpu.memory_space<vmem>>[vector<16xi32>, vector<16xi32>], vector<16xf32>,
      %add3A_461 = arith.addf %gather3A_459, %gather3A_460 : vector<16xf32>
      %mul3A_462 = arith.mulf %add3A_461, %div3A_78 : vector<16xf32>
      %slice3A_463 = vector.extract_strided_slice %get3A_32 {offsets = [5], sizes = [1], strides = [1]} : vector<16xf32> to vector<1xf32>
      %squeeze3A_464 = vector.extract %slice3A_463[0] : f32 from vector<1xf32>
      %add3A_465 = vector.broadcast %squeeze3A_464 : f32 to vector<16xf32>
      %add3A_466 = arith.addf %mul3A_462, %add3A_465 : vector<16xf32>
      %max3A_467 = arith.constant 0.000000e+00 : f32
      %max3A_468 = vector.broadcast %max3A_467 : f32 to vector<16xf32>
      %max3A_469 = arith.maximumf %add3A_466, %max3A_468 : vector<16xf32>
      %slice3A_470 = vector.extract_strided_slice %get3A_40 {offsets = [5], sizes = [1], strides = [1]} : vector<16xf32> to vector<1xf32>
      %squeeze3A_471 = vector.extract %slice3A_470[0] : f32 from vector<1xf32>
      %mul3A_472 = vector.broadcast %squeeze3A_471 : f32 to vector<16xf32>
      %mul3A_473 = arith.mulf %max3A_469, %mul3A_472 : vector<16xf32>
      %add3A_474 = arith.addf %add3A_456, %mul3A_473 : vector<16xf32>
      %broadcast_in_dim3A_475 = arith.constant 22 : i32
      %broadcast_in_dim3A_476 = vector.broadcast %broadcast_in_dim3A_475 : i32 to vector<16xi32>
      %gather3A_477 = tpu.vector_load_idx %arg6[%add3A_72, %broadcast_in_dim3A_476] : memref<320x80xf32, #tpu.memory_space<vmem>>[vector<16xi32>, vector<16xi32>], vector<16xf32>,
      %gather3A_478 = tpu.vector_load_idx %arg7[%add3A_72, %broadcast_in_dim3A_476] : memref<320x80xf32, #tpu.memory_space<vmem>>[vector<16xi32>, vector<16xi32>], vector<16xf32>,
      %add3A_479 = arith.addf %gather3A_477, %gather3A_478 : vector<16xf32>
      %mul3A_480 = arith.mulf %add3A_479, %div3A_78 : vector<16xf32>
      %slice3A_481 = vector.extract_strided_slice %get3A_32 {offsets = [6], sizes = [1], strides = [1]} : vector<16xf32> to vector<1xf32>
      %squeeze3A_482 = vector.extract %slice3A_481[0] : f32 from vector<1xf32>
      %add3A_483 = vector.broadcast %squeeze3A_482 : f32 to vector<16xf32>
      %add3A_484 = arith.addf %mul3A_480, %add3A_483 : vector<16xf32>
      %max3A_485 = arith.constant 0.000000e+00 : f32
      %max3A_486 = vector.broadcast %max3A_485 : f32 to vector<16xf32>
      %max3A_487 = arith.maximumf %add3A_484, %max3A_486 : vector<16xf32>
      %slice3A_488 = vector.extract_strided_slice %get3A_40 {offsets = [6], sizes = [1], strides = [1]} : vector<16xf32> to vector<1xf32>
      %squeeze3A_489 = vector.extract %slice3A_488[0] : f32 from vector<1xf32>
      %mul3A_490 = vector.broadcast %squeeze3A_489 : f32 to vector<16xf32>
      %mul3A_491 = arith.mulf %max3A_487, %mul3A_490 : vector<16xf32>
      %add3A_492 = arith.addf %add3A_474, %mul3A_491 : vector<16xf32>
      %broadcast_in_dim3A_493 = arith.constant 23 : i32
      %broadcast_in_dim3A_494 = vector.broadcast %broadcast_in_dim3A_493 : i32 to vector<16xi32>
      %gather3A_495 = tpu.vector_load_idx %arg6[%add3A_72, %broadcast_in_dim3A_494] : memref<320x80xf32, #tpu.memory_space<vmem>>[vector<16xi32>, vector<16xi32>], vector<16xf32>,
      %gather3A_496 = tpu.vector_load_idx %arg7[%add3A_72, %broadcast_in_dim3A_494] : memref<320x80xf32, #tpu.memory_space<vmem>>[vector<16xi32>, vector<16xi32>], vector<16xf32>,
      %add3A_497 = arith.addf %gather3A_495, %gather3A_496 : vector<16xf32>
      %mul3A_498 = arith.mulf %add3A_497, %div3A_78 : vector<16xf32>
      %slice3A_499 = vector.extract_strided_slice %get3A_32 {offsets = [7], sizes = [1], strides = [1]} : vector<16xf32> to vector<1xf32>
      %squeeze3A_500 = vector.extract %slice3A_499[0] : f32 from vector<1xf32>
      %add3A_501 = vector.broadcast %squeeze3A_500 : f32 to vector<16xf32>
      %add3A_502 = arith.addf %mul3A_498, %add3A_501 : vector<16xf32>
      %max3A_503 = arith.constant 0.000000e+00 : f32
      %max3A_504 = vector.broadcast %max3A_503 : f32 to vector<16xf32>
      %max3A_505 = arith.maximumf %add3A_502, %max3A_504 : vector<16xf32>
      %slice3A_506 = vector.extract_strided_slice %get3A_40 {offsets = [7], sizes = [1], strides = [1]} : vector<16xf32> to vector<1xf32>
      %squeeze3A_507 = vector.extract %slice3A_506[0] : f32 from vector<1xf32>
      %mul3A_508 = vector.broadcast %squeeze3A_507 : f32 to vector<16xf32>
      %mul3A_509 = arith.mulf %max3A_505, %mul3A_508 : vector<16xf32>
      %add3A_510 = arith.addf %add3A_492, %mul3A_509 : vector<16xf32>
      %broadcast_in_dim3A_511 = arith.constant 24 : i32
      %broadcast_in_dim3A_512 = vector.broadcast %broadcast_in_dim3A_511 : i32 to vector<16xi32>
      %gather3A_513 = tpu.vector_load_idx %arg6[%add3A_72, %broadcast_in_dim3A_512] : memref<320x80xf32, #tpu.memory_space<vmem>>[vector<16xi32>, vector<16xi32>], vector<16xf32>,
      %gather3A_514 = tpu.vector_load_idx %arg7[%add3A_72, %broadcast_in_dim3A_512] : memref<320x80xf32, #tpu.memory_space<vmem>>[vector<16xi32>, vector<16xi32>], vector<16xf32>,
      %add3A_515 = arith.addf %gather3A_513, %gather3A_514 : vector<16xf32>
      %mul3A_516 = arith.mulf %add3A_515, %div3A_78 : vector<16xf32>
      %slice3A_517 = vector.extract_strided_slice %get3A_32 {offsets = [8], sizes = [1], strides = [1]} : vector<16xf32> to vector<1xf32>
      %squeeze3A_518 = vector.extract %slice3A_517[0] : f32 from vector<1xf32>
      %add3A_519 = vector.broadcast %squeeze3A_518 : f32 to vector<16xf32>
      %add3A_520 = arith.addf %mul3A_516, %add3A_519 : vector<16xf32>
      %max3A_521 = arith.constant 0.000000e+00 : f32
      %max3A_522 = vector.broadcast %max3A_521 : f32 to vector<16xf32>
      %max3A_523 = arith.maximumf %add3A_520, %max3A_522 : vector<16xf32>
      %slice3A_524 = vector.extract_strided_slice %get3A_40 {offsets = [8], sizes = [1], strides = [1]} : vector<16xf32> to vector<1xf32>
      %squeeze3A_525 = vector.extract %slice3A_524[0] : f32 from vector<1xf32>
      %mul3A_526 = vector.broadcast %squeeze3A_525 : f32 to vector<16xf32>
      %mul3A_527 = arith.mulf %max3A_523, %mul3A_526 : vector<16xf32>
      %add3A_528 = arith.addf %add3A_510, %mul3A_527 : vector<16xf32>
      %broadcast_in_dim3A_529 = arith.constant 25 : i32
      %broadcast_in_dim3A_530 = vector.broadcast %broadcast_in_dim3A_529 : i32 to vector<16xi32>
      %gather3A_531 = tpu.vector_load_idx %arg6[%add3A_72, %broadcast_in_dim3A_530] : memref<320x80xf32, #tpu.memory_space<vmem>>[vector<16xi32>, vector<16xi32>], vector<16xf32>,
      %gather3A_532 = tpu.vector_load_idx %arg7[%add3A_72, %broadcast_in_dim3A_530] : memref<320x80xf32, #tpu.memory_space<vmem>>[vector<16xi32>, vector<16xi32>], vector<16xf32>,
      %add3A_533 = arith.addf %gather3A_531, %gather3A_532 : vector<16xf32>
      %mul3A_534 = arith.mulf %add3A_533, %div3A_78 : vector<16xf32>
      %slice3A_535 = vector.extract_strided_slice %get3A_32 {offsets = [9], sizes = [1], strides = [1]} : vector<16xf32> to vector<1xf32>
      %squeeze3A_536 = vector.extract %slice3A_535[0] : f32 from vector<1xf32>
      %add3A_537 = vector.broadcast %squeeze3A_536 : f32 to vector<16xf32>
      %add3A_538 = arith.addf %mul3A_534, %add3A_537 : vector<16xf32>
      %max3A_539 = arith.constant 0.000000e+00 : f32
      %max3A_540 = vector.broadcast %max3A_539 : f32 to vector<16xf32>
      %max3A_541 = arith.maximumf %add3A_538, %max3A_540 : vector<16xf32>
      %slice3A_542 = vector.extract_strided_slice %get3A_40 {offsets = [9], sizes = [1], strides = [1]} : vector<16xf32> to vector<1xf32>
      %squeeze3A_543 = vector.extract %slice3A_542[0] : f32 from vector<1xf32>
      %mul3A_544 = vector.broadcast %squeeze3A_543 : f32 to vector<16xf32>
      %mul3A_545 = arith.mulf %max3A_541, %mul3A_544 : vector<16xf32>
      %add3A_546 = arith.addf %add3A_528, %mul3A_545 : vector<16xf32>
      %broadcast_in_dim3A_547 = arith.constant 26 : i32
      %broadcast_in_dim3A_548 = vector.broadcast %broadcast_in_dim3A_547 : i32 to vector<16xi32>
      %gather3A_549 = tpu.vector_load_idx %arg6[%add3A_72, %broadcast_in_dim3A_548] : memref<320x80xf32, #tpu.memory_space<vmem>>[vector<16xi32>, vector<16xi32>], vector<16xf32>,
      %gather3A_550 = tpu.vector_load_idx %arg7[%add3A_72, %broadcast_in_dim3A_548] : memref<320x80xf32, #tpu.memory_space<vmem>>[vector<16xi32>, vector<16xi32>], vector<16xf32>,
      %add3A_551 = arith.addf %gather3A_549, %gather3A_550 : vector<16xf32>
      %mul3A_552 = arith.mulf %add3A_551, %div3A_78 : vector<16xf32>
      %slice3A_553 = vector.extract_strided_slice %get3A_32 {offsets = [10], sizes = [1], strides = [1]} : vector<16xf32> to vector<1xf32>
      %squeeze3A_554 = vector.extract %slice3A_553[0] : f32 from vector<1xf32>
      %add3A_555 = vector.broadcast %squeeze3A_554 : f32 to vector<16xf32>
      %add3A_556 = arith.addf %mul3A_552, %add3A_555 : vector<16xf32>
      %max3A_557 = arith.constant 0.000000e+00 : f32
      %max3A_558 = vector.broadcast %max3A_557 : f32 to vector<16xf32>
      %max3A_559 = arith.maximumf %add3A_556, %max3A_558 : vector<16xf32>
      %slice3A_560 = vector.extract_strided_slice %get3A_40 {offsets = [10], sizes = [1], strides = [1]} : vector<16xf32> to vector<1xf32>
      %squeeze3A_561 = vector.extract %slice3A_560[0] : f32 from vector<1xf32>
      %mul3A_562 = vector.broadcast %squeeze3A_561 : f32 to vector<16xf32>
      %mul3A_563 = arith.mulf %max3A_559, %mul3A_562 : vector<16xf32>
      %add3A_564 = arith.addf %add3A_546, %mul3A_563 : vector<16xf32>
      %broadcast_in_dim3A_565 = arith.constant 27 : i32
      %broadcast_in_dim3A_566 = vector.broadcast %broadcast_in_dim3A_565 : i32 to vector<16xi32>
      %gather3A_567 = tpu.vector_load_idx %arg6[%add3A_72, %broadcast_in_dim3A_566] : memref<320x80xf32, #tpu.memory_space<vmem>>[vector<16xi32>, vector<16xi32>], vector<16xf32>,
      %gather3A_568 = tpu.vector_load_idx %arg7[%add3A_72, %broadcast_in_dim3A_566] : memref<320x80xf32, #tpu.memory_space<vmem>>[vector<16xi32>, vector<16xi32>], vector<16xf32>,
      %add3A_569 = arith.addf %gather3A_567, %gather3A_568 : vector<16xf32>
      %mul3A_570 = arith.mulf %add3A_569, %div3A_78 : vector<16xf32>
      %slice3A_571 = vector.extract_strided_slice %get3A_32 {offsets = [11], sizes = [1], strides = [1]} : vector<16xf32> to vector<1xf32>
      %squeeze3A_572 = vector.extract %slice3A_571[0] : f32 from vector<1xf32>
      %add3A_573 = vector.broadcast %squeeze3A_572 : f32 to vector<16xf32>
      %add3A_574 = arith.addf %mul3A_570, %add3A_573 : vector<16xf32>
      %max3A_575 = arith.constant 0.000000e+00 : f32
      %max3A_576 = vector.broadcast %max3A_575 : f32 to vector<16xf32>
      %max3A_577 = arith.maximumf %add3A_574, %max3A_576 : vector<16xf32>
      %slice3A_578 = vector.extract_strided_slice %get3A_40 {offsets = [11], sizes = [1], strides = [1]} : vector<16xf32> to vector<1xf32>
      %squeeze3A_579 = vector.extract %slice3A_578[0] : f32 from vector<1xf32>
      %mul3A_580 = vector.broadcast %squeeze3A_579 : f32 to vector<16xf32>
      %mul3A_581 = arith.mulf %max3A_577, %mul3A_580 : vector<16xf32>
      %add3A_582 = arith.addf %add3A_564, %mul3A_581 : vector<16xf32>
      %broadcast_in_dim3A_583 = arith.constant 28 : i32
      %broadcast_in_dim3A_584 = vector.broadcast %broadcast_in_dim3A_583 : i32 to vector<16xi32>
      %gather3A_585 = tpu.vector_load_idx %arg6[%add3A_72, %broadcast_in_dim3A_584] : memref<320x80xf32, #tpu.memory_space<vmem>>[vector<16xi32>, vector<16xi32>], vector<16xf32>,
      %gather3A_586 = tpu.vector_load_idx %arg7[%add3A_72, %broadcast_in_dim3A_584] : memref<320x80xf32, #tpu.memory_space<vmem>>[vector<16xi32>, vector<16xi32>], vector<16xf32>,
      %add3A_587 = arith.addf %gather3A_585, %gather3A_586 : vector<16xf32>
      %mul3A_588 = arith.mulf %add3A_587, %div3A_78 : vector<16xf32>
      %slice3A_589 = vector.extract_strided_slice %get3A_32 {offsets = [12], sizes = [1], strides = [1]} : vector<16xf32> to vector<1xf32>
      %squeeze3A_590 = vector.extract %slice3A_589[0] : f32 from vector<1xf32>
      %add3A_591 = vector.broadcast %squeeze3A_590 : f32 to vector<16xf32>
      %add3A_592 = arith.addf %mul3A_588, %add3A_591 : vector<16xf32>
      %max3A_593 = arith.constant 0.000000e+00 : f32
      %max3A_594 = vector.broadcast %max3A_593 : f32 to vector<16xf32>
      %max3A_595 = arith.maximumf %add3A_592, %max3A_594 : vector<16xf32>
      %slice3A_596 = vector.extract_strided_slice %get3A_40 {offsets = [12], sizes = [1], strides = [1]} : vector<16xf32> to vector<1xf32>
      %squeeze3A_597 = vector.extract %slice3A_596[0] : f32 from vector<1xf32>
      %mul3A_598 = vector.broadcast %squeeze3A_597 : f32 to vector<16xf32>
      %mul3A_599 = arith.mulf %max3A_595, %mul3A_598 : vector<16xf32>
      %add3A_600 = arith.addf %add3A_582, %mul3A_599 : vector<16xf32>
      %broadcast_in_dim3A_601 = arith.constant 29 : i32
      %broadcast_in_dim3A_602 = vector.broadcast %broadcast_in_dim3A_601 : i32 to vector<16xi32>
      %gather3A_603 = tpu.vector_load_idx %arg6[%add3A_72, %broadcast_in_dim3A_602] : memref<320x80xf32, #tpu.memory_space<vmem>>[vector<16xi32>, vector<16xi32>], vector<16xf32>,
      %gather3A_604 = tpu.vector_load_idx %arg7[%add3A_72, %broadcast_in_dim3A_602] : memref<320x80xf32, #tpu.memory_space<vmem>>[vector<16xi32>, vector<16xi32>], vector<16xf32>,
      %add3A_605 = arith.addf %gather3A_603, %gather3A_604 : vector<16xf32>
      %mul3A_606 = arith.mulf %add3A_605, %div3A_78 : vector<16xf32>
      %slice3A_607 = vector.extract_strided_slice %get3A_32 {offsets = [13], sizes = [1], strides = [1]} : vector<16xf32> to vector<1xf32>
      %squeeze3A_608 = vector.extract %slice3A_607[0] : f32 from vector<1xf32>
      %add3A_609 = vector.broadcast %squeeze3A_608 : f32 to vector<16xf32>
      %add3A_610 = arith.addf %mul3A_606, %add3A_609 : vector<16xf32>
      %max3A_611 = arith.constant 0.000000e+00 : f32
      %max3A_612 = vector.broadcast %max3A_611 : f32 to vector<16xf32>
      %max3A_613 = arith.maximumf %add3A_610, %max3A_612 : vector<16xf32>
      %slice3A_614 = vector.extract_strided_slice %get3A_40 {offsets = [13], sizes = [1], strides = [1]} : vector<16xf32> to vector<1xf32>
      %squeeze3A_615 = vector.extract %slice3A_614[0] : f32 from vector<1xf32>
      %mul3A_616 = vector.broadcast %squeeze3A_615 : f32 to vector<16xf32>
      %mul3A_617 = arith.mulf %max3A_613, %mul3A_616 : vector<16xf32>
      %add3A_618 = arith.addf %add3A_600, %mul3A_617 : vector<16xf32>
      %broadcast_in_dim3A_619 = arith.constant 30 : i32
      %broadcast_in_dim3A_620 = vector.broadcast %broadcast_in_dim3A_619 : i32 to vector<16xi32>
      %gather3A_621 = tpu.vector_load_idx %arg6[%add3A_72, %broadcast_in_dim3A_620] : memref<320x80xf32, #tpu.memory_space<vmem>>[vector<16xi32>, vector<16xi32>], vector<16xf32>,
      %gather3A_622 = tpu.vector_load_idx %arg7[%add3A_72, %broadcast_in_dim3A_620] : memref<320x80xf32, #tpu.memory_space<vmem>>[vector<16xi32>, vector<16xi32>], vector<16xf32>,
      %add3A_623 = arith.addf %gather3A_621, %gather3A_622 : vector<16xf32>
      %mul3A_624 = arith.mulf %add3A_623, %div3A_78 : vector<16xf32>
      %slice3A_625 = vector.extract_strided_slice %get3A_32 {offsets = [14], sizes = [1], strides = [1]} : vector<16xf32> to vector<1xf32>
      %squeeze3A_626 = vector.extract %slice3A_625[0] : f32 from vector<1xf32>
      %add3A_627 = vector.broadcast %squeeze3A_626 : f32 to vector<16xf32>
      %add3A_628 = arith.addf %mul3A_624, %add3A_627 : vector<16xf32>
      %max3A_629 = arith.constant 0.000000e+00 : f32
      %max3A_630 = vector.broadcast %max3A_629 : f32 to vector<16xf32>
      %max3A_631 = arith.maximumf %add3A_628, %max3A_630 : vector<16xf32>
      %slice3A_632 = vector.extract_strided_slice %get3A_40 {offsets = [14], sizes = [1], strides = [1]} : vector<16xf32> to vector<1xf32>
      %squeeze3A_633 = vector.extract %slice3A_632[0] : f32 from vector<1xf32>
      %mul3A_634 = vector.broadcast %squeeze3A_633 : f32 to vector<16xf32>
      %mul3A_635 = arith.mulf %max3A_631, %mul3A_634 : vector<16xf32>
      %add3A_636 = arith.addf %add3A_618, %mul3A_635 : vector<16xf32>
      %broadcast_in_dim3A_637 = arith.constant 31 : i32
      %broadcast_in_dim3A_638 = vector.broadcast %broadcast_in_dim3A_637 : i32 to vector<16xi32>
      %gather3A_639 = tpu.vector_load_idx %arg6[%add3A_72, %broadcast_in_dim3A_638] : memref<320x80xf32, #tpu.memory_space<vmem>>[vector<16xi32>, vector<16xi32>], vector<16xf32>,
      %gather3A_640 = tpu.vector_load_idx %arg7[%add3A_72, %broadcast_in_dim3A_638] : memref<320x80xf32, #tpu.memory_space<vmem>>[vector<16xi32>, vector<16xi32>], vector<16xf32>,
      %add3A_641 = arith.addf %gather3A_639, %gather3A_640 : vector<16xf32>
      %mul3A_642 = arith.mulf %add3A_641, %div3A_78 : vector<16xf32>
      %slice3A_643 = vector.extract_strided_slice %get3A_32 {offsets = [15], sizes = [1], strides = [1]} : vector<16xf32> to vector<1xf32>
      %squeeze3A_644 = vector.extract %slice3A_643[0] : f32 from vector<1xf32>
      %add3A_645 = vector.broadcast %squeeze3A_644 : f32 to vector<16xf32>
      %add3A_646 = arith.addf %mul3A_642, %add3A_645 : vector<16xf32>
      %max3A_647 = arith.constant 0.000000e+00 : f32
      %max3A_648 = vector.broadcast %max3A_647 : f32 to vector<16xf32>
      %max3A_649 = arith.maximumf %add3A_646, %max3A_648 : vector<16xf32>
      %slice3A_650 = vector.extract_strided_slice %get3A_40 {offsets = [15], sizes = [1], strides = [1]} : vector<16xf32> to vector<1xf32>
      %squeeze3A_651 = vector.extract %slice3A_650[0] : f32 from vector<1xf32>
      %mul3A_652 = vector.broadcast %squeeze3A_651 : f32 to vector<16xf32>
      %mul3A_653 = arith.mulf %max3A_649, %mul3A_652 : vector<16xf32>
      %add3A_654 = arith.addf %add3A_636, %mul3A_653 : vector<16xf32>
      %broadcast_in_dim3A_655 = arith.constant 32 : i32
      %broadcast_in_dim3A_656 = vector.broadcast %broadcast_in_dim3A_655 : i32 to vector<16xi32>
      %gather3A_657 = tpu.vector_load_idx %arg6[%add3A_72, %broadcast_in_dim3A_656] : memref<320x80xf32, #tpu.memory_space<vmem>>[vector<16xi32>, vector<16xi32>], vector<16xf32>,
      %gather3A_658 = tpu.vector_load_idx %arg7[%add3A_72, %broadcast_in_dim3A_656] : memref<320x80xf32, #tpu.memory_space<vmem>>[vector<16xi32>, vector<16xi32>], vector<16xf32>,
      %add3A_659 = arith.addf %gather3A_657, %gather3A_658 : vector<16xf32>
      %mul3A_660 = arith.mulf %add3A_659, %div3A_78 : vector<16xf32>
      %slice3A_661 = vector.extract_strided_slice %get3A_34 {offsets = [0], sizes = [1], strides = [1]} : vector<16xf32> to vector<1xf32>
      %squeeze3A_662 = vector.extract %slice3A_661[0] : f32 from vector<1xf32>
      %add3A_663 = vector.broadcast %squeeze3A_662 : f32 to vector<16xf32>
      %add3A_664 = arith.addf %mul3A_660, %add3A_663 : vector<16xf32>
      %max3A_665 = arith.constant 0.000000e+00 : f32
      %max3A_666 = vector.broadcast %max3A_665 : f32 to vector<16xf32>
      %max3A_667 = arith.maximumf %add3A_664, %max3A_666 : vector<16xf32>
      %slice3A_668 = vector.extract_strided_slice %get3A_42 {offsets = [0], sizes = [1], strides = [1]} : vector<16xf32> to vector<1xf32>
      %squeeze3A_669 = vector.extract %slice3A_668[0] : f32 from vector<1xf32>
      %mul3A_670 = vector.broadcast %squeeze3A_669 : f32 to vector<16xf32>
      %mul3A_671 = arith.mulf %max3A_667, %mul3A_670 : vector<16xf32>
      %add3A_672 = arith.addf %add3A_654, %mul3A_671 : vector<16xf32>
      %broadcast_in_dim3A_673 = arith.constant 33 : i32
      %broadcast_in_dim3A_674 = vector.broadcast %broadcast_in_dim3A_673 : i32 to vector<16xi32>
      %gather3A_675 = tpu.vector_load_idx %arg6[%add3A_72, %broadcast_in_dim3A_674] : memref<320x80xf32, #tpu.memory_space<vmem>>[vector<16xi32>, vector<16xi32>], vector<16xf32>,
      %gather3A_676 = tpu.vector_load_idx %arg7[%add3A_72, %broadcast_in_dim3A_674] : memref<320x80xf32, #tpu.memory_space<vmem>>[vector<16xi32>, vector<16xi32>], vector<16xf32>,
      %add3A_677 = arith.addf %gather3A_675, %gather3A_676 : vector<16xf32>
      %mul3A_678 = arith.mulf %add3A_677, %div3A_78 : vector<16xf32>
      %slice3A_679 = vector.extract_strided_slice %get3A_34 {offsets = [1], sizes = [1], strides = [1]} : vector<16xf32> to vector<1xf32>
      %squeeze3A_680 = vector.extract %slice3A_679[0] : f32 from vector<1xf32>
      %add3A_681 = vector.broadcast %squeeze3A_680 : f32 to vector<16xf32>
      %add3A_682 = arith.addf %mul3A_678, %add3A_681 : vector<16xf32>
      %max3A_683 = arith.constant 0.000000e+00 : f32
      %max3A_684 = vector.broadcast %max3A_683 : f32 to vector<16xf32>
      %max3A_685 = arith.maximumf %add3A_682, %max3A_684 : vector<16xf32>
      %slice3A_686 = vector.extract_strided_slice %get3A_42 {offsets = [1], sizes = [1], strides = [1]} : vector<16xf32> to vector<1xf32>
      %squeeze3A_687 = vector.extract %slice3A_686[0] : f32 from vector<1xf32>
      %mul3A_688 = vector.broadcast %squeeze3A_687 : f32 to vector<16xf32>
      %mul3A_689 = arith.mulf %max3A_685, %mul3A_688 : vector<16xf32>
      %add3A_690 = arith.addf %add3A_672, %mul3A_689 : vector<16xf32>
      %broadcast_in_dim3A_691 = arith.constant 34 : i32
      %broadcast_in_dim3A_692 = vector.broadcast %broadcast_in_dim3A_691 : i32 to vector<16xi32>
      %gather3A_693 = tpu.vector_load_idx %arg6[%add3A_72, %broadcast_in_dim3A_692] : memref<320x80xf32, #tpu.memory_space<vmem>>[vector<16xi32>, vector<16xi32>], vector<16xf32>,
      %gather3A_694 = tpu.vector_load_idx %arg7[%add3A_72, %broadcast_in_dim3A_692] : memref<320x80xf32, #tpu.memory_space<vmem>>[vector<16xi32>, vector<16xi32>], vector<16xf32>,
      %add3A_695 = arith.addf %gather3A_693, %gather3A_694 : vector<16xf32>
      %mul3A_696 = arith.mulf %add3A_695, %div3A_78 : vector<16xf32>
      %slice3A_697 = vector.extract_strided_slice %get3A_34 {offsets = [2], sizes = [1], strides = [1]} : vector<16xf32> to vector<1xf32>
      %squeeze3A_698 = vector.extract %slice3A_697[0] : f32 from vector<1xf32>
      %add3A_699 = vector.broadcast %squeeze3A_698 : f32 to vector<16xf32>
      %add3A_700 = arith.addf %mul3A_696, %add3A_699 : vector<16xf32>
      %max3A_701 = arith.constant 0.000000e+00 : f32
      %max3A_702 = vector.broadcast %max3A_701 : f32 to vector<16xf32>
      %max3A_703 = arith.maximumf %add3A_700, %max3A_702 : vector<16xf32>
      %slice3A_704 = vector.extract_strided_slice %get3A_42 {offsets = [2], sizes = [1], strides = [1]} : vector<16xf32> to vector<1xf32>
      %squeeze3A_705 = vector.extract %slice3A_704[0] : f32 from vector<1xf32>
      %mul3A_706 = vector.broadcast %squeeze3A_705 : f32 to vector<16xf32>
      %mul3A_707 = arith.mulf %max3A_703, %mul3A_706 : vector<16xf32>
      %add3A_708 = arith.addf %add3A_690, %mul3A_707 : vector<16xf32>
      %broadcast_in_dim3A_709 = arith.constant 35 : i32
      %broadcast_in_dim3A_710 = vector.broadcast %broadcast_in_dim3A_709 : i32 to vector<16xi32>
      %gather3A_711 = tpu.vector_load_idx %arg6[%add3A_72, %broadcast_in_dim3A_710] : memref<320x80xf32, #tpu.memory_space<vmem>>[vector<16xi32>, vector<16xi32>], vector<16xf32>,
      %gather3A_712 = tpu.vector_load_idx %arg7[%add3A_72, %broadcast_in_dim3A_710] : memref<320x80xf32, #tpu.memory_space<vmem>>[vector<16xi32>, vector<16xi32>], vector<16xf32>,
      %add3A_713 = arith.addf %gather3A_711, %gather3A_712 : vector<16xf32>
      %mul3A_714 = arith.mulf %add3A_713, %div3A_78 : vector<16xf32>
      %slice3A_715 = vector.extract_strided_slice %get3A_34 {offsets = [3], sizes = [1], strides = [1]} : vector<16xf32> to vector<1xf32>
      %squeeze3A_716 = vector.extract %slice3A_715[0] : f32 from vector<1xf32>
      %add3A_717 = vector.broadcast %squeeze3A_716 : f32 to vector<16xf32>
      %add3A_718 = arith.addf %mul3A_714, %add3A_717 : vector<16xf32>
      %max3A_719 = arith.constant 0.000000e+00 : f32
      %max3A_720 = vector.broadcast %max3A_719 : f32 to vector<16xf32>
      %max3A_721 = arith.maximumf %add3A_718, %max3A_720 : vector<16xf32>
      %slice3A_722 = vector.extract_strided_slice %get3A_42 {offsets = [3], sizes = [1], strides = [1]} : vector<16xf32> to vector<1xf32>
      %squeeze3A_723 = vector.extract %slice3A_722[0] : f32 from vector<1xf32>
      %mul3A_724 = vector.broadcast %squeeze3A_723 : f32 to vector<16xf32>
      %mul3A_725 = arith.mulf %max3A_721, %mul3A_724 : vector<16xf32>
      %add3A_726 = arith.addf %add3A_708, %mul3A_725 : vector<16xf32>
      %broadcast_in_dim3A_727 = arith.constant 36 : i32
      %broadcast_in_dim3A_728 = vector.broadcast %broadcast_in_dim3A_727 : i32 to vector<16xi32>
      %gather3A_729 = tpu.vector_load_idx %arg6[%add3A_72, %broadcast_in_dim3A_728] : memref<320x80xf32, #tpu.memory_space<vmem>>[vector<16xi32>, vector<16xi32>], vector<16xf32>,
      %gather3A_730 = tpu.vector_load_idx %arg7[%add3A_72, %broadcast_in_dim3A_728] : memref<320x80xf32, #tpu.memory_space<vmem>>[vector<16xi32>, vector<16xi32>], vector<16xf32>,
      %add3A_731 = arith.addf %gather3A_729, %gather3A_730 : vector<16xf32>
      %mul3A_732 = arith.mulf %add3A_731, %div3A_78 : vector<16xf32>
      %slice3A_733 = vector.extract_strided_slice %get3A_34 {offsets = [4], sizes = [1], strides = [1]} : vector<16xf32> to vector<1xf32>
      %squeeze3A_734 = vector.extract %slice3A_733[0] : f32 from vector<1xf32>
      %add3A_735 = vector.broadcast %squeeze3A_734 : f32 to vector<16xf32>
      %add3A_736 = arith.addf %mul3A_732, %add3A_735 : vector<16xf32>
      %max3A_737 = arith.constant 0.000000e+00 : f32
      %max3A_738 = vector.broadcast %max3A_737 : f32 to vector<16xf32>
      %max3A_739 = arith.maximumf %add3A_736, %max3A_738 : vector<16xf32>
      %slice3A_740 = vector.extract_strided_slice %get3A_42 {offsets = [4], sizes = [1], strides = [1]} : vector<16xf32> to vector<1xf32>
      %squeeze3A_741 = vector.extract %slice3A_740[0] : f32 from vector<1xf32>
      %mul3A_742 = vector.broadcast %squeeze3A_741 : f32 to vector<16xf32>
      %mul3A_743 = arith.mulf %max3A_739, %mul3A_742 : vector<16xf32>
      %add3A_744 = arith.addf %add3A_726, %mul3A_743 : vector<16xf32>
      %broadcast_in_dim3A_745 = arith.constant 37 : i32
      %broadcast_in_dim3A_746 = vector.broadcast %broadcast_in_dim3A_745 : i32 to vector<16xi32>
      %gather3A_747 = tpu.vector_load_idx %arg6[%add3A_72, %broadcast_in_dim3A_746] : memref<320x80xf32, #tpu.memory_space<vmem>>[vector<16xi32>, vector<16xi32>], vector<16xf32>,
      %gather3A_748 = tpu.vector_load_idx %arg7[%add3A_72, %broadcast_in_dim3A_746] : memref<320x80xf32, #tpu.memory_space<vmem>>[vector<16xi32>, vector<16xi32>], vector<16xf32>,
      %add3A_749 = arith.addf %gather3A_747, %gather3A_748 : vector<16xf32>
      %mul3A_750 = arith.mulf %add3A_749, %div3A_78 : vector<16xf32>
      %slice3A_751 = vector.extract_strided_slice %get3A_34 {offsets = [5], sizes = [1], strides = [1]} : vector<16xf32> to vector<1xf32>
      %squeeze3A_752 = vector.extract %slice3A_751[0] : f32 from vector<1xf32>
      %add3A_753 = vector.broadcast %squeeze3A_752 : f32 to vector<16xf32>
      %add3A_754 = arith.addf %mul3A_750, %add3A_753 : vector<16xf32>
      %max3A_755 = arith.constant 0.000000e+00 : f32
      %max3A_756 = vector.broadcast %max3A_755 : f32 to vector<16xf32>
      %max3A_757 = arith.maximumf %add3A_754, %max3A_756 : vector<16xf32>
      %slice3A_758 = vector.extract_strided_slice %get3A_42 {offsets = [5], sizes = [1], strides = [1]} : vector<16xf32> to vector<1xf32>
      %squeeze3A_759 = vector.extract %slice3A_758[0] : f32 from vector<1xf32>
      %mul3A_760 = vector.broadcast %squeeze3A_759 : f32 to vector<16xf32>
      %mul3A_761 = arith.mulf %max3A_757, %mul3A_760 : vector<16xf32>
      %add3A_762 = arith.addf %add3A_744, %mul3A_761 : vector<16xf32>
      %broadcast_in_dim3A_763 = arith.constant 38 : i32
      %broadcast_in_dim3A_764 = vector.broadcast %broadcast_in_dim3A_763 : i32 to vector<16xi32>
      %gather3A_765 = tpu.vector_load_idx %arg6[%add3A_72, %broadcast_in_dim3A_764] : memref<320x80xf32, #tpu.memory_space<vmem>>[vector<16xi32>, vector<16xi32>], vector<16xf32>,
      %gather3A_766 = tpu.vector_load_idx %arg7[%add3A_72, %broadcast_in_dim3A_764] : memref<320x80xf32, #tpu.memory_space<vmem>>[vector<16xi32>, vector<16xi32>], vector<16xf32>,
      %add3A_767 = arith.addf %gather3A_765, %gather3A_766 : vector<16xf32>
      %mul3A_768 = arith.mulf %add3A_767, %div3A_78 : vector<16xf32>
      %slice3A_769 = vector.extract_strided_slice %get3A_34 {offsets = [6], sizes = [1], strides = [1]} : vector<16xf32> to vector<1xf32>
      %squeeze3A_770 = vector.extract %slice3A_769[0] : f32 from vector<1xf32>
      %add3A_771 = vector.broadcast %squeeze3A_770 : f32 to vector<16xf32>
      %add3A_772 = arith.addf %mul3A_768, %add3A_771 : vector<16xf32>
      %max3A_773 = arith.constant 0.000000e+00 : f32
      %max3A_774 = vector.broadcast %max3A_773 : f32 to vector<16xf32>
      %max3A_775 = arith.maximumf %add3A_772, %max3A_774 : vector<16xf32>
      %slice3A_776 = vector.extract_strided_slice %get3A_42 {offsets = [6], sizes = [1], strides = [1]} : vector<16xf32> to vector<1xf32>
      %squeeze3A_777 = vector.extract %slice3A_776[0] : f32 from vector<1xf32>
      %mul3A_778 = vector.broadcast %squeeze3A_777 : f32 to vector<16xf32>
      %mul3A_779 = arith.mulf %max3A_775, %mul3A_778 : vector<16xf32>
      %add3A_780 = arith.addf %add3A_762, %mul3A_779 : vector<16xf32>
      %broadcast_in_dim3A_781 = arith.constant 39 : i32
      %broadcast_in_dim3A_782 = vector.broadcast %broadcast_in_dim3A_781 : i32 to vector<16xi32>
      %gather3A_783 = tpu.vector_load_idx %arg6[%add3A_72, %broadcast_in_dim3A_782] : memref<320x80xf32, #tpu.memory_space<vmem>>[vector<16xi32>, vector<16xi32>], vector<16xf32>,
      %gather3A_784 = tpu.vector_load_idx %arg7[%add3A_72, %broadcast_in_dim3A_782] : memref<320x80xf32, #tpu.memory_space<vmem>>[vector<16xi32>, vector<16xi32>], vector<16xf32>,
      %add3A_785 = arith.addf %gather3A_783, %gather3A_784 : vector<16xf32>
      %mul3A_786 = arith.mulf %add3A_785, %div3A_78 : vector<16xf32>
      %slice3A_787 = vector.extract_strided_slice %get3A_34 {offsets = [7], sizes = [1], strides = [1]} : vector<16xf32> to vector<1xf32>
      %squeeze3A_788 = vector.extract %slice3A_787[0] : f32 from vector<1xf32>
      %add3A_789 = vector.broadcast %squeeze3A_788 : f32 to vector<16xf32>
      %add3A_790 = arith.addf %mul3A_786, %add3A_789 : vector<16xf32>
      %max3A_791 = arith.constant 0.000000e+00 : f32
      %max3A_792 = vector.broadcast %max3A_791 : f32 to vector<16xf32>
      %max3A_793 = arith.maximumf %add3A_790, %max3A_792 : vector<16xf32>
      %slice3A_794 = vector.extract_strided_slice %get3A_42 {offsets = [7], sizes = [1], strides = [1]} : vector<16xf32> to vector<1xf32>
      %squeeze3A_795 = vector.extract %slice3A_794[0] : f32 from vector<1xf32>
      %mul3A_796 = vector.broadcast %squeeze3A_795 : f32 to vector<16xf32>
      %mul3A_797 = arith.mulf %max3A_793, %mul3A_796 : vector<16xf32>
      %add3A_798 = arith.addf %add3A_780, %mul3A_797 : vector<16xf32>
      %broadcast_in_dim3A_799 = arith.constant 40 : i32
      %broadcast_in_dim3A_800 = vector.broadcast %broadcast_in_dim3A_799 : i32 to vector<16xi32>
      %gather3A_801 = tpu.vector_load_idx %arg6[%add3A_72, %broadcast_in_dim3A_800] : memref<320x80xf32, #tpu.memory_space<vmem>>[vector<16xi32>, vector<16xi32>], vector<16xf32>,
      %gather3A_802 = tpu.vector_load_idx %arg7[%add3A_72, %broadcast_in_dim3A_800] : memref<320x80xf32, #tpu.memory_space<vmem>>[vector<16xi32>, vector<16xi32>], vector<16xf32>,
      %add3A_803 = arith.addf %gather3A_801, %gather3A_802 : vector<16xf32>
      %mul3A_804 = arith.mulf %add3A_803, %div3A_78 : vector<16xf32>
      %slice3A_805 = vector.extract_strided_slice %get3A_34 {offsets = [8], sizes = [1], strides = [1]} : vector<16xf32> to vector<1xf32>
      %squeeze3A_806 = vector.extract %slice3A_805[0] : f32 from vector<1xf32>
      %add3A_807 = vector.broadcast %squeeze3A_806 : f32 to vector<16xf32>
      %add3A_808 = arith.addf %mul3A_804, %add3A_807 : vector<16xf32>
      %max3A_809 = arith.constant 0.000000e+00 : f32
      %max3A_810 = vector.broadcast %max3A_809 : f32 to vector<16xf32>
      %max3A_811 = arith.maximumf %add3A_808, %max3A_810 : vector<16xf32>
      %slice3A_812 = vector.extract_strided_slice %get3A_42 {offsets = [8], sizes = [1], strides = [1]} : vector<16xf32> to vector<1xf32>
      %squeeze3A_813 = vector.extract %slice3A_812[0] : f32 from vector<1xf32>
      %mul3A_814 = vector.broadcast %squeeze3A_813 : f32 to vector<16xf32>
      %mul3A_815 = arith.mulf %max3A_811, %mul3A_814 : vector<16xf32>
      %add3A_816 = arith.addf %add3A_798, %mul3A_815 : vector<16xf32>
      %broadcast_in_dim3A_817 = arith.constant 41 : i32
      %broadcast_in_dim3A_818 = vector.broadcast %broadcast_in_dim3A_817 : i32 to vector<16xi32>
      %gather3A_819 = tpu.vector_load_idx %arg6[%add3A_72, %broadcast_in_dim3A_818] : memref<320x80xf32, #tpu.memory_space<vmem>>[vector<16xi32>, vector<16xi32>], vector<16xf32>,
      %gather3A_820 = tpu.vector_load_idx %arg7[%add3A_72, %broadcast_in_dim3A_818] : memref<320x80xf32, #tpu.memory_space<vmem>>[vector<16xi32>, vector<16xi32>], vector<16xf32>,
      %add3A_821 = arith.addf %gather3A_819, %gather3A_820 : vector<16xf32>
      %mul3A_822 = arith.mulf %add3A_821, %div3A_78 : vector<16xf32>
      %slice3A_823 = vector.extract_strided_slice %get3A_34 {offsets = [9], sizes = [1], strides = [1]} : vector<16xf32> to vector<1xf32>
      %squeeze3A_824 = vector.extract %slice3A_823[0] : f32 from vector<1xf32>
      %add3A_825 = vector.broadcast %squeeze3A_824 : f32 to vector<16xf32>
      %add3A_826 = arith.addf %mul3A_822, %add3A_825 : vector<16xf32>
      %max3A_827 = arith.constant 0.000000e+00 : f32
      %max3A_828 = vector.broadcast %max3A_827 : f32 to vector<16xf32>
      %max3A_829 = arith.maximumf %add3A_826, %max3A_828 : vector<16xf32>
      %slice3A_830 = vector.extract_strided_slice %get3A_42 {offsets = [9], sizes = [1], strides = [1]} : vector<16xf32> to vector<1xf32>
      %squeeze3A_831 = vector.extract %slice3A_830[0] : f32 from vector<1xf32>
      %mul3A_832 = vector.broadcast %squeeze3A_831 : f32 to vector<16xf32>
      %mul3A_833 = arith.mulf %max3A_829, %mul3A_832 : vector<16xf32>
      %add3A_834 = arith.addf %add3A_816, %mul3A_833 : vector<16xf32>
      %broadcast_in_dim3A_835 = arith.constant 42 : i32
      %broadcast_in_dim3A_836 = vector.broadcast %broadcast_in_dim3A_835 : i32 to vector<16xi32>
      %gather3A_837 = tpu.vector_load_idx %arg6[%add3A_72, %broadcast_in_dim3A_836] : memref<320x80xf32, #tpu.memory_space<vmem>>[vector<16xi32>, vector<16xi32>], vector<16xf32>,
      %gather3A_838 = tpu.vector_load_idx %arg7[%add3A_72, %broadcast_in_dim3A_836] : memref<320x80xf32, #tpu.memory_space<vmem>>[vector<16xi32>, vector<16xi32>], vector<16xf32>,
      %add3A_839 = arith.addf %gather3A_837, %gather3A_838 : vector<16xf32>
      %mul3A_840 = arith.mulf %add3A_839, %div3A_78 : vector<16xf32>
      %slice3A_841 = vector.extract_strided_slice %get3A_34 {offsets = [10], sizes = [1], strides = [1]} : vector<16xf32> to vector<1xf32>
      %squeeze3A_842 = vector.extract %slice3A_841[0] : f32 from vector<1xf32>
      %add3A_843 = vector.broadcast %squeeze3A_842 : f32 to vector<16xf32>
      %add3A_844 = arith.addf %mul3A_840, %add3A_843 : vector<16xf32>
      %max3A_845 = arith.constant 0.000000e+00 : f32
      %max3A_846 = vector.broadcast %max3A_845 : f32 to vector<16xf32>
      %max3A_847 = arith.maximumf %add3A_844, %max3A_846 : vector<16xf32>
      %slice3A_848 = vector.extract_strided_slice %get3A_42 {offsets = [10], sizes = [1], strides = [1]} : vector<16xf32> to vector<1xf32>
      %squeeze3A_849 = vector.extract %slice3A_848[0] : f32 from vector<1xf32>
      %mul3A_850 = vector.broadcast %squeeze3A_849 : f32 to vector<16xf32>
      %mul3A_851 = arith.mulf %max3A_847, %mul3A_850 : vector<16xf32>
      %add3A_852 = arith.addf %add3A_834, %mul3A_851 : vector<16xf32>
      %broadcast_in_dim3A_853 = arith.constant 43 : i32
      %broadcast_in_dim3A_854 = vector.broadcast %broadcast_in_dim3A_853 : i32 to vector<16xi32>
      %gather3A_855 = tpu.vector_load_idx %arg6[%add3A_72, %broadcast_in_dim3A_854] : memref<320x80xf32, #tpu.memory_space<vmem>>[vector<16xi32>, vector<16xi32>], vector<16xf32>,
      %gather3A_856 = tpu.vector_load_idx %arg7[%add3A_72, %broadcast_in_dim3A_854] : memref<320x80xf32, #tpu.memory_space<vmem>>[vector<16xi32>, vector<16xi32>], vector<16xf32>,
      %add3A_857 = arith.addf %gather3A_855, %gather3A_856 : vector<16xf32>
      %mul3A_858 = arith.mulf %add3A_857, %div3A_78 : vector<16xf32>
      %slice3A_859 = vector.extract_strided_slice %get3A_34 {offsets = [11], sizes = [1], strides = [1]} : vector<16xf32> to vector<1xf32>
      %squeeze3A_860 = vector.extract %slice3A_859[0] : f32 from vector<1xf32>
      %add3A_861 = vector.broadcast %squeeze3A_860 : f32 to vector<16xf32>
      %add3A_862 = arith.addf %mul3A_858, %add3A_861 : vector<16xf32>
      %max3A_863 = arith.constant 0.000000e+00 : f32
      %max3A_864 = vector.broadcast %max3A_863 : f32 to vector<16xf32>
      %max3A_865 = arith.maximumf %add3A_862, %max3A_864 : vector<16xf32>
      %slice3A_866 = vector.extract_strided_slice %get3A_42 {offsets = [11], sizes = [1], strides = [1]} : vector<16xf32> to vector<1xf32>
      %squeeze3A_867 = vector.extract %slice3A_866[0] : f32 from vector<1xf32>
      %mul3A_868 = vector.broadcast %squeeze3A_867 : f32 to vector<16xf32>
      %mul3A_869 = arith.mulf %max3A_865, %mul3A_868 : vector<16xf32>
      %add3A_870 = arith.addf %add3A_852, %mul3A_869 : vector<16xf32>
      %broadcast_in_dim3A_871 = arith.constant 44 : i32
      %broadcast_in_dim3A_872 = vector.broadcast %broadcast_in_dim3A_871 : i32 to vector<16xi32>
      %gather3A_873 = tpu.vector_load_idx %arg6[%add3A_72, %broadcast_in_dim3A_872] : memref<320x80xf32, #tpu.memory_space<vmem>>[vector<16xi32>, vector<16xi32>], vector<16xf32>,
      %gather3A_874 = tpu.vector_load_idx %arg7[%add3A_72, %broadcast_in_dim3A_872] : memref<320x80xf32, #tpu.memory_space<vmem>>[vector<16xi32>, vector<16xi32>], vector<16xf32>,
      %add3A_875 = arith.addf %gather3A_873, %gather3A_874 : vector<16xf32>
      %mul3A_876 = arith.mulf %add3A_875, %div3A_78 : vector<16xf32>
      %slice3A_877 = vector.extract_strided_slice %get3A_34 {offsets = [12], sizes = [1], strides = [1]} : vector<16xf32> to vector<1xf32>
      %squeeze3A_878 = vector.extract %slice3A_877[0] : f32 from vector<1xf32>
      %add3A_879 = vector.broadcast %squeeze3A_878 : f32 to vector<16xf32>
      %add3A_880 = arith.addf %mul3A_876, %add3A_879 : vector<16xf32>
      %max3A_881 = arith.constant 0.000000e+00 : f32
      %max3A_882 = vector.broadcast %max3A_881 : f32 to vector<16xf32>
      %max3A_883 = arith.maximumf %add3A_880, %max3A_882 : vector<16xf32>
      %slice3A_884 = vector.extract_strided_slice %get3A_42 {offsets = [12], sizes = [1], strides = [1]} : vector<16xf32> to vector<1xf32>
      %squeeze3A_885 = vector.extract %slice3A_884[0] : f32 from vector<1xf32>
      %mul3A_886 = vector.broadcast %squeeze3A_885 : f32 to vector<16xf32>
      %mul3A_887 = arith.mulf %max3A_883, %mul3A_886 : vector<16xf32>
      %add3A_888 = arith.addf %add3A_870, %mul3A_887 : vector<16xf32>
      %broadcast_in_dim3A_889 = arith.constant 45 : i32
      %broadcast_in_dim3A_890 = vector.broadcast %broadcast_in_dim3A_889 : i32 to vector<16xi32>
      %gather3A_891 = tpu.vector_load_idx %arg6[%add3A_72, %broadcast_in_dim3A_890] : memref<320x80xf32, #tpu.memory_space<vmem>>[vector<16xi32>, vector<16xi32>], vector<16xf32>,
      %gather3A_892 = tpu.vector_load_idx %arg7[%add3A_72, %broadcast_in_dim3A_890] : memref<320x80xf32, #tpu.memory_space<vmem>>[vector<16xi32>, vector<16xi32>], vector<16xf32>,
      %add3A_893 = arith.addf %gather3A_891, %gather3A_892 : vector<16xf32>
      %mul3A_894 = arith.mulf %add3A_893, %div3A_78 : vector<16xf32>
      %slice3A_895 = vector.extract_strided_slice %get3A_34 {offsets = [13], sizes = [1], strides = [1]} : vector<16xf32> to vector<1xf32>
      %squeeze3A_896 = vector.extract %slice3A_895[0] : f32 from vector<1xf32>
      %add3A_897 = vector.broadcast %squeeze3A_896 : f32 to vector<16xf32>
      %add3A_898 = arith.addf %mul3A_894, %add3A_897 : vector<16xf32>
      %max3A_899 = arith.constant 0.000000e+00 : f32
      %max3A_900 = vector.broadcast %max3A_899 : f32 to vector<16xf32>
      %max3A_901 = arith.maximumf %add3A_898, %max3A_900 : vector<16xf32>
      %slice3A_902 = vector.extract_strided_slice %get3A_42 {offsets = [13], sizes = [1], strides = [1]} : vector<16xf32> to vector<1xf32>
      %squeeze3A_903 = vector.extract %slice3A_902[0] : f32 from vector<1xf32>
      %mul3A_904 = vector.broadcast %squeeze3A_903 : f32 to vector<16xf32>
      %mul3A_905 = arith.mulf %max3A_901, %mul3A_904 : vector<16xf32>
      %add3A_906 = arith.addf %add3A_888, %mul3A_905 : vector<16xf32>
      %broadcast_in_dim3A_907 = arith.constant 46 : i32
      %broadcast_in_dim3A_908 = vector.broadcast %broadcast_in_dim3A_907 : i32 to vector<16xi32>
      %gather3A_909 = tpu.vector_load_idx %arg6[%add3A_72, %broadcast_in_dim3A_908] : memref<320x80xf32, #tpu.memory_space<vmem>>[vector<16xi32>, vector<16xi32>], vector<16xf32>,
      %gather3A_910 = tpu.vector_load_idx %arg7[%add3A_72, %broadcast_in_dim3A_908] : memref<320x80xf32, #tpu.memory_space<vmem>>[vector<16xi32>, vector<16xi32>], vector<16xf32>,
      %add3A_911 = arith.addf %gather3A_909, %gather3A_910 : vector<16xf32>
      %mul3A_912 = arith.mulf %add3A_911, %div3A_78 : vector<16xf32>
      %slice3A_913 = vector.extract_strided_slice %get3A_34 {offsets = [14], sizes = [1], strides = [1]} : vector<16xf32> to vector<1xf32>
      %squeeze3A_914 = vector.extract %slice3A_913[0] : f32 from vector<1xf32>
      %add3A_915 = vector.broadcast %squeeze3A_914 : f32 to vector<16xf32>
      %add3A_916 = arith.addf %mul3A_912, %add3A_915 : vector<16xf32>
      %max3A_917 = arith.constant 0.000000e+00 : f32
      %max3A_918 = vector.broadcast %max3A_917 : f32 to vector<16xf32>
      %max3A_919 = arith.maximumf %add3A_916, %max3A_918 : vector<16xf32>
      %slice3A_920 = vector.extract_strided_slice %get3A_42 {offsets = [14], sizes = [1], strides = [1]} : vector<16xf32> to vector<1xf32>
      %squeeze3A_921 = vector.extract %slice3A_920[0] : f32 from vector<1xf32>
      %mul3A_922 = vector.broadcast %squeeze3A_921 : f32 to vector<16xf32>
      %mul3A_923 = arith.mulf %max3A_919, %mul3A_922 : vector<16xf32>
      %add3A_924 = arith.addf %add3A_906, %mul3A_923 : vector<16xf32>
      %broadcast_in_dim3A_925 = arith.constant 47 : i32
      %broadcast_in_dim3A_926 = vector.broadcast %broadcast_in_dim3A_925 : i32 to vector<16xi32>
      %gather3A_927 = tpu.vector_load_idx %arg6[%add3A_72, %broadcast_in_dim3A_926] : memref<320x80xf32, #tpu.memory_space<vmem>>[vector<16xi32>, vector<16xi32>], vector<16xf32>,
      %gather3A_928 = tpu.vector_load_idx %arg7[%add3A_72, %broadcast_in_dim3A_926] : memref<320x80xf32, #tpu.memory_space<vmem>>[vector<16xi32>, vector<16xi32>], vector<16xf32>,
      %add3A_929 = arith.addf %gather3A_927, %gather3A_928 : vector<16xf32>
      %mul3A_930 = arith.mulf %add3A_929, %div3A_78 : vector<16xf32>
      %slice3A_931 = vector.extract_strided_slice %get3A_34 {offsets = [15], sizes = [1], strides = [1]} : vector<16xf32> to vector<1xf32>
      %squeeze3A_932 = vector.extract %slice3A_931[0] : f32 from vector<1xf32>
      %add3A_933 = vector.broadcast %squeeze3A_932 : f32 to vector<16xf32>
      %add3A_934 = arith.addf %mul3A_930, %add3A_933 : vector<16xf32>
      %max3A_935 = arith.constant 0.000000e+00 : f32
      %max3A_936 = vector.broadcast %max3A_935 : f32 to vector<16xf32>
      %max3A_937 = arith.maximumf %add3A_934, %max3A_936 : vector<16xf32>
      %slice3A_938 = vector.extract_strided_slice %get3A_42 {offsets = [15], sizes = [1], strides = [1]} : vector<16xf32> to vector<1xf32>
      %squeeze3A_939 = vector.extract %slice3A_938[0] : f32 from vector<1xf32>
      %mul3A_940 = vector.broadcast %squeeze3A_939 : f32 to vector<16xf32>
      %mul3A_941 = arith.mulf %max3A_937, %mul3A_940 : vector<16xf32>
      %add3A_942 = arith.addf %add3A_924, %mul3A_941 : vector<16xf32>
      %broadcast_in_dim3A_943 = arith.constant 48 : i32
      %broadcast_in_dim3A_944 = vector.broadcast %broadcast_in_dim3A_943 : i32 to vector<16xi32>
      %gather3A_945 = tpu.vector_load_idx %arg6[%add3A_72, %broadcast_in_dim3A_944] : memref<320x80xf32, #tpu.memory_space<vmem>>[vector<16xi32>, vector<16xi32>], vector<16xf32>,
      %gather3A_946 = tpu.vector_load_idx %arg7[%add3A_72, %broadcast_in_dim3A_944] : memref<320x80xf32, #tpu.memory_space<vmem>>[vector<16xi32>, vector<16xi32>], vector<16xf32>,
      %add3A_947 = arith.addf %gather3A_945, %gather3A_946 : vector<16xf32>
      %mul3A_948 = arith.mulf %add3A_947, %div3A_78 : vector<16xf32>
      %slice3A_949 = vector.extract_strided_slice %get3A_36 {offsets = [0], sizes = [1], strides = [1]} : vector<16xf32> to vector<1xf32>
      %squeeze3A_950 = vector.extract %slice3A_949[0] : f32 from vector<1xf32>
      %add3A_951 = vector.broadcast %squeeze3A_950 : f32 to vector<16xf32>
      %add3A_952 = arith.addf %mul3A_948, %add3A_951 : vector<16xf32>
      %max3A_953 = arith.constant 0.000000e+00 : f32
      %max3A_954 = vector.broadcast %max3A_953 : f32 to vector<16xf32>
      %max3A_955 = arith.maximumf %add3A_952, %max3A_954 : vector<16xf32>
      %slice3A_956 = vector.extract_strided_slice %get3A_44 {offsets = [0], sizes = [1], strides = [1]} : vector<16xf32> to vector<1xf32>
      %squeeze3A_957 = vector.extract %slice3A_956[0] : f32 from vector<1xf32>
      %mul3A_958 = vector.broadcast %squeeze3A_957 : f32 to vector<16xf32>
      %mul3A_959 = arith.mulf %max3A_955, %mul3A_958 : vector<16xf32>
      %add3A_960 = arith.addf %add3A_942, %mul3A_959 : vector<16xf32>
      %broadcast_in_dim3A_961 = arith.constant 49 : i32
      %broadcast_in_dim3A_962 = vector.broadcast %broadcast_in_dim3A_961 : i32 to vector<16xi32>
      %gather3A_963 = tpu.vector_load_idx %arg6[%add3A_72, %broadcast_in_dim3A_962] : memref<320x80xf32, #tpu.memory_space<vmem>>[vector<16xi32>, vector<16xi32>], vector<16xf32>,
      %gather3A_964 = tpu.vector_load_idx %arg7[%add3A_72, %broadcast_in_dim3A_962] : memref<320x80xf32, #tpu.memory_space<vmem>>[vector<16xi32>, vector<16xi32>], vector<16xf32>,
      %add3A_965 = arith.addf %gather3A_963, %gather3A_964 : vector<16xf32>
      %mul3A_966 = arith.mulf %add3A_965, %div3A_78 : vector<16xf32>
      %slice3A_967 = vector.extract_strided_slice %get3A_36 {offsets = [1], sizes = [1], strides = [1]} : vector<16xf32> to vector<1xf32>
      %squeeze3A_968 = vector.extract %slice3A_967[0] : f32 from vector<1xf32>
      %add3A_969 = vector.broadcast %squeeze3A_968 : f32 to vector<16xf32>
      %add3A_970 = arith.addf %mul3A_966, %add3A_969 : vector<16xf32>
      %max3A_971 = arith.constant 0.000000e+00 : f32
      %max3A_972 = vector.broadcast %max3A_971 : f32 to vector<16xf32>
      %max3A_973 = arith.maximumf %add3A_970, %max3A_972 : vector<16xf32>
      %slice3A_974 = vector.extract_strided_slice %get3A_44 {offsets = [1], sizes = [1], strides = [1]} : vector<16xf32> to vector<1xf32>
      %squeeze3A_975 = vector.extract %slice3A_974[0] : f32 from vector<1xf32>
      %mul3A_976 = vector.broadcast %squeeze3A_975 : f32 to vector<16xf32>
      %mul3A_977 = arith.mulf %max3A_973, %mul3A_976 : vector<16xf32>
      %add3A_978 = arith.addf %add3A_960, %mul3A_977 : vector<16xf32>
      %broadcast_in_dim3A_979 = arith.constant 50 : i32
      %broadcast_in_dim3A_980 = vector.broadcast %broadcast_in_dim3A_979 : i32 to vector<16xi32>
      %gather3A_981 = tpu.vector_load_idx %arg6[%add3A_72, %broadcast_in_dim3A_980] : memref<320x80xf32, #tpu.memory_space<vmem>>[vector<16xi32>, vector<16xi32>], vector<16xf32>,
      %gather3A_982 = tpu.vector_load_idx %arg7[%add3A_72, %broadcast_in_dim3A_980] : memref<320x80xf32, #tpu.memory_space<vmem>>[vector<16xi32>, vector<16xi32>], vector<16xf32>,
      %add3A_983 = arith.addf %gather3A_981, %gather3A_982 : vector<16xf32>
      %mul3A_984 = arith.mulf %add3A_983, %div3A_78 : vector<16xf32>
      %slice3A_985 = vector.extract_strided_slice %get3A_36 {offsets = [2], sizes = [1], strides = [1]} : vector<16xf32> to vector<1xf32>
      %squeeze3A_986 = vector.extract %slice3A_985[0] : f32 from vector<1xf32>
      %add3A_987 = vector.broadcast %squeeze3A_986 : f32 to vector<16xf32>
      %add3A_988 = arith.addf %mul3A_984, %add3A_987 : vector<16xf32>
      %max3A_989 = arith.constant 0.000000e+00 : f32
      %max3A_990 = vector.broadcast %max3A_989 : f32 to vector<16xf32>
      %max3A_991 = arith.maximumf %add3A_988, %max3A_990 : vector<16xf32>
      %slice3A_992 = vector.extract_strided_slice %get3A_44 {offsets = [2], sizes = [1], strides = [1]} : vector<16xf32> to vector<1xf32>
      %squeeze3A_993 = vector.extract %slice3A_992[0] : f32 from vector<1xf32>
      %mul3A_994 = vector.broadcast %squeeze3A_993 : f32 to vector<16xf32>
      %mul3A_995 = arith.mulf %max3A_991, %mul3A_994 : vector<16xf32>
      %add3A_996 = arith.addf %add3A_978, %mul3A_995 : vector<16xf32>
      %broadcast_in_dim3A_997 = arith.constant 51 : i32
      %broadcast_in_dim3A_998 = vector.broadcast %broadcast_in_dim3A_997 : i32 to vector<16xi32>
      %gather3A_999 = tpu.vector_load_idx %arg6[%add3A_72, %broadcast_in_dim3A_998] : memref<320x80xf32, #tpu.memory_space<vmem>>[vector<16xi32>, vector<16xi32>], vector<16xf32>,
      %gather3A_1000 = tpu.vector_load_idx %arg7[%add3A_72, %broadcast_in_dim3A_998] : memref<320x80xf32, #tpu.memory_space<vmem>>[vector<16xi32>, vector<16xi32>], vector<16xf32>,
      %add3A_1001 = arith.addf %gather3A_999, %gather3A_1000 : vector<16xf32>
      %mul3A_1002 = arith.mulf %add3A_1001, %div3A_78 : vector<16xf32>
      %slice3A_1003 = vector.extract_strided_slice %get3A_36 {offsets = [3], sizes = [1], strides = [1]} : vector<16xf32> to vector<1xf32>
      %squeeze3A_1004 = vector.extract %slice3A_1003[0] : f32 from vector<1xf32>
      %add3A_1005 = vector.broadcast %squeeze3A_1004 : f32 to vector<16xf32>
      %add3A_1006 = arith.addf %mul3A_1002, %add3A_1005 : vector<16xf32>
      %max3A_1007 = arith.constant 0.000000e+00 : f32
      %max3A_1008 = vector.broadcast %max3A_1007 : f32 to vector<16xf32>
      %max3A_1009 = arith.maximumf %add3A_1006, %max3A_1008 : vector<16xf32>
      %slice3A_1010 = vector.extract_strided_slice %get3A_44 {offsets = [3], sizes = [1], strides = [1]} : vector<16xf32> to vector<1xf32>
      %squeeze3A_1011 = vector.extract %slice3A_1010[0] : f32 from vector<1xf32>
      %mul3A_1012 = vector.broadcast %squeeze3A_1011 : f32 to vector<16xf32>
      %mul3A_1013 = arith.mulf %max3A_1009, %mul3A_1012 : vector<16xf32>
      %add3A_1014 = arith.addf %add3A_996, %mul3A_1013 : vector<16xf32>
      %broadcast_in_dim3A_1015 = arith.constant 52 : i32
      %broadcast_in_dim3A_1016 = vector.broadcast %broadcast_in_dim3A_1015 : i32 to vector<16xi32>
      %gather3A_1017 = tpu.vector_load_idx %arg6[%add3A_72, %broadcast_in_dim3A_1016] : memref<320x80xf32, #tpu.memory_space<vmem>>[vector<16xi32>, vector<16xi32>], vector<16xf32>,
      %gather3A_1018 = tpu.vector_load_idx %arg7[%add3A_72, %broadcast_in_dim3A_1016] : memref<320x80xf32, #tpu.memory_space<vmem>>[vector<16xi32>, vector<16xi32>], vector<16xf32>,
      %add3A_1019 = arith.addf %gather3A_1017, %gather3A_1018 : vector<16xf32>
      %mul3A_1020 = arith.mulf %add3A_1019, %div3A_78 : vector<16xf32>
      %slice3A_1021 = vector.extract_strided_slice %get3A_36 {offsets = [4], sizes = [1], strides = [1]} : vector<16xf32> to vector<1xf32>
      %squeeze3A_1022 = vector.extract %slice3A_1021[0] : f32 from vector<1xf32>
      %add3A_1023 = vector.broadcast %squeeze3A_1022 : f32 to vector<16xf32>
      %add3A_1024 = arith.addf %mul3A_1020, %add3A_1023 : vector<16xf32>
      %max3A_1025 = arith.constant 0.000000e+00 : f32
      %max3A_1026 = vector.broadcast %max3A_1025 : f32 to vector<16xf32>
      %max3A_1027 = arith.maximumf %add3A_1024, %max3A_1026 : vector<16xf32>
      %slice3A_1028 = vector.extract_strided_slice %get3A_44 {offsets = [4], sizes = [1], strides = [1]} : vector<16xf32> to vector<1xf32>
      %squeeze3A_1029 = vector.extract %slice3A_1028[0] : f32 from vector<1xf32>
      %mul3A_1030 = vector.broadcast %squeeze3A_1029 : f32 to vector<16xf32>
      %mul3A_1031 = arith.mulf %max3A_1027, %mul3A_1030 : vector<16xf32>
      %add3A_1032 = arith.addf %add3A_1014, %mul3A_1031 : vector<16xf32>
      %broadcast_in_dim3A_1033 = arith.constant 53 : i32
      %broadcast_in_dim3A_1034 = vector.broadcast %broadcast_in_dim3A_1033 : i32 to vector<16xi32>
      %gather3A_1035 = tpu.vector_load_idx %arg6[%add3A_72, %broadcast_in_dim3A_1034] : memref<320x80xf32, #tpu.memory_space<vmem>>[vector<16xi32>, vector<16xi32>], vector<16xf32>,
      %gather3A_1036 = tpu.vector_load_idx %arg7[%add3A_72, %broadcast_in_dim3A_1034] : memref<320x80xf32, #tpu.memory_space<vmem>>[vector<16xi32>, vector<16xi32>], vector<16xf32>,
      %add3A_1037 = arith.addf %gather3A_1035, %gather3A_1036 : vector<16xf32>
      %mul3A_1038 = arith.mulf %add3A_1037, %div3A_78 : vector<16xf32>
      %slice3A_1039 = vector.extract_strided_slice %get3A_36 {offsets = [5], sizes = [1], strides = [1]} : vector<16xf32> to vector<1xf32>
      %squeeze3A_1040 = vector.extract %slice3A_1039[0] : f32 from vector<1xf32>
      %add3A_1041 = vector.broadcast %squeeze3A_1040 : f32 to vector<16xf32>
      %add3A_1042 = arith.addf %mul3A_1038, %add3A_1041 : vector<16xf32>
      %max3A_1043 = arith.constant 0.000000e+00 : f32
      %max3A_1044 = vector.broadcast %max3A_1043 : f32 to vector<16xf32>
      %max3A_1045 = arith.maximumf %add3A_1042, %max3A_1044 : vector<16xf32>
      %slice3A_1046 = vector.extract_strided_slice %get3A_44 {offsets = [5], sizes = [1], strides = [1]} : vector<16xf32> to vector<1xf32>
      %squeeze3A_1047 = vector.extract %slice3A_1046[0] : f32 from vector<1xf32>
      %mul3A_1048 = vector.broadcast %squeeze3A_1047 : f32 to vector<16xf32>
      %mul3A_1049 = arith.mulf %max3A_1045, %mul3A_1048 : vector<16xf32>
      %add3A_1050 = arith.addf %add3A_1032, %mul3A_1049 : vector<16xf32>
      %broadcast_in_dim3A_1051 = arith.constant 54 : i32
      %broadcast_in_dim3A_1052 = vector.broadcast %broadcast_in_dim3A_1051 : i32 to vector<16xi32>
      %gather3A_1053 = tpu.vector_load_idx %arg6[%add3A_72, %broadcast_in_dim3A_1052] : memref<320x80xf32, #tpu.memory_space<vmem>>[vector<16xi32>, vector<16xi32>], vector<16xf32>,
      %gather3A_1054 = tpu.vector_load_idx %arg7[%add3A_72, %broadcast_in_dim3A_1052] : memref<320x80xf32, #tpu.memory_space<vmem>>[vector<16xi32>, vector<16xi32>], vector<16xf32>,
      %add3A_1055 = arith.addf %gather3A_1053, %gather3A_1054 : vector<16xf32>
      %mul3A_1056 = arith.mulf %add3A_1055, %div3A_78 : vector<16xf32>
      %slice3A_1057 = vector.extract_strided_slice %get3A_36 {offsets = [6], sizes = [1], strides = [1]} : vector<16xf32> to vector<1xf32>
      %squeeze3A_1058 = vector.extract %slice3A_1057[0] : f32 from vector<1xf32>
      %add3A_1059 = vector.broadcast %squeeze3A_1058 : f32 to vector<16xf32>
      %add3A_1060 = arith.addf %mul3A_1056, %add3A_1059 : vector<16xf32>
      %max3A_1061 = arith.constant 0.000000e+00 : f32
      %max3A_1062 = vector.broadcast %max3A_1061 : f32 to vector<16xf32>
      %max3A_1063 = arith.maximumf %add3A_1060, %max3A_1062 : vector<16xf32>
      %slice3A_1064 = vector.extract_strided_slice %get3A_44 {offsets = [6], sizes = [1], strides = [1]} : vector<16xf32> to vector<1xf32>
      %squeeze3A_1065 = vector.extract %slice3A_1064[0] : f32 from vector<1xf32>
      %mul3A_1066 = vector.broadcast %squeeze3A_1065 : f32 to vector<16xf32>
      %mul3A_1067 = arith.mulf %max3A_1063, %mul3A_1066 : vector<16xf32>
      %add3A_1068 = arith.addf %add3A_1050, %mul3A_1067 : vector<16xf32>
      %broadcast_in_dim3A_1069 = arith.constant 55 : i32
      %broadcast_in_dim3A_1070 = vector.broadcast %broadcast_in_dim3A_1069 : i32 to vector<16xi32>
      %gather3A_1071 = tpu.vector_load_idx %arg6[%add3A_72, %broadcast_in_dim3A_1070] : memref<320x80xf32, #tpu.memory_space<vmem>>[vector<16xi32>, vector<16xi32>], vector<16xf32>,
      %gather3A_1072 = tpu.vector_load_idx %arg7[%add3A_72, %broadcast_in_dim3A_1070] : memref<320x80xf32, #tpu.memory_space<vmem>>[vector<16xi32>, vector<16xi32>], vector<16xf32>,
      %add3A_1073 = arith.addf %gather3A_1071, %gather3A_1072 : vector<16xf32>
      %mul3A_1074 = arith.mulf %add3A_1073, %div3A_78 : vector<16xf32>
      %slice3A_1075 = vector.extract_strided_slice %get3A_36 {offsets = [7], sizes = [1], strides = [1]} : vector<16xf32> to vector<1xf32>
      %squeeze3A_1076 = vector.extract %slice3A_1075[0] : f32 from vector<1xf32>
      %add3A_1077 = vector.broadcast %squeeze3A_1076 : f32 to vector<16xf32>
      %add3A_1078 = arith.addf %mul3A_1074, %add3A_1077 : vector<16xf32>
      %max3A_1079 = arith.constant 0.000000e+00 : f32
      %max3A_1080 = vector.broadcast %max3A_1079 : f32 to vector<16xf32>
      %max3A_1081 = arith.maximumf %add3A_1078, %max3A_1080 : vector<16xf32>
      %slice3A_1082 = vector.extract_strided_slice %get3A_44 {offsets = [7], sizes = [1], strides = [1]} : vector<16xf32> to vector<1xf32>
      %squeeze3A_1083 = vector.extract %slice3A_1082[0] : f32 from vector<1xf32>
      %mul3A_1084 = vector.broadcast %squeeze3A_1083 : f32 to vector<16xf32>
      %mul3A_1085 = arith.mulf %max3A_1081, %mul3A_1084 : vector<16xf32>
      %add3A_1086 = arith.addf %add3A_1068, %mul3A_1085 : vector<16xf32>
      %broadcast_in_dim3A_1087 = arith.constant 56 : i32
      %broadcast_in_dim3A_1088 = vector.broadcast %broadcast_in_dim3A_1087 : i32 to vector<16xi32>
      %gather3A_1089 = tpu.vector_load_idx %arg6[%add3A_72, %broadcast_in_dim3A_1088] : memref<320x80xf32, #tpu.memory_space<vmem>>[vector<16xi32>, vector<16xi32>], vector<16xf32>,
      %gather3A_1090 = tpu.vector_load_idx %arg7[%add3A_72, %broadcast_in_dim3A_1088] : memref<320x80xf32, #tpu.memory_space<vmem>>[vector<16xi32>, vector<16xi32>], vector<16xf32>,
      %add3A_1091 = arith.addf %gather3A_1089, %gather3A_1090 : vector<16xf32>
      %mul3A_1092 = arith.mulf %add3A_1091, %div3A_78 : vector<16xf32>
      %slice3A_1093 = vector.extract_strided_slice %get3A_36 {offsets = [8], sizes = [1], strides = [1]} : vector<16xf32> to vector<1xf32>
      %squeeze3A_1094 = vector.extract %slice3A_1093[0] : f32 from vector<1xf32>
      %add3A_1095 = vector.broadcast %squeeze3A_1094 : f32 to vector<16xf32>
      %add3A_1096 = arith.addf %mul3A_1092, %add3A_1095 : vector<16xf32>
      %max3A_1097 = arith.constant 0.000000e+00 : f32
      %max3A_1098 = vector.broadcast %max3A_1097 : f32 to vector<16xf32>
      %max3A_1099 = arith.maximumf %add3A_1096, %max3A_1098 : vector<16xf32>
      %slice3A_1100 = vector.extract_strided_slice %get3A_44 {offsets = [8], sizes = [1], strides = [1]} : vector<16xf32> to vector<1xf32>
      %squeeze3A_1101 = vector.extract %slice3A_1100[0] : f32 from vector<1xf32>
      %mul3A_1102 = vector.broadcast %squeeze3A_1101 : f32 to vector<16xf32>
      %mul3A_1103 = arith.mulf %max3A_1099, %mul3A_1102 : vector<16xf32>
      %add3A_1104 = arith.addf %add3A_1086, %mul3A_1103 : vector<16xf32>
      %broadcast_in_dim3A_1105 = arith.constant 57 : i32
      %broadcast_in_dim3A_1106 = vector.broadcast %broadcast_in_dim3A_1105 : i32 to vector<16xi32>
      %gather3A_1107 = tpu.vector_load_idx %arg6[%add3A_72, %broadcast_in_dim3A_1106] : memref<320x80xf32, #tpu.memory_space<vmem>>[vector<16xi32>, vector<16xi32>], vector<16xf32>,
      %gather3A_1108 = tpu.vector_load_idx %arg7[%add3A_72, %broadcast_in_dim3A_1106] : memref<320x80xf32, #tpu.memory_space<vmem>>[vector<16xi32>, vector<16xi32>], vector<16xf32>,
      %add3A_1109 = arith.addf %gather3A_1107, %gather3A_1108 : vector<16xf32>
      %mul3A_1110 = arith.mulf %add3A_1109, %div3A_78 : vector<16xf32>
      %slice3A_1111 = vector.extract_strided_slice %get3A_36 {offsets = [9], sizes = [1], strides = [1]} : vector<16xf32> to vector<1xf32>
      %squeeze3A_1112 = vector.extract %slice3A_1111[0] : f32 from vector<1xf32>
      %add3A_1113 = vector.broadcast %squeeze3A_1112 : f32 to vector<16xf32>
      %add3A_1114 = arith.addf %mul3A_1110, %add3A_1113 : vector<16xf32>
      %max3A_1115 = arith.constant 0.000000e+00 : f32
      %max3A_1116 = vector.broadcast %max3A_1115 : f32 to vector<16xf32>
      %max3A_1117 = arith.maximumf %add3A_1114, %max3A_1116 : vector<16xf32>
      %slice3A_1118 = vector.extract_strided_slice %get3A_44 {offsets = [9], sizes = [1], strides = [1]} : vector<16xf32> to vector<1xf32>
      %squeeze3A_1119 = vector.extract %slice3A_1118[0] : f32 from vector<1xf32>
      %mul3A_1120 = vector.broadcast %squeeze3A_1119 : f32 to vector<16xf32>
      %mul3A_1121 = arith.mulf %max3A_1117, %mul3A_1120 : vector<16xf32>
      %add3A_1122 = arith.addf %add3A_1104, %mul3A_1121 : vector<16xf32>
      %broadcast_in_dim3A_1123 = arith.constant 58 : i32
      %broadcast_in_dim3A_1124 = vector.broadcast %broadcast_in_dim3A_1123 : i32 to vector<16xi32>
      %gather3A_1125 = tpu.vector_load_idx %arg6[%add3A_72, %broadcast_in_dim3A_1124] : memref<320x80xf32, #tpu.memory_space<vmem>>[vector<16xi32>, vector<16xi32>], vector<16xf32>,
      %gather3A_1126 = tpu.vector_load_idx %arg7[%add3A_72, %broadcast_in_dim3A_1124] : memref<320x80xf32, #tpu.memory_space<vmem>>[vector<16xi32>, vector<16xi32>], vector<16xf32>,
      %add3A_1127 = arith.addf %gather3A_1125, %gather3A_1126 : vector<16xf32>
      %mul3A_1128 = arith.mulf %add3A_1127, %div3A_78 : vector<16xf32>
      %slice3A_1129 = vector.extract_strided_slice %get3A_36 {offsets = [10], sizes = [1], strides = [1]} : vector<16xf32> to vector<1xf32>
      %squeeze3A_1130 = vector.extract %slice3A_1129[0] : f32 from vector<1xf32>
      %add3A_1131 = vector.broadcast %squeeze3A_1130 : f32 to vector<16xf32>
      %add3A_1132 = arith.addf %mul3A_1128, %add3A_1131 : vector<16xf32>
      %max3A_1133 = arith.constant 0.000000e+00 : f32
      %max3A_1134 = vector.broadcast %max3A_1133 : f32 to vector<16xf32>
      %max3A_1135 = arith.maximumf %add3A_1132, %max3A_1134 : vector<16xf32>
      %slice3A_1136 = vector.extract_strided_slice %get3A_44 {offsets = [10], sizes = [1], strides = [1]} : vector<16xf32> to vector<1xf32>
      %squeeze3A_1137 = vector.extract %slice3A_1136[0] : f32 from vector<1xf32>
      %mul3A_1138 = vector.broadcast %squeeze3A_1137 : f32 to vector<16xf32>
      %mul3A_1139 = arith.mulf %max3A_1135, %mul3A_1138 : vector<16xf32>
      %add3A_1140 = arith.addf %add3A_1122, %mul3A_1139 : vector<16xf32>
      %broadcast_in_dim3A_1141 = arith.constant 59 : i32
      %broadcast_in_dim3A_1142 = vector.broadcast %broadcast_in_dim3A_1141 : i32 to vector<16xi32>
      %gather3A_1143 = tpu.vector_load_idx %arg6[%add3A_72, %broadcast_in_dim3A_1142] : memref<320x80xf32, #tpu.memory_space<vmem>>[vector<16xi32>, vector<16xi32>], vector<16xf32>,
      %gather3A_1144 = tpu.vector_load_idx %arg7[%add3A_72, %broadcast_in_dim3A_1142] : memref<320x80xf32, #tpu.memory_space<vmem>>[vector<16xi32>, vector<16xi32>], vector<16xf32>,
      %add3A_1145 = arith.addf %gather3A_1143, %gather3A_1144 : vector<16xf32>
      %mul3A_1146 = arith.mulf %add3A_1145, %div3A_78 : vector<16xf32>
      %slice3A_1147 = vector.extract_strided_slice %get3A_36 {offsets = [11], sizes = [1], strides = [1]} : vector<16xf32> to vector<1xf32>
      %squeeze3A_1148 = vector.extract %slice3A_1147[0] : f32 from vector<1xf32>
      %add3A_1149 = vector.broadcast %squeeze3A_1148 : f32 to vector<16xf32>
      %add3A_1150 = arith.addf %mul3A_1146, %add3A_1149 : vector<16xf32>
      %max3A_1151 = arith.constant 0.000000e+00 : f32
      %max3A_1152 = vector.broadcast %max3A_1151 : f32 to vector<16xf32>
      %max3A_1153 = arith.maximumf %add3A_1150, %max3A_1152 : vector<16xf32>
      %slice3A_1154 = vector.extract_strided_slice %get3A_44 {offsets = [11], sizes = [1], strides = [1]} : vector<16xf32> to vector<1xf32>
      %squeeze3A_1155 = vector.extract %slice3A_1154[0] : f32 from vector<1xf32>
      %mul3A_1156 = vector.broadcast %squeeze3A_1155 : f32 to vector<16xf32>
      %mul3A_1157 = arith.mulf %max3A_1153, %mul3A_1156 : vector<16xf32>
      %add3A_1158 = arith.addf %add3A_1140, %mul3A_1157 : vector<16xf32>
      %broadcast_in_dim3A_1159 = arith.constant 60 : i32
      %broadcast_in_dim3A_1160 = vector.broadcast %broadcast_in_dim3A_1159 : i32 to vector<16xi32>
      %gather3A_1161 = tpu.vector_load_idx %arg6[%add3A_72, %broadcast_in_dim3A_1160] : memref<320x80xf32, #tpu.memory_space<vmem>>[vector<16xi32>, vector<16xi32>], vector<16xf32>,
      %gather3A_1162 = tpu.vector_load_idx %arg7[%add3A_72, %broadcast_in_dim3A_1160] : memref<320x80xf32, #tpu.memory_space<vmem>>[vector<16xi32>, vector<16xi32>], vector<16xf32>,
      %add3A_1163 = arith.addf %gather3A_1161, %gather3A_1162 : vector<16xf32>
      %mul3A_1164 = arith.mulf %add3A_1163, %div3A_78 : vector<16xf32>
      %slice3A_1165 = vector.extract_strided_slice %get3A_36 {offsets = [12], sizes = [1], strides = [1]} : vector<16xf32> to vector<1xf32>
      %squeeze3A_1166 = vector.extract %slice3A_1165[0] : f32 from vector<1xf32>
      %add3A_1167 = vector.broadcast %squeeze3A_1166 : f32 to vector<16xf32>
      %add3A_1168 = arith.addf %mul3A_1164, %add3A_1167 : vector<16xf32>
      %max3A_1169 = arith.constant 0.000000e+00 : f32
      %max3A_1170 = vector.broadcast %max3A_1169 : f32 to vector<16xf32>
      %max3A_1171 = arith.maximumf %add3A_1168, %max3A_1170 : vector<16xf32>
      %slice3A_1172 = vector.extract_strided_slice %get3A_44 {offsets = [12], sizes = [1], strides = [1]} : vector<16xf32> to vector<1xf32>
      %squeeze3A_1173 = vector.extract %slice3A_1172[0] : f32 from vector<1xf32>
      %mul3A_1174 = vector.broadcast %squeeze3A_1173 : f32 to vector<16xf32>
      %mul3A_1175 = arith.mulf %max3A_1171, %mul3A_1174 : vector<16xf32>
      %add3A_1176 = arith.addf %add3A_1158, %mul3A_1175 : vector<16xf32>
      %broadcast_in_dim3A_1177 = arith.constant 61 : i32
      %broadcast_in_dim3A_1178 = vector.broadcast %broadcast_in_dim3A_1177 : i32 to vector<16xi32>
      %gather3A_1179 = tpu.vector_load_idx %arg6[%add3A_72, %broadcast_in_dim3A_1178] : memref<320x80xf32, #tpu.memory_space<vmem>>[vector<16xi32>, vector<16xi32>], vector<16xf32>,
      %gather3A_1180 = tpu.vector_load_idx %arg7[%add3A_72, %broadcast_in_dim3A_1178] : memref<320x80xf32, #tpu.memory_space<vmem>>[vector<16xi32>, vector<16xi32>], vector<16xf32>,
      %add3A_1181 = arith.addf %gather3A_1179, %gather3A_1180 : vector<16xf32>
      %mul3A_1182 = arith.mulf %add3A_1181, %div3A_78 : vector<16xf32>
      %slice3A_1183 = vector.extract_strided_slice %get3A_36 {offsets = [13], sizes = [1], strides = [1]} : vector<16xf32> to vector<1xf32>
      %squeeze3A_1184 = vector.extract %slice3A_1183[0] : f32 from vector<1xf32>
      %add3A_1185 = vector.broadcast %squeeze3A_1184 : f32 to vector<16xf32>
      %add3A_1186 = arith.addf %mul3A_1182, %add3A_1185 : vector<16xf32>
      %max3A_1187 = arith.constant 0.000000e+00 : f32
      %max3A_1188 = vector.broadcast %max3A_1187 : f32 to vector<16xf32>
      %max3A_1189 = arith.maximumf %add3A_1186, %max3A_1188 : vector<16xf32>
      %slice3A_1190 = vector.extract_strided_slice %get3A_44 {offsets = [13], sizes = [1], strides = [1]} : vector<16xf32> to vector<1xf32>
      %squeeze3A_1191 = vector.extract %slice3A_1190[0] : f32 from vector<1xf32>
      %mul3A_1192 = vector.broadcast %squeeze3A_1191 : f32 to vector<16xf32>
      %mul3A_1193 = arith.mulf %max3A_1189, %mul3A_1192 : vector<16xf32>
      %add3A_1194 = arith.addf %add3A_1176, %mul3A_1193 : vector<16xf32>
      %broadcast_in_dim3A_1195 = arith.constant 62 : i32
      %broadcast_in_dim3A_1196 = vector.broadcast %broadcast_in_dim3A_1195 : i32 to vector<16xi32>
      %gather3A_1197 = tpu.vector_load_idx %arg6[%add3A_72, %broadcast_in_dim3A_1196] : memref<320x80xf32, #tpu.memory_space<vmem>>[vector<16xi32>, vector<16xi32>], vector<16xf32>,
      %gather3A_1198 = tpu.vector_load_idx %arg7[%add3A_72, %broadcast_in_dim3A_1196] : memref<320x80xf32, #tpu.memory_space<vmem>>[vector<16xi32>, vector<16xi32>], vector<16xf32>,
      %add3A_1199 = arith.addf %gather3A_1197, %gather3A_1198 : vector<16xf32>
      %mul3A_1200 = arith.mulf %add3A_1199, %div3A_78 : vector<16xf32>
      %slice3A_1201 = vector.extract_strided_slice %get3A_36 {offsets = [14], sizes = [1], strides = [1]} : vector<16xf32> to vector<1xf32>
      %squeeze3A_1202 = vector.extract %slice3A_1201[0] : f32 from vector<1xf32>
      %add3A_1203 = vector.broadcast %squeeze3A_1202 : f32 to vector<16xf32>
      %add3A_1204 = arith.addf %mul3A_1200, %add3A_1203 : vector<16xf32>
      %max3A_1205 = arith.constant 0.000000e+00 : f32
      %max3A_1206 = vector.broadcast %max3A_1205 : f32 to vector<16xf32>
      %max3A_1207 = arith.maximumf %add3A_1204, %max3A_1206 : vector<16xf32>
      %slice3A_1208 = vector.extract_strided_slice %get3A_44 {offsets = [14], sizes = [1], strides = [1]} : vector<16xf32> to vector<1xf32>
      %squeeze3A_1209 = vector.extract %slice3A_1208[0] : f32 from vector<1xf32>
      %mul3A_1210 = vector.broadcast %squeeze3A_1209 : f32 to vector<16xf32>
      %mul3A_1211 = arith.mulf %max3A_1207, %mul3A_1210 : vector<16xf32>
      %add3A_1212 = arith.addf %add3A_1194, %mul3A_1211 : vector<16xf32>
      %broadcast_in_dim3A_1213 = arith.constant 63 : i32
      %broadcast_in_dim3A_1214 = vector.broadcast %broadcast_in_dim3A_1213 : i32 to vector<16xi32>
      %gather3A_1215 = tpu.vector_load_idx %arg6[%add3A_72, %broadcast_in_dim3A_1214] : memref<320x80xf32, #tpu.memory_space<vmem>>[vector<16xi32>, vector<16xi32>], vector<16xf32>,
      %gather3A_1216 = tpu.vector_load_idx %arg7[%add3A_72, %broadcast_in_dim3A_1214] : memref<320x80xf32, #tpu.memory_space<vmem>>[vector<16xi32>, vector<16xi32>], vector<16xf32>,
      %add3A_1217 = arith.addf %gather3A_1215, %gather3A_1216 : vector<16xf32>
      %mul3A_1218 = arith.mulf %add3A_1217, %div3A_78 : vector<16xf32>
      %slice3A_1219 = vector.extract_strided_slice %get3A_36 {offsets = [15], sizes = [1], strides = [1]} : vector<16xf32> to vector<1xf32>
      %squeeze3A_1220 = vector.extract %slice3A_1219[0] : f32 from vector<1xf32>
      %add3A_1221 = vector.broadcast %squeeze3A_1220 : f32 to vector<16xf32>
      %add3A_1222 = arith.addf %mul3A_1218, %add3A_1221 : vector<16xf32>
      %max3A_1223 = arith.constant 0.000000e+00 : f32
      %max3A_1224 = vector.broadcast %max3A_1223 : f32 to vector<16xf32>
      %max3A_1225 = arith.maximumf %add3A_1222, %max3A_1224 : vector<16xf32>
      %slice3A_1226 = vector.extract_strided_slice %get3A_44 {offsets = [15], sizes = [1], strides = [1]} : vector<16xf32> to vector<1xf32>
      %squeeze3A_1227 = vector.extract %slice3A_1226[0] : f32 from vector<1xf32>
      %mul3A_1228 = vector.broadcast %squeeze3A_1227 : f32 to vector<16xf32>
      %mul3A_1229 = arith.mulf %max3A_1225, %mul3A_1228 : vector<16xf32>
      %add3A_1230 = arith.addf %add3A_1212, %mul3A_1229 : vector<16xf32>
      %slice3A_1231 = vector.extract_strided_slice %get3A_46 {offsets = [0], sizes = [1], strides = [1]} : vector<16xf32> to vector<1xf32>
      %squeeze3A_1232 = vector.extract %slice3A_1231[0] : f32 from vector<1xf32>
      %add3A_1233 = vector.broadcast %squeeze3A_1232 : f32 to vector<16xf32>
      %add3A_1234 = arith.addf %add3A_1230, %add3A_1233 : vector<16xf32>
      %jit3A_1235 = arith.constant -5.000000e+00 : f32
      %jit3A_1236 = arith.constant 5.000000e+00 : f32
      %max3A_1237 = vector.broadcast %jit3A_1235 : f32 to vector<16xf32>
      %max3A_1238 = arith.maximumf %max3A_1237, %add3A_1234 : vector<16xf32>
      %min3A = vector.broadcast %jit3A_1236 : f32 to vector<16xf32>
      %min3A_1239 = arith.minimumf %min3A, %max3A_1238 : vector<16xf32>
      %neg3A = arith.constant 0.000000e+00 : f32
      %neg3A_1240 = vector.broadcast %neg3A : f32 to vector<16xf32>
      %neg3A_1241 = arith.subf %neg3A_1240, %min3A_1239 : vector<16xf32>
      %exp3A = math.exp %neg3A_1241 : vector<16xf32>
      %add3A_1242 = arith.constant 1.000000e+00 : f32
      %add3A_1243 = vector.broadcast %add3A_1242 : f32 to vector<16xf32>
      %add3A_1244 = arith.addf %add3A_1243, %exp3A : vector<16xf32>
      %div3A_1245 = arith.constant 1.000000e+00 : f32
      %div3A_1246 = vector.broadcast %div3A_1245 : f32 to vector<16xf32>
      %div3A_1247 = arith.divf %div3A_1246, %add3A_1244 : vector<16xf32>
      %mul3A_1248 = arith.constant 0.899999976 : f32
      %mul3A_1249 = vector.broadcast %mul3A_1248 : f32 to vector<16xf32>
      %mul3A_1250 = arith.mulf %div3A_1247, %mul3A_1249 : vector<16xf32>
      %add3A_1251 = arith.constant 1.000000e-01 : f32
      %add3A_1252 = vector.broadcast %add3A_1251 : f32 to vector<16xf32>
      %add3A_1253 = arith.addf %mul3A_1250, %add3A_1252 : vector<16xf32>
      %mul3A_1254 = arith.constant 16 : i32
      %mul3A_1255 = arith.muli %while3A_67, %mul3A_1254 : i32
      %swap3A = arith.index_cast %mul3A_1255 : i32 to index
      %swap3A_1256 = tpu.vector_load %arg10[%swap3A] {strides = array<i32>} : memref<320xf32, #tpu.memory_space<vmem>>, vector<16xf32>,
      tpu.vector_store %arg10[%swap3A], %add3A_1253 {strides = array<i32>} : memref<320xf32, #tpu.memory_space<vmem>>, vector<16xf32>,
      %while3A_1257 = arith.constant 0 : i32
      scf.yield %while3A_1257 : i32
    }
    %while3A_58 = arith.constant 1 : i32
    %while3A_59 = scf.for %while3A_67 = %while3A_55 to %while3A_51 step %while3A_58 iter_args(%while3A_68 = %while3A_57) -> (i32)  : i32 {
      %mul3A_69 = arith.constant 16 : i32
      %mul3A_70 = arith.muli %while3A_67, %mul3A_69 : i32
      %iota3A = tpu.iota {dimensions = array<i32: 0>} : vector<16xi32>
      %add3A_71 = vector.broadcast %mul3A_70 : i32 to vector<16xi32>
      %add3A_72 = arith.addi %add3A_71, %iota3A : vector<16xi32>
      %gather3A = tpu.vector_load_idx %arg6[%add3A_72, %broadcast_in_dim3A_29] : memref<320x80xf32, #tpu.memory_space<vmem>>[vector<16xi32>, vector<16xi32>], vector<16xf32>,
      %gather3A_73 = tpu.vector_load_idx %arg7[%add3A_72, %broadcast_in_dim3A_29] : memref<320x80xf32, #tpu.memory_space<vmem>>[vector<16xi32>, vector<16xi32>], vector<16xf32>,
      %add3A_74 = arith.addf %gather3A, %gather3A_73 : vector<16xf32>
      %max3A = arith.constant 1.000000e+00 : f32
      %max3A_75 = vector.broadcast %max3A : f32 to vector<16xf32>
      %max3A_76 = arith.maximumf %add3A_74, %max3A_75 : vector<16xf32>
      %div3A = arith.constant 1.000000e+00 : f32
      %div3A_77 = vector.broadcast %div3A : f32 to vector<16xf32>
      %div3A_78 = arith.divf %div3A_77, %max3A_76 : vector<16xf32>
      %broadcast_in_dim3A_79 = arith.constant 0.000000e+00 : f32
      %broadcast_in_dim3A_80 = vector.broadcast %broadcast_in_dim3A_79 : f32 to vector<16xf32>
      %broadcast_in_dim3A_81 = arith.constant 0 : i32
      %broadcast_in_dim3A_82 = vector.broadcast %broadcast_in_dim3A_81 : i32 to vector<16xi32>
      %gather3A_83 = tpu.vector_load_idx %arg6[%add3A_72, %broadcast_in_dim3A_82] : memref<320x80xf32, #tpu.memory_space<vmem>>[vector<16xi32>, vector<16xi32>], vector<16xf32>,
      %gather3A_84 = tpu.vector_load_idx %arg7[%add3A_72, %broadcast_in_dim3A_82] : memref<320x80xf32, #tpu.memory_space<vmem>>[vector<16xi32>, vector<16xi32>], vector<16xf32>,
      %add3A_85 = arith.addf %gather3A_83, %gather3A_84 : vector<16xf32>
      %mul3A_86 = arith.mulf %add3A_85, %div3A_78 : vector<16xf32>
      %slice3A = vector.extract_strided_slice %get3A_30 {offsets = [0], sizes = [1], strides = [1]} : vector<16xf32> to vector<1xf32>
      %squeeze3A = vector.extract %slice3A[0] : f32 from vector<1xf32>
      %add3A_87 = vector.broadcast %squeeze3A : f32 to vector<16xf32>
      %add3A_88 = arith.addf %mul3A_86, %add3A_87 : vector<16xf32>
      %max3A_89 = arith.constant 0.000000e+00 : f32
      %max3A_90 = vector.broadcast %max3A_89 : f32 to vector<16xf32>
      %max3A_91 = arith.maximumf %add3A_88, %max3A_90 : vector<16xf32>
      %slice3A_92 = vector.extract_strided_slice %get3A_38 {offsets = [0], sizes = [1], strides = [1]} : vector<16xf32> to vector<1xf32>
      %squeeze3A_93 = vector.extract %slice3A_92[0] : f32 from vector<1xf32>
      %mul3A_94 = vector.broadcast %squeeze3A_93 : f32 to vector<16xf32>
      %mul3A_95 = arith.mulf %max3A_91, %mul3A_94 : vector<16xf32>
      %add3A_96 = arith.addf %broadcast_in_dim3A_80, %mul3A_95 : vector<16xf32>
      %broadcast_in_dim3A_97 = arith.constant 1 : i32
      %broadcast_in_dim3A_98 = vector.broadcast %broadcast_in_dim3A_97 : i32 to vector<16xi32>
      %gather3A_99 = tpu.vector_load_idx %arg6[%add3A_72, %broadcast_in_dim3A_98] : memref<320x80xf32, #tpu.memory_space<vmem>>[vector<16xi32>, vector<16xi32>], vector<16xf32>,
      %gather3A_100 = tpu.vector_load_idx %arg7[%add3A_72, %broadcast_in_dim3A_98] : memref<320x80xf32, #tpu.memory_space<vmem>>[vector<16xi32>, vector<16xi32>], vector<16xf32>,
      %add3A_101 = arith.addf %gather3A_99, %gather3A_100 : vector<16xf32>
      %mul3A_102 = arith.mulf %add3A_101, %div3A_78 : vector<16xf32>
      %slice3A_103 = vector.extract_strided_slice %get3A_30 {offsets = [1], sizes = [1], strides = [1]} : vector<16xf32> to vector<1xf32>
      %squeeze3A_104 = vector.extract %slice3A_103[0] : f32 from vector<1xf32>
      %add3A_105 = vector.broadcast %squeeze3A_104 : f32 to vector<16xf32>
      %add3A_106 = arith.addf %mul3A_102, %add3A_105 : vector<16xf32>
      %max3A_107 = arith.constant 0.000000e+00 : f32
      %max3A_108 = vector.broadcast %max3A_107 : f32 to vector<16xf32>
      %max3A_109 = arith.maximumf %add3A_106, %max3A_108 : vector<16xf32>
      %slice3A_110 = vector.extract_strided_slice %get3A_38 {offsets = [1], sizes = [1], strides = [1]} : vector<16xf32> to vector<1xf32>
      %squeeze3A_111 = vector.extract %slice3A_110[0] : f32 from vector<1xf32>
      %mul3A_112 = vector.broadcast %squeeze3A_111 : f32 to vector<16xf32>
      %mul3A_113 = arith.mulf %max3A_109, %mul3A_112 : vector<16xf32>
      %add3A_114 = arith.addf %add3A_96, %mul3A_113 : vector<16xf32>
      %broadcast_in_dim3A_115 = arith.constant 2 : i32
      %broadcast_in_dim3A_116 = vector.broadcast %broadcast_in_dim3A_115 : i32 to vector<16xi32>
      %gather3A_117 = tpu.vector_load_idx %arg6[%add3A_72, %broadcast_in_dim3A_116] : memref<320x80xf32, #tpu.memory_space<vmem>>[vector<16xi32>, vector<16xi32>], vector<16xf32>,
      %gather3A_118 = tpu.vector_load_idx %arg7[%add3A_72, %broadcast_in_dim3A_116] : memref<320x80xf32, #tpu.memory_space<vmem>>[vector<16xi32>, vector<16xi32>], vector<16xf32>,
      %add3A_119 = arith.addf %gather3A_117, %gather3A_118 : vector<16xf32>
      %mul3A_120 = arith.mulf %add3A_119, %div3A_78 : vector<16xf32>
      %slice3A_121 = vector.extract_strided_slice %get3A_30 {offsets = [2], sizes = [1], strides = [1]} : vector<16xf32> to vector<1xf32>
      %squeeze3A_122 = vector.extract %slice3A_121[0] : f32 from vector<1xf32>
      %add3A_123 = vector.broadcast %squeeze3A_122 : f32 to vector<16xf32>
      %add3A_124 = arith.addf %mul3A_120, %add3A_123 : vector<16xf32>
      %max3A_125 = arith.constant 0.000000e+00 : f32
      %max3A_126 = vector.broadcast %max3A_125 : f32 to vector<16xf32>
      %max3A_127 = arith.maximumf %add3A_124, %max3A_126 : vector<16xf32>
      %slice3A_128 = vector.extract_strided_slice %get3A_38 {offsets = [2], sizes = [1], strides = [1]} : vector<16xf32> to vector<1xf32>
      %squeeze3A_129 = vector.extract %slice3A_128[0] : f32 from vector<1xf32>
      %mul3A_130 = vector.broadcast %squeeze3A_129 : f32 to vector<16xf32>
      %mul3A_131 = arith.mulf %max3A_127, %mul3A_130 : vector<16xf32>
      %add3A_132 = arith.addf %add3A_114, %mul3A_131 : vector<16xf32>
      %broadcast_in_dim3A_133 = arith.constant 3 : i32
      %broadcast_in_dim3A_134 = vector.broadcast %broadcast_in_dim3A_133 : i32 to vector<16xi32>
      %gather3A_135 = tpu.vector_load_idx %arg6[%add3A_72, %broadcast_in_dim3A_134] : memref<320x80xf32, #tpu.memory_space<vmem>>[vector<16xi32>, vector<16xi32>], vector<16xf32>,
      %gather3A_136 = tpu.vector_load_idx %arg7[%add3A_72, %broadcast_in_dim3A_134] : memref<320x80xf32, #tpu.memory_space<vmem>>[vector<16xi32>, vector<16xi32>], vector<16xf32>,
      %add3A_137 = arith.addf %gather3A_135, %gather3A_136 : vector<16xf32>
      %mul3A_138 = arith.mulf %add3A_137, %div3A_78 : vector<16xf32>
      %slice3A_139 = vector.extract_strided_slice %get3A_30 {offsets = [3], sizes = [1], strides = [1]} : vector<16xf32> to vector<1xf32>
      %squeeze3A_140 = vector.extract %slice3A_139[0] : f32 from vector<1xf32>
      %add3A_141 = vector.broadcast %squeeze3A_140 : f32 to vector<16xf32>
      %add3A_142 = arith.addf %mul3A_138, %add3A_141 : vector<16xf32>
      %max3A_143 = arith.constant 0.000000e+00 : f32
      %max3A_144 = vector.broadcast %max3A_143 : f32 to vector<16xf32>
      %max3A_145 = arith.maximumf %add3A_142, %max3A_144 : vector<16xf32>
      %slice3A_146 = vector.extract_strided_slice %get3A_38 {offsets = [3], sizes = [1], strides = [1]} : vector<16xf32> to vector<1xf32>
      %squeeze3A_147 = vector.extract %slice3A_146[0] : f32 from vector<1xf32>
      %mul3A_148 = vector.broadcast %squeeze3A_147 : f32 to vector<16xf32>
      %mul3A_149 = arith.mulf %max3A_145, %mul3A_148 : vector<16xf32>
      %add3A_150 = arith.addf %add3A_132, %mul3A_149 : vector<16xf32>
      %broadcast_in_dim3A_151 = arith.constant 4 : i32
      %broadcast_in_dim3A_152 = vector.broadcast %broadcast_in_dim3A_151 : i32 to vector<16xi32>
      %gather3A_153 = tpu.vector_load_idx %arg6[%add3A_72, %broadcast_in_dim3A_152] : memref<320x80xf32, #tpu.memory_space<vmem>>[vector<16xi32>, vector<16xi32>], vector<16xf32>,
      %gather3A_154 = tpu.vector_load_idx %arg7[%add3A_72, %broadcast_in_dim3A_152] : memref<320x80xf32, #tpu.memory_space<vmem>>[vector<16xi32>, vector<16xi32>], vector<16xf32>,
      %add3A_155 = arith.addf %gather3A_153, %gather3A_154 : vector<16xf32>
      %mul3A_156 = arith.mulf %add3A_155, %div3A_78 : vector<16xf32>
      %slice3A_157 = vector.extract_strided_slice %get3A_30 {offsets = [4], sizes = [1], strides = [1]} : vector<16xf32> to vector<1xf32>
      %squeeze3A_158 = vector.extract %slice3A_157[0] : f32 from vector<1xf32>
      %add3A_159 = vector.broadcast %squeeze3A_158 : f32 to vector<16xf32>
      %add3A_160 = arith.addf %mul3A_156, %add3A_159 : vector<16xf32>
      %max3A_161 = arith.constant 0.000000e+00 : f32
      %max3A_162 = vector.broadcast %max3A_161 : f32 to vector<16xf32>
      %max3A_163 = arith.maximumf %add3A_160, %max3A_162 : vector<16xf32>
      %slice3A_164 = vector.extract_strided_slice %get3A_38 {offsets = [4], sizes = [1], strides = [1]} : vector<16xf32> to vector<1xf32>
      %squeeze3A_165 = vector.extract %slice3A_164[0] : f32 from vector<1xf32>
      %mul3A_166 = vector.broadcast %squeeze3A_165 : f32 to vector<16xf32>
      %mul3A_167 = arith.mulf %max3A_163, %mul3A_166 : vector<16xf32>
      %add3A_168 = arith.addf %add3A_150, %mul3A_167 : vector<16xf32>
      %broadcast_in_dim3A_169 = arith.constant 5 : i32
      %broadcast_in_dim3A_170 = vector.broadcast %broadcast_in_dim3A_169 : i32 to vector<16xi32>
      %gather3A_171 = tpu.vector_load_idx %arg6[%add3A_72, %broadcast_in_dim3A_170] : memref<320x80xf32, #tpu.memory_space<vmem>>[vector<16xi32>, vector<16xi32>], vector<16xf32>,
      %gather3A_172 = tpu.vector_load_idx %arg7[%add3A_72, %broadcast_in_dim3A_170] : memref<320x80xf32, #tpu.memory_space<vmem>>[vector<16xi32>, vector<16xi32>], vector<16xf32>,
      %add3A_173 = arith.addf %gather3A_171, %gather3A_172 : vector<16xf32>
      %mul3A_174 = arith.mulf %add3A_173, %div3A_78 : vector<16xf32>
      %slice3A_175 = vector.extract_strided_slice %get3A_30 {offsets = [5], sizes = [1], strides = [1]} : vector<16xf32> to vector<1xf32>
      %squeeze3A_176 = vector.extract %slice3A_175[0] : f32 from vector<1xf32>
      %add3A_177 = vector.broadcast %squeeze3A_176 : f32 to vector<16xf32>
      %add3A_178 = arith.addf %mul3A_174, %add3A_177 : vector<16xf32>
      %max3A_179 = arith.constant 0.000000e+00 : f32
      %max3A_180 = vector.broadcast %max3A_179 : f32 to vector<16xf32>
      %max3A_181 = arith.maximumf %add3A_178, %max3A_180 : vector<16xf32>
      %slice3A_182 = vector.extract_strided_slice %get3A_38 {offsets = [5], sizes = [1], strides = [1]} : vector<16xf32> to vector<1xf32>
      %squeeze3A_183 = vector.extract %slice3A_182[0] : f32 from vector<1xf32>
      %mul3A_184 = vector.broadcast %squeeze3A_183 : f32 to vector<16xf32>
      %mul3A_185 = arith.mulf %max3A_181, %mul3A_184 : vector<16xf32>
      %add3A_186 = arith.addf %add3A_168, %mul3A_185 : vector<16xf32>
      %broadcast_in_dim3A_187 = arith.constant 6 : i32
      %broadcast_in_dim3A_188 = vector.broadcast %broadcast_in_dim3A_187 : i32 to vector<16xi32>
      %gather3A_189 = tpu.vector_load_idx %arg6[%add3A_72, %broadcast_in_dim3A_188] : memref<320x80xf32, #tpu.memory_space<vmem>>[vector<16xi32>, vector<16xi32>], vector<16xf32>,
      %gather3A_190 = tpu.vector_load_idx %arg7[%add3A_72, %broadcast_in_dim3A_188] : memref<320x80xf32, #tpu.memory_space<vmem>>[vector<16xi32>, vector<16xi32>], vector<16xf32>,
      %add3A_191 = arith.addf %gather3A_189, %gather3A_190 : vector<16xf32>
      %mul3A_192 = arith.mulf %add3A_191, %div3A_78 : vector<16xf32>
      %slice3A_193 = vector.extract_strided_slice %get3A_30 {offsets = [6], sizes = [1], strides = [1]} : vector<16xf32> to vector<1xf32>
      %squeeze3A_194 = vector.extract %slice3A_193[0] : f32 from vector<1xf32>
      %add3A_195 = vector.broadcast %squeeze3A_194 : f32 to vector<16xf32>
      %add3A_196 = arith.addf %mul3A_192, %add3A_195 : vector<16xf32>
      %max3A_197 = arith.constant 0.000000e+00 : f32
      %max3A_198 = vector.broadcast %max3A_197 : f32 to vector<16xf32>
      %max3A_199 = arith.maximumf %add3A_196, %max3A_198 : vector<16xf32>
      %slice3A_200 = vector.extract_strided_slice %get3A_38 {offsets = [6], sizes = [1], strides = [1]} : vector<16xf32> to vector<1xf32>
      %squeeze3A_201 = vector.extract %slice3A_200[0] : f32 from vector<1xf32>
      %mul3A_202 = vector.broadcast %squeeze3A_201 : f32 to vector<16xf32>
      %mul3A_203 = arith.mulf %max3A_199, %mul3A_202 : vector<16xf32>
      %add3A_204 = arith.addf %add3A_186, %mul3A_203 : vector<16xf32>
      %broadcast_in_dim3A_205 = arith.constant 7 : i32
      %broadcast_in_dim3A_206 = vector.broadcast %broadcast_in_dim3A_205 : i32 to vector<16xi32>
      %gather3A_207 = tpu.vector_load_idx %arg6[%add3A_72, %broadcast_in_dim3A_206] : memref<320x80xf32, #tpu.memory_space<vmem>>[vector<16xi32>, vector<16xi32>], vector<16xf32>,
      %gather3A_208 = tpu.vector_load_idx %arg7[%add3A_72, %broadcast_in_dim3A_206] : memref<320x80xf32, #tpu.memory_space<vmem>>[vector<16xi32>, vector<16xi32>], vector<16xf32>,
      %add3A_209 = arith.addf %gather3A_207, %gather3A_208 : vector<16xf32>
      %mul3A_210 = arith.mulf %add3A_209, %div3A_78 : vector<16xf32>
      %slice3A_211 = vector.extract_strided_slice %get3A_30 {offsets = [7], sizes = [1], strides = [1]} : vector<16xf32> to vector<1xf32>
      %squeeze3A_212 = vector.extract %slice3A_211[0] : f32 from vector<1xf32>
      %add3A_213 = vector.broadcast %squeeze3A_212 : f32 to vector<16xf32>
      %add3A_214 = arith.addf %mul3A_210, %add3A_213 : vector<16xf32>
      %max3A_215 = arith.constant 0.000000e+00 : f32
      %max3A_216 = vector.broadcast %max3A_215 : f32 to vector<16xf32>
      %max3A_217 = arith.maximumf %add3A_214, %max3A_216 : vector<16xf32>
      %slice3A_218 = vector.extract_strided_slice %get3A_38 {offsets = [7], sizes = [1], strides = [1]} : vector<16xf32> to vector<1xf32>
      %squeeze3A_219 = vector.extract %slice3A_218[0] : f32 from vector<1xf32>
      %mul3A_220 = vector.broadcast %squeeze3A_219 : f32 to vector<16xf32>
      %mul3A_221 = arith.mulf %max3A_217, %mul3A_220 : vector<16xf32>
      %add3A_222 = arith.addf %add3A_204, %mul3A_221 : vector<16xf32>
      %broadcast_in_dim3A_223 = arith.constant 8 : i32
      %broadcast_in_dim3A_224 = vector.broadcast %broadcast_in_dim3A_223 : i32 to vector<16xi32>
      %gather3A_225 = tpu.vector_load_idx %arg6[%add3A_72, %broadcast_in_dim3A_224] : memref<320x80xf32, #tpu.memory_space<vmem>>[vector<16xi32>, vector<16xi32>], vector<16xf32>,
      %gather3A_226 = tpu.vector_load_idx %arg7[%add3A_72, %broadcast_in_dim3A_224] : memref<320x80xf32, #tpu.memory_space<vmem>>[vector<16xi32>, vector<16xi32>], vector<16xf32>,
      %add3A_227 = arith.addf %gather3A_225, %gather3A_226 : vector<16xf32>
      %mul3A_228 = arith.mulf %add3A_227, %div3A_78 : vector<16xf32>
      %slice3A_229 = vector.extract_strided_slice %get3A_30 {offsets = [8], sizes = [1], strides = [1]} : vector<16xf32> to vector<1xf32>
      %squeeze3A_230 = vector.extract %slice3A_229[0] : f32 from vector<1xf32>
      %add3A_231 = vector.broadcast %squeeze3A_230 : f32 to vector<16xf32>
      %add3A_232 = arith.addf %mul3A_228, %add3A_231 : vector<16xf32>
      %max3A_233 = arith.constant 0.000000e+00 : f32
      %max3A_234 = vector.broadcast %max3A_233 : f32 to vector<16xf32>
      %max3A_235 = arith.maximumf %add3A_232, %max3A_234 : vector<16xf32>
      %slice3A_236 = vector.extract_strided_slice %get3A_38 {offsets = [8], sizes = [1], strides = [1]} : vector<16xf32> to vector<1xf32>
      %squeeze3A_237 = vector.extract %slice3A_236[0] : f32 from vector<1xf32>
      %mul3A_238 = vector.broadcast %squeeze3A_237 : f32 to vector<16xf32>
      %mul3A_239 = arith.mulf %max3A_235, %mul3A_238 : vector<16xf32>
      %add3A_240 = arith.addf %add3A_222, %mul3A_239 : vector<16xf32>
      %broadcast_in_dim3A_241 = arith.constant 9 : i32
      %broadcast_in_dim3A_242 = vector.broadcast %broadcast_in_dim3A_241 : i32 to vector<16xi32>
      %gather3A_243 = tpu.vector_load_idx %arg6[%add3A_72, %broadcast_in_dim3A_242] : memref<320x80xf32, #tpu.memory_space<vmem>>[vector<16xi32>, vector<16xi32>], vector<16xf32>,
      %gather3A_244 = tpu.vector_load_idx %arg7[%add3A_72, %broadcast_in_dim3A_242] : memref<320x80xf32, #tpu.memory_space<vmem>>[vector<16xi32>, vector<16xi32>], vector<16xf32>,
      %add3A_245 = arith.addf %gather3A_243, %gather3A_244 : vector<16xf32>
      %mul3A_246 = arith.mulf %add3A_245, %div3A_78 : vector<16xf32>
      %slice3A_247 = vector.extract_strided_slice %get3A_30 {offsets = [9], sizes = [1], strides = [1]} : vector<16xf32> to vector<1xf32>
      %squeeze3A_248 = vector.extract %slice3A_247[0] : f32 from vector<1xf32>
      %add3A_249 = vector.broadcast %squeeze3A_248 : f32 to vector<16xf32>
      %add3A_250 = arith.addf %mul3A_246, %add3A_249 : vector<16xf32>
      %max3A_251 = arith.constant 0.000000e+00 : f32
      %max3A_252 = vector.broadcast %max3A_251 : f32 to vector<16xf32>
      %max3A_253 = arith.maximumf %add3A_250, %max3A_252 : vector<16xf32>
      %slice3A_254 = vector.extract_strided_slice %get3A_38 {offsets = [9], sizes = [1], strides = [1]} : vector<16xf32> to vector<1xf32>
      %squeeze3A_255 = vector.extract %slice3A_254[0] : f32 from vector<1xf32>
      %mul3A_256 = vector.broadcast %squeeze3A_255 : f32 to vector<16xf32>
      %mul3A_257 = arith.mulf %max3A_253, %mul3A_256 : vector<16xf32>
      %add3A_258 = arith.addf %add3A_240, %mul3A_257 : vector<16xf32>
      %broadcast_in_dim3A_259 = arith.constant 10 : i32
      %broadcast_in_dim3A_260 = vector.broadcast %broadcast_in_dim3A_259 : i32 to vector<16xi32>
      %gather3A_261 = tpu.vector_load_idx %arg6[%add3A_72, %broadcast_in_dim3A_260] : memref<320x80xf32, #tpu.memory_space<vmem>>[vector<16xi32>, vector<16xi32>], vector<16xf32>,
      %gather3A_262 = tpu.vector_load_idx %arg7[%add3A_72, %broadcast_in_dim3A_260] : memref<320x80xf32, #tpu.memory_space<vmem>>[vector<16xi32>, vector<16xi32>], vector<16xf32>,
      %add3A_263 = arith.addf %gather3A_261, %gather3A_262 : vector<16xf32>
      %mul3A_264 = arith.mulf %add3A_263, %div3A_78 : vector<16xf32>
      %slice3A_265 = vector.extract_strided_slice %get3A_30 {offsets = [10], sizes = [1], strides = [1]} : vector<16xf32> to vector<1xf32>
      %squeeze3A_266 = vector.extract %slice3A_265[0] : f32 from vector<1xf32>
      %add3A_267 = vector.broadcast %squeeze3A_266 : f32 to vector<16xf32>
      %add3A_268 = arith.addf %mul3A_264, %add3A_267 : vector<16xf32>
      %max3A_269 = arith.constant 0.000000e+00 : f32
      %max3A_270 = vector.broadcast %max3A_269 : f32 to vector<16xf32>
      %max3A_271 = arith.maximumf %add3A_268, %max3A_270 : vector<16xf32>
      %slice3A_272 = vector.extract_strided_slice %get3A_38 {offsets = [10], sizes = [1], strides = [1]} : vector<16xf32> to vector<1xf32>
      %squeeze3A_273 = vector.extract %slice3A_272[0] : f32 from vector<1xf32>
      %mul3A_274 = vector.broadcast %squeeze3A_273 : f32 to vector<16xf32>
      %mul3A_275 = arith.mulf %max3A_271, %mul3A_274 : vector<16xf32>
      %add3A_276 = arith.addf %add3A_258, %mul3A_275 : vector<16xf32>
      %broadcast_in_dim3A_277 = arith.constant 11 : i32
      %broadcast_in_dim3A_278 = vector.broadcast %broadcast_in_dim3A_277 : i32 to vector<16xi32>
      %gather3A_279 = tpu.vector_load_idx %arg6[%add3A_72, %broadcast_in_dim3A_278] : memref<320x80xf32, #tpu.memory_space<vmem>>[vector<16xi32>, vector<16xi32>], vector<16xf32>,
      %gather3A_280 = tpu.vector_load_idx %arg7[%add3A_72, %broadcast_in_dim3A_278] : memref<320x80xf32, #tpu.memory_space<vmem>>[vector<16xi32>, vector<16xi32>], vector<16xf32>,
      %add3A_281 = arith.addf %gather3A_279, %gather3A_280 : vector<16xf32>
      %mul3A_282 = arith.mulf %add3A_281, %div3A_78 : vector<16xf32>
      %slice3A_283 = vector.extract_strided_slice %get3A_30 {offsets = [11], sizes = [1], strides = [1]} : vector<16xf32> to vector<1xf32>
      %squeeze3A_284 = vector.extract %slice3A_283[0] : f32 from vector<1xf32>
      %add3A_285 = vector.broadcast %squeeze3A_284 : f32 to vector<16xf32>
      %add3A_286 = arith.addf %mul3A_282, %add3A_285 : vector<16xf32>
      %max3A_287 = arith.constant 0.000000e+00 : f32
      %max3A_288 = vector.broadcast %max3A_287 : f32 to vector<16xf32>
      %max3A_289 = arith.maximumf %add3A_286, %max3A_288 : vector<16xf32>
      %slice3A_290 = vector.extract_strided_slice %get3A_38 {offsets = [11], sizes = [1], strides = [1]} : vector<16xf32> to vector<1xf32>
      %squeeze3A_291 = vector.extract %slice3A_290[0] : f32 from vector<1xf32>
      %mul3A_292 = vector.broadcast %squeeze3A_291 : f32 to vector<16xf32>
      %mul3A_293 = arith.mulf %max3A_289, %mul3A_292 : vector<16xf32>
      %add3A_294 = arith.addf %add3A_276, %mul3A_293 : vector<16xf32>
      %broadcast_in_dim3A_295 = arith.constant 12 : i32
      %broadcast_in_dim3A_296 = vector.broadcast %broadcast_in_dim3A_295 : i32 to vector<16xi32>
      %gather3A_297 = tpu.vector_load_idx %arg6[%add3A_72, %broadcast_in_dim3A_296] : memref<320x80xf32, #tpu.memory_space<vmem>>[vector<16xi32>, vector<16xi32>], vector<16xf32>,
      %gather3A_298 = tpu.vector_load_idx %arg7[%add3A_72, %broadcast_in_dim3A_296] : memref<320x80xf32, #tpu.memory_space<vmem>>[vector<16xi32>, vector<16xi32>], vector<16xf32>,
      %add3A_299 = arith.addf %gather3A_297, %gather3A_298 : vector<16xf32>
      %mul3A_300 = arith.mulf %add3A_299, %div3A_78 : vector<16xf32>
      %slice3A_301 = vector.extract_strided_slice %get3A_30 {offsets = [12], sizes = [1], strides = [1]} : vector<16xf32> to vector<1xf32>
      %squeeze3A_302 = vector.extract %slice3A_301[0] : f32 from vector<1xf32>
      %add3A_303 = vector.broadcast %squeeze3A_302 : f32 to vector<16xf32>
      %add3A_304 = arith.addf %mul3A_300, %add3A_303 : vector<16xf32>
      %max3A_305 = arith.constant 0.000000e+00 : f32
      %max3A_306 = vector.broadcast %max3A_305 : f32 to vector<16xf32>
      %max3A_307 = arith.maximumf %add3A_304, %max3A_306 : vector<16xf32>
      %slice3A_308 = vector.extract_strided_slice %get3A_38 {offsets = [12], sizes = [1], strides = [1]} : vector<16xf32> to vector<1xf32>
      %squeeze3A_309 = vector.extract %slice3A_308[0] : f32 from vector<1xf32>
      %mul3A_310 = vector.broadcast %squeeze3A_309 : f32 to vector<16xf32>
      %mul3A_311 = arith.mulf %max3A_307, %mul3A_310 : vector<16xf32>
      %add3A_312 = arith.addf %add3A_294, %mul3A_311 : vector<16xf32>
      %broadcast_in_dim3A_313 = arith.constant 13 : i32
      %broadcast_in_dim3A_314 = vector.broadcast %broadcast_in_dim3A_313 : i32 to vector<16xi32>
      %gather3A_315 = tpu.vector_load_idx %arg6[%add3A_72, %broadcast_in_dim3A_314] : memref<320x80xf32, #tpu.memory_space<vmem>>[vector<16xi32>, vector<16xi32>], vector<16xf32>,
      %gather3A_316 = tpu.vector_load_idx %arg7[%add3A_72, %broadcast_in_dim3A_314] : memref<320x80xf32, #tpu.memory_space<vmem>>[vector<16xi32>, vector<16xi32>], vector<16xf32>,
      %add3A_317 = arith.addf %gather3A_315, %gather3A_316 : vector<16xf32>
      %mul3A_318 = arith.mulf %add3A_317, %div3A_78 : vector<16xf32>
      %slice3A_319 = vector.extract_strided_slice %get3A_30 {offsets = [13], sizes = [1], strides = [1]} : vector<16xf32> to vector<1xf32>
      %squeeze3A_320 = vector.extract %slice3A_319[0] : f32 from vector<1xf32>
      %add3A_321 = vector.broadcast %squeeze3A_320 : f32 to vector<16xf32>
      %add3A_322 = arith.addf %mul3A_318, %add3A_321 : vector<16xf32>
      %max3A_323 = arith.constant 0.000000e+00 : f32
      %max3A_324 = vector.broadcast %max3A_323 : f32 to vector<16xf32>
      %max3A_325 = arith.maximumf %add3A_322, %max3A_324 : vector<16xf32>
      %slice3A_326 = vector.extract_strided_slice %get3A_38 {offsets = [13], sizes = [1], strides = [1]} : vector<16xf32> to vector<1xf32>
      %squeeze3A_327 = vector.extract %slice3A_326[0] : f32 from vector<1xf32>
      %mul3A_328 = vector.broadcast %squeeze3A_327 : f32 to vector<16xf32>
      %mul3A_329 = arith.mulf %max3A_325, %mul3A_328 : vector<16xf32>
      %add3A_330 = arith.addf %add3A_312, %mul3A_329 : vector<16xf32>
      %broadcast_in_dim3A_331 = arith.constant 14 : i32
      %broadcast_in_dim3A_332 = vector.broadcast %broadcast_in_dim3A_331 : i32 to vector<16xi32>
      %gather3A_333 = tpu.vector_load_idx %arg6[%add3A_72, %broadcast_in_dim3A_332] : memref<320x80xf32, #tpu.memory_space<vmem>>[vector<16xi32>, vector<16xi32>], vector<16xf32>,
      %gather3A_334 = tpu.vector_load_idx %arg7[%add3A_72, %broadcast_in_dim3A_332] : memref<320x80xf32, #tpu.memory_space<vmem>>[vector<16xi32>, vector<16xi32>], vector<16xf32>,
      %add3A_335 = arith.addf %gather3A_333, %gather3A_334 : vector<16xf32>
      %mul3A_336 = arith.mulf %add3A_335, %div3A_78 : vector<16xf32>
      %slice3A_337 = vector.extract_strided_slice %get3A_30 {offsets = [14], sizes = [1], strides = [1]} : vector<16xf32> to vector<1xf32>
      %squeeze3A_338 = vector.extract %slice3A_337[0] : f32 from vector<1xf32>
      %add3A_339 = vector.broadcast %squeeze3A_338 : f32 to vector<16xf32>
      %add3A_340 = arith.addf %mul3A_336, %add3A_339 : vector<16xf32>
      %max3A_341 = arith.constant 0.000000e+00 : f32
      %max3A_342 = vector.broadcast %max3A_341 : f32 to vector<16xf32>
      %max3A_343 = arith.maximumf %add3A_340, %max3A_342 : vector<16xf32>
      %slice3A_344 = vector.extract_strided_slice %get3A_38 {offsets = [14], sizes = [1], strides = [1]} : vector<16xf32> to vector<1xf32>
      %squeeze3A_345 = vector.extract %slice3A_344[0] : f32 from vector<1xf32>
      %mul3A_346 = vector.broadcast %squeeze3A_345 : f32 to vector<16xf32>
      %mul3A_347 = arith.mulf %max3A_343, %mul3A_346 : vector<16xf32>
      %add3A_348 = arith.addf %add3A_330, %mul3A_347 : vector<16xf32>
      %broadcast_in_dim3A_349 = arith.constant 15 : i32
      %broadcast_in_dim3A_350 = vector.broadcast %broadcast_in_dim3A_349 : i32 to vector<16xi32>
      %gather3A_351 = tpu.vector_load_idx %arg6[%add3A_72, %broadcast_in_dim3A_350] : memref<320x80xf32, #tpu.memory_space<vmem>>[vector<16xi32>, vector<16xi32>], vector<16xf32>,
      %gather3A_352 = tpu.vector_load_idx %arg7[%add3A_72, %broadcast_in_dim3A_350] : memref<320x80xf32, #tpu.memory_space<vmem>>[vector<16xi32>, vector<16xi32>], vector<16xf32>,
      %add3A_353 = arith.addf %gather3A_351, %gather3A_352 : vector<16xf32>
      %mul3A_354 = arith.mulf %add3A_353, %div3A_78 : vector<16xf32>
      %slice3A_355 = vector.extract_strided_slice %get3A_30 {offsets = [15], sizes = [1], strides = [1]} : vector<16xf32> to vector<1xf32>
      %squeeze3A_356 = vector.extract %slice3A_355[0] : f32 from vector<1xf32>
      %add3A_357 = vector.broadcast %squeeze3A_356 : f32 to vector<16xf32>
      %add3A_358 = arith.addf %mul3A_354, %add3A_357 : vector<16xf32>
      %max3A_359 = arith.constant 0.000000e+00 : f32
      %max3A_360 = vector.broadcast %max3A_359 : f32 to vector<16xf32>
      %max3A_361 = arith.maximumf %add3A_358, %max3A_360 : vector<16xf32>
      %slice3A_362 = vector.extract_strided_slice %get3A_38 {offsets = [15], sizes = [1], strides = [1]} : vector<16xf32> to vector<1xf32>
      %squeeze3A_363 = vector.extract %slice3A_362[0] : f32 from vector<1xf32>
      %mul3A_364 = vector.broadcast %squeeze3A_363 : f32 to vector<16xf32>
      %mul3A_365 = arith.mulf %max3A_361, %mul3A_364 : vector<16xf32>
      %add3A_366 = arith.addf %add3A_348, %mul3A_365 : vector<16xf32>
      %broadcast_in_dim3A_367 = arith.constant 16 : i32
      %broadcast_in_dim3A_368 = vector.broadcast %broadcast_in_dim3A_367 : i32 to vector<16xi32>
      %gather3A_369 = tpu.vector_load_idx %arg6[%add3A_72, %broadcast_in_dim3A_368] : memref<320x80xf32, #tpu.memory_space<vmem>>[vector<16xi32>, vector<16xi32>], vector<16xf32>,
      %gather3A_370 = tpu.vector_load_idx %arg7[%add3A_72, %broadcast_in_dim3A_368] : memref<320x80xf32, #tpu.memory_space<vmem>>[vector<16xi32>, vector<16xi32>], vector<16xf32>,
      %add3A_371 = arith.addf %gather3A_369, %gather3A_370 : vector<16xf32>
      %mul3A_372 = arith.mulf %add3A_371, %div3A_78 : vector<16xf32>
      %slice3A_373 = vector.extract_strided_slice %get3A_32 {offsets = [0], sizes = [1], strides = [1]} : vector<16xf32> to vector<1xf32>
      %squeeze3A_374 = vector.extract %slice3A_373[0] : f32 from vector<1xf32>
      %add3A_375 = vector.broadcast %squeeze3A_374 : f32 to vector<16xf32>
      %add3A_376 = arith.addf %mul3A_372, %add3A_375 : vector<16xf32>
      %max3A_377 = arith.constant 0.000000e+00 : f32
      %max3A_378 = vector.broadcast %max3A_377 : f32 to vector<16xf32>
      %max3A_379 = arith.maximumf %add3A_376, %max3A_378 : vector<16xf32>
      %slice3A_380 = vector.extract_strided_slice %get3A_40 {offsets = [0], sizes = [1], strides = [1]} : vector<16xf32> to vector<1xf32>
      %squeeze3A_381 = vector.extract %slice3A_380[0] : f32 from vector<1xf32>
      %mul3A_382 = vector.broadcast %squeeze3A_381 : f32 to vector<16xf32>
      %mul3A_383 = arith.mulf %max3A_379, %mul3A_382 : vector<16xf32>
      %add3A_384 = arith.addf %add3A_366, %mul3A_383 : vector<16xf32>
      %broadcast_in_dim3A_385 = arith.constant 17 : i32
      %broadcast_in_dim3A_386 = vector.broadcast %broadcast_in_dim3A_385 : i32 to vector<16xi32>
      %gather3A_387 = tpu.vector_load_idx %arg6[%add3A_72, %broadcast_in_dim3A_386] : memref<320x80xf32, #tpu.memory_space<vmem>>[vector<16xi32>, vector<16xi32>], vector<16xf32>,
      %gather3A_388 = tpu.vector_load_idx %arg7[%add3A_72, %broadcast_in_dim3A_386] : memref<320x80xf32, #tpu.memory_space<vmem>>[vector<16xi32>, vector<16xi32>], vector<16xf32>,
      %add3A_389 = arith.addf %gather3A_387, %gather3A_388 : vector<16xf32>
      %mul3A_390 = arith.mulf %add3A_389, %div3A_78 : vector<16xf32>
      %slice3A_391 = vector.extract_strided_slice %get3A_32 {offsets = [1], sizes = [1], strides = [1]} : vector<16xf32> to vector<1xf32>
      %squeeze3A_392 = vector.extract %slice3A_391[0] : f32 from vector<1xf32>
      %add3A_393 = vector.broadcast %squeeze3A_392 : f32 to vector<16xf32>
      %add3A_394 = arith.addf %mul3A_390, %add3A_393 : vector<16xf32>
      %max3A_395 = arith.constant 0.000000e+00 : f32
      %max3A_396 = vector.broadcast %max3A_395 : f32 to vector<16xf32>
      %max3A_397 = arith.maximumf %add3A_394, %max3A_396 : vector<16xf32>
      %slice3A_398 = vector.extract_strided_slice %get3A_40 {offsets = [1], sizes = [1], strides = [1]} : vector<16xf32> to vector<1xf32>
      %squeeze3A_399 = vector.extract %slice3A_398[0] : f32 from vector<1xf32>
      %mul3A_400 = vector.broadcast %squeeze3A_399 : f32 to vector<16xf32>
      %mul3A_401 = arith.mulf %max3A_397, %mul3A_400 : vector<16xf32>
      %add3A_402 = arith.addf %add3A_384, %mul3A_401 : vector<16xf32>
      %broadcast_in_dim3A_403 = arith.constant 18 : i32
      %broadcast_in_dim3A_404 = vector.broadcast %broadcast_in_dim3A_403 : i32 to vector<16xi32>
      %gather3A_405 = tpu.vector_load_idx %arg6[%add3A_72, %broadcast_in_dim3A_404] : memref<320x80xf32, #tpu.memory_space<vmem>>[vector<16xi32>, vector<16xi32>], vector<16xf32>,
      %gather3A_406 = tpu.vector_load_idx %arg7[%add3A_72, %broadcast_in_dim3A_404] : memref<320x80xf32, #tpu.memory_space<vmem>>[vector<16xi32>, vector<16xi32>], vector<16xf32>,
      %add3A_407 = arith.addf %gather3A_405, %gather3A_406 : vector<16xf32>
      %mul3A_408 = arith.mulf %add3A_407, %div3A_78 : vector<16xf32>
      %slice3A_409 = vector.extract_strided_slice %get3A_32 {offsets = [2], sizes = [1], strides = [1]} : vector<16xf32> to vector<1xf32>
      %squeeze3A_410 = vector.extract %slice3A_409[0] : f32 from vector<1xf32>
      %add3A_411 = vector.broadcast %squeeze3A_410 : f32 to vector<16xf32>
      %add3A_412 = arith.addf %mul3A_408, %add3A_411 : vector<16xf32>
      %max3A_413 = arith.constant 0.000000e+00 : f32
      %max3A_414 = vector.broadcast %max3A_413 : f32 to vector<16xf32>
      %max3A_415 = arith.maximumf %add3A_412, %max3A_414 : vector<16xf32>
      %slice3A_416 = vector.extract_strided_slice %get3A_40 {offsets = [2], sizes = [1], strides = [1]} : vector<16xf32> to vector<1xf32>
      %squeeze3A_417 = vector.extract %slice3A_416[0] : f32 from vector<1xf32>
      %mul3A_418 = vector.broadcast %squeeze3A_417 : f32 to vector<16xf32>
      %mul3A_419 = arith.mulf %max3A_415, %mul3A_418 : vector<16xf32>
      %add3A_420 = arith.addf %add3A_402, %mul3A_419 : vector<16xf32>
      %broadcast_in_dim3A_421 = arith.constant 19 : i32
      %broadcast_in_dim3A_422 = vector.broadcast %broadcast_in_dim3A_421 : i32 to vector<16xi32>
      %gather3A_423 = tpu.vector_load_idx %arg6[%add3A_72, %broadcast_in_dim3A_422] : memref<320x80xf32, #tpu.memory_space<vmem>>[vector<16xi32>, vector<16xi32>], vector<16xf32>,
      %gather3A_424 = tpu.vector_load_idx %arg7[%add3A_72, %broadcast_in_dim3A_422] : memref<320x80xf32, #tpu.memory_space<vmem>>[vector<16xi32>, vector<16xi32>], vector<16xf32>,
      %add3A_425 = arith.addf %gather3A_423, %gather3A_424 : vector<16xf32>
      %mul3A_426 = arith.mulf %add3A_425, %div3A_78 : vector<16xf32>
      %slice3A_427 = vector.extract_strided_slice %get3A_32 {offsets = [3], sizes = [1], strides = [1]} : vector<16xf32> to vector<1xf32>
      %squeeze3A_428 = vector.extract %slice3A_427[0] : f32 from vector<1xf32>
      %add3A_429 = vector.broadcast %squeeze3A_428 : f32 to vector<16xf32>
      %add3A_430 = arith.addf %mul3A_426, %add3A_429 : vector<16xf32>
      %max3A_431 = arith.constant 0.000000e+00 : f32
      %max3A_432 = vector.broadcast %max3A_431 : f32 to vector<16xf32>
      %max3A_433 = arith.maximumf %add3A_430, %max3A_432 : vector<16xf32>
      %slice3A_434 = vector.extract_strided_slice %get3A_40 {offsets = [3], sizes = [1], strides = [1]} : vector<16xf32> to vector<1xf32>
      %squeeze3A_435 = vector.extract %slice3A_434[0] : f32 from vector<1xf32>
      %mul3A_436 = vector.broadcast %squeeze3A_435 : f32 to vector<16xf32>
      %mul3A_437 = arith.mulf %max3A_433, %mul3A_436 : vector<16xf32>
      %add3A_438 = arith.addf %add3A_420, %mul3A_437 : vector<16xf32>
      %broadcast_in_dim3A_439 = arith.constant 20 : i32
      %broadcast_in_dim3A_440 = vector.broadcast %broadcast_in_dim3A_439 : i32 to vector<16xi32>
      %gather3A_441 = tpu.vector_load_idx %arg6[%add3A_72, %broadcast_in_dim3A_440] : memref<320x80xf32, #tpu.memory_space<vmem>>[vector<16xi32>, vector<16xi32>], vector<16xf32>,
      %gather3A_442 = tpu.vector_load_idx %arg7[%add3A_72, %broadcast_in_dim3A_440] : memref<320x80xf32, #tpu.memory_space<vmem>>[vector<16xi32>, vector<16xi32>], vector<16xf32>,
      %add3A_443 = arith.addf %gather3A_441, %gather3A_442 : vector<16xf32>
      %mul3A_444 = arith.mulf %add3A_443, %div3A_78 : vector<16xf32>
      %slice3A_445 = vector.extract_strided_slice %get3A_32 {offsets = [4], sizes = [1], strides = [1]} : vector<16xf32> to vector<1xf32>
      %squeeze3A_446 = vector.extract %slice3A_445[0] : f32 from vector<1xf32>
      %add3A_447 = vector.broadcast %squeeze3A_446 : f32 to vector<16xf32>
      %add3A_448 = arith.addf %mul3A_444, %add3A_447 : vector<16xf32>
      %max3A_449 = arith.constant 0.000000e+00 : f32
      %max3A_450 = vector.broadcast %max3A_449 : f32 to vector<16xf32>
      %max3A_451 = arith.maximumf %add3A_448, %max3A_450 : vector<16xf32>
      %slice3A_452 = vector.extract_strided_slice %get3A_40 {offsets = [4], sizes = [1], strides = [1]} : vector<16xf32> to vector<1xf32>
      %squeeze3A_453 = vector.extract %slice3A_452[0] : f32 from vector<1xf32>
      %mul3A_454 = vector.broadcast %squeeze3A_453 : f32 to vector<16xf32>
      %mul3A_455 = arith.mulf %max3A_451, %mul3A_454 : vector<16xf32>
      %add3A_456 = arith.addf %add3A_438, %mul3A_455 : vector<16xf32>
      %broadcast_in_dim3A_457 = arith.constant 21 : i32
      %broadcast_in_dim3A_458 = vector.broadcast %broadcast_in_dim3A_457 : i32 to vector<16xi32>
      %gather3A_459 = tpu.vector_load_idx %arg6[%add3A_72, %broadcast_in_dim3A_458] : memref<320x80xf32, #tpu.memory_space<vmem>>[vector<16xi32>, vector<16xi32>], vector<16xf32>,
      %gather3A_460 = tpu.vector_load_idx %arg7[%add3A_72, %broadcast_in_dim3A_458] : memref<320x80xf32, #tpu.memory_space<vmem>>[vector<16xi32>, vector<16xi32>], vector<16xf32>,
      %add3A_461 = arith.addf %gather3A_459, %gather3A_460 : vector<16xf32>
      %mul3A_462 = arith.mulf %add3A_461, %div3A_78 : vector<16xf32>
      %slice3A_463 = vector.extract_strided_slice %get3A_32 {offsets = [5], sizes = [1], strides = [1]} : vector<16xf32> to vector<1xf32>
      %squeeze3A_464 = vector.extract %slice3A_463[0] : f32 from vector<1xf32>
      %add3A_465 = vector.broadcast %squeeze3A_464 : f32 to vector<16xf32>
      %add3A_466 = arith.addf %mul3A_462, %add3A_465 : vector<16xf32>
      %max3A_467 = arith.constant 0.000000e+00 : f32
      %max3A_468 = vector.broadcast %max3A_467 : f32 to vector<16xf32>
      %max3A_469 = arith.maximumf %add3A_466, %max3A_468 : vector<16xf32>
      %slice3A_470 = vector.extract_strided_slice %get3A_40 {offsets = [5], sizes = [1], strides = [1]} : vector<16xf32> to vector<1xf32>
      %squeeze3A_471 = vector.extract %slice3A_470[0] : f32 from vector<1xf32>
      %mul3A_472 = vector.broadcast %squeeze3A_471 : f32 to vector<16xf32>
      %mul3A_473 = arith.mulf %max3A_469, %mul3A_472 : vector<16xf32>
      %add3A_474 = arith.addf %add3A_456, %mul3A_473 : vector<16xf32>
      %broadcast_in_dim3A_475 = arith.constant 22 : i32
      %broadcast_in_dim3A_476 = vector.broadcast %broadcast_in_dim3A_475 : i32 to vector<16xi32>
      %gather3A_477 = tpu.vector_load_idx %arg6[%add3A_72, %broadcast_in_dim3A_476] : memref<320x80xf32, #tpu.memory_space<vmem>>[vector<16xi32>, vector<16xi32>], vector<16xf32>,
      %gather3A_478 = tpu.vector_load_idx %arg7[%add3A_72, %broadcast_in_dim3A_476] : memref<320x80xf32, #tpu.memory_space<vmem>>[vector<16xi32>, vector<16xi32>], vector<16xf32>,
      %add3A_479 = arith.addf %gather3A_477, %gather3A_478 : vector<16xf32>
      %mul3A_480 = arith.mulf %add3A_479, %div3A_78 : vector<16xf32>
      %slice3A_481 = vector.extract_strided_slice %get3A_32 {offsets = [6], sizes = [1], strides = [1]} : vector<16xf32> to vector<1xf32>
      %squeeze3A_482 = vector.extract %slice3A_481[0] : f32 from vector<1xf32>
      %add3A_483 = vector.broadcast %squeeze3A_482 : f32 to vector<16xf32>
      %add3A_484 = arith.addf %mul3A_480, %add3A_483 : vector<16xf32>
      %max3A_485 = arith.constant 0.000000e+00 : f32
      %max3A_486 = vector.broadcast %max3A_485 : f32 to vector<16xf32>
      %max3A_487 = arith.maximumf %add3A_484, %max3A_486 : vector<16xf32>
      %slice3A_488 = vector.extract_strided_slice %get3A_40 {offsets = [6], sizes = [1], strides = [1]} : vector<16xf32> to vector<1xf32>
      %squeeze3A_489 = vector.extract %slice3A_488[0] : f32 from vector<1xf32>
      %mul3A_490 = vector.broadcast %squeeze3A_489 : f32 to vector<16xf32>
      %mul3A_491 = arith.mulf %max3A_487, %mul3A_490 : vector<16xf32>
      %add3A_492 = arith.addf %add3A_474, %mul3A_491 : vector<16xf32>
      %broadcast_in_dim3A_493 = arith.constant 23 : i32
      %broadcast_in_dim3A_494 = vector.broadcast %broadcast_in_dim3A_493 : i32 to vector<16xi32>
      %gather3A_495 = tpu.vector_load_idx %arg6[%add3A_72, %broadcast_in_dim3A_494] : memref<320x80xf32, #tpu.memory_space<vmem>>[vector<16xi32>, vector<16xi32>], vector<16xf32>,
      %gather3A_496 = tpu.vector_load_idx %arg7[%add3A_72, %broadcast_in_dim3A_494] : memref<320x80xf32, #tpu.memory_space<vmem>>[vector<16xi32>, vector<16xi32>], vector<16xf32>,
      %add3A_497 = arith.addf %gather3A_495, %gather3A_496 : vector<16xf32>
      %mul3A_498 = arith.mulf %add3A_497, %div3A_78 : vector<16xf32>
      %slice3A_499 = vector.extract_strided_slice %get3A_32 {offsets = [7], sizes = [1], strides = [1]} : vector<16xf32> to vector<1xf32>
      %squeeze3A_500 = vector.extract %slice3A_499[0] : f32 from vector<1xf32>
      %add3A_501 = vector.broadcast %squeeze3A_500 : f32 to vector<16xf32>
      %add3A_502 = arith.addf %mul3A_498, %add3A_501 : vector<16xf32>
      %max3A_503 = arith.constant 0.000000e+00 : f32
      %max3A_504 = vector.broadcast %max3A_503 : f32 to vector<16xf32>
      %max3A_505 = arith.maximumf %add3A_502, %max3A_504 : vector<16xf32>
      %slice3A_506 = vector.extract_strided_slice %get3A_40 {offsets = [7], sizes = [1], strides = [1]} : vector<16xf32> to vector<1xf32>
      %squeeze3A_507 = vector.extract %slice3A_506[0] : f32 from vector<1xf32>
      %mul3A_508 = vector.broadcast %squeeze3A_507 : f32 to vector<16xf32>
      %mul3A_509 = arith.mulf %max3A_505, %mul3A_508 : vector<16xf32>
      %add3A_510 = arith.addf %add3A_492, %mul3A_509 : vector<16xf32>
      %broadcast_in_dim3A_511 = arith.constant 24 : i32
      %broadcast_in_dim3A_512 = vector.broadcast %broadcast_in_dim3A_511 : i32 to vector<16xi32>
      %gather3A_513 = tpu.vector_load_idx %arg6[%add3A_72, %broadcast_in_dim3A_512] : memref<320x80xf32, #tpu.memory_space<vmem>>[vector<16xi32>, vector<16xi32>], vector<16xf32>,
      %gather3A_514 = tpu.vector_load_idx %arg7[%add3A_72, %broadcast_in_dim3A_512] : memref<320x80xf32, #tpu.memory_space<vmem>>[vector<16xi32>, vector<16xi32>], vector<16xf32>,
      %add3A_515 = arith.addf %gather3A_513, %gather3A_514 : vector<16xf32>
      %mul3A_516 = arith.mulf %add3A_515, %div3A_78 : vector<16xf32>
      %slice3A_517 = vector.extract_strided_slice %get3A_32 {offsets = [8], sizes = [1], strides = [1]} : vector<16xf32> to vector<1xf32>
      %squeeze3A_518 = vector.extract %slice3A_517[0] : f32 from vector<1xf32>
      %add3A_519 = vector.broadcast %squeeze3A_518 : f32 to vector<16xf32>
      %add3A_520 = arith.addf %mul3A_516, %add3A_519 : vector<16xf32>
      %max3A_521 = arith.constant 0.000000e+00 : f32
      %max3A_522 = vector.broadcast %max3A_521 : f32 to vector<16xf32>
      %max3A_523 = arith.maximumf %add3A_520, %max3A_522 : vector<16xf32>
      %slice3A_524 = vector.extract_strided_slice %get3A_40 {offsets = [8], sizes = [1], strides = [1]} : vector<16xf32> to vector<1xf32>
      %squeeze3A_525 = vector.extract %slice3A_524[0] : f32 from vector<1xf32>
      %mul3A_526 = vector.broadcast %squeeze3A_525 : f32 to vector<16xf32>
      %mul3A_527 = arith.mulf %max3A_523, %mul3A_526 : vector<16xf32>
      %add3A_528 = arith.addf %add3A_510, %mul3A_527 : vector<16xf32>
      %broadcast_in_dim3A_529 = arith.constant 25 : i32
      %broadcast_in_dim3A_530 = vector.broadcast %broadcast_in_dim3A_529 : i32 to vector<16xi32>
      %gather3A_531 = tpu.vector_load_idx %arg6[%add3A_72, %broadcast_in_dim3A_530] : memref<320x80xf32, #tpu.memory_space<vmem>>[vector<16xi32>, vector<16xi32>], vector<16xf32>,
      %gather3A_532 = tpu.vector_load_idx %arg7[%add3A_72, %broadcast_in_dim3A_530] : memref<320x80xf32, #tpu.memory_space<vmem>>[vector<16xi32>, vector<16xi32>], vector<16xf32>,
      %add3A_533 = arith.addf %gather3A_531, %gather3A_532 : vector<16xf32>
      %mul3A_534 = arith.mulf %add3A_533, %div3A_78 : vector<16xf32>
      %slice3A_535 = vector.extract_strided_slice %get3A_32 {offsets = [9], sizes = [1], strides = [1]} : vector<16xf32> to vector<1xf32>
      %squeeze3A_536 = vector.extract %slice3A_535[0] : f32 from vector<1xf32>
      %add3A_537 = vector.broadcast %squeeze3A_536 : f32 to vector<16xf32>
      %add3A_538 = arith.addf %mul3A_534, %add3A_537 : vector<16xf32>
      %max3A_539 = arith.constant 0.000000e+00 : f32
      %max3A_540 = vector.broadcast %max3A_539 : f32 to vector<16xf32>
      %max3A_541 = arith.maximumf %add3A_538, %max3A_540 : vector<16xf32>
      %slice3A_542 = vector.extract_strided_slice %get3A_40 {offsets = [9], sizes = [1], strides = [1]} : vector<16xf32> to vector<1xf32>
      %squeeze3A_543 = vector.extract %slice3A_542[0] : f32 from vector<1xf32>
      %mul3A_544 = vector.broadcast %squeeze3A_543 : f32 to vector<16xf32>
      %mul3A_545 = arith.mulf %max3A_541, %mul3A_544 : vector<16xf32>
      %add3A_546 = arith.addf %add3A_528, %mul3A_545 : vector<16xf32>
      %broadcast_in_dim3A_547 = arith.constant 26 : i32
      %broadcast_in_dim3A_548 = vector.broadcast %broadcast_in_dim3A_547 : i32 to vector<16xi32>
      %gather3A_549 = tpu.vector_load_idx %arg6[%add3A_72, %broadcast_in_dim3A_548] : memref<320x80xf32, #tpu.memory_space<vmem>>[vector<16xi32>, vector<16xi32>], vector<16xf32>,
      %gather3A_550 = tpu.vector_load_idx %arg7[%add3A_72, %broadcast_in_dim3A_548] : memref<320x80xf32, #tpu.memory_space<vmem>>[vector<16xi32>, vector<16xi32>], vector<16xf32>,
      %add3A_551 = arith.addf %gather3A_549, %gather3A_550 : vector<16xf32>
      %mul3A_552 = arith.mulf %add3A_551, %div3A_78 : vector<16xf32>
      %slice3A_553 = vector.extract_strided_slice %get3A_32 {offsets = [10], sizes = [1], strides = [1]} : vector<16xf32> to vector<1xf32>
      %squeeze3A_554 = vector.extract %slice3A_553[0] : f32 from vector<1xf32>
      %add3A_555 = vector.broadcast %squeeze3A_554 : f32 to vector<16xf32>
      %add3A_556 = arith.addf %mul3A_552, %add3A_555 : vector<16xf32>
      %max3A_557 = arith.constant 0.000000e+00 : f32
      %max3A_558 = vector.broadcast %max3A_557 : f32 to vector<16xf32>
      %max3A_559 = arith.maximumf %add3A_556, %max3A_558 : vector<16xf32>
      %slice3A_560 = vector.extract_strided_slice %get3A_40 {offsets = [10], sizes = [1], strides = [1]} : vector<16xf32> to vector<1xf32>
      %squeeze3A_561 = vector.extract %slice3A_560[0] : f32 from vector<1xf32>
      %mul3A_562 = vector.broadcast %squeeze3A_561 : f32 to vector<16xf32>
      %mul3A_563 = arith.mulf %max3A_559, %mul3A_562 : vector<16xf32>
      %add3A_564 = arith.addf %add3A_546, %mul3A_563 : vector<16xf32>
      %broadcast_in_dim3A_565 = arith.constant 27 : i32
      %broadcast_in_dim3A_566 = vector.broadcast %broadcast_in_dim3A_565 : i32 to vector<16xi32>
      %gather3A_567 = tpu.vector_load_idx %arg6[%add3A_72, %broadcast_in_dim3A_566] : memref<320x80xf32, #tpu.memory_space<vmem>>[vector<16xi32>, vector<16xi32>], vector<16xf32>,
      %gather3A_568 = tpu.vector_load_idx %arg7[%add3A_72, %broadcast_in_dim3A_566] : memref<320x80xf32, #tpu.memory_space<vmem>>[vector<16xi32>, vector<16xi32>], vector<16xf32>,
      %add3A_569 = arith.addf %gather3A_567, %gather3A_568 : vector<16xf32>
      %mul3A_570 = arith.mulf %add3A_569, %div3A_78 : vector<16xf32>
      %slice3A_571 = vector.extract_strided_slice %get3A_32 {offsets = [11], sizes = [1], strides = [1]} : vector<16xf32> to vector<1xf32>
      %squeeze3A_572 = vector.extract %slice3A_571[0] : f32 from vector<1xf32>
      %add3A_573 = vector.broadcast %squeeze3A_572 : f32 to vector<16xf32>
      %add3A_574 = arith.addf %mul3A_570, %add3A_573 : vector<16xf32>
      %max3A_575 = arith.constant 0.000000e+00 : f32
      %max3A_576 = vector.broadcast %max3A_575 : f32 to vector<16xf32>
      %max3A_577 = arith.maximumf %add3A_574, %max3A_576 : vector<16xf32>
      %slice3A_578 = vector.extract_strided_slice %get3A_40 {offsets = [11], sizes = [1], strides = [1]} : vector<16xf32> to vector<1xf32>
      %squeeze3A_579 = vector.extract %slice3A_578[0] : f32 from vector<1xf32>
      %mul3A_580 = vector.broadcast %squeeze3A_579 : f32 to vector<16xf32>
      %mul3A_581 = arith.mulf %max3A_577, %mul3A_580 : vector<16xf32>
      %add3A_582 = arith.addf %add3A_564, %mul3A_581 : vector<16xf32>
      %broadcast_in_dim3A_583 = arith.constant 28 : i32
      %broadcast_in_dim3A_584 = vector.broadcast %broadcast_in_dim3A_583 : i32 to vector<16xi32>
      %gather3A_585 = tpu.vector_load_idx %arg6[%add3A_72, %broadcast_in_dim3A_584] : memref<320x80xf32, #tpu.memory_space<vmem>>[vector<16xi32>, vector<16xi32>], vector<16xf32>,
      %gather3A_586 = tpu.vector_load_idx %arg7[%add3A_72, %broadcast_in_dim3A_584] : memref<320x80xf32, #tpu.memory_space<vmem>>[vector<16xi32>, vector<16xi32>], vector<16xf32>,
      %add3A_587 = arith.addf %gather3A_585, %gather3A_586 : vector<16xf32>
      %mul3A_588 = arith.mulf %add3A_587, %div3A_78 : vector<16xf32>
      %slice3A_589 = vector.extract_strided_slice %get3A_32 {offsets = [12], sizes = [1], strides = [1]} : vector<16xf32> to vector<1xf32>
      %squeeze3A_590 = vector.extract %slice3A_589[0] : f32 from vector<1xf32>
      %add3A_591 = vector.broadcast %squeeze3A_590 : f32 to vector<16xf32>
      %add3A_592 = arith.addf %mul3A_588, %add3A_591 : vector<16xf32>
      %max3A_593 = arith.constant 0.000000e+00 : f32
      %max3A_594 = vector.broadcast %max3A_593 : f32 to vector<16xf32>
      %max3A_595 = arith.maximumf %add3A_592, %max3A_594 : vector<16xf32>
      %slice3A_596 = vector.extract_strided_slice %get3A_40 {offsets = [12], sizes = [1], strides = [1]} : vector<16xf32> to vector<1xf32>
      %squeeze3A_597 = vector.extract %slice3A_596[0] : f32 from vector<1xf32>
      %mul3A_598 = vector.broadcast %squeeze3A_597 : f32 to vector<16xf32>
      %mul3A_599 = arith.mulf %max3A_595, %mul3A_598 : vector<16xf32>
      %add3A_600 = arith.addf %add3A_582, %mul3A_599 : vector<16xf32>
      %broadcast_in_dim3A_601 = arith.constant 29 : i32
      %broadcast_in_dim3A_602 = vector.broadcast %broadcast_in_dim3A_601 : i32 to vector<16xi32>
      %gather3A_603 = tpu.vector_load_idx %arg6[%add3A_72, %broadcast_in_dim3A_602] : memref<320x80xf32, #tpu.memory_space<vmem>>[vector<16xi32>, vector<16xi32>], vector<16xf32>,
      %gather3A_604 = tpu.vector_load_idx %arg7[%add3A_72, %broadcast_in_dim3A_602] : memref<320x80xf32, #tpu.memory_space<vmem>>[vector<16xi32>, vector<16xi32>], vector<16xf32>,
      %add3A_605 = arith.addf %gather3A_603, %gather3A_604 : vector<16xf32>
      %mul3A_606 = arith.mulf %add3A_605, %div3A_78 : vector<16xf32>
      %slice3A_607 = vector.extract_strided_slice %get3A_32 {offsets = [13], sizes = [1], strides = [1]} : vector<16xf32> to vector<1xf32>
      %squeeze3A_608 = vector.extract %slice3A_607[0] : f32 from vector<1xf32>
      %add3A_609 = vector.broadcast %squeeze3A_608 : f32 to vector<16xf32>
      %add3A_610 = arith.addf %mul3A_606, %add3A_609 : vector<16xf32>
      %max3A_611 = arith.constant 0.000000e+00 : f32
      %max3A_612 = vector.broadcast %max3A_611 : f32 to vector<16xf32>
      %max3A_613 = arith.maximumf %add3A_610, %max3A_612 : vector<16xf32>
      %slice3A_614 = vector.extract_strided_slice %get3A_40 {offsets = [13], sizes = [1], strides = [1]} : vector<16xf32> to vector<1xf32>
      %squeeze3A_615 = vector.extract %slice3A_614[0] : f32 from vector<1xf32>
      %mul3A_616 = vector.broadcast %squeeze3A_615 : f32 to vector<16xf32>
      %mul3A_617 = arith.mulf %max3A_613, %mul3A_616 : vector<16xf32>
      %add3A_618 = arith.addf %add3A_600, %mul3A_617 : vector<16xf32>
      %broadcast_in_dim3A_619 = arith.constant 30 : i32
      %broadcast_in_dim3A_620 = vector.broadcast %broadcast_in_dim3A_619 : i32 to vector<16xi32>
      %gather3A_621 = tpu.vector_load_idx %arg6[%add3A_72, %broadcast_in_dim3A_620] : memref<320x80xf32, #tpu.memory_space<vmem>>[vector<16xi32>, vector<16xi32>], vector<16xf32>,
      %gather3A_622 = tpu.vector_load_idx %arg7[%add3A_72, %broadcast_in_dim3A_620] : memref<320x80xf32, #tpu.memory_space<vmem>>[vector<16xi32>, vector<16xi32>], vector<16xf32>,
      %add3A_623 = arith.addf %gather3A_621, %gather3A_622 : vector<16xf32>
      %mul3A_624 = arith.mulf %add3A_623, %div3A_78 : vector<16xf32>
      %slice3A_625 = vector.extract_strided_slice %get3A_32 {offsets = [14], sizes = [1], strides = [1]} : vector<16xf32> to vector<1xf32>
      %squeeze3A_626 = vector.extract %slice3A_625[0] : f32 from vector<1xf32>
      %add3A_627 = vector.broadcast %squeeze3A_626 : f32 to vector<16xf32>
      %add3A_628 = arith.addf %mul3A_624, %add3A_627 : vector<16xf32>
      %max3A_629 = arith.constant 0.000000e+00 : f32
      %max3A_630 = vector.broadcast %max3A_629 : f32 to vector<16xf32>
      %max3A_631 = arith.maximumf %add3A_628, %max3A_630 : vector<16xf32>
      %slice3A_632 = vector.extract_strided_slice %get3A_40 {offsets = [14], sizes = [1], strides = [1]} : vector<16xf32> to vector<1xf32>
      %squeeze3A_633 = vector.extract %slice3A_632[0] : f32 from vector<1xf32>
      %mul3A_634 = vector.broadcast %squeeze3A_633 : f32 to vector<16xf32>
      %mul3A_635 = arith.mulf %max3A_631, %mul3A_634 : vector<16xf32>
      %add3A_636 = arith.addf %add3A_618, %mul3A_635 : vector<16xf32>
      %broadcast_in_dim3A_637 = arith.constant 31 : i32
      %broadcast_in_dim3A_638 = vector.broadcast %broadcast_in_dim3A_637 : i32 to vector<16xi32>
      %gather3A_639 = tpu.vector_load_idx %arg6[%add3A_72, %broadcast_in_dim3A_638] : memref<320x80xf32, #tpu.memory_space<vmem>>[vector<16xi32>, vector<16xi32>], vector<16xf32>,
      %gather3A_640 = tpu.vector_load_idx %arg7[%add3A_72, %broadcast_in_dim3A_638] : memref<320x80xf32, #tpu.memory_space<vmem>>[vector<16xi32>, vector<16xi32>], vector<16xf32>,
      %add3A_641 = arith.addf %gather3A_639, %gather3A_640 : vector<16xf32>
      %mul3A_642 = arith.mulf %add3A_641, %div3A_78 : vector<16xf32>
      %slice3A_643 = vector.extract_strided_slice %get3A_32 {offsets = [15], sizes = [1], strides = [1]} : vector<16xf32> to vector<1xf32>
      %squeeze3A_644 = vector.extract %slice3A_643[0] : f32 from vector<1xf32>
      %add3A_645 = vector.broadcast %squeeze3A_644 : f32 to vector<16xf32>
      %add3A_646 = arith.addf %mul3A_642, %add3A_645 : vector<16xf32>
      %max3A_647 = arith.constant 0.000000e+00 : f32
      %max3A_648 = vector.broadcast %max3A_647 : f32 to vector<16xf32>
      %max3A_649 = arith.maximumf %add3A_646, %max3A_648 : vector<16xf32>
      %slice3A_650 = vector.extract_strided_slice %get3A_40 {offsets = [15], sizes = [1], strides = [1]} : vector<16xf32> to vector<1xf32>
      %squeeze3A_651 = vector.extract %slice3A_650[0] : f32 from vector<1xf32>
      %mul3A_652 = vector.broadcast %squeeze3A_651 : f32 to vector<16xf32>
      %mul3A_653 = arith.mulf %max3A_649, %mul3A_652 : vector<16xf32>
      %add3A_654 = arith.addf %add3A_636, %mul3A_653 : vector<16xf32>
      %broadcast_in_dim3A_655 = arith.constant 32 : i32
      %broadcast_in_dim3A_656 = vector.broadcast %broadcast_in_dim3A_655 : i32 to vector<16xi32>
      %gather3A_657 = tpu.vector_load_idx %arg6[%add3A_72, %broadcast_in_dim3A_656] : memref<320x80xf32, #tpu.memory_space<vmem>>[vector<16xi32>, vector<16xi32>], vector<16xf32>,
      %gather3A_658 = tpu.vector_load_idx %arg7[%add3A_72, %broadcast_in_dim3A_656] : memref<320x80xf32, #tpu.memory_space<vmem>>[vector<16xi32>, vector<16xi32>], vector<16xf32>,
      %add3A_659 = arith.addf %gather3A_657, %gather3A_658 : vector<16xf32>
      %mul3A_660 = arith.mulf %add3A_659, %div3A_78 : vector<16xf32>
      %slice3A_661 = vector.extract_strided_slice %get3A_34 {offsets = [0], sizes = [1], strides = [1]} : vector<16xf32> to vector<1xf32>
      %squeeze3A_662 = vector.extract %slice3A_661[0] : f32 from vector<1xf32>
      %add3A_663 = vector.broadcast %squeeze3A_662 : f32 to vector<16xf32>
      %add3A_664 = arith.addf %mul3A_660, %add3A_663 : vector<16xf32>
      %max3A_665 = arith.constant 0.000000e+00 : f32
      %max3A_666 = vector.broadcast %max3A_665 : f32 to vector<16xf32>
      %max3A_667 = arith.maximumf %add3A_664, %max3A_666 : vector<16xf32>
      %slice3A_668 = vector.extract_strided_slice %get3A_42 {offsets = [0], sizes = [1], strides = [1]} : vector<16xf32> to vector<1xf32>
      %squeeze3A_669 = vector.extract %slice3A_668[0] : f32 from vector<1xf32>
      %mul3A_670 = vector.broadcast %squeeze3A_669 : f32 to vector<16xf32>
      %mul3A_671 = arith.mulf %max3A_667, %mul3A_670 : vector<16xf32>
      %add3A_672 = arith.addf %add3A_654, %mul3A_671 : vector<16xf32>
      %broadcast_in_dim3A_673 = arith.constant 33 : i32
      %broadcast_in_dim3A_674 = vector.broadcast %broadcast_in_dim3A_673 : i32 to vector<16xi32>
      %gather3A_675 = tpu.vector_load_idx %arg6[%add3A_72, %broadcast_in_dim3A_674] : memref<320x80xf32, #tpu.memory_space<vmem>>[vector<16xi32>, vector<16xi32>], vector<16xf32>,
      %gather3A_676 = tpu.vector_load_idx %arg7[%add3A_72, %broadcast_in_dim3A_674] : memref<320x80xf32, #tpu.memory_space<vmem>>[vector<16xi32>, vector<16xi32>], vector<16xf32>,
      %add3A_677 = arith.addf %gather3A_675, %gather3A_676 : vector<16xf32>
      %mul3A_678 = arith.mulf %add3A_677, %div3A_78 : vector<16xf32>
      %slice3A_679 = vector.extract_strided_slice %get3A_34 {offsets = [1], sizes = [1], strides = [1]} : vector<16xf32> to vector<1xf32>
      %squeeze3A_680 = vector.extract %slice3A_679[0] : f32 from vector<1xf32>
      %add3A_681 = vector.broadcast %squeeze3A_680 : f32 to vector<16xf32>
      %add3A_682 = arith.addf %mul3A_678, %add3A_681 : vector<16xf32>
      %max3A_683 = arith.constant 0.000000e+00 : f32
      %max3A_684 = vector.broadcast %max3A_683 : f32 to vector<16xf32>
      %max3A_685 = arith.maximumf %add3A_682, %max3A_684 : vector<16xf32>
      %slice3A_686 = vector.extract_strided_slice %get3A_42 {offsets = [1], sizes = [1], strides = [1]} : vector<16xf32> to vector<1xf32>
      %squeeze3A_687 = vector.extract %slice3A_686[0] : f32 from vector<1xf32>
      %mul3A_688 = vector.broadcast %squeeze3A_687 : f32 to vector<16xf32>
      %mul3A_689 = arith.mulf %max3A_685, %mul3A_688 : vector<16xf32>
      %add3A_690 = arith.addf %add3A_672, %mul3A_689 : vector<16xf32>
      %broadcast_in_dim3A_691 = arith.constant 34 : i32
      %broadcast_in_dim3A_692 = vector.broadcast %broadcast_in_dim3A_691 : i32 to vector<16xi32>
      %gather3A_693 = tpu.vector_load_idx %arg6[%add3A_72, %broadcast_in_dim3A_692] : memref<320x80xf32, #tpu.memory_space<vmem>>[vector<16xi32>, vector<16xi32>], vector<16xf32>,
      %gather3A_694 = tpu.vector_load_idx %arg7[%add3A_72, %broadcast_in_dim3A_692] : memref<320x80xf32, #tpu.memory_space<vmem>>[vector<16xi32>, vector<16xi32>], vector<16xf32>,
      %add3A_695 = arith.addf %gather3A_693, %gather3A_694 : vector<16xf32>
      %mul3A_696 = arith.mulf %add3A_695, %div3A_78 : vector<16xf32>
      %slice3A_697 = vector.extract_strided_slice %get3A_34 {offsets = [2], sizes = [1], strides = [1]} : vector<16xf32> to vector<1xf32>
      %squeeze3A_698 = vector.extract %slice3A_697[0] : f32 from vector<1xf32>
      %add3A_699 = vector.broadcast %squeeze3A_698 : f32 to vector<16xf32>
      %add3A_700 = arith.addf %mul3A_696, %add3A_699 : vector<16xf32>
      %max3A_701 = arith.constant 0.000000e+00 : f32
      %max3A_702 = vector.broadcast %max3A_701 : f32 to vector<16xf32>
      %max3A_703 = arith.maximumf %add3A_700, %max3A_702 : vector<16xf32>
      %slice3A_704 = vector.extract_strided_slice %get3A_42 {offsets = [2], sizes = [1], strides = [1]} : vector<16xf32> to vector<1xf32>
      %squeeze3A_705 = vector.extract %slice3A_704[0] : f32 from vector<1xf32>
      %mul3A_706 = vector.broadcast %squeeze3A_705 : f32 to vector<16xf32>
      %mul3A_707 = arith.mulf %max3A_703, %mul3A_706 : vector<16xf32>
      %add3A_708 = arith.addf %add3A_690, %mul3A_707 : vector<16xf32>
      %broadcast_in_dim3A_709 = arith.constant 35 : i32
      %broadcast_in_dim3A_710 = vector.broadcast %broadcast_in_dim3A_709 : i32 to vector<16xi32>
      %gather3A_711 = tpu.vector_load_idx %arg6[%add3A_72, %broadcast_in_dim3A_710] : memref<320x80xf32, #tpu.memory_space<vmem>>[vector<16xi32>, vector<16xi32>], vector<16xf32>,
      %gather3A_712 = tpu.vector_load_idx %arg7[%add3A_72, %broadcast_in_dim3A_710] : memref<320x80xf32, #tpu.memory_space<vmem>>[vector<16xi32>, vector<16xi32>], vector<16xf32>,
      %add3A_713 = arith.addf %gather3A_711, %gather3A_712 : vector<16xf32>
      %mul3A_714 = arith.mulf %add3A_713, %div3A_78 : vector<16xf32>
      %slice3A_715 = vector.extract_strided_slice %get3A_34 {offsets = [3], sizes = [1], strides = [1]} : vector<16xf32> to vector<1xf32>
      %squeeze3A_716 = vector.extract %slice3A_715[0] : f32 from vector<1xf32>
      %add3A_717 = vector.broadcast %squeeze3A_716 : f32 to vector<16xf32>
      %add3A_718 = arith.addf %mul3A_714, %add3A_717 : vector<16xf32>
      %max3A_719 = arith.constant 0.000000e+00 : f32
      %max3A_720 = vector.broadcast %max3A_719 : f32 to vector<16xf32>
      %max3A_721 = arith.maximumf %add3A_718, %max3A_720 : vector<16xf32>
      %slice3A_722 = vector.extract_strided_slice %get3A_42 {offsets = [3], sizes = [1], strides = [1]} : vector<16xf32> to vector<1xf32>
      %squeeze3A_723 = vector.extract %slice3A_722[0] : f32 from vector<1xf32>
      %mul3A_724 = vector.broadcast %squeeze3A_723 : f32 to vector<16xf32>
      %mul3A_725 = arith.mulf %max3A_721, %mul3A_724 : vector<16xf32>
      %add3A_726 = arith.addf %add3A_708, %mul3A_725 : vector<16xf32>
      %broadcast_in_dim3A_727 = arith.constant 36 : i32
      %broadcast_in_dim3A_728 = vector.broadcast %broadcast_in_dim3A_727 : i32 to vector<16xi32>
      %gather3A_729 = tpu.vector_load_idx %arg6[%add3A_72, %broadcast_in_dim3A_728] : memref<320x80xf32, #tpu.memory_space<vmem>>[vector<16xi32>, vector<16xi32>], vector<16xf32>,
      %gather3A_730 = tpu.vector_load_idx %arg7[%add3A_72, %broadcast_in_dim3A_728] : memref<320x80xf32, #tpu.memory_space<vmem>>[vector<16xi32>, vector<16xi32>], vector<16xf32>,
      %add3A_731 = arith.addf %gather3A_729, %gather3A_730 : vector<16xf32>
      %mul3A_732 = arith.mulf %add3A_731, %div3A_78 : vector<16xf32>
      %slice3A_733 = vector.extract_strided_slice %get3A_34 {offsets = [4], sizes = [1], strides = [1]} : vector<16xf32> to vector<1xf32>
      %squeeze3A_734 = vector.extract %slice3A_733[0] : f32 from vector<1xf32>
      %add3A_735 = vector.broadcast %squeeze3A_734 : f32 to vector<16xf32>
      %add3A_736 = arith.addf %mul3A_732, %add3A_735 : vector<16xf32>
      %max3A_737 = arith.constant 0.000000e+00 : f32
      %max3A_738 = vector.broadcast %max3A_737 : f32 to vector<16xf32>
      %max3A_739 = arith.maximumf %add3A_736, %max3A_738 : vector<16xf32>
      %slice3A_740 = vector.extract_strided_slice %get3A_42 {offsets = [4], sizes = [1], strides = [1]} : vector<16xf32> to vector<1xf32>
      %squeeze3A_741 = vector.extract %slice3A_740[0] : f32 from vector<1xf32>
      %mul3A_742 = vector.broadcast %squeeze3A_741 : f32 to vector<16xf32>
      %mul3A_743 = arith.mulf %max3A_739, %mul3A_742 : vector<16xf32>
      %add3A_744 = arith.addf %add3A_726, %mul3A_743 : vector<16xf32>
      %broadcast_in_dim3A_745 = arith.constant 37 : i32
      %broadcast_in_dim3A_746 = vector.broadcast %broadcast_in_dim3A_745 : i32 to vector<16xi32>
      %gather3A_747 = tpu.vector_load_idx %arg6[%add3A_72, %broadcast_in_dim3A_746] : memref<320x80xf32, #tpu.memory_space<vmem>>[vector<16xi32>, vector<16xi32>], vector<16xf32>,
      %gather3A_748 = tpu.vector_load_idx %arg7[%add3A_72, %broadcast_in_dim3A_746] : memref<320x80xf32, #tpu.memory_space<vmem>>[vector<16xi32>, vector<16xi32>], vector<16xf32>,
      %add3A_749 = arith.addf %gather3A_747, %gather3A_748 : vector<16xf32>
      %mul3A_750 = arith.mulf %add3A_749, %div3A_78 : vector<16xf32>
      %slice3A_751 = vector.extract_strided_slice %get3A_34 {offsets = [5], sizes = [1], strides = [1]} : vector<16xf32> to vector<1xf32>
      %squeeze3A_752 = vector.extract %slice3A_751[0] : f32 from vector<1xf32>
      %add3A_753 = vector.broadcast %squeeze3A_752 : f32 to vector<16xf32>
      %add3A_754 = arith.addf %mul3A_750, %add3A_753 : vector<16xf32>
      %max3A_755 = arith.constant 0.000000e+00 : f32
      %max3A_756 = vector.broadcast %max3A_755 : f32 to vector<16xf32>
      %max3A_757 = arith.maximumf %add3A_754, %max3A_756 : vector<16xf32>
      %slice3A_758 = vector.extract_strided_slice %get3A_42 {offsets = [5], sizes = [1], strides = [1]} : vector<16xf32> to vector<1xf32>
      %squeeze3A_759 = vector.extract %slice3A_758[0] : f32 from vector<1xf32>
      %mul3A_760 = vector.broadcast %squeeze3A_759 : f32 to vector<16xf32>
      %mul3A_761 = arith.mulf %max3A_757, %mul3A_760 : vector<16xf32>
      %add3A_762 = arith.addf %add3A_744, %mul3A_761 : vector<16xf32>
      %broadcast_in_dim3A_763 = arith.constant 38 : i32
      %broadcast_in_dim3A_764 = vector.broadcast %broadcast_in_dim3A_763 : i32 to vector<16xi32>
      %gather3A_765 = tpu.vector_load_idx %arg6[%add3A_72, %broadcast_in_dim3A_764] : memref<320x80xf32, #tpu.memory_space<vmem>>[vector<16xi32>, vector<16xi32>], vector<16xf32>,
      %gather3A_766 = tpu.vector_load_idx %arg7[%add3A_72, %broadcast_in_dim3A_764] : memref<320x80xf32, #tpu.memory_space<vmem>>[vector<16xi32>, vector<16xi32>], vector<16xf32>,
      %add3A_767 = arith.addf %gather3A_765, %gather3A_766 : vector<16xf32>
      %mul3A_768 = arith.mulf %add3A_767, %div3A_78 : vector<16xf32>
      %slice3A_769 = vector.extract_strided_slice %get3A_34 {offsets = [6], sizes = [1], strides = [1]} : vector<16xf32> to vector<1xf32>
      %squeeze3A_770 = vector.extract %slice3A_769[0] : f32 from vector<1xf32>
      %add3A_771 = vector.broadcast %squeeze3A_770 : f32 to vector<16xf32>
      %add3A_772 = arith.addf %mul3A_768, %add3A_771 : vector<16xf32>
      %max3A_773 = arith.constant 0.000000e+00 : f32
      %max3A_774 = vector.broadcast %max3A_773 : f32 to vector<16xf32>
      %max3A_775 = arith.maximumf %add3A_772, %max3A_774 : vector<16xf32>
      %slice3A_776 = vector.extract_strided_slice %get3A_42 {offsets = [6], sizes = [1], strides = [1]} : vector<16xf32> to vector<1xf32>
      %squeeze3A_777 = vector.extract %slice3A_776[0] : f32 from vector<1xf32>
      %mul3A_778 = vector.broadcast %squeeze3A_777 : f32 to vector<16xf32>
      %mul3A_779 = arith.mulf %max3A_775, %mul3A_778 : vector<16xf32>
      %add3A_780 = arith.addf %add3A_762, %mul3A_779 : vector<16xf32>
      %broadcast_in_dim3A_781 = arith.constant 39 : i32
      %broadcast_in_dim3A_782 = vector.broadcast %broadcast_in_dim3A_781 : i32 to vector<16xi32>
      %gather3A_783 = tpu.vector_load_idx %arg6[%add3A_72, %broadcast_in_dim3A_782] : memref<320x80xf32, #tpu.memory_space<vmem>>[vector<16xi32>, vector<16xi32>], vector<16xf32>,
      %gather3A_784 = tpu.vector_load_idx %arg7[%add3A_72, %broadcast_in_dim3A_782] : memref<320x80xf32, #tpu.memory_space<vmem>>[vector<16xi32>, vector<16xi32>], vector<16xf32>,
      %add3A_785 = arith.addf %gather3A_783, %gather3A_784 : vector<16xf32>
      %mul3A_786 = arith.mulf %add3A_785, %div3A_78 : vector<16xf32>
      %slice3A_787 = vector.extract_strided_slice %get3A_34 {offsets = [7], sizes = [1], strides = [1]} : vector<16xf32> to vector<1xf32>
      %squeeze3A_788 = vector.extract %slice3A_787[0] : f32 from vector<1xf32>
      %add3A_789 = vector.broadcast %squeeze3A_788 : f32 to vector<16xf32>
      %add3A_790 = arith.addf %mul3A_786, %add3A_789 : vector<16xf32>
      %max3A_791 = arith.constant 0.000000e+00 : f32
      %max3A_792 = vector.broadcast %max3A_791 : f32 to vector<16xf32>
      %max3A_793 = arith.maximumf %add3A_790, %max3A_792 : vector<16xf32>
      %slice3A_794 = vector.extract_strided_slice %get3A_42 {offsets = [7], sizes = [1], strides = [1]} : vector<16xf32> to vector<1xf32>
      %squeeze3A_795 = vector.extract %slice3A_794[0] : f32 from vector<1xf32>
      %mul3A_796 = vector.broadcast %squeeze3A_795 : f32 to vector<16xf32>
      %mul3A_797 = arith.mulf %max3A_793, %mul3A_796 : vector<16xf32>
      %add3A_798 = arith.addf %add3A_780, %mul3A_797 : vector<16xf32>
      %broadcast_in_dim3A_799 = arith.constant 40 : i32
      %broadcast_in_dim3A_800 = vector.broadcast %broadcast_in_dim3A_799 : i32 to vector<16xi32>
      %gather3A_801 = tpu.vector_load_idx %arg6[%add3A_72, %broadcast_in_dim3A_800] : memref<320x80xf32, #tpu.memory_space<vmem>>[vector<16xi32>, vector<16xi32>], vector<16xf32>,
      %gather3A_802 = tpu.vector_load_idx %arg7[%add3A_72, %broadcast_in_dim3A_800] : memref<320x80xf32, #tpu.memory_space<vmem>>[vector<16xi32>, vector<16xi32>], vector<16xf32>,
      %add3A_803 = arith.addf %gather3A_801, %gather3A_802 : vector<16xf32>
      %mul3A_804 = arith.mulf %add3A_803, %div3A_78 : vector<16xf32>
      %slice3A_805 = vector.extract_strided_slice %get3A_34 {offsets = [8], sizes = [1], strides = [1]} : vector<16xf32> to vector<1xf32>
      %squeeze3A_806 = vector.extract %slice3A_805[0] : f32 from vector<1xf32>
      %add3A_807 = vector.broadcast %squeeze3A_806 : f32 to vector<16xf32>
      %add3A_808 = arith.addf %mul3A_804, %add3A_807 : vector<16xf32>
      %max3A_809 = arith.constant 0.000000e+00 : f32
      %max3A_810 = vector.broadcast %max3A_809 : f32 to vector<16xf32>
      %max3A_811 = arith.maximumf %add3A_808, %max3A_810 : vector<16xf32>
      %slice3A_812 = vector.extract_strided_slice %get3A_42 {offsets = [8], sizes = [1], strides = [1]} : vector<16xf32> to vector<1xf32>
      %squeeze3A_813 = vector.extract %slice3A_812[0] : f32 from vector<1xf32>
      %mul3A_814 = vector.broadcast %squeeze3A_813 : f32 to vector<16xf32>
      %mul3A_815 = arith.mulf %max3A_811, %mul3A_814 : vector<16xf32>
      %add3A_816 = arith.addf %add3A_798, %mul3A_815 : vector<16xf32>
      %broadcast_in_dim3A_817 = arith.constant 41 : i32
      %broadcast_in_dim3A_818 = vector.broadcast %broadcast_in_dim3A_817 : i32 to vector<16xi32>
      %gather3A_819 = tpu.vector_load_idx %arg6[%add3A_72, %broadcast_in_dim3A_818] : memref<320x80xf32, #tpu.memory_space<vmem>>[vector<16xi32>, vector<16xi32>], vector<16xf32>,
      %gather3A_820 = tpu.vector_load_idx %arg7[%add3A_72, %broadcast_in_dim3A_818] : memref<320x80xf32, #tpu.memory_space<vmem>>[vector<16xi32>, vector<16xi32>], vector<16xf32>,
      %add3A_821 = arith.addf %gather3A_819, %gather3A_820 : vector<16xf32>
      %mul3A_822 = arith.mulf %add3A_821, %div3A_78 : vector<16xf32>
      %slice3A_823 = vector.extract_strided_slice %get3A_34 {offsets = [9], sizes = [1], strides = [1]} : vector<16xf32> to vector<1xf32>
      %squeeze3A_824 = vector.extract %slice3A_823[0] : f32 from vector<1xf32>
      %add3A_825 = vector.broadcast %squeeze3A_824 : f32 to vector<16xf32>
      %add3A_826 = arith.addf %mul3A_822, %add3A_825 : vector<16xf32>
      %max3A_827 = arith.constant 0.000000e+00 : f32
      %max3A_828 = vector.broadcast %max3A_827 : f32 to vector<16xf32>
      %max3A_829 = arith.maximumf %add3A_826, %max3A_828 : vector<16xf32>
      %slice3A_830 = vector.extract_strided_slice %get3A_42 {offsets = [9], sizes = [1], strides = [1]} : vector<16xf32> to vector<1xf32>
      %squeeze3A_831 = vector.extract %slice3A_830[0] : f32 from vector<1xf32>
      %mul3A_832 = vector.broadcast %squeeze3A_831 : f32 to vector<16xf32>
      %mul3A_833 = arith.mulf %max3A_829, %mul3A_832 : vector<16xf32>
      %add3A_834 = arith.addf %add3A_816, %mul3A_833 : vector<16xf32>
      %broadcast_in_dim3A_835 = arith.constant 42 : i32
      %broadcast_in_dim3A_836 = vector.broadcast %broadcast_in_dim3A_835 : i32 to vector<16xi32>
      %gather3A_837 = tpu.vector_load_idx %arg6[%add3A_72, %broadcast_in_dim3A_836] : memref<320x80xf32, #tpu.memory_space<vmem>>[vector<16xi32>, vector<16xi32>], vector<16xf32>,
      %gather3A_838 = tpu.vector_load_idx %arg7[%add3A_72, %broadcast_in_dim3A_836] : memref<320x80xf32, #tpu.memory_space<vmem>>[vector<16xi32>, vector<16xi32>], vector<16xf32>,
      %add3A_839 = arith.addf %gather3A_837, %gather3A_838 : vector<16xf32>
      %mul3A_840 = arith.mulf %add3A_839, %div3A_78 : vector<16xf32>
      %slice3A_841 = vector.extract_strided_slice %get3A_34 {offsets = [10], sizes = [1], strides = [1]} : vector<16xf32> to vector<1xf32>
      %squeeze3A_842 = vector.extract %slice3A_841[0] : f32 from vector<1xf32>
      %add3A_843 = vector.broadcast %squeeze3A_842 : f32 to vector<16xf32>
      %add3A_844 = arith.addf %mul3A_840, %add3A_843 : vector<16xf32>
      %max3A_845 = arith.constant 0.000000e+00 : f32
      %max3A_846 = vector.broadcast %max3A_845 : f32 to vector<16xf32>
      %max3A_847 = arith.maximumf %add3A_844, %max3A_846 : vector<16xf32>
      %slice3A_848 = vector.extract_strided_slice %get3A_42 {offsets = [10], sizes = [1], strides = [1]} : vector<16xf32> to vector<1xf32>
      %squeeze3A_849 = vector.extract %slice3A_848[0] : f32 from vector<1xf32>
      %mul3A_850 = vector.broadcast %squeeze3A_849 : f32 to vector<16xf32>
      %mul3A_851 = arith.mulf %max3A_847, %mul3A_850 : vector<16xf32>
      %add3A_852 = arith.addf %add3A_834, %mul3A_851 : vector<16xf32>
      %broadcast_in_dim3A_853 = arith.constant 43 : i32
      %broadcast_in_dim3A_854 = vector.broadcast %broadcast_in_dim3A_853 : i32 to vector<16xi32>
      %gather3A_855 = tpu.vector_load_idx %arg6[%add3A_72, %broadcast_in_dim3A_854] : memref<320x80xf32, #tpu.memory_space<vmem>>[vector<16xi32>, vector<16xi32>], vector<16xf32>,
      %gather3A_856 = tpu.vector_load_idx %arg7[%add3A_72, %broadcast_in_dim3A_854] : memref<320x80xf32, #tpu.memory_space<vmem>>[vector<16xi32>, vector<16xi32>], vector<16xf32>,
      %add3A_857 = arith.addf %gather3A_855, %gather3A_856 : vector<16xf32>
      %mul3A_858 = arith.mulf %add3A_857, %div3A_78 : vector<16xf32>
      %slice3A_859 = vector.extract_strided_slice %get3A_34 {offsets = [11], sizes = [1], strides = [1]} : vector<16xf32> to vector<1xf32>
      %squeeze3A_860 = vector.extract %slice3A_859[0] : f32 from vector<1xf32>
      %add3A_861 = vector.broadcast %squeeze3A_860 : f32 to vector<16xf32>
      %add3A_862 = arith.addf %mul3A_858, %add3A_861 : vector<16xf32>
      %max3A_863 = arith.constant 0.000000e+00 : f32
      %max3A_864 = vector.broadcast %max3A_863 : f32 to vector<16xf32>
      %max3A_865 = arith.maximumf %add3A_862, %max3A_864 : vector<16xf32>
      %slice3A_866 = vector.extract_strided_slice %get3A_42 {offsets = [11], sizes = [1], strides = [1]} : vector<16xf32> to vector<1xf32>
      %squeeze3A_867 = vector.extract %slice3A_866[0] : f32 from vector<1xf32>
      %mul3A_868 = vector.broadcast %squeeze3A_867 : f32 to vector<16xf32>
      %mul3A_869 = arith.mulf %max3A_865, %mul3A_868 : vector<16xf32>
      %add3A_870 = arith.addf %add3A_852, %mul3A_869 : vector<16xf32>
      %broadcast_in_dim3A_871 = arith.constant 44 : i32
      %broadcast_in_dim3A_872 = vector.broadcast %broadcast_in_dim3A_871 : i32 to vector<16xi32>
      %gather3A_873 = tpu.vector_load_idx %arg6[%add3A_72, %broadcast_in_dim3A_872] : memref<320x80xf32, #tpu.memory_space<vmem>>[vector<16xi32>, vector<16xi32>], vector<16xf32>,
      %gather3A_874 = tpu.vector_load_idx %arg7[%add3A_72, %broadcast_in_dim3A_872] : memref<320x80xf32, #tpu.memory_space<vmem>>[vector<16xi32>, vector<16xi32>], vector<16xf32>,
      %add3A_875 = arith.addf %gather3A_873, %gather3A_874 : vector<16xf32>
      %mul3A_876 = arith.mulf %add3A_875, %div3A_78 : vector<16xf32>
      %slice3A_877 = vector.extract_strided_slice %get3A_34 {offsets = [12], sizes = [1], strides = [1]} : vector<16xf32> to vector<1xf32>
      %squeeze3A_878 = vector.extract %slice3A_877[0] : f32 from vector<1xf32>
      %add3A_879 = vector.broadcast %squeeze3A_878 : f32 to vector<16xf32>
      %add3A_880 = arith.addf %mul3A_876, %add3A_879 : vector<16xf32>
      %max3A_881 = arith.constant 0.000000e+00 : f32
      %max3A_882 = vector.broadcast %max3A_881 : f32 to vector<16xf32>
      %max3A_883 = arith.maximumf %add3A_880, %max3A_882 : vector<16xf32>
      %slice3A_884 = vector.extract_strided_slice %get3A_42 {offsets = [12], sizes = [1], strides = [1]} : vector<16xf32> to vector<1xf32>
      %squeeze3A_885 = vector.extract %slice3A_884[0] : f32 from vector<1xf32>
      %mul3A_886 = vector.broadcast %squeeze3A_885 : f32 to vector<16xf32>
      %mul3A_887 = arith.mulf %max3A_883, %mul3A_886 : vector<16xf32>
      %add3A_888 = arith.addf %add3A_870, %mul3A_887 : vector<16xf32>
      %broadcast_in_dim3A_889 = arith.constant 45 : i32
      %broadcast_in_dim3A_890 = vector.broadcast %broadcast_in_dim3A_889 : i32 to vector<16xi32>
      %gather3A_891 = tpu.vector_load_idx %arg6[%add3A_72, %broadcast_in_dim3A_890] : memref<320x80xf32, #tpu.memory_space<vmem>>[vector<16xi32>, vector<16xi32>], vector<16xf32>,
      %gather3A_892 = tpu.vector_load_idx %arg7[%add3A_72, %broadcast_in_dim3A_890] : memref<320x80xf32, #tpu.memory_space<vmem>>[vector<16xi32>, vector<16xi32>], vector<16xf32>,
      %add3A_893 = arith.addf %gather3A_891, %gather3A_892 : vector<16xf32>
      %mul3A_894 = arith.mulf %add3A_893, %div3A_78 : vector<16xf32>
      %slice3A_895 = vector.extract_strided_slice %get3A_34 {offsets = [13], sizes = [1], strides = [1]} : vector<16xf32> to vector<1xf32>
      %squeeze3A_896 = vector.extract %slice3A_895[0] : f32 from vector<1xf32>
      %add3A_897 = vector.broadcast %squeeze3A_896 : f32 to vector<16xf32>
      %add3A_898 = arith.addf %mul3A_894, %add3A_897 : vector<16xf32>
      %max3A_899 = arith.constant 0.000000e+00 : f32
      %max3A_900 = vector.broadcast %max3A_899 : f32 to vector<16xf32>
      %max3A_901 = arith.maximumf %add3A_898, %max3A_900 : vector<16xf32>
      %slice3A_902 = vector.extract_strided_slice %get3A_42 {offsets = [13], sizes = [1], strides = [1]} : vector<16xf32> to vector<1xf32>
      %squeeze3A_903 = vector.extract %slice3A_902[0] : f32 from vector<1xf32>
      %mul3A_904 = vector.broadcast %squeeze3A_903 : f32 to vector<16xf32>
      %mul3A_905 = arith.mulf %max3A_901, %mul3A_904 : vector<16xf32>
      %add3A_906 = arith.addf %add3A_888, %mul3A_905 : vector<16xf32>
      %broadcast_in_dim3A_907 = arith.constant 46 : i32
      %broadcast_in_dim3A_908 = vector.broadcast %broadcast_in_dim3A_907 : i32 to vector<16xi32>
      %gather3A_909 = tpu.vector_load_idx %arg6[%add3A_72, %broadcast_in_dim3A_908] : memref<320x80xf32, #tpu.memory_space<vmem>>[vector<16xi32>, vector<16xi32>], vector<16xf32>,
      %gather3A_910 = tpu.vector_load_idx %arg7[%add3A_72, %broadcast_in_dim3A_908] : memref<320x80xf32, #tpu.memory_space<vmem>>[vector<16xi32>, vector<16xi32>], vector<16xf32>,
      %add3A_911 = arith.addf %gather3A_909, %gather3A_910 : vector<16xf32>
      %mul3A_912 = arith.mulf %add3A_911, %div3A_78 : vector<16xf32>
      %slice3A_913 = vector.extract_strided_slice %get3A_34 {offsets = [14], sizes = [1], strides = [1]} : vector<16xf32> to vector<1xf32>
      %squeeze3A_914 = vector.extract %slice3A_913[0] : f32 from vector<1xf32>
      %add3A_915 = vector.broadcast %squeeze3A_914 : f32 to vector<16xf32>
      %add3A_916 = arith.addf %mul3A_912, %add3A_915 : vector<16xf32>
      %max3A_917 = arith.constant 0.000000e+00 : f32
      %max3A_918 = vector.broadcast %max3A_917 : f32 to vector<16xf32>
      %max3A_919 = arith.maximumf %add3A_916, %max3A_918 : vector<16xf32>
      %slice3A_920 = vector.extract_strided_slice %get3A_42 {offsets = [14], sizes = [1], strides = [1]} : vector<16xf32> to vector<1xf32>
      %squeeze3A_921 = vector.extract %slice3A_920[0] : f32 from vector<1xf32>
      %mul3A_922 = vector.broadcast %squeeze3A_921 : f32 to vector<16xf32>
      %mul3A_923 = arith.mulf %max3A_919, %mul3A_922 : vector<16xf32>
      %add3A_924 = arith.addf %add3A_906, %mul3A_923 : vector<16xf32>
      %broadcast_in_dim3A_925 = arith.constant 47 : i32
      %broadcast_in_dim3A_926 = vector.broadcast %broadcast_in_dim3A_925 : i32 to vector<16xi32>
      %gather3A_927 = tpu.vector_load_idx %arg6[%add3A_72, %broadcast_in_dim3A_926] : memref<320x80xf32, #tpu.memory_space<vmem>>[vector<16xi32>, vector<16xi32>], vector<16xf32>,
      %gather3A_928 = tpu.vector_load_idx %arg7[%add3A_72, %broadcast_in_dim3A_926] : memref<320x80xf32, #tpu.memory_space<vmem>>[vector<16xi32>, vector<16xi32>], vector<16xf32>,
      %add3A_929 = arith.addf %gather3A_927, %gather3A_928 : vector<16xf32>
      %mul3A_930 = arith.mulf %add3A_929, %div3A_78 : vector<16xf32>
      %slice3A_931 = vector.extract_strided_slice %get3A_34 {offsets = [15], sizes = [1], strides = [1]} : vector<16xf32> to vector<1xf32>
      %squeeze3A_932 = vector.extract %slice3A_931[0] : f32 from vector<1xf32>
      %add3A_933 = vector.broadcast %squeeze3A_932 : f32 to vector<16xf32>
      %add3A_934 = arith.addf %mul3A_930, %add3A_933 : vector<16xf32>
      %max3A_935 = arith.constant 0.000000e+00 : f32
      %max3A_936 = vector.broadcast %max3A_935 : f32 to vector<16xf32>
      %max3A_937 = arith.maximumf %add3A_934, %max3A_936 : vector<16xf32>
      %slice3A_938 = vector.extract_strided_slice %get3A_42 {offsets = [15], sizes = [1], strides = [1]} : vector<16xf32> to vector<1xf32>
      %squeeze3A_939 = vector.extract %slice3A_938[0] : f32 from vector<1xf32>
      %mul3A_940 = vector.broadcast %squeeze3A_939 : f32 to vector<16xf32>
      %mul3A_941 = arith.mulf %max3A_937, %mul3A_940 : vector<16xf32>
      %add3A_942 = arith.addf %add3A_924, %mul3A_941 : vector<16xf32>
      %broadcast_in_dim3A_943 = arith.constant 48 : i32
      %broadcast_in_dim3A_944 = vector.broadcast %broadcast_in_dim3A_943 : i32 to vector<16xi32>
      %gather3A_945 = tpu.vector_load_idx %arg6[%add3A_72, %broadcast_in_dim3A_944] : memref<320x80xf32, #tpu.memory_space<vmem>>[vector<16xi32>, vector<16xi32>], vector<16xf32>,
      %gather3A_946 = tpu.vector_load_idx %arg7[%add3A_72, %broadcast_in_dim3A_944] : memref<320x80xf32, #tpu.memory_space<vmem>>[vector<16xi32>, vector<16xi32>], vector<16xf32>,
      %add3A_947 = arith.addf %gather3A_945, %gather3A_946 : vector<16xf32>
      %mul3A_948 = arith.mulf %add3A_947, %div3A_78 : vector<16xf32>
      %slice3A_949 = vector.extract_strided_slice %get3A_36 {offsets = [0], sizes = [1], strides = [1]} : vector<16xf32> to vector<1xf32>
      %squeeze3A_950 = vector.extract %slice3A_949[0] : f32 from vector<1xf32>
      %add3A_951 = vector.broadcast %squeeze3A_950 : f32 to vector<16xf32>
      %add3A_952 = arith.addf %mul3A_948, %add3A_951 : vector<16xf32>
      %max3A_953 = arith.constant 0.000000e+00 : f32
      %max3A_954 = vector.broadcast %max3A_953 : f32 to vector<16xf32>
      %max3A_955 = arith.maximumf %add3A_952, %max3A_954 : vector<16xf32>
      %slice3A_956 = vector.extract_strided_slice %get3A_44 {offsets = [0], sizes = [1], strides = [1]} : vector<16xf32> to vector<1xf32>
      %squeeze3A_957 = vector.extract %slice3A_956[0] : f32 from vector<1xf32>
      %mul3A_958 = vector.broadcast %squeeze3A_957 : f32 to vector<16xf32>
      %mul3A_959 = arith.mulf %max3A_955, %mul3A_958 : vector<16xf32>
      %add3A_960 = arith.addf %add3A_942, %mul3A_959 : vector<16xf32>
      %broadcast_in_dim3A_961 = arith.constant 49 : i32
      %broadcast_in_dim3A_962 = vector.broadcast %broadcast_in_dim3A_961 : i32 to vector<16xi32>
      %gather3A_963 = tpu.vector_load_idx %arg6[%add3A_72, %broadcast_in_dim3A_962] : memref<320x80xf32, #tpu.memory_space<vmem>>[vector<16xi32>, vector<16xi32>], vector<16xf32>,
      %gather3A_964 = tpu.vector_load_idx %arg7[%add3A_72, %broadcast_in_dim3A_962] : memref<320x80xf32, #tpu.memory_space<vmem>>[vector<16xi32>, vector<16xi32>], vector<16xf32>,
      %add3A_965 = arith.addf %gather3A_963, %gather3A_964 : vector<16xf32>
      %mul3A_966 = arith.mulf %add3A_965, %div3A_78 : vector<16xf32>
      %slice3A_967 = vector.extract_strided_slice %get3A_36 {offsets = [1], sizes = [1], strides = [1]} : vector<16xf32> to vector<1xf32>
      %squeeze3A_968 = vector.extract %slice3A_967[0] : f32 from vector<1xf32>
      %add3A_969 = vector.broadcast %squeeze3A_968 : f32 to vector<16xf32>
      %add3A_970 = arith.addf %mul3A_966, %add3A_969 : vector<16xf32>
      %max3A_971 = arith.constant 0.000000e+00 : f32
      %max3A_972 = vector.broadcast %max3A_971 : f32 to vector<16xf32>
      %max3A_973 = arith.maximumf %add3A_970, %max3A_972 : vector<16xf32>
      %slice3A_974 = vector.extract_strided_slice %get3A_44 {offsets = [1], sizes = [1], strides = [1]} : vector<16xf32> to vector<1xf32>
      %squeeze3A_975 = vector.extract %slice3A_974[0] : f32 from vector<1xf32>
      %mul3A_976 = vector.broadcast %squeeze3A_975 : f32 to vector<16xf32>
      %mul3A_977 = arith.mulf %max3A_973, %mul3A_976 : vector<16xf32>
      %add3A_978 = arith.addf %add3A_960, %mul3A_977 : vector<16xf32>
      %broadcast_in_dim3A_979 = arith.constant 50 : i32
      %broadcast_in_dim3A_980 = vector.broadcast %broadcast_in_dim3A_979 : i32 to vector<16xi32>
      %gather3A_981 = tpu.vector_load_idx %arg6[%add3A_72, %broadcast_in_dim3A_980] : memref<320x80xf32, #tpu.memory_space<vmem>>[vector<16xi32>, vector<16xi32>], vector<16xf32>,
      %gather3A_982 = tpu.vector_load_idx %arg7[%add3A_72, %broadcast_in_dim3A_980] : memref<320x80xf32, #tpu.memory_space<vmem>>[vector<16xi32>, vector<16xi32>], vector<16xf32>,
      %add3A_983 = arith.addf %gather3A_981, %gather3A_982 : vector<16xf32>
      %mul3A_984 = arith.mulf %add3A_983, %div3A_78 : vector<16xf32>
      %slice3A_985 = vector.extract_strided_slice %get3A_36 {offsets = [2], sizes = [1], strides = [1]} : vector<16xf32> to vector<1xf32>
      %squeeze3A_986 = vector.extract %slice3A_985[0] : f32 from vector<1xf32>
      %add3A_987 = vector.broadcast %squeeze3A_986 : f32 to vector<16xf32>
      %add3A_988 = arith.addf %mul3A_984, %add3A_987 : vector<16xf32>
      %max3A_989 = arith.constant 0.000000e+00 : f32
      %max3A_990 = vector.broadcast %max3A_989 : f32 to vector<16xf32>
      %max3A_991 = arith.maximumf %add3A_988, %max3A_990 : vector<16xf32>
      %slice3A_992 = vector.extract_strided_slice %get3A_44 {offsets = [2], sizes = [1], strides = [1]} : vector<16xf32> to vector<1xf32>
      %squeeze3A_993 = vector.extract %slice3A_992[0] : f32 from vector<1xf32>
      %mul3A_994 = vector.broadcast %squeeze3A_993 : f32 to vector<16xf32>
      %mul3A_995 = arith.mulf %max3A_991, %mul3A_994 : vector<16xf32>
      %add3A_996 = arith.addf %add3A_978, %mul3A_995 : vector<16xf32>
      %broadcast_in_dim3A_997 = arith.constant 51 : i32
      %broadcast_in_dim3A_998 = vector.broadcast %broadcast_in_dim3A_997 : i32 to vector<16xi32>
      %gather3A_999 = tpu.vector_load_idx %arg6[%add3A_72, %broadcast_in_dim3A_998] : memref<320x80xf32, #tpu.memory_space<vmem>>[vector<16xi32>, vector<16xi32>], vector<16xf32>,
      %gather3A_1000 = tpu.vector_load_idx %arg7[%add3A_72, %broadcast_in_dim3A_998] : memref<320x80xf32, #tpu.memory_space<vmem>>[vector<16xi32>, vector<16xi32>], vector<16xf32>,
      %add3A_1001 = arith.addf %gather3A_999, %gather3A_1000 : vector<16xf32>
      %mul3A_1002 = arith.mulf %add3A_1001, %div3A_78 : vector<16xf32>
      %slice3A_1003 = vector.extract_strided_slice %get3A_36 {offsets = [3], sizes = [1], strides = [1]} : vector<16xf32> to vector<1xf32>
      %squeeze3A_1004 = vector.extract %slice3A_1003[0] : f32 from vector<1xf32>
      %add3A_1005 = vector.broadcast %squeeze3A_1004 : f32 to vector<16xf32>
      %add3A_1006 = arith.addf %mul3A_1002, %add3A_1005 : vector<16xf32>
      %max3A_1007 = arith.constant 0.000000e+00 : f32
      %max3A_1008 = vector.broadcast %max3A_1007 : f32 to vector<16xf32>
      %max3A_1009 = arith.maximumf %add3A_1006, %max3A_1008 : vector<16xf32>
      %slice3A_1010 = vector.extract_strided_slice %get3A_44 {offsets = [3], sizes = [1], strides = [1]} : vector<16xf32> to vector<1xf32>
      %squeeze3A_1011 = vector.extract %slice3A_1010[0] : f32 from vector<1xf32>
      %mul3A_1012 = vector.broadcast %squeeze3A_1011 : f32 to vector<16xf32>
      %mul3A_1013 = arith.mulf %max3A_1009, %mul3A_1012 : vector<16xf32>
      %add3A_1014 = arith.addf %add3A_996, %mul3A_1013 : vector<16xf32>
      %broadcast_in_dim3A_1015 = arith.constant 52 : i32
      %broadcast_in_dim3A_1016 = vector.broadcast %broadcast_in_dim3A_1015 : i32 to vector<16xi32>
      %gather3A_1017 = tpu.vector_load_idx %arg6[%add3A_72, %broadcast_in_dim3A_1016] : memref<320x80xf32, #tpu.memory_space<vmem>>[vector<16xi32>, vector<16xi32>], vector<16xf32>,
      %gather3A_1018 = tpu.vector_load_idx %arg7[%add3A_72, %broadcast_in_dim3A_1016] : memref<320x80xf32, #tpu.memory_space<vmem>>[vector<16xi32>, vector<16xi32>], vector<16xf32>,
      %add3A_1019 = arith.addf %gather3A_1017, %gather3A_1018 : vector<16xf32>
      %mul3A_1020 = arith.mulf %add3A_1019, %div3A_78 : vector<16xf32>
      %slice3A_1021 = vector.extract_strided_slice %get3A_36 {offsets = [4], sizes = [1], strides = [1]} : vector<16xf32> to vector<1xf32>
      %squeeze3A_1022 = vector.extract %slice3A_1021[0] : f32 from vector<1xf32>
      %add3A_1023 = vector.broadcast %squeeze3A_1022 : f32 to vector<16xf32>
      %add3A_1024 = arith.addf %mul3A_1020, %add3A_1023 : vector<16xf32>
      %max3A_1025 = arith.constant 0.000000e+00 : f32
      %max3A_1026 = vector.broadcast %max3A_1025 : f32 to vector<16xf32>
      %max3A_1027 = arith.maximumf %add3A_1024, %max3A_1026 : vector<16xf32>
      %slice3A_1028 = vector.extract_strided_slice %get3A_44 {offsets = [4], sizes = [1], strides = [1]} : vector<16xf32> to vector<1xf32>
      %squeeze3A_1029 = vector.extract %slice3A_1028[0] : f32 from vector<1xf32>
      %mul3A_1030 = vector.broadcast %squeeze3A_1029 : f32 to vector<16xf32>
      %mul3A_1031 = arith.mulf %max3A_1027, %mul3A_1030 : vector<16xf32>
      %add3A_1032 = arith.addf %add3A_1014, %mul3A_1031 : vector<16xf32>
      %broadcast_in_dim3A_1033 = arith.constant 53 : i32
      %broadcast_in_dim3A_1034 = vector.broadcast %broadcast_in_dim3A_1033 : i32 to vector<16xi32>
      %gather3A_1035 = tpu.vector_load_idx %arg6[%add3A_72, %broadcast_in_dim3A_1034] : memref<320x80xf32, #tpu.memory_space<vmem>>[vector<16xi32>, vector<16xi32>], vector<16xf32>,
      %gather3A_1036 = tpu.vector_load_idx %arg7[%add3A_72, %broadcast_in_dim3A_1034] : memref<320x80xf32, #tpu.memory_space<vmem>>[vector<16xi32>, vector<16xi32>], vector<16xf32>,
      %add3A_1037 = arith.addf %gather3A_1035, %gather3A_1036 : vector<16xf32>
      %mul3A_1038 = arith.mulf %add3A_1037, %div3A_78 : vector<16xf32>
      %slice3A_1039 = vector.extract_strided_slice %get3A_36 {offsets = [5], sizes = [1], strides = [1]} : vector<16xf32> to vector<1xf32>
      %squeeze3A_1040 = vector.extract %slice3A_1039[0] : f32 from vector<1xf32>
      %add3A_1041 = vector.broadcast %squeeze3A_1040 : f32 to vector<16xf32>
      %add3A_1042 = arith.addf %mul3A_1038, %add3A_1041 : vector<16xf32>
      %max3A_1043 = arith.constant 0.000000e+00 : f32
      %max3A_1044 = vector.broadcast %max3A_1043 : f32 to vector<16xf32>
      %max3A_1045 = arith.maximumf %add3A_1042, %max3A_1044 : vector<16xf32>
      %slice3A_1046 = vector.extract_strided_slice %get3A_44 {offsets = [5], sizes = [1], strides = [1]} : vector<16xf32> to vector<1xf32>
      %squeeze3A_1047 = vector.extract %slice3A_1046[0] : f32 from vector<1xf32>
      %mul3A_1048 = vector.broadcast %squeeze3A_1047 : f32 to vector<16xf32>
      %mul3A_1049 = arith.mulf %max3A_1045, %mul3A_1048 : vector<16xf32>
      %add3A_1050 = arith.addf %add3A_1032, %mul3A_1049 : vector<16xf32>
      %broadcast_in_dim3A_1051 = arith.constant 54 : i32
      %broadcast_in_dim3A_1052 = vector.broadcast %broadcast_in_dim3A_1051 : i32 to vector<16xi32>
      %gather3A_1053 = tpu.vector_load_idx %arg6[%add3A_72, %broadcast_in_dim3A_1052] : memref<320x80xf32, #tpu.memory_space<vmem>>[vector<16xi32>, vector<16xi32>], vector<16xf32>,
      %gather3A_1054 = tpu.vector_load_idx %arg7[%add3A_72, %broadcast_in_dim3A_1052] : memref<320x80xf32, #tpu.memory_space<vmem>>[vector<16xi32>, vector<16xi32>], vector<16xf32>,
      %add3A_1055 = arith.addf %gather3A_1053, %gather3A_1054 : vector<16xf32>
      %mul3A_1056 = arith.mulf %add3A_1055, %div3A_78 : vector<16xf32>
      %slice3A_1057 = vector.extract_strided_slice %get3A_36 {offsets = [6], sizes = [1], strides = [1]} : vector<16xf32> to vector<1xf32>
      %squeeze3A_1058 = vector.extract %slice3A_1057[0] : f32 from vector<1xf32>
      %add3A_1059 = vector.broadcast %squeeze3A_1058 : f32 to vector<16xf32>
      %add3A_1060 = arith.addf %mul3A_1056, %add3A_1059 : vector<16xf32>
      %max3A_1061 = arith.constant 0.000000e+00 : f32
      %max3A_1062 = vector.broadcast %max3A_1061 : f32 to vector<16xf32>
      %max3A_1063 = arith.maximumf %add3A_1060, %max3A_1062 : vector<16xf32>
      %slice3A_1064 = vector.extract_strided_slice %get3A_44 {offsets = [6], sizes = [1], strides = [1]} : vector<16xf32> to vector<1xf32>
      %squeeze3A_1065 = vector.extract %slice3A_1064[0] : f32 from vector<1xf32>
      %mul3A_1066 = vector.broadcast %squeeze3A_1065 : f32 to vector<16xf32>
      %mul3A_1067 = arith.mulf %max3A_1063, %mul3A_1066 : vector<16xf32>
      %add3A_1068 = arith.addf %add3A_1050, %mul3A_1067 : vector<16xf32>
      %broadcast_in_dim3A_1069 = arith.constant 55 : i32
      %broadcast_in_dim3A_1070 = vector.broadcast %broadcast_in_dim3A_1069 : i32 to vector<16xi32>
      %gather3A_1071 = tpu.vector_load_idx %arg6[%add3A_72, %broadcast_in_dim3A_1070] : memref<320x80xf32, #tpu.memory_space<vmem>>[vector<16xi32>, vector<16xi32>], vector<16xf32>,
      %gather3A_1072 = tpu.vector_load_idx %arg7[%add3A_72, %broadcast_in_dim3A_1070] : memref<320x80xf32, #tpu.memory_space<vmem>>[vector<16xi32>, vector<16xi32>], vector<16xf32>,
      %add3A_1073 = arith.addf %gather3A_1071, %gather3A_1072 : vector<16xf32>
      %mul3A_1074 = arith.mulf %add3A_1073, %div3A_78 : vector<16xf32>
      %slice3A_1075 = vector.extract_strided_slice %get3A_36 {offsets = [7], sizes = [1], strides = [1]} : vector<16xf32> to vector<1xf32>
      %squeeze3A_1076 = vector.extract %slice3A_1075[0] : f32 from vector<1xf32>
      %add3A_1077 = vector.broadcast %squeeze3A_1076 : f32 to vector<16xf32>
      %add3A_1078 = arith.addf %mul3A_1074, %add3A_1077 : vector<16xf32>
      %max3A_1079 = arith.constant 0.000000e+00 : f32
      %max3A_1080 = vector.broadcast %max3A_1079 : f32 to vector<16xf32>
      %max3A_1081 = arith.maximumf %add3A_1078, %max3A_1080 : vector<16xf32>
      %slice3A_1082 = vector.extract_strided_slice %get3A_44 {offsets = [7], sizes = [1], strides = [1]} : vector<16xf32> to vector<1xf32>
      %squeeze3A_1083 = vector.extract %slice3A_1082[0] : f32 from vector<1xf32>
      %mul3A_1084 = vector.broadcast %squeeze3A_1083 : f32 to vector<16xf32>
      %mul3A_1085 = arith.mulf %max3A_1081, %mul3A_1084 : vector<16xf32>
      %add3A_1086 = arith.addf %add3A_1068, %mul3A_1085 : vector<16xf32>
      %broadcast_in_dim3A_1087 = arith.constant 56 : i32
      %broadcast_in_dim3A_1088 = vector.broadcast %broadcast_in_dim3A_1087 : i32 to vector<16xi32>
      %gather3A_1089 = tpu.vector_load_idx %arg6[%add3A_72, %broadcast_in_dim3A_1088] : memref<320x80xf32, #tpu.memory_space<vmem>>[vector<16xi32>, vector<16xi32>], vector<16xf32>,
      %gather3A_1090 = tpu.vector_load_idx %arg7[%add3A_72, %broadcast_in_dim3A_1088] : memref<320x80xf32, #tpu.memory_space<vmem>>[vector<16xi32>, vector<16xi32>], vector<16xf32>,
      %add3A_1091 = arith.addf %gather3A_1089, %gather3A_1090 : vector<16xf32>
      %mul3A_1092 = arith.mulf %add3A_1091, %div3A_78 : vector<16xf32>
      %slice3A_1093 = vector.extract_strided_slice %get3A_36 {offsets = [8], sizes = [1], strides = [1]} : vector<16xf32> to vector<1xf32>
      %squeeze3A_1094 = vector.extract %slice3A_1093[0] : f32 from vector<1xf32>
      %add3A_1095 = vector.broadcast %squeeze3A_1094 : f32 to vector<16xf32>
      %add3A_1096 = arith.addf %mul3A_1092, %add3A_1095 : vector<16xf32>
      %max3A_1097 = arith.constant 0.000000e+00 : f32
      %max3A_1098 = vector.broadcast %max3A_1097 : f32 to vector<16xf32>
      %max3A_1099 = arith.maximumf %add3A_1096, %max3A_1098 : vector<16xf32>
      %slice3A_1100 = vector.extract_strided_slice %get3A_44 {offsets = [8], sizes = [1], strides = [1]} : vector<16xf32> to vector<1xf32>
      %squeeze3A_1101 = vector.extract %slice3A_1100[0] : f32 from vector<1xf32>
      %mul3A_1102 = vector.broadcast %squeeze3A_1101 : f32 to vector<16xf32>
      %mul3A_1103 = arith.mulf %max3A_1099, %mul3A_1102 : vector<16xf32>
      %add3A_1104 = arith.addf %add3A_1086, %mul3A_1103 : vector<16xf32>
      %broadcast_in_dim3A_1105 = arith.constant 57 : i32
      %broadcast_in_dim3A_1106 = vector.broadcast %broadcast_in_dim3A_1105 : i32 to vector<16xi32>
      %gather3A_1107 = tpu.vector_load_idx %arg6[%add3A_72, %broadcast_in_dim3A_1106] : memref<320x80xf32, #tpu.memory_space<vmem>>[vector<16xi32>, vector<16xi32>], vector<16xf32>,
      %gather3A_1108 = tpu.vector_load_idx %arg7[%add3A_72, %broadcast_in_dim3A_1106] : memref<320x80xf32, #tpu.memory_space<vmem>>[vector<16xi32>, vector<16xi32>], vector<16xf32>,
      %add3A_1109 = arith.addf %gather3A_1107, %gather3A_1108 : vector<16xf32>
      %mul3A_1110 = arith.mulf %add3A_1109, %div3A_78 : vector<16xf32>
      %slice3A_1111 = vector.extract_strided_slice %get3A_36 {offsets = [9], sizes = [1], strides = [1]} : vector<16xf32> to vector<1xf32>
      %squeeze3A_1112 = vector.extract %slice3A_1111[0] : f32 from vector<1xf32>
      %add3A_1113 = vector.broadcast %squeeze3A_1112 : f32 to vector<16xf32>
      %add3A_1114 = arith.addf %mul3A_1110, %add3A_1113 : vector<16xf32>
      %max3A_1115 = arith.constant 0.000000e+00 : f32
      %max3A_1116 = vector.broadcast %max3A_1115 : f32 to vector<16xf32>
      %max3A_1117 = arith.maximumf %add3A_1114, %max3A_1116 : vector<16xf32>
      %slice3A_1118 = vector.extract_strided_slice %get3A_44 {offsets = [9], sizes = [1], strides = [1]} : vector<16xf32> to vector<1xf32>
      %squeeze3A_1119 = vector.extract %slice3A_1118[0] : f32 from vector<1xf32>
      %mul3A_1120 = vector.broadcast %squeeze3A_1119 : f32 to vector<16xf32>
      %mul3A_1121 = arith.mulf %max3A_1117, %mul3A_1120 : vector<16xf32>
      %add3A_1122 = arith.addf %add3A_1104, %mul3A_1121 : vector<16xf32>
      %broadcast_in_dim3A_1123 = arith.constant 58 : i32
      %broadcast_in_dim3A_1124 = vector.broadcast %broadcast_in_dim3A_1123 : i32 to vector<16xi32>
      %gather3A_1125 = tpu.vector_load_idx %arg6[%add3A_72, %broadcast_in_dim3A_1124] : memref<320x80xf32, #tpu.memory_space<vmem>>[vector<16xi32>, vector<16xi32>], vector<16xf32>,
      %gather3A_1126 = tpu.vector_load_idx %arg7[%add3A_72, %broadcast_in_dim3A_1124] : memref<320x80xf32, #tpu.memory_space<vmem>>[vector<16xi32>, vector<16xi32>], vector<16xf32>,
      %add3A_1127 = arith.addf %gather3A_1125, %gather3A_1126 : vector<16xf32>
      %mul3A_1128 = arith.mulf %add3A_1127, %div3A_78 : vector<16xf32>
      %slice3A_1129 = vector.extract_strided_slice %get3A_36 {offsets = [10], sizes = [1], strides = [1]} : vector<16xf32> to vector<1xf32>
      %squeeze3A_1130 = vector.extract %slice3A_1129[0] : f32 from vector<1xf32>
      %add3A_1131 = vector.broadcast %squeeze3A_1130 : f32 to vector<16xf32>
      %add3A_1132 = arith.addf %mul3A_1128, %add3A_1131 : vector<16xf32>
      %max3A_1133 = arith.constant 0.000000e+00 : f32
      %max3A_1134 = vector.broadcast %max3A_1133 : f32 to vector<16xf32>
      %max3A_1135 = arith.maximumf %add3A_1132, %max3A_1134 : vector<16xf32>
      %slice3A_1136 = vector.extract_strided_slice %get3A_44 {offsets = [10], sizes = [1], strides = [1]} : vector<16xf32> to vector<1xf32>
      %squeeze3A_1137 = vector.extract %slice3A_1136[0] : f32 from vector<1xf32>
      %mul3A_1138 = vector.broadcast %squeeze3A_1137 : f32 to vector<16xf32>
      %mul3A_1139 = arith.mulf %max3A_1135, %mul3A_1138 : vector<16xf32>
      %add3A_1140 = arith.addf %add3A_1122, %mul3A_1139 : vector<16xf32>
      %broadcast_in_dim3A_1141 = arith.constant 59 : i32
      %broadcast_in_dim3A_1142 = vector.broadcast %broadcast_in_dim3A_1141 : i32 to vector<16xi32>
      %gather3A_1143 = tpu.vector_load_idx %arg6[%add3A_72, %broadcast_in_dim3A_1142] : memref<320x80xf32, #tpu.memory_space<vmem>>[vector<16xi32>, vector<16xi32>], vector<16xf32>,
      %gather3A_1144 = tpu.vector_load_idx %arg7[%add3A_72, %broadcast_in_dim3A_1142] : memref<320x80xf32, #tpu.memory_space<vmem>>[vector<16xi32>, vector<16xi32>], vector<16xf32>,
      %add3A_1145 = arith.addf %gather3A_1143, %gather3A_1144 : vector<16xf32>
      %mul3A_1146 = arith.mulf %add3A_1145, %div3A_78 : vector<16xf32>
      %slice3A_1147 = vector.extract_strided_slice %get3A_36 {offsets = [11], sizes = [1], strides = [1]} : vector<16xf32> to vector<1xf32>
      %squeeze3A_1148 = vector.extract %slice3A_1147[0] : f32 from vector<1xf32>
      %add3A_1149 = vector.broadcast %squeeze3A_1148 : f32 to vector<16xf32>
      %add3A_1150 = arith.addf %mul3A_1146, %add3A_1149 : vector<16xf32>
      %max3A_1151 = arith.constant 0.000000e+00 : f32
      %max3A_1152 = vector.broadcast %max3A_1151 : f32 to vector<16xf32>
      %max3A_1153 = arith.maximumf %add3A_1150, %max3A_1152 : vector<16xf32>
      %slice3A_1154 = vector.extract_strided_slice %get3A_44 {offsets = [11], sizes = [1], strides = [1]} : vector<16xf32> to vector<1xf32>
      %squeeze3A_1155 = vector.extract %slice3A_1154[0] : f32 from vector<1xf32>
      %mul3A_1156 = vector.broadcast %squeeze3A_1155 : f32 to vector<16xf32>
      %mul3A_1157 = arith.mulf %max3A_1153, %mul3A_1156 : vector<16xf32>
      %add3A_1158 = arith.addf %add3A_1140, %mul3A_1157 : vector<16xf32>
      %broadcast_in_dim3A_1159 = arith.constant 60 : i32
      %broadcast_in_dim3A_1160 = vector.broadcast %broadcast_in_dim3A_1159 : i32 to vector<16xi32>
      %gather3A_1161 = tpu.vector_load_idx %arg6[%add3A_72, %broadcast_in_dim3A_1160] : memref<320x80xf32, #tpu.memory_space<vmem>>[vector<16xi32>, vector<16xi32>], vector<16xf32>,
      %gather3A_1162 = tpu.vector_load_idx %arg7[%add3A_72, %broadcast_in_dim3A_1160] : memref<320x80xf32, #tpu.memory_space<vmem>>[vector<16xi32>, vector<16xi32>], vector<16xf32>,
      %add3A_1163 = arith.addf %gather3A_1161, %gather3A_1162 : vector<16xf32>
      %mul3A_1164 = arith.mulf %add3A_1163, %div3A_78 : vector<16xf32>
      %slice3A_1165 = vector.extract_strided_slice %get3A_36 {offsets = [12], sizes = [1], strides = [1]} : vector<16xf32> to vector<1xf32>
      %squeeze3A_1166 = vector.extract %slice3A_1165[0] : f32 from vector<1xf32>
      %add3A_1167 = vector.broadcast %squeeze3A_1166 : f32 to vector<16xf32>
      %add3A_1168 = arith.addf %mul3A_1164, %add3A_1167 : vector<16xf32>
      %max3A_1169 = arith.constant 0.000000e+00 : f32
      %max3A_1170 = vector.broadcast %max3A_1169 : f32 to vector<16xf32>
      %max3A_1171 = arith.maximumf %add3A_1168, %max3A_1170 : vector<16xf32>
      %slice3A_1172 = vector.extract_strided_slice %get3A_44 {offsets = [12], sizes = [1], strides = [1]} : vector<16xf32> to vector<1xf32>
      %squeeze3A_1173 = vector.extract %slice3A_1172[0] : f32 from vector<1xf32>
      %mul3A_1174 = vector.broadcast %squeeze3A_1173 : f32 to vector<16xf32>
      %mul3A_1175 = arith.mulf %max3A_1171, %mul3A_1174 : vector<16xf32>
      %add3A_1176 = arith.addf %add3A_1158, %mul3A_1175 : vector<16xf32>
      %broadcast_in_dim3A_1177 = arith.constant 61 : i32
      %broadcast_in_dim3A_1178 = vector.broadcast %broadcast_in_dim3A_1177 : i32 to vector<16xi32>
      %gather3A_1179 = tpu.vector_load_idx %arg6[%add3A_72, %broadcast_in_dim3A_1178] : memref<320x80xf32, #tpu.memory_space<vmem>>[vector<16xi32>, vector<16xi32>], vector<16xf32>,
      %gather3A_1180 = tpu.vector_load_idx %arg7[%add3A_72, %broadcast_in_dim3A_1178] : memref<320x80xf32, #tpu.memory_space<vmem>>[vector<16xi32>, vector<16xi32>], vector<16xf32>,
      %add3A_1181 = arith.addf %gather3A_1179, %gather3A_1180 : vector<16xf32>
      %mul3A_1182 = arith.mulf %add3A_1181, %div3A_78 : vector<16xf32>
      %slice3A_1183 = vector.extract_strided_slice %get3A_36 {offsets = [13], sizes = [1], strides = [1]} : vector<16xf32> to vector<1xf32>
      %squeeze3A_1184 = vector.extract %slice3A_1183[0] : f32 from vector<1xf32>
      %add3A_1185 = vector.broadcast %squeeze3A_1184 : f32 to vector<16xf32>
      %add3A_1186 = arith.addf %mul3A_1182, %add3A_1185 : vector<16xf32>
      %max3A_1187 = arith.constant 0.000000e+00 : f32
      %max3A_1188 = vector.broadcast %max3A_1187 : f32 to vector<16xf32>
      %max3A_1189 = arith.maximumf %add3A_1186, %max3A_1188 : vector<16xf32>
      %slice3A_1190 = vector.extract_strided_slice %get3A_44 {offsets = [13], sizes = [1], strides = [1]} : vector<16xf32> to vector<1xf32>
      %squeeze3A_1191 = vector.extract %slice3A_1190[0] : f32 from vector<1xf32>
      %mul3A_1192 = vector.broadcast %squeeze3A_1191 : f32 to vector<16xf32>
      %mul3A_1193 = arith.mulf %max3A_1189, %mul3A_1192 : vector<16xf32>
      %add3A_1194 = arith.addf %add3A_1176, %mul3A_1193 : vector<16xf32>
      %broadcast_in_dim3A_1195 = arith.constant 62 : i32
      %broadcast_in_dim3A_1196 = vector.broadcast %broadcast_in_dim3A_1195 : i32 to vector<16xi32>
      %gather3A_1197 = tpu.vector_load_idx %arg6[%add3A_72, %broadcast_in_dim3A_1196] : memref<320x80xf32, #tpu.memory_space<vmem>>[vector<16xi32>, vector<16xi32>], vector<16xf32>,
      %gather3A_1198 = tpu.vector_load_idx %arg7[%add3A_72, %broadcast_in_dim3A_1196] : memref<320x80xf32, #tpu.memory_space<vmem>>[vector<16xi32>, vector<16xi32>], vector<16xf32>,
      %add3A_1199 = arith.addf %gather3A_1197, %gather3A_1198 : vector<16xf32>
      %mul3A_1200 = arith.mulf %add3A_1199, %div3A_78 : vector<16xf32>
      %slice3A_1201 = vector.extract_strided_slice %get3A_36 {offsets = [14], sizes = [1], strides = [1]} : vector<16xf32> to vector<1xf32>
      %squeeze3A_1202 = vector.extract %slice3A_1201[0] : f32 from vector<1xf32>
      %add3A_1203 = vector.broadcast %squeeze3A_1202 : f32 to vector<16xf32>
      %add3A_1204 = arith.addf %mul3A_1200, %add3A_1203 : vector<16xf32>
      %max3A_1205 = arith.constant 0.000000e+00 : f32
      %max3A_1206 = vector.broadcast %max3A_1205 : f32 to vector<16xf32>
      %max3A_1207 = arith.maximumf %add3A_1204, %max3A_1206 : vector<16xf32>
      %slice3A_1208 = vector.extract_strided_slice %get3A_44 {offsets = [14], sizes = [1], strides = [1]} : vector<16xf32> to vector<1xf32>
      %squeeze3A_1209 = vector.extract %slice3A_1208[0] : f32 from vector<1xf32>
      %mul3A_1210 = vector.broadcast %squeeze3A_1209 : f32 to vector<16xf32>
      %mul3A_1211 = arith.mulf %max3A_1207, %mul3A_1210 : vector<16xf32>
      %add3A_1212 = arith.addf %add3A_1194, %mul3A_1211 : vector<16xf32>
      %broadcast_in_dim3A_1213 = arith.constant 63 : i32
      %broadcast_in_dim3A_1214 = vector.broadcast %broadcast_in_dim3A_1213 : i32 to vector<16xi32>
      %gather3A_1215 = tpu.vector_load_idx %arg6[%add3A_72, %broadcast_in_dim3A_1214] : memref<320x80xf32, #tpu.memory_space<vmem>>[vector<16xi32>, vector<16xi32>], vector<16xf32>,
      %gather3A_1216 = tpu.vector_load_idx %arg7[%add3A_72, %broadcast_in_dim3A_1214] : memref<320x80xf32, #tpu.memory_space<vmem>>[vector<16xi32>, vector<16xi32>], vector<16xf32>,
      %add3A_1217 = arith.addf %gather3A_1215, %gather3A_1216 : vector<16xf32>
      %mul3A_1218 = arith.mulf %add3A_1217, %div3A_78 : vector<16xf32>
      %slice3A_1219 = vector.extract_strided_slice %get3A_36 {offsets = [15], sizes = [1], strides = [1]} : vector<16xf32> to vector<1xf32>
      %squeeze3A_1220 = vector.extract %slice3A_1219[0] : f32 from vector<1xf32>
      %add3A_1221 = vector.broadcast %squeeze3A_1220 : f32 to vector<16xf32>
      %add3A_1222 = arith.addf %mul3A_1218, %add3A_1221 : vector<16xf32>
      %max3A_1223 = arith.constant 0.000000e+00 : f32
      %max3A_1224 = vector.broadcast %max3A_1223 : f32 to vector<16xf32>
      %max3A_1225 = arith.maximumf %add3A_1222, %max3A_1224 : vector<16xf32>
      %slice3A_1226 = vector.extract_strided_slice %get3A_44 {offsets = [15], sizes = [1], strides = [1]} : vector<16xf32> to vector<1xf32>
      %squeeze3A_1227 = vector.extract %slice3A_1226[0] : f32 from vector<1xf32>
      %mul3A_1228 = vector.broadcast %squeeze3A_1227 : f32 to vector<16xf32>
      %mul3A_1229 = arith.mulf %max3A_1225, %mul3A_1228 : vector<16xf32>
      %add3A_1230 = arith.addf %add3A_1212, %mul3A_1229 : vector<16xf32>
      %slice3A_1231 = vector.extract_strided_slice %get3A_46 {offsets = [0], sizes = [1], strides = [1]} : vector<16xf32> to vector<1xf32>
      %squeeze3A_1232 = vector.extract %slice3A_1231[0] : f32 from vector<1xf32>
      %add3A_1233 = vector.broadcast %squeeze3A_1232 : f32 to vector<16xf32>
      %add3A_1234 = arith.addf %add3A_1230, %add3A_1233 : vector<16xf32>
      %jit3A_1235 = arith.constant -5.000000e+00 : f32
      %jit3A_1236 = arith.constant 5.000000e+00 : f32
      %max3A_1237 = vector.broadcast %jit3A_1235 : f32 to vector<16xf32>
      %max3A_1238 = arith.maximumf %max3A_1237, %add3A_1234 : vector<16xf32>
      %min3A = vector.broadcast %jit3A_1236 : f32 to vector<16xf32>
      %min3A_1239 = arith.minimumf %min3A, %max3A_1238 : vector<16xf32>
      %neg3A = arith.constant 0.000000e+00 : f32
      %neg3A_1240 = vector.broadcast %neg3A : f32 to vector<16xf32>
      %neg3A_1241 = arith.subf %neg3A_1240, %min3A_1239 : vector<16xf32>
      %exp3A = math.exp %neg3A_1241 : vector<16xf32>
      %add3A_1242 = arith.constant 1.000000e+00 : f32
      %add3A_1243 = vector.broadcast %add3A_1242 : f32 to vector<16xf32>
      %add3A_1244 = arith.addf %add3A_1243, %exp3A : vector<16xf32>
      %div3A_1245 = arith.constant 1.000000e+00 : f32
      %div3A_1246 = vector.broadcast %div3A_1245 : f32 to vector<16xf32>
      %div3A_1247 = arith.divf %div3A_1246, %add3A_1244 : vector<16xf32>
      %mul3A_1248 = arith.constant 0.899999976 : f32
      %mul3A_1249 = vector.broadcast %mul3A_1248 : f32 to vector<16xf32>
      %mul3A_1250 = arith.mulf %div3A_1247, %mul3A_1249 : vector<16xf32>
      %add3A_1251 = arith.constant 1.000000e-01 : f32
      %add3A_1252 = vector.broadcast %add3A_1251 : f32 to vector<16xf32>
      %add3A_1253 = arith.addf %mul3A_1250, %add3A_1252 : vector<16xf32>
      %mul3A_1254 = arith.constant 16 : i32
      %mul3A_1255 = arith.muli %while3A_67, %mul3A_1254 : i32
      %swap3A = arith.index_cast %mul3A_1255 : i32 to index
      %swap3A_1256 = tpu.vector_load %arg10[%swap3A] {strides = array<i32>} : memref<320xf32, #tpu.memory_space<vmem>>, vector<16xf32>,
      tpu.vector_store %arg10[%swap3A], %add3A_1253 {strides = array<i32>} : memref<320xf32, #tpu.memory_space<vmem>>, vector<16xf32>,
      %while3A_1257 = arith.constant 0 : i32
      scf.yield %while3A_1257 : i32
    }
    %lt3A = arith.constant 31 : i32
    %lt3A_60 = arith.cmpi slt, %add3A, %lt3A : i32
    %convert_element_type3A = arith.extui %lt3A_60 : i1 to i32
    %cond3A = arith.constant 0 : i32
    %cond3A_61 = arith.cmpi ne, %convert_element_type3A, %cond3A : i32
    scf.if %cond3A_61 {
      "tpu.region"() ({
        %run_scoped3A = tpu.sem_alloc : memref<!tpu.dma_semaphore, #tpu.memory_space<semaphore_mem>>
        %dma_start3A_67 = tpu.memref_slice %arg5[%mul3A_2] : memref<10000xf32, #tpu.memory_space<hbm>> -> memref<320xf32, #tpu.memory_space<hbm>>
        %dma_start3A_68 = tpu.memref_slice %arg5[%mul3A_2] : memref<10000xf32, #tpu.memory_space<hbm>> -> memref<320xf32, #tpu.memory_space<hbm>>
        tpu.enqueue_dma source(%arg10 : memref<320xf32, #tpu.memory_space<vmem>>) target(%dma_start3A_68 : memref<320xf32, #tpu.memory_space<hbm>>) target_semaphore(%run_scoped3A : memref<!tpu.dma_semaphore, #tpu.memory_space<semaphore_mem>>)
        %dma_wait3A_69 = tpu.memref_slice %arg5[%mul3A_2] : memref<10000xf32, #tpu.memory_space<hbm>> -> memref<320xf32, #tpu.memory_space<hbm>>
        %dma_wait3A_70 = tpu.memref_slice %arg5[%mul3A_2] : memref<10000xf32, #tpu.memory_space<hbm>> -> memref<320xf32, #tpu.memory_space<hbm>>
        tpu.wait_dma2 semaphore(%run_scoped3A : memref<!tpu.dma_semaphore, #tpu.memory_space<semaphore_mem>>) src(%arg10 : memref<320xf32, #tpu.memory_space<vmem>>) dst(%dma_wait3A_70 : memref<320xf32, #tpu.memory_space<hbm>>)
        tpu.yield
      }) : () -> ()
    } else {
    }
    %eq3A_62 = arith.constant 31 : i32
    %eq3A_63 = arith.cmpi eq, %add3A, %eq3A_62 : i32
    %convert_element_type3A_64 = arith.extui %eq3A_63 : i1 to i32
    %cond3A_65 = arith.constant 0 : i32
    %cond3A_66 = arith.cmpi ne, %convert_element_type3A_64, %cond3A_65 : i32
    scf.if %cond3A_66 {
      "tpu.region"() ({
        %run_scoped3A = tpu.sem_alloc : memref<!tpu.dma_semaphore, #tpu.memory_space<semaphore_mem>>
        %dma_start3A_67 = arith.constant 0 : i32
        %dma_start3A_68 = tpu.memref_slice %arg10[%dma_start3A_67] : memref<320xf32, #tpu.memory_space<vmem>> -> memref<80xf32, #tpu.memory_space<vmem>>
        %dma_start3A_69 = arith.constant 9920 : i32
        %dma_start3A_70 = tpu.memref_slice %arg5[%dma_start3A_69] : memref<10000xf32, #tpu.memory_space<hbm>> -> memref<80xf32, #tpu.memory_space<hbm>>
        %dma_start3A_71 = arith.constant 9920 : i32
        %dma_start3A_72 = tpu.memref_slice %arg5[%dma_start3A_71] : memref<10000xf32, #tpu.memory_space<hbm>> -> memref<80xf32, #tpu.memory_space<hbm>>
        %dma_start3A_73 = arith.constant 0 : i32
        %dma_start3A_74 = tpu.memref_slice %arg10[%dma_start3A_73] : memref<320xf32, #tpu.memory_space<vmem>> -> memref<80xf32, #tpu.memory_space<vmem>>
        tpu.enqueue_dma source(%dma_start3A_74 : memref<80xf32, #tpu.memory_space<vmem>>) target(%dma_start3A_72 : memref<80xf32, #tpu.memory_space<hbm>>) target_semaphore(%run_scoped3A : memref<!tpu.dma_semaphore, #tpu.memory_space<semaphore_mem>>)
        %dma_wait3A_75 = arith.constant 0 : i32
        %dma_wait3A_76 = tpu.memref_slice %arg10[%dma_wait3A_75] : memref<320xf32, #tpu.memory_space<vmem>> -> memref<80xf32, #tpu.memory_space<vmem>>
        %dma_wait3A_77 = arith.constant 9920 : i32
        %dma_wait3A_78 = tpu.memref_slice %arg5[%dma_wait3A_77] : memref<10000xf32, #tpu.memory_space<hbm>> -> memref<80xf32, #tpu.memory_space<hbm>>
        %dma_wait3A_79 = arith.constant 9920 : i32
        %dma_wait3A_80 = tpu.memref_slice %arg5[%dma_wait3A_79] : memref<10000xf32, #tpu.memory_space<hbm>> -> memref<80xf32, #tpu.memory_space<hbm>>
        %dma_wait3A_81 = arith.constant 0 : i32
        %dma_wait3A_82 = tpu.memref_slice %arg10[%dma_wait3A_81] : memref<320xf32, #tpu.memory_space<vmem>> -> memref<80xf32, #tpu.memory_space<vmem>>
        tpu.wait_dma2 semaphore(%run_scoped3A : memref<!tpu.dma_semaphore, #tpu.memory_space<semaphore_mem>>) src(%dma_wait3A_82 : memref<80xf32, #tpu.memory_space<vmem>>) dst(%dma_wait3A_80 : memref<80xf32, #tpu.memory_space<hbm>>)
        tpu.yield
      }) : () -> ()
    } else {
    }
    return
  }
}

#map = affine_map<(d0, d1) -> (0, 0)>
#map1 = affine_map<(d0, d1) -> (0, 0, 0)>
module attributes {stable_mosaic.version = 14 : i64} {
  func.func @_sc_scatter(%arg0: i32, %arg1: i32, %arg2: memref<10000x80xf32, #tpu.memory_space<hbm>>, %arg3: memref<2x320000xi32, #tpu.memory_space<hbm>>, %arg4: memref<2x10240x80xf32, #tpu.memory_space<hbm>>, %arg5: memref<10000xi32, #tpu.memory_space<vmem>>, %arg6: memref<10000xi32, #tpu.memory_space<vmem>>, %arg7: memref<80x80xf32, #tpu.memory_space<vmem>>, %arg8: memref<80x80xf32, #tpu.memory_space<vmem>>, %arg9: memref<80x80xf32, #tpu.memory_space<vmem>>, %arg10: memref<80x80xf32, #tpu.memory_space<vmem>>, %arg11: memref<80x80xf32, #tpu.memory_space<vmem>>, %arg12: memref<80x80xf32, #tpu.memory_space<vmem>>, %arg13: memref<80x80xf32, #tpu.memory_space<vmem>>, %arg14: memref<80x80xf32, #tpu.memory_space<vmem>>, %arg15: memref<10240x80xf32, #tpu.memory_space<vmem_shared>>, %arg16: memref<!tpu.dma_semaphore, #tpu.memory_space<semaphore_mem>>, %arg17: memref<!tpu.dma_semaphore, #tpu.memory_space<semaphore_mem>>, %arg18: memref<!tpu.dma_semaphore, #tpu.memory_space<semaphore_mem>>, %arg19: memref<!tpu.dma_semaphore, #tpu.memory_space<semaphore_mem>>, %arg20: memref<!tpu.dma_semaphore, #tpu.memory_space<semaphore_mem>>, %arg21: memref<!tpu.dma_semaphore, #tpu.memory_space<semaphore_mem>>, %arg22: memref<!tpu.dma_semaphore, #tpu.memory_space<semaphore_mem>>, %arg23: memref<!tpu.dma_semaphore, #tpu.memory_space<semaphore_mem>>, %arg24: memref<!tpu.dma_semaphore, #tpu.memory_space<semaphore_mem>>, %arg25: memref<!tpu.dma_semaphore, #tpu.memory_space<semaphore_mem>>, %arg26: memref<!tpu.dma_semaphore, #tpu.memory_space<semaphore_mem>>, %arg27: memref<!tpu.dma_semaphore, #tpu.memory_space<semaphore_mem>>, %arg28: memref<!tpu.dma_semaphore, #tpu.memory_space<semaphore_mem>>, %arg29: memref<!tpu.dma_semaphore, #tpu.memory_space<semaphore_mem>>, %arg30: memref<!tpu.dma_semaphore, #tpu.memory_space<semaphore_mem>>, %arg31: memref<!tpu.dma_semaphore, #tpu.memory_space<semaphore_mem>>) attributes {dimension_semantics = [#tpu.dimension_semantics<core_parallel>, #tpu.dimension_semantics<subcore_parallel>], iteration_bounds = array<i64: 2, 16>, scalar_prefetch = 0 : i64, scratch_operands = 27 : i64, tpu.core_type = #tpu.core_type<sc_vector_subcore>, window_params = [{transform_indices = #map}, {transform_indices = #map}, {transform_indices = #map1}]} {
    %mul3A = arith.constant 2 : i32
    %mul3A_0 = arith.muli %arg1, %mul3A : i32
    %add3A = arith.addi %mul3A_0, %arg0 : i32
    %mul3A_1 = arith.constant 640 : i32
    %mul3A_2 = arith.muli %arg1, %mul3A_1 : i32
    %mul3A_3 = arith.constant 10000 : i32
    %mul3A_4 = arith.muli %add3A, %mul3A_3 : i32
    %dma_start3A = arith.constant 0 : i32
    %dma_start3A_5 = tpu.memref_slice %arg3[%dma_start3A, %mul3A_4] : memref<2x320000xi32, #tpu.memory_space<hbm>> -> memref<1x10000xi32, #tpu.memory_space<hbm>>
    %dma_start3A_6 = tpu.memref_squeeze %dma_start3A_5 : memref<1x10000xi32, #tpu.memory_space<hbm>> -> memref<10000xi32, #tpu.memory_space<hbm>>
    %dma_start3A_7 = tpu.memref_slice %arg3[%dma_start3A, %mul3A_4] : memref<2x320000xi32, #tpu.memory_space<hbm>> -> memref<1x10000xi32, #tpu.memory_space<hbm>>
    %dma_start3A_8 = tpu.memref_squeeze %dma_start3A_7 : memref<1x10000xi32, #tpu.memory_space<hbm>> -> memref<10000xi32, #tpu.memory_space<hbm>>
    tpu.enqueue_dma source(%dma_start3A_8 : memref<10000xi32, #tpu.memory_space<hbm>>) target(%arg5 : memref<10000xi32, #tpu.memory_space<vmem>>) target_semaphore(%arg30 : memref<!tpu.dma_semaphore, #tpu.memory_space<semaphore_mem>>)
    %dma_start3A_9 = arith.constant 1 : i32
    %dma_start3A_10 = tpu.memref_slice %arg3[%dma_start3A_9, %mul3A_4] : memref<2x320000xi32, #tpu.memory_space<hbm>> -> memref<1x10000xi32, #tpu.memory_space<hbm>>
    %dma_start3A_11 = tpu.memref_squeeze %dma_start3A_10 : memref<1x10000xi32, #tpu.memory_space<hbm>> -> memref<10000xi32, #tpu.memory_space<hbm>>
    %dma_start3A_12 = tpu.memref_slice %arg3[%dma_start3A_9, %mul3A_4] : memref<2x320000xi32, #tpu.memory_space<hbm>> -> memref<1x10000xi32, #tpu.memory_space<hbm>>
    %dma_start3A_13 = tpu.memref_squeeze %dma_start3A_12 : memref<1x10000xi32, #tpu.memory_space<hbm>> -> memref<10000xi32, #tpu.memory_space<hbm>>
    tpu.enqueue_dma source(%dma_start3A_13 : memref<10000xi32, #tpu.memory_space<hbm>>) target(%arg6 : memref<10000xi32, #tpu.memory_space<vmem>>) target_semaphore(%arg30 : memref<!tpu.dma_semaphore, #tpu.memory_space<semaphore_mem>>)
    %broadcast_in_dim3A = arith.constant 0.000000e+00 : f32
    %broadcast_in_dim3A_14 = vector.broadcast %broadcast_in_dim3A : f32 to vector<16xf32>
    %scan3A = arith.constant 0 : i32
    %scan3A_15 = arith.constant 0 : i32
    %scan3A_16 = arith.constant 80 : i32
    %scan3A_17 = arith.addi %scan3A_15, %scan3A_16 : i32
    %scan3A_18 = arith.constant 1 : i32
    %scan3A_19 = scf.for %scan3A_189 = %scan3A_15 to %scan3A_17 step %scan3A_18 iter_args(%scan3A_190 = %scan3A) -> (i32)  : i32 {
      %swap3A = arith.index_cast %scan3A_189 : i32 to index
      %swap3A_191 = arith.constant 0 : index
      %swap3A_192 = tpu.vector_load %arg14[%swap3A, %swap3A_191] {strides = array<i32>} : memref<80x80xf32, #tpu.memory_space<vmem>>, vector<1x16xf32>,
      %swap3A_193 = vector.shape_cast %swap3A_192 : vector<1x16xf32> to vector<16xf32>
      %swap3A_194 = vector.shape_cast %broadcast_in_dim3A_14 : vector<16xf32> to vector<1x16xf32>
      tpu.vector_store %arg14[%swap3A, %swap3A_191], %swap3A_194 {strides = array<i32>} : memref<80x80xf32, #tpu.memory_space<vmem>>, vector<1x16xf32>,
      %swap3A_195 = arith.index_cast %scan3A_189 : i32 to index
      %swap3A_196 = arith.constant 16 : index
      %swap3A_197 = tpu.vector_load %arg14[%swap3A_195, %swap3A_196] {strides = array<i32>} : memref<80x80xf32, #tpu.memory_space<vmem>>, vector<1x16xf32>,
      %swap3A_198 = vector.shape_cast %swap3A_197 : vector<1x16xf32> to vector<16xf32>
      %swap3A_199 = vector.shape_cast %broadcast_in_dim3A_14 : vector<16xf32> to vector<1x16xf32>
      tpu.vector_store %arg14[%swap3A_195, %swap3A_196], %swap3A_199 {strides = array<i32>} : memref<80x80xf32, #tpu.memory_space<vmem>>, vector<1x16xf32>,
      %swap3A_200 = arith.index_cast %scan3A_189 : i32 to index
      %swap3A_201 = arith.constant 32 : index
      %swap3A_202 = tpu.vector_load %arg14[%swap3A_200, %swap3A_201] {strides = array<i32>} : memref<80x80xf32, #tpu.memory_space<vmem>>, vector<1x16xf32>,
      %swap3A_203 = vector.shape_cast %swap3A_202 : vector<1x16xf32> to vector<16xf32>
      %swap3A_204 = vector.shape_cast %broadcast_in_dim3A_14 : vector<16xf32> to vector<1x16xf32>
      tpu.vector_store %arg14[%swap3A_200, %swap3A_201], %swap3A_204 {strides = array<i32>} : memref<80x80xf32, #tpu.memory_space<vmem>>, vector<1x16xf32>,
      %swap3A_205 = arith.index_cast %scan3A_189 : i32 to index
      %swap3A_206 = arith.constant 48 : index
      %swap3A_207 = tpu.vector_load %arg14[%swap3A_205, %swap3A_206] {strides = array<i32>} : memref<80x80xf32, #tpu.memory_space<vmem>>, vector<1x16xf32>,
      %swap3A_208 = vector.shape_cast %swap3A_207 : vector<1x16xf32> to vector<16xf32>
      %swap3A_209 = vector.shape_cast %broadcast_in_dim3A_14 : vector<16xf32> to vector<1x16xf32>
      tpu.vector_store %arg14[%swap3A_205, %swap3A_206], %swap3A_209 {strides = array<i32>} : memref<80x80xf32, #tpu.memory_space<vmem>>, vector<1x16xf32>,
      %swap3A_210 = arith.index_cast %scan3A_189 : i32 to index
      %swap3A_211 = arith.constant 64 : index
      %swap3A_212 = tpu.vector_load %arg14[%swap3A_210, %swap3A_211] {strides = array<i32>} : memref<80x80xf32, #tpu.memory_space<vmem>>, vector<1x16xf32>,
      %swap3A_213 = vector.shape_cast %swap3A_212 : vector<1x16xf32> to vector<16xf32>
      %swap3A_214 = vector.shape_cast %broadcast_in_dim3A_14 : vector<16xf32> to vector<1x16xf32>
      tpu.vector_store %arg14[%swap3A_210, %swap3A_211], %swap3A_214 {strides = array<i32>} : memref<80x80xf32, #tpu.memory_space<vmem>>, vector<1x16xf32>,
      %scan3A_215 = arith.constant 0 : i32
      scf.yield %scan3A_215 : i32
    }
    %scan3A_20 = arith.constant 80 : i32
    %add3A_21 = arith.constant 0 : i32
    %add3A_22 = arith.addi %mul3A_2, %add3A_21 : i32
    %dma_start3A_23 = arith.constant 0 : i32
    %dma_start3A_24 = tpu.memref_slice %arg15[%add3A_22, %dma_start3A_23] : memref<10240x80xf32, #tpu.memory_space<vmem_shared>> -> memref<80x80xf32, #tpu.memory_space<vmem_shared>>
    %dma_start3A_25 = arith.constant 0 : i32
    %dma_start3A_26 = tpu.memref_slice %arg15[%add3A_22, %dma_start3A_25] : memref<10240x80xf32, #tpu.memory_space<vmem_shared>> -> memref<80x80xf32, #tpu.memory_space<vmem_shared>>
    tpu.enqueue_dma source(%arg14 : memref<80x80xf32, #tpu.memory_space<vmem>>) target(%dma_start3A_26 : memref<80x80xf32, #tpu.memory_space<vmem_shared>>) target_semaphore(%arg31 : memref<!tpu.dma_semaphore, #tpu.memory_space<semaphore_mem>>)
    %add3A_27 = arith.constant 80 : i32
    %add3A_28 = arith.addi %mul3A_2, %add3A_27 : i32
    %dma_start3A_29 = arith.constant 0 : i32
    %dma_start3A_30 = tpu.memref_slice %arg15[%add3A_28, %dma_start3A_29] : memref<10240x80xf32, #tpu.memory_space<vmem_shared>> -> memref<80x80xf32, #tpu.memory_space<vmem_shared>>
    %dma_start3A_31 = arith.constant 0 : i32
    %dma_start3A_32 = tpu.memref_slice %arg15[%add3A_28, %dma_start3A_31] : memref<10240x80xf32, #tpu.memory_space<vmem_shared>> -> memref<80x80xf32, #tpu.memory_space<vmem_shared>>
    tpu.enqueue_dma source(%arg14 : memref<80x80xf32, #tpu.memory_space<vmem>>) target(%dma_start3A_32 : memref<80x80xf32, #tpu.memory_space<vmem_shared>>) target_semaphore(%arg31 : memref<!tpu.dma_semaphore, #tpu.memory_space<semaphore_mem>>)
    %add3A_33 = arith.constant 160 : i32
    %add3A_34 = arith.addi %mul3A_2, %add3A_33 : i32
    %dma_start3A_35 = arith.constant 0 : i32
    %dma_start3A_36 = tpu.memref_slice %arg15[%add3A_34, %dma_start3A_35] : memref<10240x80xf32, #tpu.memory_space<vmem_shared>> -> memref<80x80xf32, #tpu.memory_space<vmem_shared>>
    %dma_start3A_37 = arith.constant 0 : i32
    %dma_start3A_38 = tpu.memref_slice %arg15[%add3A_34, %dma_start3A_37] : memref<10240x80xf32, #tpu.memory_space<vmem_shared>> -> memref<80x80xf32, #tpu.memory_space<vmem_shared>>
    tpu.enqueue_dma source(%arg14 : memref<80x80xf32, #tpu.memory_space<vmem>>) target(%dma_start3A_38 : memref<80x80xf32, #tpu.memory_space<vmem_shared>>) target_semaphore(%arg31 : memref<!tpu.dma_semaphore, #tpu.memory_space<semaphore_mem>>)
    %add3A_39 = arith.constant 240 : i32
    %add3A_40 = arith.addi %mul3A_2, %add3A_39 : i32
    %dma_start3A_41 = arith.constant 0 : i32
    %dma_start3A_42 = tpu.memref_slice %arg15[%add3A_40, %dma_start3A_41] : memref<10240x80xf32, #tpu.memory_space<vmem_shared>> -> memref<80x80xf32, #tpu.memory_space<vmem_shared>>
    %dma_start3A_43 = arith.constant 0 : i32
    %dma_start3A_44 = tpu.memref_slice %arg15[%add3A_40, %dma_start3A_43] : memref<10240x80xf32, #tpu.memory_space<vmem_shared>> -> memref<80x80xf32, #tpu.memory_space<vmem_shared>>
    tpu.enqueue_dma source(%arg14 : memref<80x80xf32, #tpu.memory_space<vmem>>) target(%dma_start3A_44 : memref<80x80xf32, #tpu.memory_space<vmem_shared>>) target_semaphore(%arg31 : memref<!tpu.dma_semaphore, #tpu.memory_space<semaphore_mem>>)
    %add3A_45 = arith.constant 320 : i32
    %add3A_46 = arith.addi %mul3A_2, %add3A_45 : i32
    %dma_start3A_47 = arith.constant 0 : i32
    %dma_start3A_48 = tpu.memref_slice %arg15[%add3A_46, %dma_start3A_47] : memref<10240x80xf32, #tpu.memory_space<vmem_shared>> -> memref<80x80xf32, #tpu.memory_space<vmem_shared>>
    %dma_start3A_49 = arith.constant 0 : i32
    %dma_start3A_50 = tpu.memref_slice %arg15[%add3A_46, %dma_start3A_49] : memref<10240x80xf32, #tpu.memory_space<vmem_shared>> -> memref<80x80xf32, #tpu.memory_space<vmem_shared>>
    tpu.enqueue_dma source(%arg14 : memref<80x80xf32, #tpu.memory_space<vmem>>) target(%dma_start3A_50 : memref<80x80xf32, #tpu.memory_space<vmem_shared>>) target_semaphore(%arg31 : memref<!tpu.dma_semaphore, #tpu.memory_space<semaphore_mem>>)
    %add3A_51 = arith.constant 400 : i32
    %add3A_52 = arith.addi %mul3A_2, %add3A_51 : i32
    %dma_start3A_53 = arith.constant 0 : i32
    %dma_start3A_54 = tpu.memref_slice %arg15[%add3A_52, %dma_start3A_53] : memref<10240x80xf32, #tpu.memory_space<vmem_shared>> -> memref<80x80xf32, #tpu.memory_space<vmem_shared>>
    %dma_start3A_55 = arith.constant 0 : i32
    %dma_start3A_56 = tpu.memref_slice %arg15[%add3A_52, %dma_start3A_55] : memref<10240x80xf32, #tpu.memory_space<vmem_shared>> -> memref<80x80xf32, #tpu.memory_space<vmem_shared>>
    tpu.enqueue_dma source(%arg14 : memref<80x80xf32, #tpu.memory_space<vmem>>) target(%dma_start3A_56 : memref<80x80xf32, #tpu.memory_space<vmem_shared>>) target_semaphore(%arg31 : memref<!tpu.dma_semaphore, #tpu.memory_space<semaphore_mem>>)
    %add3A_57 = arith.constant 480 : i32
    %add3A_58 = arith.addi %mul3A_2, %add3A_57 : i32
    %dma_start3A_59 = arith.constant 0 : i32
    %dma_start3A_60 = tpu.memref_slice %arg15[%add3A_58, %dma_start3A_59] : memref<10240x80xf32, #tpu.memory_space<vmem_shared>> -> memref<80x80xf32, #tpu.memory_space<vmem_shared>>
    %dma_start3A_61 = arith.constant 0 : i32
    %dma_start3A_62 = tpu.memref_slice %arg15[%add3A_58, %dma_start3A_61] : memref<10240x80xf32, #tpu.memory_space<vmem_shared>> -> memref<80x80xf32, #tpu.memory_space<vmem_shared>>
    tpu.enqueue_dma source(%arg14 : memref<80x80xf32, #tpu.memory_space<vmem>>) target(%dma_start3A_62 : memref<80x80xf32, #tpu.memory_space<vmem_shared>>) target_semaphore(%arg31 : memref<!tpu.dma_semaphore, #tpu.memory_space<semaphore_mem>>)
    %add3A_63 = arith.constant 560 : i32
    %add3A_64 = arith.addi %mul3A_2, %add3A_63 : i32
    %dma_start3A_65 = arith.constant 0 : i32
    %dma_start3A_66 = tpu.memref_slice %arg15[%add3A_64, %dma_start3A_65] : memref<10240x80xf32, #tpu.memory_space<vmem_shared>> -> memref<80x80xf32, #tpu.memory_space<vmem_shared>>
    %dma_start3A_67 = arith.constant 0 : i32
    %dma_start3A_68 = tpu.memref_slice %arg15[%add3A_64, %dma_start3A_67] : memref<10240x80xf32, #tpu.memory_space<vmem_shared>> -> memref<80x80xf32, #tpu.memory_space<vmem_shared>>
    tpu.enqueue_dma source(%arg14 : memref<80x80xf32, #tpu.memory_space<vmem>>) target(%dma_start3A_68 : memref<80x80xf32, #tpu.memory_space<vmem_shared>>) target_semaphore(%arg31 : memref<!tpu.dma_semaphore, #tpu.memory_space<semaphore_mem>>)
    %dma_wait3A = arith.constant 0 : i32
    %dma_wait3A_69 = tpu.memref_slice %arg3[%dma_wait3A, %mul3A_4] : memref<2x320000xi32, #tpu.memory_space<hbm>> -> memref<1x10000xi32, #tpu.memory_space<hbm>>
    %dma_wait3A_70 = tpu.memref_squeeze %dma_wait3A_69 : memref<1x10000xi32, #tpu.memory_space<hbm>> -> memref<10000xi32, #tpu.memory_space<hbm>>
    %dma_wait3A_71 = tpu.memref_slice %arg3[%dma_wait3A, %mul3A_4] : memref<2x320000xi32, #tpu.memory_space<hbm>> -> memref<1x10000xi32, #tpu.memory_space<hbm>>
    %dma_wait3A_72 = tpu.memref_squeeze %dma_wait3A_71 : memref<1x10000xi32, #tpu.memory_space<hbm>> -> memref<10000xi32, #tpu.memory_space<hbm>>
    tpu.wait_dma2 semaphore(%arg30 : memref<!tpu.dma_semaphore, #tpu.memory_space<semaphore_mem>>) src(%dma_wait3A_72 : memref<10000xi32, #tpu.memory_space<hbm>>) dst(%arg5 : memref<10000xi32, #tpu.memory_space<vmem>>)
    %dma_wait3A_73 = arith.constant 1 : i32
    %dma_wait3A_74 = tpu.memref_slice %arg3[%dma_wait3A_73, %mul3A_4] : memref<2x320000xi32, #tpu.memory_space<hbm>> -> memref<1x10000xi32, #tpu.memory_space<hbm>>
    %dma_wait3A_75 = tpu.memref_squeeze %dma_wait3A_74 : memref<1x10000xi32, #tpu.memory_space<hbm>> -> memref<10000xi32, #tpu.memory_space<hbm>>
    %dma_wait3A_76 = tpu.memref_slice %arg3[%dma_wait3A_73, %mul3A_4] : memref<2x320000xi32, #tpu.memory_space<hbm>> -> memref<1x10000xi32, #tpu.memory_space<hbm>>
    %dma_wait3A_77 = tpu.memref_squeeze %dma_wait3A_76 : memref<1x10000xi32, #tpu.memory_space<hbm>> -> memref<10000xi32, #tpu.memory_space<hbm>>
    tpu.wait_dma2 semaphore(%arg30 : memref<!tpu.dma_semaphore, #tpu.memory_space<semaphore_mem>>) src(%dma_wait3A_77 : memref<10000xi32, #tpu.memory_space<hbm>>) dst(%arg6 : memref<10000xi32, #tpu.memory_space<vmem>>)
    %dma_start3A_78 = arith.constant 0 : i32
    %dma_start3A_79 = tpu.memref_slice %arg5[%dma_start3A_78] : memref<10000xi32, #tpu.memory_space<vmem>> -> memref<80xi32, #tpu.memory_space<vmem>>
    %dma_start3A_80 = arith.constant 0 : i32
    %dma_start3A_81 = arith.constant 0 : i32
    %dma_start3A_82 = tpu.memref_slice %arg2[%dma_start3A_80, %dma_start3A_81] : memref<10000x80xf32, #tpu.memory_space<hbm>> -> memref<10000x80xf32, #tpu.memory_space<hbm>>
    tpu.enqueue_indirect_dma source(%dma_start3A_82 : memref<10000x80xf32, #tpu.memory_space<hbm>>) target(%arg7 : memref<80x80xf32, #tpu.memory_space<vmem>>) offsets(%dma_start3A_79 : memref<80xi32, #tpu.memory_space<vmem>>) semaphore(%arg16 : memref<!tpu.dma_semaphore, #tpu.memory_space<semaphore_mem>>)
    %dma_start3A_83 = arith.constant 80 : i32
    %dma_start3A_84 = tpu.memref_slice %arg5[%dma_start3A_83] : memref<10000xi32, #tpu.memory_space<vmem>> -> memref<80xi32, #tpu.memory_space<vmem>>
    %dma_start3A_85 = arith.constant 0 : i32
    %dma_start3A_86 = arith.constant 0 : i32
    %dma_start3A_87 = tpu.memref_slice %arg2[%dma_start3A_85, %dma_start3A_86] : memref<10000x80xf32, #tpu.memory_space<hbm>> -> memref<10000x80xf32, #tpu.memory_space<hbm>>
    tpu.enqueue_indirect_dma source(%dma_start3A_87 : memref<10000x80xf32, #tpu.memory_space<hbm>>) target(%arg8 : memref<80x80xf32, #tpu.memory_space<vmem>>) offsets(%dma_start3A_84 : memref<80xi32, #tpu.memory_space<vmem>>) semaphore(%arg17 : memref<!tpu.dma_semaphore, #tpu.memory_space<semaphore_mem>>)
    %dma_start3A_88 = arith.constant 160 : i32
    %dma_start3A_89 = tpu.memref_slice %arg5[%dma_start3A_88] : memref<10000xi32, #tpu.memory_space<vmem>> -> memref<80xi32, #tpu.memory_space<vmem>>
    %dma_start3A_90 = arith.constant 0 : i32
    %dma_start3A_91 = arith.constant 0 : i32
    %dma_start3A_92 = tpu.memref_slice %arg2[%dma_start3A_90, %dma_start3A_91] : memref<10000x80xf32, #tpu.memory_space<hbm>> -> memref<10000x80xf32, #tpu.memory_space<hbm>>
    tpu.enqueue_indirect_dma source(%dma_start3A_92 : memref<10000x80xf32, #tpu.memory_space<hbm>>) target(%arg9 : memref<80x80xf32, #tpu.memory_space<vmem>>) offsets(%dma_start3A_89 : memref<80xi32, #tpu.memory_space<vmem>>) semaphore(%arg18 : memref<!tpu.dma_semaphore, #tpu.memory_space<semaphore_mem>>)
    %dma_start3A_93 = arith.constant 240 : i32
    %dma_start3A_94 = tpu.memref_slice %arg5[%dma_start3A_93] : memref<10000xi32, #tpu.memory_space<vmem>> -> memref<80xi32, #tpu.memory_space<vmem>>
    %dma_start3A_95 = arith.constant 0 : i32
    %dma_start3A_96 = arith.constant 0 : i32
    %dma_start3A_97 = tpu.memref_slice %arg2[%dma_start3A_95, %dma_start3A_96] : memref<10000x80xf32, #tpu.memory_space<hbm>> -> memref<10000x80xf32, #tpu.memory_space<hbm>>
    tpu.enqueue_indirect_dma source(%dma_start3A_97 : memref<10000x80xf32, #tpu.memory_space<hbm>>) target(%arg10 : memref<80x80xf32, #tpu.memory_space<vmem>>) offsets(%dma_start3A_94 : memref<80xi32, #tpu.memory_space<vmem>>) semaphore(%arg19 : memref<!tpu.dma_semaphore, #tpu.memory_space<semaphore_mem>>)
    %add3A_98 = arith.constant 0 : i32
    %add3A_99 = arith.addi %mul3A_2, %add3A_98 : i32
    %dma_wait3A_100 = arith.constant 0 : i32
    %dma_wait3A_101 = tpu.memref_slice %arg15[%add3A_99, %dma_wait3A_100] : memref<10240x80xf32, #tpu.memory_space<vmem_shared>> -> memref<80x80xf32, #tpu.memory_space<vmem_shared>>
    %dma_wait3A_102 = arith.constant 0 : i32
    %dma_wait3A_103 = tpu.memref_slice %arg15[%add3A_99, %dma_wait3A_102] : memref<10240x80xf32, #tpu.memory_space<vmem_shared>> -> memref<80x80xf32, #tpu.memory_space<vmem_shared>>
    tpu.wait_dma2 semaphore(%arg31 : memref<!tpu.dma_semaphore, #tpu.memory_space<semaphore_mem>>) src(%arg14 : memref<80x80xf32, #tpu.memory_space<vmem>>) dst(%dma_wait3A_103 : memref<80x80xf32, #tpu.memory_space<vmem_shared>>)
    %add3A_104 = arith.constant 80 : i32
    %add3A_105 = arith.addi %mul3A_2, %add3A_104 : i32
    %dma_wait3A_106 = arith.constant 0 : i32
    %dma_wait3A_107 = tpu.memref_slice %arg15[%add3A_105, %dma_wait3A_106] : memref<10240x80xf32, #tpu.memory_space<vmem_shared>> -> memref<80x80xf32, #tpu.memory_space<vmem_shared>>
    %dma_wait3A_108 = arith.constant 0 : i32
    %dma_wait3A_109 = tpu.memref_slice %arg15[%add3A_105, %dma_wait3A_108] : memref<10240x80xf32, #tpu.memory_space<vmem_shared>> -> memref<80x80xf32, #tpu.memory_space<vmem_shared>>
    tpu.wait_dma2 semaphore(%arg31 : memref<!tpu.dma_semaphore, #tpu.memory_space<semaphore_mem>>) src(%arg14 : memref<80x80xf32, #tpu.memory_space<vmem>>) dst(%dma_wait3A_109 : memref<80x80xf32, #tpu.memory_space<vmem_shared>>)
    %add3A_110 = arith.constant 160 : i32
    %add3A_111 = arith.addi %mul3A_2, %add3A_110 : i32
    %dma_wait3A_112 = arith.constant 0 : i32
    %dma_wait3A_113 = tpu.memref_slice %arg15[%add3A_111, %dma_wait3A_112] : memref<10240x80xf32, #tpu.memory_space<vmem_shared>> -> memref<80x80xf32, #tpu.memory_space<vmem_shared>>
    %dma_wait3A_114 = arith.constant 0 : i32
    %dma_wait3A_115 = tpu.memref_slice %arg15[%add3A_111, %dma_wait3A_114] : memref<10240x80xf32, #tpu.memory_space<vmem_shared>> -> memref<80x80xf32, #tpu.memory_space<vmem_shared>>
    tpu.wait_dma2 semaphore(%arg31 : memref<!tpu.dma_semaphore, #tpu.memory_space<semaphore_mem>>) src(%arg14 : memref<80x80xf32, #tpu.memory_space<vmem>>) dst(%dma_wait3A_115 : memref<80x80xf32, #tpu.memory_space<vmem_shared>>)
    %add3A_116 = arith.constant 240 : i32
    %add3A_117 = arith.addi %mul3A_2, %add3A_116 : i32
    %dma_wait3A_118 = arith.constant 0 : i32
    %dma_wait3A_119 = tpu.memref_slice %arg15[%add3A_117, %dma_wait3A_118] : memref<10240x80xf32, #tpu.memory_space<vmem_shared>> -> memref<80x80xf32, #tpu.memory_space<vmem_shared>>
    %dma_wait3A_120 = arith.constant 0 : i32
    %dma_wait3A_121 = tpu.memref_slice %arg15[%add3A_117, %dma_wait3A_120] : memref<10240x80xf32, #tpu.memory_space<vmem_shared>> -> memref<80x80xf32, #tpu.memory_space<vmem_shared>>
    tpu.wait_dma2 semaphore(%arg31 : memref<!tpu.dma_semaphore, #tpu.memory_space<semaphore_mem>>) src(%arg14 : memref<80x80xf32, #tpu.memory_space<vmem>>) dst(%dma_wait3A_121 : memref<80x80xf32, #tpu.memory_space<vmem_shared>>)
    %add3A_122 = arith.constant 320 : i32
    %add3A_123 = arith.addi %mul3A_2, %add3A_122 : i32
    %dma_wait3A_124 = arith.constant 0 : i32
    %dma_wait3A_125 = tpu.memref_slice %arg15[%add3A_123, %dma_wait3A_124] : memref<10240x80xf32, #tpu.memory_space<vmem_shared>> -> memref<80x80xf32, #tpu.memory_space<vmem_shared>>
    %dma_wait3A_126 = arith.constant 0 : i32
    %dma_wait3A_127 = tpu.memref_slice %arg15[%add3A_123, %dma_wait3A_126] : memref<10240x80xf32, #tpu.memory_space<vmem_shared>> -> memref<80x80xf32, #tpu.memory_space<vmem_shared>>
    tpu.wait_dma2 semaphore(%arg31 : memref<!tpu.dma_semaphore, #tpu.memory_space<semaphore_mem>>) src(%arg14 : memref<80x80xf32, #tpu.memory_space<vmem>>) dst(%dma_wait3A_127 : memref<80x80xf32, #tpu.memory_space<vmem_shared>>)
    %add3A_128 = arith.constant 400 : i32
    %add3A_129 = arith.addi %mul3A_2, %add3A_128 : i32
    %dma_wait3A_130 = arith.constant 0 : i32
    %dma_wait3A_131 = tpu.memref_slice %arg15[%add3A_129, %dma_wait3A_130] : memref<10240x80xf32, #tpu.memory_space<vmem_shared>> -> memref<80x80xf32, #tpu.memory_space<vmem_shared>>
    %dma_wait3A_132 = arith.constant 0 : i32
    %dma_wait3A_133 = tpu.memref_slice %arg15[%add3A_129, %dma_wait3A_132] : memref<10240x80xf32, #tpu.memory_space<vmem_shared>> -> memref<80x80xf32, #tpu.memory_space<vmem_shared>>
    tpu.wait_dma2 semaphore(%arg31 : memref<!tpu.dma_semaphore, #tpu.memory_space<semaphore_mem>>) src(%arg14 : memref<80x80xf32, #tpu.memory_space<vmem>>) dst(%dma_wait3A_133 : memref<80x80xf32, #tpu.memory_space<vmem_shared>>)
    %add3A_134 = arith.constant 480 : i32
    %add3A_135 = arith.addi %mul3A_2, %add3A_134 : i32
    %dma_wait3A_136 = arith.constant 0 : i32
    %dma_wait3A_137 = tpu.memref_slice %arg15[%add3A_135, %dma_wait3A_136] : memref<10240x80xf32, #tpu.memory_space<vmem_shared>> -> memref<80x80xf32, #tpu.memory_space<vmem_shared>>
    %dma_wait3A_138 = arith.constant 0 : i32
    %dma_wait3A_139 = tpu.memref_slice %arg15[%add3A_135, %dma_wait3A_138] : memref<10240x80xf32, #tpu.memory_space<vmem_shared>> -> memref<80x80xf32, #tpu.memory_space<vmem_shared>>
    tpu.wait_dma2 semaphore(%arg31 : memref<!tpu.dma_semaphore, #tpu.memory_space<semaphore_mem>>) src(%arg14 : memref<80x80xf32, #tpu.memory_space<vmem>>) dst(%dma_wait3A_139 : memref<80x80xf32, #tpu.memory_space<vmem_shared>>)
    %add3A_140 = arith.constant 560 : i32
    %add3A_141 = arith.addi %mul3A_2, %add3A_140 : i32
    %dma_wait3A_142 = arith.constant 0 : i32
    %dma_wait3A_143 = tpu.memref_slice %arg15[%add3A_141, %dma_wait3A_142] : memref<10240x80xf32, #tpu.memory_space<vmem_shared>> -> memref<80x80xf32, #tpu.memory_space<vmem_shared>>
    %dma_wait3A_144 = arith.constant 0 : i32
    %dma_wait3A_145 = tpu.memref_slice %arg15[%add3A_141, %dma_wait3A_144] : memref<10240x80xf32, #tpu.memory_space<vmem_shared>> -> memref<80x80xf32, #tpu.memory_space<vmem_shared>>
    tpu.wait_dma2 semaphore(%arg31 : memref<!tpu.dma_semaphore, #tpu.memory_space<semaphore_mem>>) src(%arg14 : memref<80x80xf32, #tpu.memory_space<vmem>>) dst(%dma_wait3A_145 : memref<80x80xf32, #tpu.memory_space<vmem_shared>>)
    %barrier3A = arith.constant 0 : index
    tpu.barrier barrier_id(%barrier3A)
    %scan3A_146 = arith.constant 0 : i32
    %scan3A_147 = arith.constant 0 : i32
    %scan3A_148 = arith.constant 18 : i32
    %scan3A_149 = arith.addi %scan3A_147, %scan3A_148 : i32
    %scan3A_150 = arith.constant 1 : i32
    %scan3A_151 = scf.for %scan3A_189 = %scan3A_147 to %scan3A_149 step %scan3A_150 iter_args(%scan3A_190 = %scan3A_146) -> (i32)  : i32 {
      %mul3A_191 = arith.constant 7 : i32
      %mul3A_192 = arith.muli %mul3A_191, %scan3A_189 : i32
      %add3A_193 = arith.constant 0 : i32
      %add3A_194 = arith.addi %mul3A_192, %add3A_193 : i32
      %add3A_195 = arith.constant 4 : i32
      %add3A_196 = arith.addi %add3A_194, %add3A_195 : i32
      %lt3A = arith.constant 125 : i32
      %lt3A_197 = arith.cmpi slt, %add3A_196, %lt3A : i32
      %convert_element_type3A = arith.extui %lt3A_197 : i1 to i32
      %cond3A = arith.constant 0 : i32
      %cond3A_198 = arith.cmpi ne, %convert_element_type3A, %cond3A : i32
      scf.if %cond3A_198 {
        %ge3A = arith.constant 3 : i32
        %ge3A_301 = arith.cmpi sge, %add3A_194, %ge3A : i32
        %convert_element_type3A_302 = arith.extui %ge3A_301 : i1 to i32
        %cond3A_303 = arith.constant 0 : i32
        %cond3A_304 = arith.cmpi ne, %convert_element_type3A_302, %cond3A_303 : i32
        scf.if %cond3A_304 {
          %sub3A = arith.constant 3 : i32
          %sub3A_313 = arith.subi %add3A_194, %sub3A : i32
          %mul3A_314 = arith.constant 80 : i32
          %mul3A_315 = arith.muli %sub3A_313, %mul3A_314 : i32
          %dma_wait3A_316 = tpu.memref_slice %arg6[%mul3A_315] : memref<10000xi32, #tpu.memory_space<vmem>> -> memref<80xi32, #tpu.memory_space<vmem>>
          %dma_wait3A_317 = arith.constant 0 : i32
          %dma_wait3A_318 = arith.constant 0 : i32
          %dma_wait3A_319 = tpu.memref_slice %arg15[%dma_wait3A_317, %dma_wait3A_318] : memref<10240x80xf32, #tpu.memory_space<vmem_shared>> -> memref<10240x80xf32, #tpu.memory_space<vmem_shared>>
          tpu.wait_indirect_dma semaphore(%arg27 : memref<!tpu.dma_semaphore, #tpu.memory_space<semaphore_mem>>) src(%arg11 : memref<80x80xf32, #tpu.memory_space<vmem>>) dst(%dma_wait3A_319 : memref<10240x80xf32, #tpu.memory_space<vmem_shared>>)
        } else {
        }
        %add3A_305 = arith.constant 4 : i32
        %add3A_306 = arith.addi %add3A_194, %add3A_305 : i32
        %mul3A_307 = arith.constant 80 : i32
        %mul3A_308 = arith.muli %add3A_306, %mul3A_307 : i32
        %dma_start3A_309 = tpu.memref_slice %arg5[%mul3A_308] : memref<10000xi32, #tpu.memory_space<vmem>> -> memref<80xi32, #tpu.memory_space<vmem>>
        %dma_start3A_310 = arith.constant 0 : i32
        %dma_start3A_311 = arith.constant 0 : i32
        %dma_start3A_312 = tpu.memref_slice %arg2[%dma_start3A_310, %dma_start3A_311] : memref<10000x80xf32, #tpu.memory_space<hbm>> -> memref<10000x80xf32, #tpu.memory_space<hbm>>
        tpu.enqueue_indirect_dma source(%dma_start3A_312 : memref<10000x80xf32, #tpu.memory_space<hbm>>) target(%arg11 : memref<80x80xf32, #tpu.memory_space<vmem>>) offsets(%dma_start3A_309 : memref<80xi32, #tpu.memory_space<vmem>>) semaphore(%arg20 : memref<!tpu.dma_semaphore, #tpu.memory_space<semaphore_mem>>)
      } else {
      }
      %lt3A_199 = arith.constant 125 : i32
      %lt3A_200 = arith.cmpi slt, %add3A_194, %lt3A_199 : i32
      %convert_element_type3A_201 = arith.extui %lt3A_200 : i1 to i32
      %cond3A_202 = arith.constant 0 : i32
      %cond3A_203 = arith.cmpi ne, %convert_element_type3A_201, %cond3A_202 : i32
      scf.if %cond3A_203 {
        %mul3A_301 = arith.constant 80 : i32
        %mul3A_302 = arith.muli %add3A_194, %mul3A_301 : i32
        %dma_wait3A_303 = tpu.memref_slice %arg5[%mul3A_302] : memref<10000xi32, #tpu.memory_space<vmem>> -> memref<80xi32, #tpu.memory_space<vmem>>
        %dma_wait3A_304 = arith.constant 0 : i32
        %dma_wait3A_305 = arith.constant 0 : i32
        %dma_wait3A_306 = tpu.memref_slice %arg2[%dma_wait3A_304, %dma_wait3A_305] : memref<10000x80xf32, #tpu.memory_space<hbm>> -> memref<10000x80xf32, #tpu.memory_space<hbm>>
        tpu.wait_indirect_dma semaphore(%arg16 : memref<!tpu.dma_semaphore, #tpu.memory_space<semaphore_mem>>) src(%dma_wait3A_306 : memref<10000x80xf32, #tpu.memory_space<hbm>>) dst(%arg7 : memref<80x80xf32, #tpu.memory_space<vmem>>)
        %mul3A_307 = arith.constant 80 : i32
        %mul3A_308 = arith.muli %add3A_194, %mul3A_307 : i32
        %dma_start3A_309 = tpu.memref_slice %arg6[%mul3A_308] : memref<10000xi32, #tpu.memory_space<vmem>> -> memref<80xi32, #tpu.memory_space<vmem>>
        %dma_start3A_310 = arith.constant 0 : i32
        %dma_start3A_311 = arith.constant 0 : i32
        %dma_start3A_312 = tpu.memref_slice %arg15[%dma_start3A_310, %dma_start3A_311] : memref<10240x80xf32, #tpu.memory_space<vmem_shared>> -> memref<10240x80xf32, #tpu.memory_space<vmem_shared>>
        tpu.enqueue_indirect_dma source(%arg7 : memref<80x80xf32, #tpu.memory_space<vmem>>) target(%dma_start3A_312 : memref<10240x80xf32, #tpu.memory_space<vmem_shared>>) offsets(%dma_start3A_309 : memref<80xi32, #tpu.memory_space<vmem>>) semaphore(%arg23 : memref<!tpu.dma_semaphore, #tpu.memory_space<semaphore_mem>>) {add = true}
      } else {
      }
      %mul3A_204 = arith.constant 7 : i32
      %mul3A_205 = arith.muli %mul3A_204, %scan3A_189 : i32
      %add3A_206 = arith.constant 1 : i32
      %add3A_207 = arith.addi %mul3A_205, %add3A_206 : i32
      %add3A_208 = arith.constant 4 : i32
      %add3A_209 = arith.addi %add3A_207, %add3A_208 : i32
      %lt3A_210 = arith.constant 125 : i32
      %lt3A_211 = arith.cmpi slt, %add3A_209, %lt3A_210 : i32
      %convert_element_type3A_212 = arith.extui %lt3A_211 : i1 to i32
      %cond3A_213 = arith.constant 0 : i32
      %cond3A_214 = arith.cmpi ne, %convert_element_type3A_212, %cond3A_213 : i32
      scf.if %cond3A_214 {
        %ge3A = arith.constant 3 : i32
        %ge3A_301 = arith.cmpi sge, %add3A_207, %ge3A : i32
        %convert_element_type3A_302 = arith.extui %ge3A_301 : i1 to i32
        %cond3A_303 = arith.constant 0 : i32
        %cond3A_304 = arith.cmpi ne, %convert_element_type3A_302, %cond3A_303 : i32
        scf.if %cond3A_304 {
          %sub3A = arith.constant 3 : i32
          %sub3A_313 = arith.subi %add3A_207, %sub3A : i32
          %mul3A_314 = arith.constant 80 : i32
          %mul3A_315 = arith.muli %sub3A_313, %mul3A_314 : i32
          %dma_wait3A_316 = tpu.memref_slice %arg6[%mul3A_315] : memref<10000xi32, #tpu.memory_space<vmem>> -> memref<80xi32, #tpu.memory_space<vmem>>
          %dma_wait3A_317 = arith.constant 0 : i32
          %dma_wait3A_318 = arith.constant 0 : i32
          %dma_wait3A_319 = tpu.memref_slice %arg15[%dma_wait3A_317, %dma_wait3A_318] : memref<10240x80xf32, #tpu.memory_space<vmem_shared>> -> memref<10240x80xf32, #tpu.memory_space<vmem_shared>>
          tpu.wait_indirect_dma semaphore(%arg28 : memref<!tpu.dma_semaphore, #tpu.memory_space<semaphore_mem>>) src(%arg12 : memref<80x80xf32, #tpu.memory_space<vmem>>) dst(%dma_wait3A_319 : memref<10240x80xf32, #tpu.memory_space<vmem_shared>>)
        } else {
        }
        %add3A_305 = arith.constant 4 : i32
        %add3A_306 = arith.addi %add3A_207, %add3A_305 : i32
        %mul3A_307 = arith.constant 80 : i32
        %mul3A_308 = arith.muli %add3A_306, %mul3A_307 : i32
        %dma_start3A_309 = tpu.memref_slice %arg5[%mul3A_308] : memref<10000xi32, #tpu.memory_space<vmem>> -> memref<80xi32, #tpu.memory_space<vmem>>
        %dma_start3A_310 = arith.constant 0 : i32
        %dma_start3A_311 = arith.constant 0 : i32
        %dma_start3A_312 = tpu.memref_slice %arg2[%dma_start3A_310, %dma_start3A_311] : memref<10000x80xf32, #tpu.memory_space<hbm>> -> memref<10000x80xf32, #tpu.memory_space<hbm>>
        tpu.enqueue_indirect_dma source(%dma_start3A_312 : memref<10000x80xf32, #tpu.memory_space<hbm>>) target(%arg12 : memref<80x80xf32, #tpu.memory_space<vmem>>) offsets(%dma_start3A_309 : memref<80xi32, #tpu.memory_space<vmem>>) semaphore(%arg21 : memref<!tpu.dma_semaphore, #tpu.memory_space<semaphore_mem>>)
      } else {
      }
      %lt3A_215 = arith.constant 125 : i32
      %lt3A_216 = arith.cmpi slt, %add3A_207, %lt3A_215 : i32
      %convert_element_type3A_217 = arith.extui %lt3A_216 : i1 to i32
      %cond3A_218 = arith.constant 0 : i32
      %cond3A_219 = arith.cmpi ne, %convert_element_type3A_217, %cond3A_218 : i32
      scf.if %cond3A_219 {
        %mul3A_301 = arith.constant 80 : i32
        %mul3A_302 = arith.muli %add3A_207, %mul3A_301 : i32
        %dma_wait3A_303 = tpu.memref_slice %arg5[%mul3A_302] : memref<10000xi32, #tpu.memory_space<vmem>> -> memref<80xi32, #tpu.memory_space<vmem>>
        %dma_wait3A_304 = arith.constant 0 : i32
        %dma_wait3A_305 = arith.constant 0 : i32
        %dma_wait3A_306 = tpu.memref_slice %arg2[%dma_wait3A_304, %dma_wait3A_305] : memref<10000x80xf32, #tpu.memory_space<hbm>> -> memref<10000x80xf32, #tpu.memory_space<hbm>>
        tpu.wait_indirect_dma semaphore(%arg17 : memref<!tpu.dma_semaphore, #tpu.memory_space<semaphore_mem>>) src(%dma_wait3A_306 : memref<10000x80xf32, #tpu.memory_space<hbm>>) dst(%arg8 : memref<80x80xf32, #tpu.memory_space<vmem>>)
        %mul3A_307 = arith.constant 80 : i32
        %mul3A_308 = arith.muli %add3A_207, %mul3A_307 : i32
        %dma_start3A_309 = tpu.memref_slice %arg6[%mul3A_308] : memref<10000xi32, #tpu.memory_space<vmem>> -> memref<80xi32, #tpu.memory_space<vmem>>
        %dma_start3A_310 = arith.constant 0 : i32
        %dma_start3A_311 = arith.constant 0 : i32
        %dma_start3A_312 = tpu.memref_slice %arg15[%dma_start3A_310, %dma_start3A_311] : memref<10240x80xf32, #tpu.memory_space<vmem_shared>> -> memref<10240x80xf32, #tpu.memory_space<vmem_shared>>
        tpu.enqueue_indirect_dma source(%arg8 : memref<80x80xf32, #tpu.memory_space<vmem>>) target(%dma_start3A_312 : memref<10240x80xf32, #tpu.memory_space<vmem_shared>>) offsets(%dma_start3A_309 : memref<80xi32, #tpu.memory_space<vmem>>) semaphore(%arg24 : memref<!tpu.dma_semaphore, #tpu.memory_space<semaphore_mem>>) {add = true}
      } else {
      }
      %mul3A_220 = arith.constant 7 : i32
      %mul3A_221 = arith.muli %mul3A_220, %scan3A_189 : i32
      %add3A_222 = arith.constant 2 : i32
      %add3A_223 = arith.addi %mul3A_221, %add3A_222 : i32
      %add3A_224 = arith.constant 4 : i32
      %add3A_225 = arith.addi %add3A_223, %add3A_224 : i32
      %lt3A_226 = arith.constant 125 : i32
      %lt3A_227 = arith.cmpi slt, %add3A_225, %lt3A_226 : i32
      %convert_element_type3A_228 = arith.extui %lt3A_227 : i1 to i32
      %cond3A_229 = arith.constant 0 : i32
      %cond3A_230 = arith.cmpi ne, %convert_element_type3A_228, %cond3A_229 : i32
      scf.if %cond3A_230 {
        %ge3A = arith.constant 3 : i32
        %ge3A_301 = arith.cmpi sge, %add3A_223, %ge3A : i32
        %convert_element_type3A_302 = arith.extui %ge3A_301 : i1 to i32
        %cond3A_303 = arith.constant 0 : i32
        %cond3A_304 = arith.cmpi ne, %convert_element_type3A_302, %cond3A_303 : i32
        scf.if %cond3A_304 {
          %sub3A = arith.constant 3 : i32
          %sub3A_313 = arith.subi %add3A_223, %sub3A : i32
          %mul3A_314 = arith.constant 80 : i32
          %mul3A_315 = arith.muli %sub3A_313, %mul3A_314 : i32
          %dma_wait3A_316 = tpu.memref_slice %arg6[%mul3A_315] : memref<10000xi32, #tpu.memory_space<vmem>> -> memref<80xi32, #tpu.memory_space<vmem>>
          %dma_wait3A_317 = arith.constant 0 : i32
          %dma_wait3A_318 = arith.constant 0 : i32
          %dma_wait3A_319 = tpu.memref_slice %arg15[%dma_wait3A_317, %dma_wait3A_318] : memref<10240x80xf32, #tpu.memory_space<vmem_shared>> -> memref<10240x80xf32, #tpu.memory_space<vmem_shared>>
          tpu.wait_indirect_dma semaphore(%arg29 : memref<!tpu.dma_semaphore, #tpu.memory_space<semaphore_mem>>) src(%arg13 : memref<80x80xf32, #tpu.memory_space<vmem>>) dst(%dma_wait3A_319 : memref<10240x80xf32, #tpu.memory_space<vmem_shared>>)
        } else {
        }
        %add3A_305 = arith.constant 4 : i32
        %add3A_306 = arith.addi %add3A_223, %add3A_305 : i32
        %mul3A_307 = arith.constant 80 : i32
        %mul3A_308 = arith.muli %add3A_306, %mul3A_307 : i32
        %dma_start3A_309 = tpu.memref_slice %arg5[%mul3A_308] : memref<10000xi32, #tpu.memory_space<vmem>> -> memref<80xi32, #tpu.memory_space<vmem>>
        %dma_start3A_310 = arith.constant 0 : i32
        %dma_start3A_311 = arith.constant 0 : i32
        %dma_start3A_312 = tpu.memref_slice %arg2[%dma_start3A_310, %dma_start3A_311] : memref<10000x80xf32, #tpu.memory_space<hbm>> -> memref<10000x80xf32, #tpu.memory_space<hbm>>
        tpu.enqueue_indirect_dma source(%dma_start3A_312 : memref<10000x80xf32, #tpu.memory_space<hbm>>) target(%arg13 : memref<80x80xf32, #tpu.memory_space<vmem>>) offsets(%dma_start3A_309 : memref<80xi32, #tpu.memory_space<vmem>>) semaphore(%arg22 : memref<!tpu.dma_semaphore, #tpu.memory_space<semaphore_mem>>)
      } else {
      }
      %lt3A_231 = arith.constant 125 : i32
      %lt3A_232 = arith.cmpi slt, %add3A_223, %lt3A_231 : i32
      %convert_element_type3A_233 = arith.extui %lt3A_232 : i1 to i32
      %cond3A_234 = arith.constant 0 : i32
      %cond3A_235 = arith.cmpi ne, %convert_element_type3A_233, %cond3A_234 : i32
      scf.if %cond3A_235 {
        %mul3A_301 = arith.constant 80 : i32
        %mul3A_302 = arith.muli %add3A_223, %mul3A_301 : i32
        %dma_wait3A_303 = tpu.memref_slice %arg5[%mul3A_302] : memref<10000xi32, #tpu.memory_space<vmem>> -> memref<80xi32, #tpu.memory_space<vmem>>
        %dma_wait3A_304 = arith.constant 0 : i32
        %dma_wait3A_305 = arith.constant 0 : i32
        %dma_wait3A_306 = tpu.memref_slice %arg2[%dma_wait3A_304, %dma_wait3A_305] : memref<10000x80xf32, #tpu.memory_space<hbm>> -> memref<10000x80xf32, #tpu.memory_space<hbm>>
        tpu.wait_indirect_dma semaphore(%arg18 : memref<!tpu.dma_semaphore, #tpu.memory_space<semaphore_mem>>) src(%dma_wait3A_306 : memref<10000x80xf32, #tpu.memory_space<hbm>>) dst(%arg9 : memref<80x80xf32, #tpu.memory_space<vmem>>)
        %mul3A_307 = arith.constant 80 : i32
        %mul3A_308 = arith.muli %add3A_223, %mul3A_307 : i32
        %dma_start3A_309 = tpu.memref_slice %arg6[%mul3A_308] : memref<10000xi32, #tpu.memory_space<vmem>> -> memref<80xi32, #tpu.memory_space<vmem>>
        %dma_start3A_310 = arith.constant 0 : i32
        %dma_start3A_311 = arith.constant 0 : i32
        %dma_start3A_312 = tpu.memref_slice %arg15[%dma_start3A_310, %dma_start3A_311] : memref<10240x80xf32, #tpu.memory_space<vmem_shared>> -> memref<10240x80xf32, #tpu.memory_space<vmem_shared>>
        tpu.enqueue_indirect_dma source(%arg9 : memref<80x80xf32, #tpu.memory_space<vmem>>) target(%dma_start3A_312 : memref<10240x80xf32, #tpu.memory_space<vmem_shared>>) offsets(%dma_start3A_309 : memref<80xi32, #tpu.memory_space<vmem>>) semaphore(%arg25 : memref<!tpu.dma_semaphore, #tpu.memory_space<semaphore_mem>>) {add = true}
      } else {
      }
      %mul3A_236 = arith.constant 7 : i32
      %mul3A_237 = arith.muli %mul3A_236, %scan3A_189 : i32
      %add3A_238 = arith.constant 3 : i32
      %add3A_239 = arith.addi %mul3A_237, %add3A_238 : i32
      %add3A_240 = arith.constant 4 : i32
      %add3A_241 = arith.addi %add3A_239, %add3A_240 : i32
      %lt3A_242 = arith.constant 125 : i32
      %lt3A_243 = arith.cmpi slt, %add3A_241, %lt3A_242 : i32
      %convert_element_type3A_244 = arith.extui %lt3A_243 : i1 to i32
      %cond3A_245 = arith.constant 0 : i32
      %cond3A_246 = arith.cmpi ne, %convert_element_type3A_244, %cond3A_245 : i32
      scf.if %cond3A_246 {
        %ge3A = arith.constant 3 : i32
        %ge3A_301 = arith.cmpi sge, %add3A_239, %ge3A : i32
        %convert_element_type3A_302 = arith.extui %ge3A_301 : i1 to i32
        %cond3A_303 = arith.constant 0 : i32
        %cond3A_304 = arith.cmpi ne, %convert_element_type3A_302, %cond3A_303 : i32
        scf.if %cond3A_304 {
          %sub3A = arith.constant 3 : i32
          %sub3A_313 = arith.subi %add3A_239, %sub3A : i32
          %mul3A_314 = arith.constant 80 : i32
          %mul3A_315 = arith.muli %sub3A_313, %mul3A_314 : i32
          %dma_wait3A_316 = tpu.memref_slice %arg6[%mul3A_315] : memref<10000xi32, #tpu.memory_space<vmem>> -> memref<80xi32, #tpu.memory_space<vmem>>
          %dma_wait3A_317 = arith.constant 0 : i32
          %dma_wait3A_318 = arith.constant 0 : i32
          %dma_wait3A_319 = tpu.memref_slice %arg15[%dma_wait3A_317, %dma_wait3A_318] : memref<10240x80xf32, #tpu.memory_space<vmem_shared>> -> memref<10240x80xf32, #tpu.memory_space<vmem_shared>>
          tpu.wait_indirect_dma semaphore(%arg23 : memref<!tpu.dma_semaphore, #tpu.memory_space<semaphore_mem>>) src(%arg7 : memref<80x80xf32, #tpu.memory_space<vmem>>) dst(%dma_wait3A_319 : memref<10240x80xf32, #tpu.memory_space<vmem_shared>>)
        } else {
        }
        %add3A_305 = arith.constant 4 : i32
        %add3A_306 = arith.addi %add3A_239, %add3A_305 : i32
        %mul3A_307 = arith.constant 80 : i32
        %mul3A_308 = arith.muli %add3A_306, %mul3A_307 : i32
        %dma_start3A_309 = tpu.memref_slice %arg5[%mul3A_308] : memref<10000xi32, #tpu.memory_space<vmem>> -> memref<80xi32, #tpu.memory_space<vmem>>
        %dma_start3A_310 = arith.constant 0 : i32
        %dma_start3A_311 = arith.constant 0 : i32
        %dma_start3A_312 = tpu.memref_slice %arg2[%dma_start3A_310, %dma_start3A_311] : memref<10000x80xf32, #tpu.memory_space<hbm>> -> memref<10000x80xf32, #tpu.memory_space<hbm>>
        tpu.enqueue_indirect_dma source(%dma_start3A_312 : memref<10000x80xf32, #tpu.memory_space<hbm>>) target(%arg7 : memref<80x80xf32, #tpu.memory_space<vmem>>) offsets(%dma_start3A_309 : memref<80xi32, #tpu.memory_space<vmem>>) semaphore(%arg16 : memref<!tpu.dma_semaphore, #tpu.memory_space<semaphore_mem>>)
      } else {
      }
      %lt3A_247 = arith.constant 125 : i32
      %lt3A_248 = arith.cmpi slt, %add3A_239, %lt3A_247 : i32
      %convert_element_type3A_249 = arith.extui %lt3A_248 : i1 to i32
      %cond3A_250 = arith.constant 0 : i32
      %cond3A_251 = arith.cmpi ne, %convert_element_type3A_249, %cond3A_250 : i32
      scf.if %cond3A_251 {
        %mul3A_301 = arith.constant 80 : i32
        %mul3A_302 = arith.muli %add3A_239, %mul3A_301 : i32
        %dma_wait3A_303 = tpu.memref_slice %arg5[%mul3A_302] : memref<10000xi32, #tpu.memory_space<vmem>> -> memref<80xi32, #tpu.memory_space<vmem>>
        %dma_wait3A_304 = arith.constant 0 : i32
        %dma_wait3A_305 = arith.constant 0 : i32
        %dma_wait3A_306 = tpu.memref_slice %arg2[%dma_wait3A_304, %dma_wait3A_305] : memref<10000x80xf32, #tpu.memory_space<hbm>> -> memref<10000x80xf32, #tpu.memory_space<hbm>>
        tpu.wait_indirect_dma semaphore(%arg19 : memref<!tpu.dma_semaphore, #tpu.memory_space<semaphore_mem>>) src(%dma_wait3A_306 : memref<10000x80xf32, #tpu.memory_space<hbm>>) dst(%arg10 : memref<80x80xf32, #tpu.memory_space<vmem>>)
        %mul3A_307 = arith.constant 80 : i32
        %mul3A_308 = arith.muli %add3A_239, %mul3A_307 : i32
        %dma_start3A_309 = tpu.memref_slice %arg6[%mul3A_308] : memref<10000xi32, #tpu.memory_space<vmem>> -> memref<80xi32, #tpu.memory_space<vmem>>
        %dma_start3A_310 = arith.constant 0 : i32
        %dma_start3A_311 = arith.constant 0 : i32
        %dma_start3A_312 = tpu.memref_slice %arg15[%dma_start3A_310, %dma_start3A_311] : memref<10240x80xf32, #tpu.memory_space<vmem_shared>> -> memref<10240x80xf32, #tpu.memory_space<vmem_shared>>
        tpu.enqueue_indirect_dma source(%arg10 : memref<80x80xf32, #tpu.memory_space<vmem>>) target(%dma_start3A_312 : memref<10240x80xf32, #tpu.memory_space<vmem_shared>>) offsets(%dma_start3A_309 : memref<80xi32, #tpu.memory_space<vmem>>) semaphore(%arg26 : memref<!tpu.dma_semaphore, #tpu.memory_space<semaphore_mem>>) {add = true}
      } else {
      }
      %mul3A_252 = arith.constant 7 : i32
      %mul3A_253 = arith.muli %mul3A_252, %scan3A_189 : i32
      %add3A_254 = arith.constant 4 : i32
      %add3A_255 = arith.addi %mul3A_253, %add3A_254 : i32
      %add3A_256 = arith.constant 4 : i32
      %add3A_257 = arith.addi %add3A_255, %add3A_256 : i32
      %lt3A_258 = arith.constant 125 : i32
      %lt3A_259 = arith.cmpi slt, %add3A_257, %lt3A_258 : i32
      %convert_element_type3A_260 = arith.extui %lt3A_259 : i1 to i32
      %cond3A_261 = arith.constant 0 : i32
      %cond3A_262 = arith.cmpi ne, %convert_element_type3A_260, %cond3A_261 : i32
      scf.if %cond3A_262 {
        %ge3A = arith.constant 3 : i32
        %ge3A_301 = arith.cmpi sge, %add3A_255, %ge3A : i32
        %convert_element_type3A_302 = arith.extui %ge3A_301 : i1 to i32
        %cond3A_303 = arith.constant 0 : i32
        %cond3A_304 = arith.cmpi ne, %convert_element_type3A_302, %cond3A_303 : i32
        scf.if %cond3A_304 {
          %sub3A = arith.constant 3 : i32
          %sub3A_313 = arith.subi %add3A_255, %sub3A : i32
          %mul3A_314 = arith.constant 80 : i32
          %mul3A_315 = arith.muli %sub3A_313, %mul3A_314 : i32
          %dma_wait3A_316 = tpu.memref_slice %arg6[%mul3A_315] : memref<10000xi32, #tpu.memory_space<vmem>> -> memref<80xi32, #tpu.memory_space<vmem>>
          %dma_wait3A_317 = arith.constant 0 : i32
          %dma_wait3A_318 = arith.constant 0 : i32
          %dma_wait3A_319 = tpu.memref_slice %arg15[%dma_wait3A_317, %dma_wait3A_318] : memref<10240x80xf32, #tpu.memory_space<vmem_shared>> -> memref<10240x80xf32, #tpu.memory_space<vmem_shared>>
          tpu.wait_indirect_dma semaphore(%arg24 : memref<!tpu.dma_semaphore, #tpu.memory_space<semaphore_mem>>) src(%arg8 : memref<80x80xf32, #tpu.memory_space<vmem>>) dst(%dma_wait3A_319 : memref<10240x80xf32, #tpu.memory_space<vmem_shared>>)
        } else {
        }
        %add3A_305 = arith.constant 4 : i32
        %add3A_306 = arith.addi %add3A_255, %add3A_305 : i32
        %mul3A_307 = arith.constant 80 : i32
        %mul3A_308 = arith.muli %add3A_306, %mul3A_307 : i32
        %dma_start3A_309 = tpu.memref_slice %arg5[%mul3A_308] : memref<10000xi32, #tpu.memory_space<vmem>> -> memref<80xi32, #tpu.memory_space<vmem>>
        %dma_start3A_310 = arith.constant 0 : i32
        %dma_start3A_311 = arith.constant 0 : i32
        %dma_start3A_312 = tpu.memref_slice %arg2[%dma_start3A_310, %dma_start3A_311] : memref<10000x80xf32, #tpu.memory_space<hbm>> -> memref<10000x80xf32, #tpu.memory_space<hbm>>
        tpu.enqueue_indirect_dma source(%dma_start3A_312 : memref<10000x80xf32, #tpu.memory_space<hbm>>) target(%arg8 : memref<80x80xf32, #tpu.memory_space<vmem>>) offsets(%dma_start3A_309 : memref<80xi32, #tpu.memory_space<vmem>>) semaphore(%arg17 : memref<!tpu.dma_semaphore, #tpu.memory_space<semaphore_mem>>)
      } else {
      }
      %lt3A_263 = arith.constant 125 : i32
      %lt3A_264 = arith.cmpi slt, %add3A_255, %lt3A_263 : i32
      %convert_element_type3A_265 = arith.extui %lt3A_264 : i1 to i32
      %cond3A_266 = arith.constant 0 : i32
      %cond3A_267 = arith.cmpi ne, %convert_element_type3A_265, %cond3A_266 : i32
      scf.if %cond3A_267 {
        %mul3A_301 = arith.constant 80 : i32
        %mul3A_302 = arith.muli %add3A_255, %mul3A_301 : i32
        %dma_wait3A_303 = tpu.memref_slice %arg5[%mul3A_302] : memref<10000xi32, #tpu.memory_space<vmem>> -> memref<80xi32, #tpu.memory_space<vmem>>
        %dma_wait3A_304 = arith.constant 0 : i32
        %dma_wait3A_305 = arith.constant 0 : i32
        %dma_wait3A_306 = tpu.memref_slice %arg2[%dma_wait3A_304, %dma_wait3A_305] : memref<10000x80xf32, #tpu.memory_space<hbm>> -> memref<10000x80xf32, #tpu.memory_space<hbm>>
        tpu.wait_indirect_dma semaphore(%arg20 : memref<!tpu.dma_semaphore, #tpu.memory_space<semaphore_mem>>) src(%dma_wait3A_306 : memref<10000x80xf32, #tpu.memory_space<hbm>>) dst(%arg11 : memref<80x80xf32, #tpu.memory_space<vmem>>)
        %mul3A_307 = arith.constant 80 : i32
        %mul3A_308 = arith.muli %add3A_255, %mul3A_307 : i32
        %dma_start3A_309 = tpu.memref_slice %arg6[%mul3A_308] : memref<10000xi32, #tpu.memory_space<vmem>> -> memref<80xi32, #tpu.memory_space<vmem>>
        %dma_start3A_310 = arith.constant 0 : i32
        %dma_start3A_311 = arith.constant 0 : i32
        %dma_start3A_312 = tpu.memref_slice %arg15[%dma_start3A_310, %dma_start3A_311] : memref<10240x80xf32, #tpu.memory_space<vmem_shared>> -> memref<10240x80xf32, #tpu.memory_space<vmem_shared>>
        tpu.enqueue_indirect_dma source(%arg11 : memref<80x80xf32, #tpu.memory_space<vmem>>) target(%dma_start3A_312 : memref<10240x80xf32, #tpu.memory_space<vmem_shared>>) offsets(%dma_start3A_309 : memref<80xi32, #tpu.memory_space<vmem>>) semaphore(%arg27 : memref<!tpu.dma_semaphore, #tpu.memory_space<semaphore_mem>>) {add = true}
      } else {
      }
      %mul3A_268 = arith.constant 7 : i32
      %mul3A_269 = arith.muli %mul3A_268, %scan3A_189 : i32
      %add3A_270 = arith.constant 5 : i32
      %add3A_271 = arith.addi %mul3A_269, %add3A_270 : i32
      %add3A_272 = arith.constant 4 : i32
      %add3A_273 = arith.addi %add3A_271, %add3A_272 : i32
      %lt3A_274 = arith.constant 125 : i32
      %lt3A_275 = arith.cmpi slt, %add3A_273, %lt3A_274 : i32
      %convert_element_type3A_276 = arith.extui %lt3A_275 : i1 to i32
      %cond3A_277 = arith.constant 0 : i32
      %cond3A_278 = arith.cmpi ne, %convert_element_type3A_276, %cond3A_277 : i32
      scf.if %cond3A_278 {
        %ge3A = arith.constant 3 : i32
        %ge3A_301 = arith.cmpi sge, %add3A_271, %ge3A : i32
        %convert_element_type3A_302 = arith.extui %ge3A_301 : i1 to i32
        %cond3A_303 = arith.constant 0 : i32
        %cond3A_304 = arith.cmpi ne, %convert_element_type3A_302, %cond3A_303 : i32
        scf.if %cond3A_304 {
          %sub3A = arith.constant 3 : i32
          %sub3A_313 = arith.subi %add3A_271, %sub3A : i32
          %mul3A_314 = arith.constant 80 : i32
          %mul3A_315 = arith.muli %sub3A_313, %mul3A_314 : i32
          %dma_wait3A_316 = tpu.memref_slice %arg6[%mul3A_315] : memref<10000xi32, #tpu.memory_space<vmem>> -> memref<80xi32, #tpu.memory_space<vmem>>
          %dma_wait3A_317 = arith.constant 0 : i32
          %dma_wait3A_318 = arith.constant 0 : i32
          %dma_wait3A_319 = tpu.memref_slice %arg15[%dma_wait3A_317, %dma_wait3A_318] : memref<10240x80xf32, #tpu.memory_space<vmem_shared>> -> memref<10240x80xf32, #tpu.memory_space<vmem_shared>>
          tpu.wait_indirect_dma semaphore(%arg25 : memref<!tpu.dma_semaphore, #tpu.memory_space<semaphore_mem>>) src(%arg9 : memref<80x80xf32, #tpu.memory_space<vmem>>) dst(%dma_wait3A_319 : memref<10240x80xf32, #tpu.memory_space<vmem_shared>>)
        } else {
        }
        %add3A_305 = arith.constant 4 : i32
        %add3A_306 = arith.addi %add3A_271, %add3A_305 : i32
        %mul3A_307 = arith.constant 80 : i32
        %mul3A_308 = arith.muli %add3A_306, %mul3A_307 : i32
        %dma_start3A_309 = tpu.memref_slice %arg5[%mul3A_308] : memref<10000xi32, #tpu.memory_space<vmem>> -> memref<80xi32, #tpu.memory_space<vmem>>
        %dma_start3A_310 = arith.constant 0 : i32
        %dma_start3A_311 = arith.constant 0 : i32
        %dma_start3A_312 = tpu.memref_slice %arg2[%dma_start3A_310, %dma_start3A_311] : memref<10000x80xf32, #tpu.memory_space<hbm>> -> memref<10000x80xf32, #tpu.memory_space<hbm>>
        tpu.enqueue_indirect_dma source(%dma_start3A_312 : memref<10000x80xf32, #tpu.memory_space<hbm>>) target(%arg9 : memref<80x80xf32, #tpu.memory_space<vmem>>) offsets(%dma_start3A_309 : memref<80xi32, #tpu.memory_space<vmem>>) semaphore(%arg18 : memref<!tpu.dma_semaphore, #tpu.memory_space<semaphore_mem>>)
      } else {
      }
      %lt3A_279 = arith.constant 125 : i32
      %lt3A_280 = arith.cmpi slt, %add3A_271, %lt3A_279 : i32
      %convert_element_type3A_281 = arith.extui %lt3A_280 : i1 to i32
      %cond3A_282 = arith.constant 0 : i32
      %cond3A_283 = arith.cmpi ne, %convert_element_type3A_281, %cond3A_282 : i32
      scf.if %cond3A_283 {
        %mul3A_301 = arith.constant 80 : i32
        %mul3A_302 = arith.muli %add3A_271, %mul3A_301 : i32
        %dma_wait3A_303 = tpu.memref_slice %arg5[%mul3A_302] : memref<10000xi32, #tpu.memory_space<vmem>> -> memref<80xi32, #tpu.memory_space<vmem>>
        %dma_wait3A_304 = arith.constant 0 : i32
        %dma_wait3A_305 = arith.constant 0 : i32
        %dma_wait3A_306 = tpu.memref_slice %arg2[%dma_wait3A_304, %dma_wait3A_305] : memref<10000x80xf32, #tpu.memory_space<hbm>> -> memref<10000x80xf32, #tpu.memory_space<hbm>>
        tpu.wait_indirect_dma semaphore(%arg21 : memref<!tpu.dma_semaphore, #tpu.memory_space<semaphore_mem>>) src(%dma_wait3A_306 : memref<10000x80xf32, #tpu.memory_space<hbm>>) dst(%arg12 : memref<80x80xf32, #tpu.memory_space<vmem>>)
        %mul3A_307 = arith.constant 80 : i32
        %mul3A_308 = arith.muli %add3A_271, %mul3A_307 : i32
        %dma_start3A_309 = tpu.memref_slice %arg6[%mul3A_308] : memref<10000xi32, #tpu.memory_space<vmem>> -> memref<80xi32, #tpu.memory_space<vmem>>
        %dma_start3A_310 = arith.constant 0 : i32
        %dma_start3A_311 = arith.constant 0 : i32
        %dma_start3A_312 = tpu.memref_slice %arg15[%dma_start3A_310, %dma_start3A_311] : memref<10240x80xf32, #tpu.memory_space<vmem_shared>> -> memref<10240x80xf32, #tpu.memory_space<vmem_shared>>
        tpu.enqueue_indirect_dma source(%arg12 : memref<80x80xf32, #tpu.memory_space<vmem>>) target(%dma_start3A_312 : memref<10240x80xf32, #tpu.memory_space<vmem_shared>>) offsets(%dma_start3A_309 : memref<80xi32, #tpu.memory_space<vmem>>) semaphore(%arg28 : memref<!tpu.dma_semaphore, #tpu.memory_space<semaphore_mem>>) {add = true}
      } else {
      }
      %mul3A_284 = arith.constant 7 : i32
      %mul3A_285 = arith.muli %mul3A_284, %scan3A_189 : i32
      %add3A_286 = arith.constant 6 : i32
      %add3A_287 = arith.addi %mul3A_285, %add3A_286 : i32
      %add3A_288 = arith.constant 4 : i32
      %add3A_289 = arith.addi %add3A_287, %add3A_288 : i32
      %lt3A_290 = arith.constant 125 : i32
      %lt3A_291 = arith.cmpi slt, %add3A_289, %lt3A_290 : i32
      %convert_element_type3A_292 = arith.extui %lt3A_291 : i1 to i32
      %cond3A_293 = arith.constant 0 : i32
      %cond3A_294 = arith.cmpi ne, %convert_element_type3A_292, %cond3A_293 : i32
      scf.if %cond3A_294 {
        %ge3A = arith.constant 3 : i32
        %ge3A_301 = arith.cmpi sge, %add3A_287, %ge3A : i32
        %convert_element_type3A_302 = arith.extui %ge3A_301 : i1 to i32
        %cond3A_303 = arith.constant 0 : i32
        %cond3A_304 = arith.cmpi ne, %convert_element_type3A_302, %cond3A_303 : i32
        scf.if %cond3A_304 {
          %sub3A = arith.constant 3 : i32
          %sub3A_313 = arith.subi %add3A_287, %sub3A : i32
          %mul3A_314 = arith.constant 80 : i32
          %mul3A_315 = arith.muli %sub3A_313, %mul3A_314 : i32
          %dma_wait3A_316 = tpu.memref_slice %arg6[%mul3A_315] : memref<10000xi32, #tpu.memory_space<vmem>> -> memref<80xi32, #tpu.memory_space<vmem>>
          %dma_wait3A_317 = arith.constant 0 : i32
          %dma_wait3A_318 = arith.constant 0 : i32
          %dma_wait3A_319 = tpu.memref_slice %arg15[%dma_wait3A_317, %dma_wait3A_318] : memref<10240x80xf32, #tpu.memory_space<vmem_shared>> -> memref<10240x80xf32, #tpu.memory_space<vmem_shared>>
          tpu.wait_indirect_dma semaphore(%arg26 : memref<!tpu.dma_semaphore, #tpu.memory_space<semaphore_mem>>) src(%arg10 : memref<80x80xf32, #tpu.memory_space<vmem>>) dst(%dma_wait3A_319 : memref<10240x80xf32, #tpu.memory_space<vmem_shared>>)
        } else {
        }
        %add3A_305 = arith.constant 4 : i32
        %add3A_306 = arith.addi %add3A_287, %add3A_305 : i32
        %mul3A_307 = arith.constant 80 : i32
        %mul3A_308 = arith.muli %add3A_306, %mul3A_307 : i32
        %dma_start3A_309 = tpu.memref_slice %arg5[%mul3A_308] : memref<10000xi32, #tpu.memory_space<vmem>> -> memref<80xi32, #tpu.memory_space<vmem>>
        %dma_start3A_310 = arith.constant 0 : i32
        %dma_start3A_311 = arith.constant 0 : i32
        %dma_start3A_312 = tpu.memref_slice %arg2[%dma_start3A_310, %dma_start3A_311] : memref<10000x80xf32, #tpu.memory_space<hbm>> -> memref<10000x80xf32, #tpu.memory_space<hbm>>
        tpu.enqueue_indirect_dma source(%dma_start3A_312 : memref<10000x80xf32, #tpu.memory_space<hbm>>) target(%arg10 : memref<80x80xf32, #tpu.memory_space<vmem>>) offsets(%dma_start3A_309 : memref<80xi32, #tpu.memory_space<vmem>>) semaphore(%arg19 : memref<!tpu.dma_semaphore, #tpu.memory_space<semaphore_mem>>)
      } else {
      }
      %lt3A_295 = arith.constant 125 : i32
      %lt3A_296 = arith.cmpi slt, %add3A_287, %lt3A_295 : i32
      %convert_element_type3A_297 = arith.extui %lt3A_296 : i1 to i32
      %cond3A_298 = arith.constant 0 : i32
      %cond3A_299 = arith.cmpi ne, %convert_element_type3A_297, %cond3A_298 : i32
      scf.if %cond3A_299 {
        %mul3A_301 = arith.constant 80 : i32
        %mul3A_302 = arith.muli %add3A_287, %mul3A_301 : i32
        %dma_wait3A_303 = tpu.memref_slice %arg5[%mul3A_302] : memref<10000xi32, #tpu.memory_space<vmem>> -> memref<80xi32, #tpu.memory_space<vmem>>
        %dma_wait3A_304 = arith.constant 0 : i32
        %dma_wait3A_305 = arith.constant 0 : i32
        %dma_wait3A_306 = tpu.memref_slice %arg2[%dma_wait3A_304, %dma_wait3A_305] : memref<10000x80xf32, #tpu.memory_space<hbm>> -> memref<10000x80xf32, #tpu.memory_space<hbm>>
        tpu.wait_indirect_dma semaphore(%arg22 : memref<!tpu.dma_semaphore, #tpu.memory_space<semaphore_mem>>) src(%dma_wait3A_306 : memref<10000x80xf32, #tpu.memory_space<hbm>>) dst(%arg13 : memref<80x80xf32, #tpu.memory_space<vmem>>)
        %mul3A_307 = arith.constant 80 : i32
        %mul3A_308 = arith.muli %add3A_287, %mul3A_307 : i32
        %dma_start3A_309 = tpu.memref_slice %arg6[%mul3A_308] : memref<10000xi32, #tpu.memory_space<vmem>> -> memref<80xi32, #tpu.memory_space<vmem>>
        %dma_start3A_310 = arith.constant 0 : i32
        %dma_start3A_311 = arith.constant 0 : i32
        %dma_start3A_312 = tpu.memref_slice %arg15[%dma_start3A_310, %dma_start3A_311] : memref<10240x80xf32, #tpu.memory_space<vmem_shared>> -> memref<10240x80xf32, #tpu.memory_space<vmem_shared>>
        tpu.enqueue_indirect_dma source(%arg13 : memref<80x80xf32, #tpu.memory_space<vmem>>) target(%dma_start3A_312 : memref<10240x80xf32, #tpu.memory_space<vmem_shared>>) offsets(%dma_start3A_309 : memref<80xi32, #tpu.memory_space<vmem>>) semaphore(%arg29 : memref<!tpu.dma_semaphore, #tpu.memory_space<semaphore_mem>>) {add = true}
      } else {
      }
      %scan3A_300 = arith.constant 0 : i32
      scf.yield %scan3A_300 : i32
    }
    %scan3A_152 = arith.constant 18 : i32
    %dma_wait3A_153 = arith.constant 9440 : i32
    %dma_wait3A_154 = tpu.memref_slice %arg6[%dma_wait3A_153] : memref<10000xi32, #tpu.memory_space<vmem>> -> memref<80xi32, #tpu.memory_space<vmem>>
    %dma_wait3A_155 = arith.constant 0 : i32
    %dma_wait3A_156 = arith.constant 0 : i32
    %dma_wait3A_157 = tpu.memref_slice %arg15[%dma_wait3A_155, %dma_wait3A_156] : memref<10240x80xf32, #tpu.memory_space<vmem_shared>> -> memref<10240x80xf32, #tpu.memory_space<vmem_shared>>
    tpu.wait_indirect_dma semaphore(%arg29 : memref<!tpu.dma_semaphore, #tpu.memory_space<semaphore_mem>>) src(%arg13 : memref<80x80xf32, #tpu.memory_space<vmem>>) dst(%dma_wait3A_157 : memref<10240x80xf32, #tpu.memory_space<vmem_shared>>)
    %dma_wait3A_158 = arith.constant 9520 : i32
    %dma_wait3A_159 = tpu.memref_slice %arg6[%dma_wait3A_158] : memref<10000xi32, #tpu.memory_space<vmem>> -> memref<80xi32, #tpu.memory_space<vmem>>
    %dma_wait3A_160 = arith.constant 0 : i32
    %dma_wait3A_161 = arith.constant 0 : i32
    %dma_wait3A_162 = tpu.memref_slice %arg15[%dma_wait3A_160, %dma_wait3A_161] : memref<10240x80xf32, #tpu.memory_space<vmem_shared>> -> memref<10240x80xf32, #tpu.memory_space<vmem_shared>>
    tpu.wait_indirect_dma semaphore(%arg23 : memref<!tpu.dma_semaphore, #tpu.memory_space<semaphore_mem>>) src(%arg7 : memref<80x80xf32, #tpu.memory_space<vmem>>) dst(%dma_wait3A_162 : memref<10240x80xf32, #tpu.memory_space<vmem_shared>>)
    %dma_wait3A_163 = arith.constant 9600 : i32
    %dma_wait3A_164 = tpu.memref_slice %arg6[%dma_wait3A_163] : memref<10000xi32, #tpu.memory_space<vmem>> -> memref<80xi32, #tpu.memory_space<vmem>>
    %dma_wait3A_165 = arith.constant 0 : i32
    %dma_wait3A_166 = arith.constant 0 : i32
    %dma_wait3A_167 = tpu.memref_slice %arg15[%dma_wait3A_165, %dma_wait3A_166] : memref<10240x80xf32, #tpu.memory_space<vmem_shared>> -> memref<10240x80xf32, #tpu.memory_space<vmem_shared>>
    tpu.wait_indirect_dma semaphore(%arg24 : memref<!tpu.dma_semaphore, #tpu.memory_space<semaphore_mem>>) src(%arg8 : memref<80x80xf32, #tpu.memory_space<vmem>>) dst(%dma_wait3A_167 : memref<10240x80xf32, #tpu.memory_space<vmem_shared>>)
    %dma_wait3A_168 = arith.constant 9680 : i32
    %dma_wait3A_169 = tpu.memref_slice %arg6[%dma_wait3A_168] : memref<10000xi32, #tpu.memory_space<vmem>> -> memref<80xi32, #tpu.memory_space<vmem>>
    %dma_wait3A_170 = arith.constant 0 : i32
    %dma_wait3A_171 = arith.constant 0 : i32
    %dma_wait3A_172 = tpu.memref_slice %arg15[%dma_wait3A_170, %dma_wait3A_171] : memref<10240x80xf32, #tpu.memory_space<vmem_shared>> -> memref<10240x80xf32, #tpu.memory_space<vmem_shared>>
    tpu.wait_indirect_dma semaphore(%arg25 : memref<!tpu.dma_semaphore, #tpu.memory_space<semaphore_mem>>) src(%arg9 : memref<80x80xf32, #tpu.memory_space<vmem>>) dst(%dma_wait3A_172 : memref<10240x80xf32, #tpu.memory_space<vmem_shared>>)
    %dma_wait3A_173 = arith.constant 9760 : i32
    %dma_wait3A_174 = tpu.memref_slice %arg6[%dma_wait3A_173] : memref<10000xi32, #tpu.memory_space<vmem>> -> memref<80xi32, #tpu.memory_space<vmem>>
    %dma_wait3A_175 = arith.constant 0 : i32
    %dma_wait3A_176 = arith.constant 0 : i32
    %dma_wait3A_177 = tpu.memref_slice %arg15[%dma_wait3A_175, %dma_wait3A_176] : memref<10240x80xf32, #tpu.memory_space<vmem_shared>> -> memref<10240x80xf32, #tpu.memory_space<vmem_shared>>
    tpu.wait_indirect_dma semaphore(%arg26 : memref<!tpu.dma_semaphore, #tpu.memory_space<semaphore_mem>>) src(%arg10 : memref<80x80xf32, #tpu.memory_space<vmem>>) dst(%dma_wait3A_177 : memref<10240x80xf32, #tpu.memory_space<vmem_shared>>)
    %dma_wait3A_178 = arith.constant 9840 : i32
    %dma_wait3A_179 = tpu.memref_slice %arg6[%dma_wait3A_178] : memref<10000xi32, #tpu.memory_space<vmem>> -> memref<80xi32, #tpu.memory_space<vmem>>
    %dma_wait3A_180 = arith.constant 0 : i32
    %dma_wait3A_181 = arith.constant 0 : i32
    %dma_wait3A_182 = tpu.memref_slice %arg15[%dma_wait3A_180, %dma_wait3A_181] : memref<10240x80xf32, #tpu.memory_space<vmem_shared>> -> memref<10240x80xf32, #tpu.memory_space<vmem_shared>>
    tpu.wait_indirect_dma semaphore(%arg27 : memref<!tpu.dma_semaphore, #tpu.memory_space<semaphore_mem>>) src(%arg11 : memref<80x80xf32, #tpu.memory_space<vmem>>) dst(%dma_wait3A_182 : memref<10240x80xf32, #tpu.memory_space<vmem_shared>>)
    %dma_wait3A_183 = arith.constant 9920 : i32
    %dma_wait3A_184 = tpu.memref_slice %arg6[%dma_wait3A_183] : memref<10000xi32, #tpu.memory_space<vmem>> -> memref<80xi32, #tpu.memory_space<vmem>>
    %dma_wait3A_185 = arith.constant 0 : i32
    %dma_wait3A_186 = arith.constant 0 : i32
    %dma_wait3A_187 = tpu.memref_slice %arg15[%dma_wait3A_185, %dma_wait3A_186] : memref<10240x80xf32, #tpu.memory_space<vmem_shared>> -> memref<10240x80xf32, #tpu.memory_space<vmem_shared>>
    tpu.wait_indirect_dma semaphore(%arg28 : memref<!tpu.dma_semaphore, #tpu.memory_space<semaphore_mem>>) src(%arg12 : memref<80x80xf32, #tpu.memory_space<vmem>>) dst(%dma_wait3A_187 : memref<10240x80xf32, #tpu.memory_space<vmem_shared>>)
    %barrier3A_188 = arith.constant 0 : index
    tpu.barrier barrier_id(%barrier3A_188)
    "tpu.region"() ({
      %run_scoped3A = tpu.sem_alloc : memref<!tpu.dma_semaphore, #tpu.memory_space<semaphore_mem>>
      %dma_start3A_189 = arith.constant 0 : i32
      %dma_start3A_190 = tpu.memref_slice %arg4[%arg0, %mul3A_2, %dma_start3A_189] : memref<2x10240x80xf32, #tpu.memory_space<hbm>> -> memref<1x640x80xf32, #tpu.memory_space<hbm>>
      %dma_start3A_191 = tpu.memref_squeeze %dma_start3A_190 : memref<1x640x80xf32, #tpu.memory_space<hbm>> -> memref<640x80xf32, #tpu.memory_space<hbm>>
      %dma_start3A_192 = arith.constant 0 : i32
      %dma_start3A_193 = tpu.memref_slice %arg15[%mul3A_2, %dma_start3A_192] : memref<10240x80xf32, #tpu.memory_space<vmem_shared>> -> memref<640x80xf32, #tpu.memory_space<vmem_shared>>
      tpu.enqueue_dma source(%dma_start3A_193 : memref<640x80xf32, #tpu.memory_space<vmem_shared>>) target(%dma_start3A_191 : memref<640x80xf32, #tpu.memory_space<hbm>>) target_semaphore(%run_scoped3A : memref<!tpu.dma_semaphore, #tpu.memory_space<semaphore_mem>>)
      %dma_wait3A_194 = arith.constant 0 : i32
      %dma_wait3A_195 = tpu.memref_slice %arg4[%arg0, %mul3A_2, %dma_wait3A_194] : memref<2x10240x80xf32, #tpu.memory_space<hbm>> -> memref<1x640x80xf32, #tpu.memory_space<hbm>>
      %dma_wait3A_196 = tpu.memref_squeeze %dma_wait3A_195 : memref<1x640x80xf32, #tpu.memory_space<hbm>> -> memref<640x80xf32, #tpu.memory_space<hbm>>
      %dma_wait3A_197 = arith.constant 0 : i32
      %dma_wait3A_198 = tpu.memref_slice %arg15[%mul3A_2, %dma_wait3A_197] : memref<10240x80xf32, #tpu.memory_space<vmem_shared>> -> memref<640x80xf32, #tpu.memory_space<vmem_shared>>
      tpu.wait_dma2 semaphore(%run_scoped3A : memref<!tpu.dma_semaphore, #tpu.memory_space<semaphore_mem>>) src(%dma_wait3A_198 : memref<640x80xf32, #tpu.memory_space<vmem_shared>>) dst(%dma_wait3A_196 : memref<640x80xf32, #tpu.memory_space<hbm>>)
      tpu.yield
    }) : () -> ()
    return
  }
}

module attributes {stable_mosaic.version = 14 : i64} {
  func.func @_proj_body(%arg0: memref<10000x128xf32, #tpu.memory_space<vmem>>, %arg1: memref<64x128xf32, #tpu.memory_space<vmem>>, %arg2: memref<10000x80xf32, #tpu.memory_space<vmem>>) attributes {dimension_semantics = [], scalar_prefetch = 0 : i64, scratch_operands = 0 : i64, tpu.core_type = #tpu.core_type<tc>} {
    %get3A = arith.constant 0 : index
    %get3A_0 = arith.constant 0 : index
    %get3A_1 = vector.load %arg0[%get3A, %get3A_0] : memref<10000x128xf32, #tpu.memory_space<vmem>>, vector<10000x128xf32>
    %get3A_2 = arith.constant 0 : index
    %get3A_3 = arith.constant 0 : index
    %get3A_4 = vector.load %arg1[%get3A_2, %get3A_3] : memref<64x128xf32, #tpu.memory_space<vmem>>, vector<64x128xf32>
    %dot_general3A = arith.constant dense<0.000000e+00> : vector<10000x64xf32>
    %dot_general3A_5 = tpu.matmul %get3A_1, %get3A_4, %dot_general3A {dimension_numbers = #tpu.dot_dimension_numbers<[1], [1], [0], [0], [0, 0, 1, 0], [], []>, transpose_lhs_hint = false} : vector<10000x128xf32>, vector<64x128xf32>, vector<10000x64xf32> -> vector<10000x64xf32>
    %swap3A = arith.constant 0 : index
    %swap3A_6 = arith.constant 0 : index
    %swap3A_7 = vector.load %arg2[%swap3A, %swap3A_6] : memref<10000x80xf32, #tpu.memory_space<vmem>>, vector<10000x64xf32>
    tpu.vector_store %arg2[%swap3A, %swap3A_6], %dot_general3A_5 {strides = array<i32>} : memref<10000x80xf32, #tpu.memory_space<vmem>>, vector<10000x64xf32>,
    %iota3A = tpu.iota {dimensions = array<i32: 1>} : vector<10000x16xi32>
    %eq3A = arith.constant 0 : i32
    %eq3A_8 = vector.broadcast %eq3A : i32 to vector<10000x16xi32>
    %eq3A_9 = arith.cmpi eq, %iota3A, %eq3A_8 : vector<10000x16xi32>
    %jit3A = arith.constant 1.000000e+00 : f32
    %jit3A_10 = arith.constant 0.000000e+00 : f32
    %broadcast_in_dim3A = vector.broadcast %jit3A : f32 to vector<10000x16xf32>
    %broadcast_in_dim3A_11 = vector.broadcast %jit3A_10 : f32 to vector<10000x16xf32>
    %select_n3A = arith.select %eq3A_9, %broadcast_in_dim3A, %broadcast_in_dim3A_11 : vector<10000x16xi1>, vector<10000x16xf32>
    %swap3A_12 = arith.constant 0 : index
    %swap3A_13 = arith.constant 64 : index
    %swap3A_14 = vector.load %arg2[%swap3A_12, %swap3A_13] : memref<10000x80xf32, #tpu.memory_space<vmem>>, vector<10000x16xf32>
    tpu.vector_store %arg2[%swap3A_12, %swap3A_13], %select_n3A {strides = array<i32>} : memref<10000x80xf32, #tpu.memory_space<vmem>>, vector<10000x16xf32>,
    return
  }
}

</mosaic_0001>

<sc_bundles>
// kernel: kernel.5.cloned.1.call-start
scs
__scs_entry_jumppad:
0x0: {  	(pc) =	sbr.rel $0x88, $3  }
0x1: {  	(tag) =	ssettag $0x0;
	lr =	simm.s32 $0x1  }
0x2: {  	[smem:$0x3F9B] =	sst lr;
	_ =	strace $0xD0000000  }
0x3: {  	_ = 	snop  }
0x4: {  	_ = 	snop  }
0x5: {  	_ = 	snop  }
0x6: {  	_ = 	snop  }
0x7: {  	_ = 	snop  }
__scs_overlays_trampoline_lowered:
0x8: {  	[smem:$0x3FAA] =	sst s0  }
0x9: {  	[smem:$0x3FAB] =	sst s1  }
0xa: {  	[smem:$0x3FAC] =	sst s2  }
0xb: {  	[smem:$0x3FAD] =	sst s3  }
0xc: {  	[smem:$0x3FAE] =	sst s4  }
0xd: {  	[smem:$0x3FAF] =	sst s5  }
0xe: {  	[smem:$0x3FB0] =	sst s6  }
0xf: {  	[smem:$0x3FB1] =	sst s7  }
0x10: {  	[smem:$0x3FB2] =	sst s8  }
0x11: {  	[smem:$0x3FB3] =	sst s9;
	s0 =	simm.s32 @!p0 $0x0  }
0x12: {  	s1 =	sld [smem:$0x3F99];
	s0 =	simm.s32 @p0 $0x1  }
0x13: {  	[smem:$0x3FB4] =	sst s0;
	s0 =	simm.s32 @!p1 $0x0  }
0x14: {  	s2 =	sld [smem:$0x3F98];
	s0 =	simm.s32 @p1 $0x1  }
0x15: {  	[smem:$0x3FB5] =	sst s0;
	s0 =	simm.s32 @!p2 $0x0  }
0x16: {  	s3 =	sld [smem:$0x3FDB];
	s0 =	simm.s32 @p2 $0x1  }
0x17: {  	s4 =	simm.s32 $0x1BF5;
	[smem:$0x3FB7] =	sst s0  }
0x18: {  	s0 =	sld [smem:$0x3F9A];
	_ =	swait.ge [sflag:s4], $0x0  }
0x19: {  	s7 =	sld [smem:$0x3F9B]  }
0x1a: {  	s8 =	sadd.s32 $0xFFFFE003, lr  }
0x1b: {  	s9 =	sadd.s32 $0xFFFFFEF7, lr;
	s5 =	simm.s32 $0xFFFFFFFF;
	p2 =	slt.u32 s8, $0xFFFFF086  }
0x1c: {  	p1 =	slt.u32 s9, $0xF7A;
	s5 =	simm.s32 @!p2 $0x0  }
0x1d: {  	s5 =	simm.s32 @p1 $0x1;
	p0 =	seq.s32 s7, s2  }
0x1e: {  	s7 =	smul.u32 @!p0 $0xF7A, s2;
	p2 =	seq.s32 @!p0 s5, $0x0  }
0x1f: {  	s9 =	smul.u32 $0xF7A, s1;
	s8 =	simm.s32 @!p0 $0x1BF5;
	p2 =	por !p2, p0  }
0x20: {  	[sflag:s8] =	ssyncset.s32 @!p0 $0xFFFFF086;
	s6 =	sadd.s32 @!p0 s3, s7;
	s7 =	simm.s32 @!p0 $0x108  }
0x21: {  	s3 =	sadd.s32 s3, s9;
	s6 =	sadd.s32 @!p0 $0x88, s6;
	s7 =	simm.s32 @p2 $0x1082  }
0x22: {  	[simem:s7], [sflag:s8] =	dma.local @!p0 [hbm:s6], $0xF7A  }
0x23: {  	s9 =	sor.u32 $0xD0000000, s2;
	s6 =	simm.s32 $0x108;
	_ =	swait.ge @!p0 [sflag:s8], $0x0  }
0x24: {  	s3 =	sadd.s32 $0x88, s3;
	s6 =	simm.s32 @!p1 $0x1082;
	[sflag:s4] =	ssyncset.s32 $0xFFFFF086  }
0x25: {  	[simem:s6], [sflag:s4] =	dma.local [hbm:s3], $0xF7A  }
0x26: {  	[smem:$0x3F9B] =	sst s1;
	(tag) =	ssettag s2;
	_ =	strace s9  }
0x27: {  	s1 =	sld [smem:$0x3FAB]  }
0x28: {  	s2 =	sld [smem:$0x3FAC]  }
0x29: {  	s4 =	sld [smem:$0x3FAE]  }
0x2a: {  	p0 =	seq.s32 s5, $0x0;
	s5 =	sld [smem:$0x3FAF]  }
0x2b: {  	s6 =	sld [smem:$0x3FB0]  }
0x2c: {  	s7 =	sld [smem:$0x3FB1]  }
0x2d: {  	s3 =	simm.s32 $0x108;
	s8 =	sld [smem:$0x3FB2]  }
0x2e: {  	s3 =	simm.s32 @!p0 $0x1082;
	s9 =	sld [smem:$0x3FB3]  }
0x2f: {  	lr =	sadd.s32 s0, s3;
	s0 =	sld [smem:$0x3FAA]  }
0x30: {  	s3 =	sld [smem:$0x3FAD]  }
0x31: {  	[smem:$0x3FB6] =	sst s10  }
0x32: {  	s10 =	sld [smem:$0x3FB4];
	_ =	sdelay $0x3  }
0x33: {  	p0 =	seq.s32 s10, $0x1;
	s10 =	sld [smem:$0x3FB6];
	_ =	sdelay $0x3  }
0x34: {  	[smem:$0x3FB6] =	sst s10  }
0x35: {  	s10 =	sld [smem:$0x3FB5];
	_ =	sdelay $0x3  }
0x36: {  	p1 =	seq.s32 s10, $0x1;
	s10 =	sld [smem:$0x3FB6];
	_ =	sdelay $0x3  }
0x37: {  	[smem:$0x3FB6] =	sst s10  }
0x38: {  	s10 =	sld [smem:$0x3FB7]  }
0x39: {  	_ = 	snop;
	(pc) =	sbr.ind lr, $3  }
0x3a: {  	_ = 	snop  }
0x3b: {  	_ = 	snop  }
0x3c: {  	p2 =	seq.s32 s10, $0x1;
	s10 =	sld [smem:$0x3FB6]  }
0x3d: {  	_ =	shalt  }
0x3e: {  	_ =	shalt  }
0x3f: {  	_ =	shalt  }
0x40: {  	_ =	shalt  }
0x41: {  	_ =	shalt  }
0x42: {  	_ =	shalt  }
0x43: {  	_ =	shalt  }
0x44: {  	_ =	shalt  }
0x45: {  	_ =	shalt  }
0x46: {  	_ =	shalt  }
0x47: {  	_ =	shalt  }
0x48: {  	_ =	shalt  }
0x49: {  	_ =	shalt  }
0x4a: {  	_ =	shalt  }
0x4b: {  	_ =	shalt  }
0x4c: {  	_ =	shalt  }
0x4d: {  	_ =	shalt  }
0x4e: {  	_ =	shalt  }
0x4f: {  	_ =	shalt  }
0x50: {  	_ =	shalt  }
0x51: {  	_ =	shalt  }
0x52: {  	_ =	shalt  }
0x53: {  	_ =	shalt  }
0x54: {  	_ =	shalt  }
0x55: {  	_ =	shalt  }
0x56: {  	_ =	shalt  }
0x57: {  	_ =	shalt  }
0x58: {  	_ =	shalt  }
0x59: {  	_ =	shalt  }
0x5a: {  	_ =	shalt  }
0x5b: {  	_ =	shalt  }
0x5c: {  	_ =	shalt  }
0x5d: {  	_ =	shalt  }
0x5e: {  	_ =	shalt  }
0x5f: {  	_ =	shalt  }
0x60: {  	_ =	shalt  }
0x61: {  	_ =	shalt  }
0x62: {  	_ =	shalt  }
0x63: {  	_ =	shalt  }
0x64: {  	_ =	shalt  }
0x65: {  	_ =	shalt  }
0x66: {  	_ =	shalt  }
0x67: {  	_ =	shalt  }
0x68: {  	_ =	shalt  }
0x69: {  	_ =	shalt  }
0x6a: {  	_ =	shalt  }
0x6b: {  	_ =	shalt  }
0x6c: {  	_ =	shalt  }
0x6d: {  	_ =	shalt  }
0x6e: {  	_ =	shalt  }
0x6f: {  	_ =	shalt  }
0x70: {  	_ =	shalt  }
0x71: {  	_ =	shalt  }
0x72: {  	_ =	shalt  }
0x73: {  	_ =	shalt  }
0x74: {  	_ =	shalt  }
0x75: {  	_ =	shalt  }
0x76: {  	_ =	shalt  }
0x77: {  	_ =	shalt  }
0x78: {  	_ =	shalt  }
0x79: {  	_ =	shalt  }
0x7a: {  	_ =	shalt  }
0x7b: {  	_ =	shalt  }
0x7c: {  	_ =	shalt  }
0x7d: {  	_ =	shalt  }
0x7e: {  	_ =	shalt  }
0x7f: {  	_ =	shalt  }
0x80: {  	_ =	shalt  }
0x81: {  	_ =	shalt  }
0x82: {  	_ =	shalt  }
0x83: {  	_ =	shalt  }
0x84: {  	_ =	shalt  }
0x85: {  	_ =	shalt  }
0x86: {  	_ =	shalt  }
0x87: {  	_ =	shalt  }
.Lfunc_end0:
.L_simem_size_0:
called_computation_lowered:
.L_overlay_start_0:
0x88: {  	s2 =	sld [smem:$0x3FD9]  }
0x89: {  	s3 =	sld [smem:$0x3FFE];
	_ =	sdelay $0x1  }
0x8a: {  	s1 =	srdreg.scid  }
0x8b: {  	s0 =	sand.u32 $0x1, s1  }
0x8c: {  	s16 =	sshll.u32 s0, $0xA;
	s2 =	sadd.s32 s3, s2  }
0x8d: {  	s2 =	sadd.s32 s2, s16  }
0x8e: {  	[smem:$0x3FC2] =	sst s2  }
0x8f: {  	_ = 	snop  }
0x90: {  	(tm) =	ssettm $0x1  }
0x91: {  	s17 =	sld [smem:$0x3FFB];
	_ =	sdelay $0x3  }
0x92: {  	_ =	strace s17  }
0x93: {  	s2 =	sld [smem:$0x3FFC];
	_ =	sdelay $0x3  }
0x94: {  	_ =	strace s2  }
0x95: {  	s2 =	sld [smem:$0x3FFD];
	_ =	sdelay $0x3  }
0x96: {  	_ =	strace s2  }
0x97: {  	_ =	strace $0x8FFFFFFF  }
0x98: {  	s18 =	sld [smem:$0x3FDB];
	_ =	sdelay $0x1  }
0x99: {  	s19 =	simm.s32 $_scs_section_size  }
0x9a: {  	s4 =	simm.s32 $_size__tile_overlayer_lowered;
	s5 =	simm.s32 $_tile_overlayer_lowered  }
0x9b: {  	s22 =	simm.s32 $0x1BFF;
	s21 =	sshll.u32 s5, $0x1;
	s2 =	sadd.s32 s19, s18  }
0x9c: {  	s6 =	simm.s32 $0x0;
	s20 =	sshll.u32 s4, $0x1;
	s4 =	sadd.s32 s21, s2  }
0x9d: {  	[timem:s6], [sflag:s22] =	dma.local [hbm:s4], s20  }
0x9e: {  	_ =	swait.ge [sflag:s22], s20  }
0x9f: {  	s3 =	ssub.s32 $0x0, s20;
	[sflag:s22] =	ssyncset.done $0x0  }
0xa0: {  	[sflag:s22] =	ssyncadd.s32 s3;
	_ =	sdelay $0x1  }
0xa1: {  	s23 =	simm.s32 $0x1B8B  }
0xa2: {  	_ =	swait.ge [sflag:s23], $0x1  }
0xa3: {  	[sflag:s23] =	ssyncset.done $0x0  }
0xa4: {  	s25 =	simm.s32 $0x1B8E;
	s24 =	sld [smem:$0x3FFE];
	[sflag:s23] =	ssyncadd.s32 $0xFFFFFFFF  }
0xa5: {  	s26 =	simm.s32 $execute0_lowered;
	[smem:$0x3FD2] =	sst s25  }
0xa6: {  	s4 =	sshll.u32 s26, $0x1;
	_ =	strace $0x80000046;
	[dreg:$0x1] =	wrdreg $0xFFFFFFFF  }
0xa7: {  	s28 =	simm.s32 $_size_execute0_lowered;
	s2 =	sadd.s32 s2, s4;
	[dreg:$0x0] =	wrdreg $0x0  }
0xa8: {  	s4 =	sshll.u32 s28, $0x1;
	[dreg:$0x2] =	wrdreg s2  }
0xa9: {  	[dreg:$0x3] =	wrdreg s4  }
0xaa: {  	[dreg:$0x4] =	wrdreg $0xC0  }
0xab: {  	_ =	task [dreg:s6], $0x5FFFF  }
0xac: {  	[dreg:$0x1] =	wrdreg $0xFFFFFFFF  }
0xad: {  	[dreg:$0x0] =	wrdreg $0x60  }
0xae: {  	[dreg:$0x2] =	wrdreg s24  }
0xaf: {  	[dreg:$0x3] =	wrdreg $0x116200  }
0xb0: {  	[dreg:$0x4] =	wrdreg $0x9  }
0xb1: {  	_ =	task.clear_ibuf [dreg:s6], $0x5FFFF;
	_ =	strace $0x90000046  }
0xb2: {  	s29 =	simm.s32 $0x9;
	_ =	strace $0x80000048  }
0xb3: {  	_ =	swait.ge [sflag:s29], $0x1  }
0xb4: {  	[sflag:s29] =	ssyncadd.s32 $0xFFFFFFFF  }
0xb5: {  	_ =	strace $0x90000048  }
0xb6: {  	_ =	sfence  }
0xb7: {  	s30 =	sld [smem:$0x0];
	_ =	sdelay $0x2  }
0xb8: {  	s31 =	sshll.u32 s1, $0xD;
	s1 =	sshrl.u32 s1, $0x2  }
0xb9: {  	s3 =	sand.u32 $0x4000, s31;
	s1 =	sadd.s32 s1, s30  }
0xba: {  	s0 =	sor.u32 s3, s0;
	s1 =	sshll.u32 s1, $0x11  }
0xbb: {  	s0 =	sor.u32 s1, s0  }
0xbc: {  	s0 =	sadd.s32 $0x8F2B, s0  }
0xbd: {  	[sflag:s0] =	ssyncadd.remote.s32 $0x1  }
0xbe: {  	_ =	sfence.sel $0xFFFF  }
0xbf: {  	[dreg:$0x0] =	wrdreg $0xFFFFFFFF;
	(pc) =	sbr.abs _section_cstart, $3  }
0xc0: {  	[dreg:$0x1] =	wrdreg $0xFFFFFFFF  }
0xc1: {  	_ =	task.clear_ibuf [dreg:s6], $0x2FFFF;
	_ =	strace $0x9FFFFFFF  }
0xc2: {  	(tm) =	ssettm $0x7FFFFFFF  }
0xc3: {  	_ =	shalt  }
tec
execute0_lowered:
.L_overlay_start_1:
0x0: {  	(tag) =	ssettag $0x1  }
0x1: {  	s0 =	srdreg.scid;
	s3 =	rddreg [dreg:$0x0]  }
0x2: {  	s7 =	stileid.u32;
	s2 =	rddreg [dreg:$0x1];
	s4 =	simm.s32 $0x0  }
0x3: {  	s28 =	simm.s32 $0x10;
	s29 =	simm.s32 $0xB220;
	s30 =	simm.s32 $0x1  }
0x4: {  	s31 =	simm.s32 $0xCB20;
	s9 =	simm.s32 $0xB;
	s12 =	simm.s32 $0x11  }
0x5: {  	s13 =	simm.s32 $0x7;
	s14 =	simm.s32 $0x0;
	s5 =	smul.u32 $0xC800, s7  }
0x6: {  	s0 =	sand.u32 $0x1, s0;
	s1 =	sshll.u32 s7, $0x1;
	s7 =	smul.u32 $0x32000, s7  }
0x7: {  	[smem:$0x7FF] =	sst s4;
	s4 =	sadd.s32 $0x1000, s3;
	s1 =	sor.u32 s0, s1  }
0x8: {  	s6 =	smul.u32 $0xC8000, s0;
	_ =	strace $0x80000047;
	s17 =	sshrl.u32 s7, $0x2  }
0x9: {  	s0 =	ssub.s32 $0x2, s0;
	s1 =	smul.u32 $0x2710, s1;
	s19 =	sadd.s32 s17, s2  }
0xa: {  	s8 =	sshrl.u32 s0, $0x1;
	s7 =	sadd.s32 s5, s2;
	s20 =	sadd.s32 $0x1900, s19  }
0xb: {  	s6 =	sadd.s32 s5, s6;
	s21 =	sadd.s32 $0x3200, s19;
	[dreg:$0x5] =	wrdreg s20  }
0xc: {  	s0 =	ssub.s32 s0, s8;
	s22 =	sadd.s32 $0x4B00, s19;
	[dreg:$0x6] =	wrdreg s21  }
0xd: {  	s17 =	simm.s32 $0x3;
	s23 =	sadd.s32 $0x6400, s19;
	[dreg:$0x7] =	wrdreg s22  }
0xe: {  	s5 =	simm.s32 $0xE;
	s24 =	sadd.s32 $0x7D00, s19;
	[dreg:$0x8] =	wrdreg s23  }
0xf: {  	s1 =	sshrl.u32 s1, $0x3;
	s25 =	sadd.s32 $0x9600, s19;
	[dreg:$0x9] =	wrdreg s24  }
0x10: {  	s6 =	sshrl.u32 s6, $0x3;
	s0 =	smax.u32 s0, $0x1;
	[dreg:$0xa] =	wrdreg s25  }
0x11: {  	s1 =	sadd.s32 s1, s3;
	s3 =	sadd.s32 s6, s3;
	[dreg:$0xd] =	wrdreg s0  }
0x12: {  	s20 =	simm.s32 $0x50;
	s21 =	simm.s32 $0x4E20;
	s22 =	simm.s32 $0x6720  }
0x13: {  	s24 =	simm.s32 $0x8020;
	s0 =	simm.s32 $0xE420;
	s23 =	simm.s32 $0x8  }
.Ltmp0:
0x14: {  	s25 =	simm.s32 $0x4;
	s18 =	sadd.s32 $0x19800, s1;
	(pc) =	sbr.rel .LBB2_1-.Ltmp0, $4  }
0x15: {  	s1 =	sadd.s32 $0x23440, s1;
	s26 =	sadd.s32 $0x2D200, s3;
	[dreg:$0x3] =	wrdreg s18  }
0x16: {  	s3 =	simm.s32 $0x6;
	[dreg:$0x4] =	wrdreg s1;
	s1 =	sadd.s32 $0xAF00, s19  }
0x17: {  	[dreg:$0xc] =	wrdreg s26;
	s18 =	simm.s32 $0xFD20;
	s19 =	simm.s32 $0xF  }
0x18: {  	v0 =	vimm.f32 $0.0e+00;
	s26 =	simm.s32 $0x9920;
	[dreg:$0xb] =	wrdreg s1;
	s1 =	simm.s32 $0x2  }
.LBB2_11:
0x19: {  	_ =	swait.ge [sflag:s5], $0x1900  }
0x1a: {  	[sflag:s5] =	ssyncset.done $0x0  }
0x1b: {  	[sflag:s5] =	ssyncadd.s32 $0xFFFFE700  }
0x1c: {  	_ =	swait.ge [sflag:s23], $0x1900  }
0x1d: {  	[sflag:s23] =	ssyncset.done $0x0  }
0x1e: {  	s6 =	simm.s32 $0x9;
	[sflag:s23] =	ssyncadd.s32 $0xFFFFE700  }
0x1f: {  	_ =	swait.ge [sflag:s6], $0x1900  }
0x20: {  	[sflag:s6] =	ssyncset.done $0x0  }
0x21: {  	s8 =	simm.s32 $0xA;
	[sflag:s6] =	ssyncadd.s32 $0xFFFFE700  }
0x22: {  	_ =	swait.ge [sflag:s8], $0x1900  }
0x23: {  	[sflag:s8] =	ssyncset.done $0x0  }
0x24: {  	[sflag:s8] =	ssyncadd.s32 $0xFFFFE700  }
0x25: {  	_ =	swait.ge [sflag:s9], $0x1900  }
0x26: {  	[sflag:s9] =	ssyncset.done $0x0  }
0x27: {  	s10 =	simm.s32 $0xC;
	[sflag:s9] =	ssyncadd.s32 $0xFFFFE700  }
0x28: {  	_ =	swait.ge [sflag:s10], $0x1900  }
0x29: {  	[sflag:s10] =	ssyncset.done $0x0  }
0x2a: {  	s11 =	simm.s32 $0xD;
	[sflag:s10] =	ssyncadd.s32 $0xFFFFE700  }
0x2b: {  	_ =	swait.ge [sflag:s11], $0x1900  }
0x2c: {  	[sflag:s11] =	ssyncset.done $0x0  }
0x2d: {  	s15 =	stileid.u32;
	[sflag:s11] =	ssyncadd.s32 $0xFFFFE700  }
0x2e: {  	s6 =	sshll.u32 s15, $0x6;
	[bflag:$0x0] =	sbarrier.arrive $0xFFFF  }
0x2f: {  	s6 =	sor.u32 $0x1C11, s6;
	s8 =	sshrl.u32 s7, $0x3;
	s10 =	rddreg [dreg:$0xc]  }
0x30: {  	[hbm:s10], [sflag:s6] =	dma.local [spmem:s8], $0x1900  }
0x31: {  	_ =	swait.ge [sflag:s12], $0x1900  }
0x32: {  	s14 =	sadd.s32 $0x1, s14;
	s16 =	rddreg [dreg:$0xd]  }
0x33: {  	p0 =	sne.s32 s14, s16  }
.Ltmp1:
0x34: {  	_ = 	snop;
	(pc) =	sbr.rel @!p0 .LBB2_12-.Ltmp1, $3  }
0x35: {  	_ =	sdelay $0x1  }
0x36: {  	[sflag:s12] =	ssyncset.done $0x0  }
0x37: {  	[sflag:s12] =	ssyncadd.s32 $0xFFFFE700  }
.LBB2_1:
0x38: {  	s6 =	simm.s32 $0x0;
	s8 =	rddreg [dreg:$0x3]  }
0x39: {  	[tilespmem:s6], [sflag:$0xF] =	stream.linear.gather [hbm4b:s8+s6], $0x2710, $0x38;
	[tilespmem:$0x1DE20] =	vst v63  }
0x3a: {  	s16 =	rddreg [dreg:$0x4];
	s10 =	simm.s32 $0x2710  }
0x3b: {  	[tilespmem:s10], [sflag:$0xF] =	stream.linear.gather [hbm4b:s16+s6], $0x2710, $0x38;
	[tilespmem:$0x1DE20] =	vst v63  }
0x3c: {  	s15 =	simm.s32 $0x0;
	s16 =	simm.s32 $0x140  }
.LBB2_2:
0x3d: {  	p0 =	sne.s32 s16, $0x62C0;
	[tilespmem:s15+$0xFD60] =	vst v0;
	s6 =	smov.u32 s16;
	s16 =	sadd.s32 $0x140, s16  }
.Ltmp2:
0x3e: {  	[tilespmem:s15+$0xFD50] =	vst v0;
	(pc) =	sbr.rel @p0 .LBB2_2-.Ltmp2, $4  }
0x3f: {  	[tilespmem:s15+$0xFD40] =	vst v0  }
0x40: {  	[tilespmem:s15+$0xFD20] =	vst v0  }
0x41: {  	[tilespmem:s15+$0xFD30] =	vst v0  }
0x42: {  	s15 =	sshra.s32 s6, $0x2  }
0x43: {  	[tilespmem:s15+$0xFD60] =	vst v0  }
0x44: {  	[tilespmem:s15+$0xFD50] =	vst v0  }
0x45: {  	[tilespmem:s15+$0xFD40] =	vst v0  }
0x46: {  	[tilespmem:s15+$0xFD20] =	vst v0  }
0x47: {  	[tilespmem:s15+$0xFD30] =	vst v0  }
0x48: {  	[spmem:s7] =	stream.linear.scatter [tilespmem:s18], [sflag:$0x10], $0x1900, $0x38;
	[tilespmem:$0x1DE20] =	vst v63  }
0x49: {  	s6 =	rddreg [dreg:$0x5]  }
0x4a: {  	[spmem:s6] =	stream.linear.scatter [tilespmem:s18], [sflag:$0x10], $0x1900, $0x38;
	[tilespmem:$0x1DE20] =	vst v63  }
0x4b: {  	s10 =	rddreg [dreg:$0x6]  }
0x4c: {  	[spmem:s10] =	stream.linear.scatter [tilespmem:s18], [sflag:$0x10], $0x1900, $0x38;
	[tilespmem:$0x1DE20] =	vst v63  }
0x4d: {  	s11 =	rddreg [dreg:$0x7]  }
0x4e: {  	[spmem:s11] =	stream.linear.scatter [tilespmem:s18], [sflag:$0x10], $0x1900, $0x38;
	[tilespmem:$0x1DE20] =	vst v63  }
0x4f: {  	s15 =	rddreg [dreg:$0x8]  }
0x50: {  	[spmem:s15] =	stream.linear.scatter [tilespmem:s18], [sflag:$0x10], $0x1900, $0x38;
	[tilespmem:$0x1DE20] =	vst v63  }
0x51: {  	s16 =	rddreg [dreg:$0x9]  }
0x52: {  	[spmem:s16] =	stream.linear.scatter [tilespmem:s18], [sflag:$0x10], $0x1900, $0x38;
	[tilespmem:$0x1DE20] =	vst v63  }
0x53: {  	s8 =	rddreg [dreg:$0xa]  }
0x54: {  	[spmem:s8] =	stream.linear.scatter [tilespmem:s18], [sflag:$0x10], $0x1900, $0x38;
	[tilespmem:$0x1DE20] =	vst v63  }
0x55: {  	s10 =	rddreg [dreg:$0xb]  }
0x56: {  	[spmem:s10] =	stream.linear.scatter [tilespmem:s18], [sflag:$0x10], $0x1900, $0x38;
	[tilespmem:$0x1DE20] =	vst v63  }
0x57: {  	_ =	swait.ge [sflag:s19], $0x2710  }
0x58: {  	[sflag:s19] =	ssyncset.done $0x0  }
0x59: {  	[sflag:s19] =	ssyncadd.s32 $0xFFFFD8F0  }
0x5a: {  	_ =	swait.ge [sflag:s19], $0x2710  }
0x5b: {  	[sflag:s19] =	ssyncset.done $0x0  }
0x5c: {  	s15 =	simm.s32 $0x0;
	[sflag:s19] =	ssyncadd.s32 $0xFFFFD8F0  }
0x5d: {  	[tilespmem:s21], [sflag:$0x1] =	stream.indirect.gather [hbm4b:s4+s20], $0x50, s15, s20, $0xb8;
	[tilespmem:$0x1DE20] =	vst v63  }
0x5e: {  	_ = 	snop  }
0x5f: {  	[tilespmem:s22], [sflag:$0x2] =	stream.indirect.gather [hbm4b:s4+s20], $0x50, s20, s20, $0xb8;
	[tilespmem:$0x1DE20] =	vst v63  }
0x60: {  	s11 =	simm.s32 $0xA0  }
0x61: {  	[tilespmem:s24], [sflag:$0x3] =	stream.indirect.gather [hbm4b:s4+s20], $0x50, s11, s20, $0xb8;
	[tilespmem:$0x1DE20] =	vst v63  }
0x62: {  	s16 =	simm.s32 $0xF0  }
0x63: {  	[tilespmem:s26], [sflag:$0x4] =	stream.indirect.gather [hbm4b:s4+s20], $0x50, s16, s20, $0xb8;
	[tilespmem:$0x1DE20] =	vst v63  }
0x64: {  	_ =	swait.ge [sflag:s28], $0x1900  }
0x65: {  	[sflag:s28] =	ssyncset.done $0x0  }
0x66: {  	[sflag:s28] =	ssyncadd.s32 $0xFFFFE700  }
0x67: {  	_ =	swait.ge [sflag:s28], $0x1900  }
0x68: {  	[sflag:s28] =	ssyncset.done $0x0  }
0x69: {  	[sflag:s28] =	ssyncadd.s32 $0xFFFFE700  }
0x6a: {  	_ =	swait.ge [sflag:s28], $0x1900  }
0x6b: {  	[sflag:s28] =	ssyncset.done $0x0  }
0x6c: {  	[sflag:s28] =	ssyncadd.s32 $0xFFFFE700  }
0x6d: {  	_ =	swait.ge [sflag:s28], $0x1900  }
0x6e: {  	[sflag:s28] =	ssyncset.done $0x0  }
0x6f: {  	[sflag:s28] =	ssyncadd.s32 $0xFFFFE700  }
0x70: {  	_ =	swait.ge [sflag:s28], $0x1900  }
0x71: {  	[sflag:s28] =	ssyncset.done $0x0  }
0x72: {  	[sflag:s28] =	ssyncadd.s32 $0xFFFFE700  }
0x73: {  	_ =	swait.ge [sflag:s28], $0x1900  }
0x74: {  	[sflag:s28] =	ssyncset.done $0x0  }
0x75: {  	[sflag:s28] =	ssyncadd.s32 $0xFFFFE700  }
0x76: {  	_ =	swait.ge [sflag:s28], $0x1900  }
0x77: {  	[sflag:s28] =	ssyncset.done $0x0  }
0x78: {  	[sflag:s28] =	ssyncadd.s32 $0xFFFFE700  }
0x79: {  	_ =	swait.ge [sflag:s28], $0x1900  }
0x7a: {  	[sflag:s28] =	ssyncset.done $0x0  }
0x7b: {  	[sflag:s28] =	ssyncadd.s32 $0xFFFFE700  }
0x7c: {  	[bflag:$0x0] =	sbarrier.arrive $0xFFFF  }
.LBB2_4:
0x7d: {  	p0 =	seq.s32 s15, $0x0  }
0x7e: {  	s6 =	simm.s32 @!p0 $0xC  }
0x7f: {  	_ =	swait.ge @!p0 [sflag:s6], $0x1900  }
0x80: {  	s16 =	sshra.s32 s15, $0x2;
	[sflag:s6] =	ssyncset.done @!p0 $0x0  }
0x81: {  	s11 =	sadd.s32 $0x140, s16;
	[sflag:s6] =	ssyncadd.s32 @!p0 $0xFFFFE700  }
0x82: {  	[tilespmem:s29], [sflag:$0x5] =	stream.indirect.gather [hbm4b:s4+s20], $0x50, s11, s20, $0xb8;
	[tilespmem:$0x1DE20] =	vst v63  }
0x83: {  	_ =	swait.ge [sflag:s30], $0x1900  }
0x84: {  	[sflag:s30] =	ssyncset.done $0x0  }
0x85: {  	s8 =	sadd.s32 $0x2710, s16;
	s6 =	simm.s32 @!p0 $0xD;
	[sflag:s30] =	ssyncadd.s32 $0xFFFFE700  }
0x86: {  	[spmem:s2] =	stream.indirect.scatter.add.f32 [tilespmem:s21], [sflag:$0x8], $0x50, s8, s20, $0xb8;
	[tilespmem:$0x1DE20] =	vst v63  }
0x87: {  	_ =	swait.ge @!p0 [sflag:s6], $0x1900  }
0x88: {  	[sflag:s6] =	ssyncset.done @!p0 $0x0  }
0x89: {  	s10 =	sadd.s32 $0x190, s16;
	[sflag:s6] =	ssyncadd.s32 @!p0 $0xFFFFE700  }
0x8a: {  	[tilespmem:s31], [sflag:$0x6] =	stream.indirect.gather [hbm4b:s4+s20], $0x50, s10, s20, $0xb8;
	[tilespmem:$0x1DE20] =	vst v63  }
.Ltmp3:
0x8b: {  	_ = 	snop;
	(pc) =	sbr.rel @p0 .LBB2_7-.Ltmp3, $4  }
0x8c: {  	_ =	swait.ge [sflag:s1], $0x1900  }
0x8d: {  	[sflag:s1] =	ssyncset.done $0x0  }
0x8e: {  	s11 =	sadd.s32 $0x2760, s16;
	[sflag:s1] =	ssyncadd.s32 $0xFFFFE700  }
0x8f: {  	[spmem:s2] =	stream.indirect.scatter.add.f32 [tilespmem:s22], [sflag:$0x9], $0x50, s11, s20, $0xb8;
	[tilespmem:$0x1DE20] =	vst v63  }
0x90: {  	p0 =	seq.s32 s15, $0x94C0  }
.Ltmp4:
0x91: {  	_ = 	snop;
	(pc) =	sbr.rel @!p0 .LBB2_6-.Ltmp4, $1  }
0x92: {  	_ =	sdelay $0x3  }
.Ltmp5:
0x93: {  	(pc) =	sbr.rel .LBB2_9-.Ltmp5, $4  }
0x94: {  	_ =	swait.ge [sflag:s17], $0x1900  }
0x95: {  	[sflag:s17] =	ssyncset.done $0x0  }
0x96: {  	s6 =	sadd.s32 $0x27B0, s16;
	[sflag:s17] =	ssyncadd.s32 $0xFFFFE700  }
0x97: {  	[spmem:s2] =	stream.indirect.scatter.add.f32 [tilespmem:s24], [sflag:$0xA], $0x50, s6, s20, $0xb8;
	[tilespmem:$0x1DE20] =	vst v63  }
.LBB2_6:
0x98: {  	_ =	swait.ge [sflag:s5], $0x1900  }
0x99: {  	[sflag:s5] =	ssyncset.done $0x0  }
0x9a: {  	[sflag:s5] =	ssyncadd.s32 $0xFFFFE700  }
.LBB2_7:
0x9b: {  	s6 =	sadd.s32 $0x1E0, s16  }
0x9c: {  	[tilespmem:s0], [sflag:$0x7] =	stream.indirect.gather [hbm4b:s4+s20], $0x50, s6, s20, $0xb8;
	[tilespmem:$0x1DE20] =	vst v63  }
0x9d: {  	_ =	swait.ge [sflag:s17], $0x1900  }
0x9e: {  	[sflag:s17] =	ssyncset.done $0x0  }
0x9f: {  	s10 =	sadd.s32 $0x27B0, s16;
	[sflag:s17] =	ssyncadd.s32 $0xFFFFE700  }
0xa0: {  	[spmem:s2] =	stream.indirect.scatter.add.f32 [tilespmem:s24], [sflag:$0xA], $0x50, s10, s20, $0xb8;
	[tilespmem:$0x1DE20] =	vst v63  }
0xa1: {  	_ =	swait.ge [sflag:s23], $0x1900  }
0xa2: {  	[sflag:s23] =	ssyncset.done $0x0  }
0xa3: {  	s11 =	sadd.s32 $0x230, s16;
	[sflag:s23] =	ssyncadd.s32 $0xFFFFE700  }
0xa4: {  	[tilespmem:s21], [sflag:$0x1] =	stream.indirect.gather [hbm4b:s4+s20], $0x50, s11, s20, $0xb8;
	[tilespmem:$0x1DE20] =	vst v63  }
.LBB2_9:
0xa5: {  	_ =	swait.ge [sflag:s25], $0x1900  }
0xa6: {  	[sflag:s25] =	ssyncset.done $0x0  }
0xa7: {  	p0 =	seq.s32 s15, $0x94C0;
	s6 =	sadd.s32 $0x2800, s16;
	[sflag:s25] =	ssyncadd.s32 $0xFFFFE700  }
0xa8: {  	[spmem:s2] =	stream.indirect.scatter.add.f32 [tilespmem:s26], [sflag:$0xB], $0x50, s6, s20, $0xb8;
	[tilespmem:$0x1DE20] =	vst v63  }
0xa9: {  	s6 =	simm.s32 @p0 $0x5  }
0xaa: {  	_ =	swait.ge @p0 [sflag:s6], $0x1900  }
0xab: {  	[sflag:s6] =	ssyncset.done @p0 $0x0  }
0xac: {  	[sflag:s6] =	ssyncadd.s32 @p0 $0xFFFFE700;
	s6 =	sshra.s32 @p0 s15, $0x2  }
0xad: {  	s8 =	simm.s32 @p0 $0x50;
	s10 =	simm.s32 @p0 $0xB220;
	s6 =	sadd.s32 @p0 $0x2850, s6  }
0xae: {  	[spmem:s2] =	stream.indirect.scatter.add.f32 @p0 [tilespmem:s10], [sflag:$0xC], $0x50, s6, s8, $0xb8;
	[tilespmem:$0x1DE20] =	vst v63  }
0xaf: {  	s6 =	simm.s32 @!p0 $0x9  }
0xb0: {  	_ =	swait.ge @!p0 [sflag:s6], $0x1900  }
0xb1: {  	[sflag:s6] =	ssyncset.done @!p0 $0x0  }
0xb2: {  	[sflag:s6] =	ssyncadd.s32 @!p0 $0xFFFFE700;
	s6 =	sshra.s32 @!p0 s15, $0x2  }
0xb3: {  	s11 =	simm.s32 @!p0 $0x6720;
	s10 =	simm.s32 @!p0 $0x50;
	s8 =	sadd.s32 @!p0 $0x280, s6  }
0xb4: {  	[tilespmem:s11], [sflag:$0x2] =	stream.indirect.gather @!p0 [hbm4b:s4+s10], $0x50, s8, s10, $0xb8;
	[tilespmem:$0x1DE20] =	vst v63  }
0xb5: {  	s8 =	simm.s32 @!p0 $0x5  }
0xb6: {  	_ =	swait.ge @!p0 [sflag:s8], $0x1900  }
0xb7: {  	[sflag:s8] =	ssyncset.done @!p0 $0x0  }
0xb8: {  	s11 =	simm.s32 @!p0 $0xB220;
	[sflag:s8] =	ssyncadd.s32 @!p0 $0xFFFFE700;
	s8 =	sadd.s32 @!p0 $0x2850, s6  }
0xb9: {  	[spmem:s2] =	stream.indirect.scatter.add.f32 @!p0 [tilespmem:s11], [sflag:$0xC], $0x50, s8, s10, $0xb8;
	[tilespmem:$0x1DE20] =	vst v63  }
0xba: {  	s8 =	simm.s32 @!p0 $0xA  }
0xbb: {  	_ =	swait.ge @!p0 [sflag:s8], $0x1900  }
0xbc: {  	[sflag:s8] =	ssyncset.done @!p0 $0x0  }
0xbd: {  	s6 =	sadd.s32 @!p0 $0x2D0, s6;
	[sflag:s8] =	ssyncadd.s32 @!p0 $0xFFFFE700;
	s8 =	simm.s32 @!p0 $0x8020  }
0xbe: {  	[tilespmem:s8], [sflag:$0x3] =	stream.indirect.gather @!p0 [hbm4b:s4+s10], $0x50, s6, s10, $0xb8;
	[tilespmem:$0x1DE20] =	vst v63  }
.Ltmp6:
0xbf: {  	_ = 	snop;
	(pc) =	sbr.rel @p0 .LBB2_11-.Ltmp6, $4  }
0xc0: {  	_ =	swait.ge [sflag:s3], $0x1900  }
0xc1: {  	[sflag:s3] =	ssyncset.done $0x0  }
0xc2: {  	s11 =	sadd.s32 $0x28A0, s16;
	[sflag:s3] =	ssyncadd.s32 $0xFFFFE700  }
0xc3: {  	[spmem:s2] =	stream.indirect.scatter.add.f32 [tilespmem:s31], [sflag:$0xD], $0x50, s11, s20, $0xb8;
	[tilespmem:$0x1DE20] =	vst v63  }
0xc4: {  	_ =	swait.ge [sflag:s9], $0x1900  }
0xc5: {  	[sflag:s9] =	ssyncset.done $0x0  }
0xc6: {  	s6 =	sadd.s32 $0x320, s16;
	[sflag:s9] =	ssyncadd.s32 $0xFFFFE700  }
0xc7: {  	[tilespmem:s26], [sflag:$0x4] =	stream.indirect.gather [hbm4b:s4+s20], $0x50, s6, s20, $0xb8;
	[tilespmem:$0x1DE20] =	vst v63  }
.Ltmp7:
0xc8: {  	_ = 	snop;
	(pc) =	sbr.rel .LBB2_4-.Ltmp7, $4  }
0xc9: {  	_ =	swait.ge [sflag:s13], $0x1900  }
0xca: {  	[sflag:s13] =	ssyncset.done $0x0  }
0xcb: {  	s16 =	sadd.s32 $0x28F0, s16;
	s15 =	sadd.s32 $0x8C0, s15;
	[sflag:s13] =	ssyncadd.s32 $0xFFFFE700  }
0xcc: {  	[spmem:s2] =	stream.indirect.scatter.add.f32 [tilespmem:s0], [sflag:$0xE], $0x50, s16, s20, $0xb8;
	[tilespmem:$0x1DE20] =	vst v63  }
.LBB2_12:
0xcd: {  	_ =	sfence.sel $0x180000  }
0xce: {  	[bflag:$0x0] =	sbarrier.arrive $0xFFFF  }
0xcf: {  	_ =	strace $0x90000047  }
0xd0: {  	s0 =	stileid.u32;
	[bflag:$0x2] =	sbarrier.arrive $0xFFFF  }
0xd1: {  	p0 =	sne.s32 s0, $0x0;
	s0 =	rddreg [dreg:$0x2]  }
0xd2: {  	s0 =	sadd.s32 @!p0 $0x100000, s0  }
0xd3: {  	[sflag:s0] =	ssyncadd.tile.s32 @!p0 $0x1;
	_ =	shalt  }
.Lfunc_end2:
_tile_overlayer_lowered:
.L_overlay_start_2:
0xd4: {  	(tag) =	ssettag $0x2  }
0xd5: {  	s0 =	rddreg [dreg:$0x0];
	s2 =	stileid.u32  }
0xd6: {  	s1 =	rddreg [dreg:$0x1];
	p0 =	sne.s32 s2, $0x0  }
0xd7: {  	s3 =	rddreg [dreg:$0x2];
	[bflag:$0x3] =	sbarrier.arrive $0xFFFF;
	s2 =	simm.s32 @!p0 $0x1C11  }
0xd8: {  	[timem:s3], [sflag:s2] =	dma.local @!p0 [hbm:s0], s1  }
0xd9: {  	s0 =	simm.s32 @!p0 $0x11  }
0xda: {  	_ =	swait.ge @!p0 [sflag:s0], s1  }
0xdb: {  	s1 =	ssub.s32 @!p0 $0x0, s1;
	[sflag:s0] =	ssyncset.done @!p0 $0x0  }
0xdc: {  	[sflag:s0] =	ssyncadd.s32 @!p0 s1  }
0xdd: {  	[bflag:$0x3] =	sbarrier.arrive $0xFFFF  }
0xde: {  	_ =	shalt  }

// kernel: kernel.8.cloned.1.call-start
scs
__scs_entry_jumppad:
0x0: {  	(pc) =	sbr.rel $0x88, $3  }
0x1: {  	(tag) =	ssettag $0x0;
	lr =	simm.s32 $0x1  }
0x2: {  	[smem:$0x3F9B] =	sst lr;
	_ =	strace $0xD0000000  }
0x3: {  	_ = 	snop  }
0x4: {  	_ = 	snop  }
0x5: {  	_ = 	snop  }
0x6: {  	_ = 	snop  }
0x7: {  	_ = 	snop  }
__scs_overlays_trampoline_lowered:
0x8: {  	[smem:$0x3FAA] =	sst s0  }
0x9: {  	[smem:$0x3FAB] =	sst s1  }
0xa: {  	[smem:$0x3FAC] =	sst s2  }
0xb: {  	[smem:$0x3FAD] =	sst s3  }
0xc: {  	[smem:$0x3FAE] =	sst s4  }
0xd: {  	[smem:$0x3FAF] =	sst s5  }
0xe: {  	[smem:$0x3FB0] =	sst s6  }
0xf: {  	[smem:$0x3FB1] =	sst s7  }
0x10: {  	[smem:$0x3FB2] =	sst s8  }
0x11: {  	[smem:$0x3FB3] =	sst s9;
	s0 =	simm.s32 @!p0 $0x0  }
0x12: {  	s1 =	sld [smem:$0x3F99];
	s0 =	simm.s32 @p0 $0x1  }
0x13: {  	[smem:$0x3FB4] =	sst s0;
	s0 =	simm.s32 @!p1 $0x0  }
0x14: {  	s2 =	sld [smem:$0x3F98];
	s0 =	simm.s32 @p1 $0x1  }
0x15: {  	[smem:$0x3FB5] =	sst s0;
	s0 =	simm.s32 @!p2 $0x0  }
0x16: {  	s3 =	sld [smem:$0x3FDB];
	s0 =	simm.s32 @p2 $0x1  }
0x17: {  	s4 =	simm.s32 $0x1BF5;
	[smem:$0x3FB7] =	sst s0  }
0x18: {  	s0 =	sld [smem:$0x3F9A];
	_ =	swait.ge [sflag:s4], $0x0  }
0x19: {  	s7 =	sld [smem:$0x3F9B]  }
0x1a: {  	s8 =	sadd.s32 $0xFFFFE003, lr  }
0x1b: {  	s9 =	sadd.s32 $0xFFFFFEF7, lr;
	s5 =	simm.s32 $0xFFFFFFFF;
	p2 =	slt.u32 s8, $0xFFFFF086  }
0x1c: {  	p1 =	slt.u32 s9, $0xF7A;
	s5 =	simm.s32 @!p2 $0x0  }
0x1d: {  	s5 =	simm.s32 @p1 $0x1;
	p0 =	seq.s32 s7, s2  }
0x1e: {  	s7 =	smul.u32 @!p0 $0xF7A, s2;
	p2 =	seq.s32 @!p0 s5, $0x0  }
0x1f: {  	s9 =	smul.u32 $0xF7A, s1;
	s8 =	simm.s32 @!p0 $0x1BF5;
	p2 =	por !p2, p0  }
0x20: {  	[sflag:s8] =	ssyncset.s32 @!p0 $0xFFFFF086;
	s6 =	sadd.s32 @!p0 s3, s7;
	s7 =	simm.s32 @!p0 $0x108  }
0x21: {  	s3 =	sadd.s32 s3, s9;
	s6 =	sadd.s32 @!p0 $0x88, s6;
	s7 =	simm.s32 @p2 $0x1082  }
0x22: {  	[simem:s7], [sflag:s8] =	dma.local @!p0 [hbm:s6], $0xF7A  }
0x23: {  	s9 =	sor.u32 $0xD0000000, s2;
	s6 =	simm.s32 $0x108;
	_ =	swait.ge @!p0 [sflag:s8], $0x0  }
0x24: {  	s3 =	sadd.s32 $0x88, s3;
	s6 =	simm.s32 @!p1 $0x1082;
	[sflag:s4] =	ssyncset.s32 $0xFFFFF086  }
0x25: {  	[simem:s6], [sflag:s4] =	dma.local [hbm:s3], $0xF7A  }
0x26: {  	[smem:$0x3F9B] =	sst s1;
	(tag) =	ssettag s2;
	_ =	strace s9  }
0x27: {  	s1 =	sld [smem:$0x3FAB]  }
0x28: {  	s2 =	sld [smem:$0x3FAC]  }
0x29: {  	s4 =	sld [smem:$0x3FAE]  }
0x2a: {  	p0 =	seq.s32 s5, $0x0;
	s5 =	sld [smem:$0x3FAF]  }
0x2b: {  	s6 =	sld [smem:$0x3FB0]  }
0x2c: {  	s7 =	sld [smem:$0x3FB1]  }
0x2d: {  	s3 =	simm.s32 $0x108;
	s8 =	sld [smem:$0x3FB2]  }
0x2e: {  	s3 =	simm.s32 @!p0 $0x1082;
	s9 =	sld [smem:$0x3FB3]  }
0x2f: {  	lr =	sadd.s32 s0, s3;
	s0 =	sld [smem:$0x3FAA]  }
0x30: {  	s3 =	sld [smem:$0x3FAD]  }
0x31: {  	[smem:$0x3FB6] =	sst s10  }
0x32: {  	s10 =	sld [smem:$0x3FB4];
	_ =	sdelay $0x3  }
0x33: {  	p0 =	seq.s32 s10, $0x1;
	s10 =	sld [smem:$0x3FB6];
	_ =	sdelay $0x3  }
0x34: {  	[smem:$0x3FB6] =	sst s10  }
0x35: {  	s10 =	sld [smem:$0x3FB5];
	_ =	sdelay $0x3  }
0x36: {  	p1 =	seq.s32 s10, $0x1;
	s10 =	sld [smem:$0x3FB6];
	_ =	sdelay $0x3  }
0x37: {  	[smem:$0x3FB6] =	sst s10  }
0x38: {  	s10 =	sld [smem:$0x3FB7]  }
0x39: {  	_ = 	snop;
	(pc) =	sbr.ind lr, $3  }
0x3a: {  	_ = 	snop  }
0x3b: {  	_ = 	snop  }
0x3c: {  	p2 =	seq.s32 s10, $0x1;
	s10 =	sld [smem:$0x3FB6]  }
0x3d: {  	_ =	shalt  }
0x3e: {  	_ =	shalt  }
0x3f: {  	_ =	shalt  }
0x40: {  	_ =	shalt  }
0x41: {  	_ =	shalt  }
0x42: {  	_ =	shalt  }
0x43: {  	_ =	shalt  }
0x44: {  	_ =	shalt  }
0x45: {  	_ =	shalt  }
0x46: {  	_ =	shalt  }
0x47: {  	_ =	shalt  }
0x48: {  	_ =	shalt  }
0x49: {  	_ =	shalt  }
0x4a: {  	_ =	shalt  }
0x4b: {  	_ =	shalt  }
0x4c: {  	_ =	shalt  }
0x4d: {  	_ =	shalt  }
0x4e: {  	_ =	shalt  }
0x4f: {  	_ =	shalt  }
0x50: {  	_ =	shalt  }
0x51: {  	_ =	shalt  }
0x52: {  	_ =	shalt  }
0x53: {  	_ =	shalt  }
0x54: {  	_ =	shalt  }
0x55: {  	_ =	shalt  }
0x56: {  	_ =	shalt  }
0x57: {  	_ =	shalt  }
0x58: {  	_ =	shalt  }
0x59: {  	_ =	shalt  }
0x5a: {  	_ =	shalt  }
0x5b: {  	_ =	shalt  }
0x5c: {  	_ =	shalt  }
0x5d: {  	_ =	shalt  }
0x5e: {  	_ =	shalt  }
0x5f: {  	_ =	shalt  }
0x60: {  	_ =	shalt  }
0x61: {  	_ =	shalt  }
0x62: {  	_ =	shalt  }
0x63: {  	_ =	shalt  }
0x64: {  	_ =	shalt  }
0x65: {  	_ =	shalt  }
0x66: {  	_ =	shalt  }
0x67: {  	_ =	shalt  }
0x68: {  	_ =	shalt  }
0x69: {  	_ =	shalt  }
0x6a: {  	_ =	shalt  }
0x6b: {  	_ =	shalt  }
0x6c: {  	_ =	shalt  }
0x6d: {  	_ =	shalt  }
0x6e: {  	_ =	shalt  }
0x6f: {  	_ =	shalt  }
0x70: {  	_ =	shalt  }
0x71: {  	_ =	shalt  }
0x72: {  	_ =	shalt  }
0x73: {  	_ =	shalt  }
0x74: {  	_ =	shalt  }
0x75: {  	_ =	shalt  }
0x76: {  	_ =	shalt  }
0x77: {  	_ =	shalt  }
0x78: {  	_ =	shalt  }
0x79: {  	_ =	shalt  }
0x7a: {  	_ =	shalt  }
0x7b: {  	_ =	shalt  }
0x7c: {  	_ =	shalt  }
0x7d: {  	_ =	shalt  }
0x7e: {  	_ =	shalt  }
0x7f: {  	_ =	shalt  }
0x80: {  	_ =	shalt  }
0x81: {  	_ =	shalt  }
0x82: {  	_ =	shalt  }
0x83: {  	_ =	shalt  }
0x84: {  	_ =	shalt  }
0x85: {  	_ =	shalt  }
0x86: {  	_ =	shalt  }
0x87: {  	_ =	shalt  }
.Lfunc_end0:
.L_simem_size_0:
called_computation.1_lowered:
.L_overlay_start_0:
0x88: {  	s2 =	sld [smem:$0x3FD9]  }
0x89: {  	s3 =	sld [smem:$0x3FFE];
	_ =	sdelay $0x1  }
0x8a: {  	s1 =	srdreg.scid  }
0x8b: {  	s0 =	sand.u32 $0x1, s1  }
0x8c: {  	s17 =	sshll.u32 s0, $0xA;
	s2 =	sadd.s32 s3, s2  }
0x8d: {  	s2 =	sadd.s32 s2, s17  }
0x8e: {  	[smem:$0x3FC2] =	sst s2  }
0x8f: {  	_ = 	snop  }
0x90: {  	s2 =	sld [smem:$0x3FC6]  }
0x91: {  	s18 =	sld [smem:$0x3FD0];
	(tm) =	ssettm $0x1  }
0x92: {  	s4 =	sld [smem:$0x3FFB];
	_ =	sdelay $0x3  }
0x93: {  	_ =	strace s4  }
0x94: {  	s4 =	sld [smem:$0x3FFC];
	_ =	sdelay $0x3  }
0x95: {  	_ =	strace s4  }
0x96: {  	s4 =	sld [smem:$0x3FFD];
	_ =	sdelay $0x3  }
0x97: {  	_ =	strace s4  }
0x98: {  	_ =	strace $0x8FFFFFFF  }
0x99: {  	s19 =	sld [smem:$0x3FDB];
	_ =	sdelay $0x1  }
0x9a: {  	s5 =	simm.s32 $_scs_section_size  }
0x9b: {  	s6 =	simm.s32 $_size__tile_overlayer_lowered;
	s7 =	simm.s32 $_tile_overlayer_lowered  }
0x9c: {  	s22 =	simm.s32 $0x1BFF;
	s21 =	sshll.u32 s7, $0x1;
	s4 =	sadd.s32 s5, s19  }
0x9d: {  	s8 =	simm.s32 $0x0;
	s20 =	sshll.u32 s6, $0x1;
	s6 =	sadd.s32 s21, s4  }
0x9e: {  	[timem:s8], [sflag:s22] =	dma.local [hbm:s6], s20  }
0x9f: {  	_ =	swait.ge [sflag:s22], s20  }
0xa0: {  	s5 =	ssub.s32 $0x0, s20;
	[sflag:s22] =	ssyncset.done $0x0  }
0xa1: {  	[sflag:s22] =	ssyncadd.s32 s5;
	_ =	sdelay $0x1  }
0xa2: {  	s23 =	simm.s32 $0x1B8B  }
0xa3: {  	_ =	swait.ge [sflag:s23], $0x1  }
0xa4: {  	[sflag:s23] =	ssyncset.done $0x0  }
0xa5: {  	s25 =	simm.s32 $0x1B8E;
	s24 =	sld [smem:$0x3FFE];
	[sflag:s23] =	ssyncadd.s32 $0xFFFFFFFF  }
0xa6: {  	s26 =	simm.s32 $execute0_lowered;
	[smem:$0x3FD2] =	sst s25  }
0xa7: {  	s6 =	sshll.u32 s26, $0x1;
	_ =	strace $0x80000049;
	[dreg:$0x1] =	wrdreg $0xFFFFFFFF  }
0xa8: {  	s28 =	simm.s32 $_size_execute0_lowered;
	s4 =	sadd.s32 s4, s6;
	[dreg:$0x0] =	wrdreg $0x0  }
0xa9: {  	s6 =	sshll.u32 s28, $0x1;
	[dreg:$0x2] =	wrdreg s4  }
0xaa: {  	[dreg:$0x3] =	wrdreg s6  }
0xab: {  	[dreg:$0x4] =	wrdreg $0xC0  }
0xac: {  	_ =	task [dreg:s8], $0x5FFFF  }
0xad: {  	[dreg:$0x1] =	wrdreg $0xFFFFFFFF  }
0xae: {  	[dreg:$0x0] =	wrdreg $0x60  }
0xaf: {  	[dreg:$0x2] =	wrdreg s24  }
0xb0: {  	[dreg:$0x3] =	wrdreg s2  }
0xb1: {  	[dreg:$0x4] =	wrdreg s18  }
0xb2: {  	[dreg:$0x5] =	wrdreg $0x9  }
0xb3: {  	_ =	task.clear_ibuf [dreg:s8], $0x6FFFF;
	_ =	strace $0x90000049  }
0xb4: {  	s29 =	simm.s32 $0x9;
	_ =	strace $0x8000004B  }
0xb5: {  	_ =	swait.ge [sflag:s29], $0x1  }
0xb6: {  	[sflag:s29] =	ssyncadd.s32 $0xFFFFFFFF  }
0xb7: {  	_ =	strace $0x9000004B  }
0xb8: {  	_ =	sfence  }
0xb9: {  	s30 =	sld [smem:$0x0];
	_ =	sdelay $0x2  }
0xba: {  	s31 =	sshll.u32 s1, $0xD;
	s1 =	sshrl.u32 s1, $0x2  }
0xbb: {  	s3 =	sand.u32 $0x4000, s31;
	s1 =	sadd.s32 s1, s30  }
0xbc: {  	s0 =	sor.u32 s3, s0;
	s1 =	sshll.u32 s1, $0x11  }
0xbd: {  	s0 =	sor.u32 s1, s0  }
0xbe: {  	s0 =	sadd.s32 $0x8F2B, s0  }
0xbf: {  	[sflag:s0] =	ssyncadd.remote.s32 $0x1  }
0xc0: {  	_ =	sfence.sel $0xFFFF  }
0xc1: {  	[dreg:$0x0] =	wrdreg $0xFFFFFFFF;
	(pc) =	sbr.abs _section_cstart, $3  }
0xc2: {  	[dreg:$0x1] =	wrdreg $0xFFFFFFFF  }
0xc3: {  	_ =	task.clear_ibuf [dreg:s8], $0x2FFFF;
	_ =	strace $0x9FFFFFFF  }
0xc4: {  	(tm) =	ssettm $0x7FFFFFFF  }
0xc5: {  	_ =	shalt  }
tec
execute0_lowered:
.L_overlay_start_1:
0x0: {  	(tag) =	ssettag $0x1  }
0x1: {  	s4 =	rddreg [dreg:$0x0]  }
0x2: {  	s1 =	srdreg.scid;
	s2 =	rddreg [dreg:$0x1]  }
0x3: {  	s0 =	stileid.u32;
	s9 =	rddreg [dreg:$0x2];
	s3 =	simm.s32 $0x0  }
0x4: {  	s11 =	simm.s32 $0x6400;
	s12 =	simm.s32 $0xC800;
	s13 =	simm.s32 $0xC840  }
0x5: {  	s14 =	simm.s32 $0x1;
	s5 =	sand.u32 $0x1, s1;
	s30 =	sshll.u32 s0, $0x1  }
0x6: {  	s15 =	simm.s32 $0x0;
	s1 =	rddreg [dreg:$0x3];
	s7 =	sor.u32 s5, s30  }
0x7: {  	[smem:$0x7FF] =	sst s3;
	s5 =	ssub.s32 $0x2, s5;
	s6 =	smul.u32 $0x6400, s7  }
0x8: {  	_ =	strace $0x8000004A;
	s8 =	sshrl.u32 s5, $0x1;
	s31 =	smul.u32 $0x28, s7  }
0x9: {  	p0 =	seq.s32 s7, $0x1F;
	s7 =	simm.s32 $0x50;
	s10 =	ssub.s32 s5, s8  }
0xa: {  	s7 =	simm.s32 @!p0 $0x140;
	s6 =	sshrl.u32 s6, $0x3;
	s8 =	sadd.s32 s9, s31  }
0xb: {  	v0 =	vlaneseq.u32;
	s9 =	sadd.s32 $0x4D8, s9;
	s10 =	smax.u32 s10, $0x1;
	s6 =	sadd.s32 s6, s4  }
0xc: {  	v0 =	vmul.u32 $0x50, v0;
	s4 =	sadd.s32 $0x5F200, s4;
	s5 =	sadd.s32 $0x2D200, s6;
	s6 =	sadd.s32 $0x46200, s6  }
.LBB2_1:
0xd: {  	[tilespmem:s3], [sflag:$0x1] =	stream.linear.gather [hbm4b:s5+s3], $0x6400, $0x38;
	[tilespmem:$0xC9D0] =	vst v63  }
0xe: {  	_ = 	snop  }
0xf: {  	[tilespmem:s11], [sflag:$0x1] =	stream.linear.gather [hbm4b:s6+s3], $0x6400, $0x38;
	[tilespmem:$0xC9D0] =	vst v63  }
0x10: {  	_ = 	snop  }
0x11: {  	[tilespmem:s12], [sflag:$0x1] =	stream.linear.gather [hbm4b:s2+s3], $0x40, $0x38;
	[tilespmem:$0xC9D0] =	vst v63  }
0x12: {  	_ = 	snop  }
0x13: {  	[tilespmem:s13], [sflag:$0x1] =	stream.linear.gather [hbm4b:s4+s3], $0x50, $0x38;
	[tilespmem:$0xC9D0] =	vst v63  }
0x14: {  	_ =	swait.ge [sflag:s14], $0x6400  }
0x15: {  	[sflag:s14] =	ssyncset.done $0x0  }
0x16: {  	[sflag:s14] =	ssyncadd.s32 $0xFFFF9C00  }
0x17: {  	_ =	swait.ge [sflag:s14], $0x6400  }
0x18: {  	[sflag:s14] =	ssyncset.done $0x0  }
0x19: {  	[sflag:s14] =	ssyncadd.s32 $0xFFFF9C00  }
0x1a: {  	_ =	swait.ge [sflag:s14], $0x40  }
0x1b: {  	[sflag:s14] =	ssyncset.done $0x0  }
0x1c: {  	[sflag:s14] =	ssyncadd.s32 $0xFFFFFFC0  }
0x1d: {  	_ =	swait.ge [sflag:s14], $0x50  }
0x1e: {  	[sflag:s14] =	ssyncset.done $0x0  }
0x1f: {  	[sflag:s14] =	ssyncadd.s32 $0xFFFFFFB0  }
0x20: {  	v1 =	vld [tilespmem:$0xC800];
	_ =	sdelay $0x1  }
0x21: {  	v2 =	vld [tilespmem:$0xC840];
	_ =	sdelay $0x2  }
0x22: {  	v3 =	vbroadcast v1, $0x0;
	_ =	sdelay $0x1  }
0x23: {  	[tilespmem:$0x1FAD0] =	vst v3;
	v3 =	vbroadcast v2, $0x0;
	_ =	sdelay $0x1  }
0x24: {  	[tilespmem:$0x1FAE0] =	vst v3;
	v3 =	vbroadcast v1, $0x1;
	_ =	sdelay $0x1  }
0x25: {  	[tilespmem:$0x1FAF0] =	vst v3;
	v3 =	vbroadcast v2, $0x1;
	_ =	sdelay $0x1  }
0x26: {  	[tilespmem:$0x1FB00] =	vst v3;
	v3 =	vbroadcast v1, $0x2;
	_ =	sdelay $0x1  }
0x27: {  	[tilespmem:$0x1FB10] =	vst v3;
	v3 =	vbroadcast v2, $0x2;
	_ =	sdelay $0x1  }
0x28: {  	[tilespmem:$0x1FB20] =	vst v3;
	v3 =	vbroadcast v1, $0x3;
	_ =	sdelay $0x1  }
0x29: {  	[tilespmem:$0x1FB30] =	vst v3;
	v3 =	vbroadcast v2, $0x3;
	_ =	sdelay $0x1  }
0x2a: {  	[tilespmem:$0x1FB40] =	vst v3;
	v3 =	vbroadcast v1, $0x4;
	_ =	sdelay $0x1  }
0x2b: {  	[tilespmem:$0x1FB50] =	vst v3;
	v3 =	vbroadcast v2, $0x4;
	_ =	sdelay $0x1  }
0x2c: {  	[tilespmem:$0x1FB60] =	vst v3;
	v3 =	vbroadcast v1, $0x5;
	_ =	sdelay $0x1  }
0x2d: {  	[tilespmem:$0x1FB70] =	vst v3;
	v3 =	vbroadcast v2, $0x5;
	_ =	sdelay $0x1  }
0x2e: {  	[tilespmem:$0x1FB80] =	vst v3;
	v3 =	vbroadcast v1, $0x6;
	_ =	sdelay $0x1  }
0x2f: {  	[tilespmem:$0x1FB90] =	vst v3;
	v3 =	vbroadcast v2, $0x6  }
0x30: {  	v4 =	vbroadcast v1, $0xA  }
0x31: {  	[tilespmem:$0x1FBA0] =	vst v3;
	v3 =	vbroadcast v1, $0x7  }
0x32: {  	v5 =	vbroadcast v1, $0xB;
	[tilespmem:$0x1FC10] =	vst v4  }
0x33: {  	[tilespmem:$0x1FBB0] =	vst v3;
	v3 =	vbroadcast v2, $0x7  }
0x34: {  	[tilespmem:$0x1FC30] =	vst v5;
	v5 =	vbroadcast v2, $0xB  }
0x35: {  	[tilespmem:$0x1FBC0] =	vst v3;
	v3 =	vbroadcast v1, $0x8  }
0x36: {  	[tilespmem:$0x1FC40] =	vst v5;
	v5 =	vbroadcast v1, $0xC  }
0x37: {  	[tilespmem:$0x1FBD0] =	vst v3;
	v3 =	vbroadcast v2, $0x8  }
0x38: {  	[tilespmem:$0x1FC50] =	vst v5;
	v5 =	vbroadcast v2, $0xC  }
0x39: {  	[tilespmem:$0x1FBE0] =	vst v3;
	v3 =	vbroadcast v1, $0x9  }
0x3a: {  	[tilespmem:$0x1FC60] =	vst v5;
	v5 =	vbroadcast v1, $0xD  }
0x3b: {  	[tilespmem:$0x1FBF0] =	vst v3;
	v3 =	vbroadcast v2, $0x9  }
0x3c: {  	[tilespmem:$0x1FC70] =	vst v5;
	v5 =	vbroadcast v2, $0xD  }
0x3d: {  	v4 =	vbroadcast v2, $0xA;
	[tilespmem:$0x1FC00] =	vst v3;
	v3 =	vld [tilespmem:$0xC810]  }
0x3e: {  	[tilespmem:$0x1FC80] =	vst v5;
	v5 =	vbroadcast v1, $0xE;
	v1 =	vbroadcast v1, $0xF  }
0x3f: {  	[tilespmem:$0x1FC20] =	vst v4;
	v4 =	vld [tilespmem:$0xC850]  }
0x40: {  	[tilespmem:$0x1FCB0] =	vst v1;
	v1 =	vbroadcast v2, $0xF;
	_ =	sdelay $0x1  }
0x41: {  	[tilespmem:$0x1FCC0] =	vst v1;
	v1 =	vbroadcast v3, $0x0;
	_ =	sdelay $0x1  }
0x42: {  	[tilespmem:$0x1FCD0] =	vst v1;
	v1 =	vbroadcast v4, $0x0;
	_ =	sdelay $0x1  }
0x43: {  	[tilespmem:$0x1FCE0] =	vst v1;
	v1 =	vbroadcast v3, $0x1;
	_ =	sdelay $0x1  }
0x44: {  	[tilespmem:$0x1FCF0] =	vst v1;
	v1 =	vbroadcast v4, $0x1;
	_ =	sdelay $0x1  }
0x45: {  	[tilespmem:$0x1FD00] =	vst v1;
	v1 =	vbroadcast v3, $0x2;
	_ =	sdelay $0x1  }
0x46: {  	[tilespmem:$0x1FD10] =	vst v1;
	v1 =	vbroadcast v4, $0x2;
	_ =	sdelay $0x1  }
0x47: {  	[tilespmem:$0x1FD20] =	vst v1;
	v1 =	vbroadcast v3, $0x3;
	_ =	sdelay $0x1  }
0x48: {  	[tilespmem:$0x1FD30] =	vst v1;
	v1 =	vbroadcast v4, $0x3;
	_ =	sdelay $0x1  }
0x49: {  	[tilespmem:$0x1FD40] =	vst v1;
	v1 =	vbroadcast v3, $0x4;
	_ =	sdelay $0x1  }
0x4a: {  	[tilespmem:$0x1FD50] =	vst v1;
	v1 =	vbroadcast v4, $0x4;
	_ =	sdelay $0x1  }
0x4b: {  	[tilespmem:$0x1FD60] =	vst v1;
	v1 =	vbroadcast v3, $0x5;
	_ =	sdelay $0x1  }
0x4c: {  	[tilespmem:$0x1FD70] =	vst v1;
	v1 =	vbroadcast v4, $0x5;
	_ =	sdelay $0x1  }
0x4d: {  	[tilespmem:$0x1FD80] =	vst v1;
	v1 =	vbroadcast v3, $0x6;
	_ =	sdelay $0x1  }
0x4e: {  	[tilespmem:$0x1FD90] =	vst v1;
	v1 =	vbroadcast v4, $0x6;
	_ =	sdelay $0x1  }
0x4f: {  	[tilespmem:$0x1FDA0] =	vst v1;
	v1 =	vbroadcast v3, $0x7  }
0x50: {  	[tilespmem:$0x1FC90] =	vst v5;
	v5 =	vbroadcast v2, $0xE;
	v2 =	vbroadcast v3, $0xB  }
0x51: {  	[tilespmem:$0x1FDB0] =	vst v1;
	v1 =	vbroadcast v4, $0x7  }
0x52: {  	[tilespmem:$0x1FE30] =	vst v2;
	v2 =	vbroadcast v4, $0xB  }
0x53: {  	[tilespmem:$0x1FDC0] =	vst v1;
	v1 =	vbroadcast v3, $0x8  }
0x54: {  	[tilespmem:$0x1FE40] =	vst v2;
	v2 =	vbroadcast v3, $0xC  }
0x55: {  	[tilespmem:$0x1FDD0] =	vst v1;
	v1 =	vbroadcast v4, $0x8  }
0x56: {  	[tilespmem:$0x1FE50] =	vst v2;
	v2 =	vbroadcast v4, $0xC  }
0x57: {  	[tilespmem:$0x1FDE0] =	vst v1;
	v1 =	vbroadcast v3, $0x9  }
0x58: {  	[tilespmem:$0x1FE60] =	vst v2;
	v2 =	vbroadcast v3, $0xD  }
0x59: {  	[tilespmem:$0x1FDF0] =	vst v1;
	v1 =	vbroadcast v4, $0x9  }
0x5a: {  	[tilespmem:$0x1FE70] =	vst v2;
	v2 =	vbroadcast v4, $0xD  }
0x5b: {  	[tilespmem:$0x1FE00] =	vst v1;
	v1 =	vbroadcast v3, $0xA  }
0x5c: {  	[tilespmem:$0x1FE80] =	vst v2;
	v2 =	vbroadcast v3, $0xE  }
0x5d: {  	[tilespmem:$0x1FE10] =	vst v1;
	v1 =	vbroadcast v4, $0xA  }
0x5e: {  	[tilespmem:$0x1FE90] =	vst v2;
	v2 =	vbroadcast v3, $0xF  }
0x5f: {  	[tilespmem:$0x1FE20] =	vst v1;
	v1 =	vld [tilespmem:$0xC820]  }
0x60: {  	[tilespmem:$0x1FEA0] =	vst v2;
	v2 =	vbroadcast v4, $0xE;
	_ =	sdelay $0x1  }
0x61: {  	[tilespmem:$0x1FEB0] =	vst v2;
	v2 =	vbroadcast v4, $0xF;
	_ =	sdelay $0x1  }
0x62: {  	[tilespmem:$0x1FEC0] =	vst v2;
	v2 =	vbroadcast v1, $0x0  }
0x63: {  	v3 =	vbroadcast v1, $0x6  }
0x64: {  	[tilespmem:$0x1FED0] =	vst v2;
	v2 =	vbroadcast v1, $0x1  }
0x65: {  	[tilespmem:$0x1FF30] =	vst v3;
	v3 =	vbroadcast v1, $0x7  }
0x66: {  	[tilespmem:$0x1FEE0] =	vst v2;
	v2 =	vbroadcast v1, $0x2  }
0x67: {  	[tilespmem:$0x1FF40] =	vst v3;
	v3 =	vbroadcast v1, $0x8  }
0x68: {  	[tilespmem:$0x1FEF0] =	vst v2;
	v2 =	vbroadcast v1, $0x3  }
0x69: {  	[tilespmem:$0x1FF50] =	vst v3;
	v3 =	vbroadcast v1, $0x9  }
0x6a: {  	[tilespmem:$0x1FF00] =	vst v2;
	v2 =	vbroadcast v1, $0x4  }
0x6b: {  	[tilespmem:$0x1FF60] =	vst v3;
	v3 =	vbroadcast v1, $0xA  }
0x6c: {  	[tilespmem:$0x1FF10] =	vst v2;
	v2 =	vbroadcast v1, $0x5  }
0x6d: {  	[tilespmem:$0x1FF70] =	vst v3;
	v3 =	vbroadcast v1, $0xB  }
0x6e: {  	[tilespmem:$0x1FF20] =	vst v2  }
0x6f: {  	v2 =	vld [tilespmem:$0xC860];
	[tilespmem:$0x1FF80] =	vst v3;
	v3 =	vbroadcast v1, $0xC;
	_ =	sdelay $0x1  }
0x70: {  	[tilespmem:$0x1FF90] =	vst v3;
	v3 =	vbroadcast v1, $0xD;
	_ =	sdelay $0x1  }
0x71: {  	[tilespmem:$0x1FFA0] =	vst v3;
	v3 =	vbroadcast v1, $0xE;
	v1 =	vbroadcast v1, $0xF  }
0x72: {  	v21 =	vbroadcast v2, $0x3;
	v22 =	vbroadcast v2, $0x4  }
0x73: {  	v23 =	vbroadcast v2, $0x5;
	v24 =	vbroadcast v2, $0x6  }
0x74: {  	v25 =	vbroadcast v2, $0x7;
	v26 =	vbroadcast v2, $0x8  }
0x75: {  	v27 =	vbroadcast v2, $0x9;
	[tilespmem:$0x1FFC0] =	vst v1;
	v1 =	vbroadcast v2, $0x0  }
0x76: {  	v28 =	vbroadcast v2, $0xA;
	v29 =	vbroadcast v2, $0xB  }
0x77: {  	v30 =	vbroadcast v2, $0xC;
	[tilespmem:$0x1FFD0] =	vst v1;
	v1 =	vbroadcast v2, $0x1  }
0x78: {  	v31 =	vbroadcast v2, $0xD;
	v32 =	vbroadcast v2, $0xE  }
0x79: {  	v33 =	vbroadcast v2, $0xF;
	[tilespmem:$0x1FFE0] =	vst v1;
	v1 =	vbroadcast v2, $0x2;
	v2 =	vld [tilespmem:$0xC870];
	_ =	sdelay $0x4  }
0x7a: {  	v50 =	vbroadcast v2, $0x0;
	v51 =	vbroadcast v2, $0x1  }
0x7b: {  	v52 =	vbroadcast v2, $0x2;
	v53 =	vbroadcast v2, $0x3  }
0x7c: {  	[tilespmem:$0x1FFF0] =	vst v1;
	v1 =	vld [tilespmem:$0xC830];
	v54 =	vbroadcast v2, $0x4;
	v55 =	vbroadcast v2, $0x5  }
0x7d: {  	v56 =	vbroadcast v2, $0x6;
	v57 =	vbroadcast v2, $0x7  }
0x7e: {  	v58 =	vbroadcast v2, $0x8;
	v59 =	vbroadcast v2, $0x9  }
0x7f: {  	v60 =	vbroadcast v2, $0xA;
	v61 =	vbroadcast v2, $0xB  }
0x80: {  	v62 =	vbroadcast v2, $0xC;
	v63 =	vbroadcast v2, $0xD  }
0x81: {  	v34 =	vbroadcast v1, $0x0;
	v35 =	vbroadcast v1, $0x1  }
0x82: {  	v36 =	vbroadcast v1, $0x2;
	v37 =	vbroadcast v1, $0x3  }
0x83: {  	v38 =	vbroadcast v1, $0x4;
	v39 =	vbroadcast v1, $0x5  }
0x84: {  	v40 =	vbroadcast v1, $0x6;
	v41 =	vbroadcast v1, $0x7  }
0x85: {  	v42 =	vbroadcast v1, $0x8;
	v43 =	vbroadcast v1, $0x9  }
0x86: {  	v44 =	vbroadcast v1, $0xA;
	v45 =	vbroadcast v1, $0xB  }
0x87: {  	v46 =	vbroadcast v1, $0xC;
	v47 =	vbroadcast v1, $0xD  }
0x88: {  	[tilespmem:$0x1FCA0] =	vst v5;
	v48 =	vbroadcast v1, $0xE;
	v49 =	vbroadcast v1, $0xF  }
0x89: {  	s16 =	simm.s32 $0xC890;
	s17 =	simm.s32 $0x0;
	[tilespmem:$0x1FFB0] =	vst v3;
	v3 =	vld.msk [tilespmem:$0xC880 ss:$0x0], $0xffff;
	v1 =	vbroadcast v2, $0xE;
	v2 =	vbroadcast v2, $0xF  }
.LBB2_2:
0x8a: {  	v4 =	vmov s17  }
0x8b: {  	v4 =	vmul.u32 $0x50, v4;
	_ =	sdelay $0x1  }
0x8c: {  	v5 =	vbroadcast v4, $0x0  }
0x8d: {  	v4 =	vadd.s32 $0x40, v0  }
0x8e: {  	v4 =	vadd.s32 v4, v5;
	_ =	sdelay $0x4  }
0x8f: {  	v6 =	vld.idx.msk [tilespmem:v4+s3+$0x0], $0xffff  }
0x90: {  	v4 =	vld.idx.msk [tilespmem:v4+s11+$0x0], $0xffff;
	_ =	sdelay $0x4  }
0x91: {  	v4 =	vadd.f32 v4, v6  }
0x92: {  	v7 =	vadd.s32 v0, v5  }
0x93: {  	v14 =	vor.u32 $0x1, v0;
	v4 =	vmax.f32 v4, $1.000000000e+00  }
0x94: {  	(erf) = vrcp.f32 v4;
	v4 =	vadd.s32 v14, v5;
	_ =	sdelay $0x2  }
0x95: {  	v15 =	vld.idx.msk [tilespmem:v7+s3+$0x0], $0xffff  }
0x96: {  	v7 =	vld.idx.msk [tilespmem:v7+s11+$0x0], $0xffff  }
0x97: {  	v9 =	vld.idx.msk [tilespmem:v4+s3+$0x0], $0xffff  }
0x98: {  	v8 =	vor.u32 $0x2, v0;
	v10 =	vld.idx.msk [tilespmem:v4+s11+$0x0], $0xffff  }
0x99: {  	v8 =	vadd.s32 v8, v5;
	_ =	sdelay $0x1  }
0x9a: {  	v4 =	vor.u32 $0x3, v0  }
0x9b: {  	v6 =	vadd.f32 v7, v15;
	v15 =	vld [tilespmem:$0x1FAF0]  }
0x9c: {  	v9 =	vadd.f32 v10, v9  }
0x9d: {  	v16 =	vor.u32 $0x4, v0;
	v12 =	vld.idx.msk [tilespmem:v8+s3+$0x0], $0xffff;
	v11 =	vadd.s32 v4, v5;
	v4 =	vpop (erf)  }
0x9e: {  	v7 =	vadd.s32 v16, v5;
	v16 =	vld [tilespmem:$0x1FB00];
	v9 =	vmul.f32 v9, v4  }
0x9f: {  	v8 =	vld.idx.msk [tilespmem:v8+s11+$0x0], $0xffff  }
0xa0: {  	v9 =	vadd.f32 v9, v15;
	_ =	sdelay $0x1  }
0xa1: {  	v13 =	vld [tilespmem:$0x1FAD0];
	v9 =	vmax.f32 v9, $0.0e+00  }
0xa2: {  	v9 =	vmul.f32 v9, v16;
	v16 =	vld [tilespmem:$0x1FB10]  }
0xa3: {  	v8 =	vadd.f32 v8, v12  }
0xa4: {  	v6 =	vmul.f32 v4, v6  }
0xa5: {  	v8 =	vmul.f32 v8, v4  }
0xa6: {  	v6 =	vadd.f32 v6, v13;
	v13 =	vld.idx.msk [tilespmem:v11+s3+$0x0], $0xffff  }
0xa7: {  	v8 =	vadd.f32 v8, v16;
	v16 =	vld [tilespmem:$0x1FB20]  }
0xa8: {  	v11 =	vld.idx.msk [tilespmem:v11+s11+$0x0], $0xffff  }
0xa9: {  	v17 =	vor.u32 $0x5, v0  }
0xaa: {  	v19 =	vld [tilespmem:$0x1FAE0];
	v10 =	vadd.s32 v17, v5  }
0xab: {  	v14 =	vld.idx.msk [tilespmem:v7+s3+$0x0], $0xffff;
	v8 =	vmax.f32 v8, $0.0e+00  }
0xac: {  	v8 =	vmul.f32 v8, v16;
	v16 =	vld [tilespmem:$0x1FB30]  }
0xad: {  	v18 =	vor.u32 $0x6, v0;
	v7 =	vld.idx.msk [tilespmem:v7+s11+$0x0], $0xffff;
	v11 =	vadd.f32 v11, v13  }
0xae: {  	v12 =	vadd.s32 v18, v5  }
0xaf: {  	v15 =	vld.idx.msk [tilespmem:v10+s3+$0x0], $0xffff;
	v11 =	vmul.f32 v11, v4  }
0xb0: {  	v6 =	vmax.f32 v6, $0.0e+00;
	v10 =	vld.idx.msk [tilespmem:v10+s11+$0x0], $0xffff  }
0xb1: {  	v6 =	vmul.f32 v6, v19;
	v11 =	vadd.f32 v11, v16;
	v16 =	vld [tilespmem:$0x1FB50]  }
0xb2: {  	v7 =	vadd.f32 v7, v14  }
0xb3: {  	v14 =	vor.u32 $0x8, v0;
	v6 =	vadd.f32 $0.0e+00, v6;
	v13 =	vld.idx.msk [tilespmem:v12+s3+$0x0], $0xffff  }
0xb4: {  	v14 =	vadd.s32 v14, v5;
	v7 =	vmul.f32 v7, v4;
	v12 =	vld.idx.msk [tilespmem:v12+s11+$0x0], $0xffff  }
0xb5: {  	v18 =	vor.u32 $0x7, v0;
	v17 =	vld [tilespmem:$0x1FB70];
	v6 =	vadd.f32 v9, v6  }
0xb6: {  	v9 =	vadd.s32 v18, v5;
	v10 =	vadd.f32 v10, v15;
	v7 =	vadd.f32 v7, v16;
	v16 =	vld [tilespmem:$0x1FB40]  }
0xb7: {  	v19 =	vld [tilespmem:$0x1FB60]  }
0xb8: {  	v18 =	vld [tilespmem:$0x1FBD0];
	v15 =	vor.u32 $0x9, v0;
	v10 =	vmul.f32 v10, v4  }
0xb9: {  	v15 =	vadd.s32 v15, v5;
	v12 =	vadd.f32 v12, v13;
	v13 =	vld.idx.msk [tilespmem:v14+s3+$0x0], $0xffff  }
0xba: {  	v10 =	vadd.f32 v10, v17;
	v17 =	vld [tilespmem:$0x1FB80];
	v6 =	vadd.f32 v8, v6;
	v8 =	vmax.f32 v11, $0.0e+00  }
0xbb: {  	v11 =	vld.idx.msk [tilespmem:v9+s3+$0x0], $0xffff;
	v8 =	vmul.f32 v8, v16;
	v16 =	vor.u32 $0xA, v0  }
0xbc: {  	v9 =	vld.idx.msk [tilespmem:v9+s11+$0x0], $0xffff;
	v7 =	vmax.f32 v7, $0.0e+00;
	v16 =	vadd.s32 v16, v5  }
0xbd: {  	v7 =	vmul.f32 v7, v19;
	v6 =	vadd.f32 v8, v6;
	v8 =	vld.idx.msk [tilespmem:v14+s11+$0x0], $0xffff  }
0xbe: {  	v10 =	vmax.f32 v10, $0.0e+00;
	v14 =	vld.idx.msk [tilespmem:v15+s3+$0x0], $0xffff  }
0xbf: {  	v6 =	vadd.f32 v7, v6;
	v7 =	vmul.f32 v10, v17;
	v17 =	vld [tilespmem:$0x1FB90]  }
0xc0: {  	v10 =	vld.idx.msk [tilespmem:v15+s11+$0x0], $0xffff  }
0xc1: {  	v12 =	vmul.f32 v12, v4;
	v15 =	vor.u32 $0xB, v0;
	v6 =	vadd.f32 v7, v6;
	v7 =	vld.idx.msk [tilespmem:v16+s3+$0x0], $0xffff  }
0xc2: {  	v9 =	vadd.f32 v9, v11;
	v11 =	vadd.s32 v15, v5;
	v15 =	vld.idx.msk [tilespmem:v16+s11+$0x0], $0xffff;
	v16 =	vor.u32 $0xC, v0  }
0xc3: {  	v8 =	vadd.f32 v8, v13;
	v13 =	vadd.s32 v16, v5;
	v16 =	vld [tilespmem:$0x1FBB0]  }
0xc4: {  	v12 =	vadd.f32 v12, v17;
	v17 =	vld [tilespmem:$0x1FBA0];
	_ =	sdelay $0x1  }
0xc5: {  	v8 =	vmul.f32 v8, v4  }
0xc6: {  	v19 =	vld [tilespmem:$0x1FBC0];
	v9 =	vmul.f32 v9, v4  }
0xc7: {  	v12 =	vmax.f32 v12, $0.0e+00;
	v8 =	vadd.f32 v8, v18;
	v18 =	vld [tilespmem:$0x1FBF0]  }
0xc8: {  	v9 =	vadd.f32 v9, v16;
	v12 =	vmul.f32 v12, v17;
	v17 =	vld [tilespmem:$0x1FC10]  }
0xc9: {  	v7 =	vadd.f32 v15, v7;
	v16 =	vld.idx.msk [tilespmem:v11+s3+$0x0], $0xffff  }
0xca: {  	v10 =	vadd.f32 v10, v14;
	v14 =	vor.u32 $0xD, v0;
	v11 =	vld.idx.msk [tilespmem:v11+s11+$0x0], $0xffff;
	v9 =	vmax.f32 v9, $0.0e+00  }
0xcb: {  	v14 =	vadd.s32 v14, v5;
	v7 =	vmul.f32 v7, v4;
	v9 =	vmul.f32 v9, v19;
	v19 =	vld [tilespmem:$0x1FBE0]  }
0xcc: {  	v10 =	vmul.f32 v10, v4;
	v15 =	vld.idx.msk [tilespmem:v13+s3+$0x0], $0xffff  }
0xcd: {  	v6 =	vadd.f32 v12, v6;
	v12 =	vor.u32 $0xE, v0;
	v7 =	vadd.f32 v7, v17;
	v17 =	vld [tilespmem:$0x1FC00]  }
0xce: {  	v13 =	vld.idx.msk [tilespmem:v13+s11+$0x0], $0xffff;
	v10 =	vadd.f32 v10, v18;
	v12 =	vadd.s32 v12, v5  }
0xcf: {  	v8 =	vmax.f32 v8, $0.0e+00;
	v18 =	vld [tilespmem:$0x1FC20]  }
0xd0: {  	v6 =	vadd.f32 v9, v6;
	v9 =	vmax.f32 v10, $0.0e+00;
	v10 =	vld.idx.msk [tilespmem:v14+s3+$0x0], $0xffff;
	v8 =	vmul.f32 v8, v19  }
0xd1: {  	v11 =	vadd.f32 v11, v16;
	v14 =	vld.idx.msk [tilespmem:v14+s11+$0x0], $0xffff  }
0xd2: {  	v16 =	vor.u32 $0xF, v0;
	v19 =	vld [tilespmem:$0x1FC30];
	v6 =	vadd.f32 v8, v6;
	v8 =	vmul.f32 v9, v17  }
0xd3: {  	v9 =	vadd.s32 v16, v5;
	v16 =	vld.idx.msk [tilespmem:v12+s3+$0x0], $0xffff  }
0xd4: {  	v6 =	vadd.f32 v8, v6;
	v8 =	vld.idx.msk [tilespmem:v12+s11+$0x0], $0xffff  }
0xd5: {  	v7 =	vmax.f32 v7, $0.0e+00;
	v17 =	vadd.f32 v13, v15  }
0xd6: {  	v7 =	vmul.f32 v7, v18  }
0xd7: {  	v11 =	vmul.f32 v11, v4;
	v18 =	vadd.s32 $0x10, v0;
	v12 =	vmul.f32 v17, v4;
	v17 =	vld [tilespmem:$0x1FC90]  }
0xd8: {  	v6 =	vadd.f32 v7, v6;
	v7 =	vadd.f32 v14, v10;
	v10 =	vadd.s32 v18, v5;
	v18 =	vld [tilespmem:$0x1FC40]  }
0xd9: {  	v11 =	vadd.f32 v11, v19;
	v19 =	vadd.s32 $0x11, v0;
	v8 =	vadd.f32 v8, v16;
	v16 =	vld [tilespmem:$0x1FC70]  }
0xda: {  	v14 =	vadd.s32 v19, v5;
	v19 =	vld [tilespmem:$0x1FC50]  }
0xdb: {  	v13 =	vld.idx.msk [tilespmem:v9+s3+$0x0], $0xffff;
	v8 =	vmul.f32 v8, v4  }
0xdc: {  	v9 =	vld.idx.msk [tilespmem:v9+s11+$0x0], $0xffff;
	v7 =	vmul.f32 v7, v4  }
0xdd: {  	v8 =	vadd.f32 v8, v17;
	v17 =	vld [tilespmem:$0x1FC80]  }
0xde: {  	v7 =	vadd.f32 v7, v16;
	v16 =	vld [tilespmem:$0x1FC60]  }
0xdf: {  	v11 =	vmax.f32 v11, $0.0e+00  }
0xe0: {  	v15 =	vadd.s32 $0x12, v0;
	v11 =	vmul.f32 v11, v18;
	v12 =	vadd.f32 v12, v19;
	v18 =	vld [tilespmem:$0x1FCA0]  }
0xe1: {  	v15 =	vadd.s32 v15, v5;
	v9 =	vadd.f32 v9, v13;
	v13 =	vld.idx.msk [tilespmem:v14+s3+$0x0], $0xffff  }
0xe2: {  	v6 =	vadd.f32 v11, v6;
	v11 =	vmax.f32 v12, $0.0e+00;
	v12 =	vld.idx.msk [tilespmem:v10+s3+$0x0], $0xffff;
	v7 =	vmax.f32 v7, $0.0e+00  }
0xe3: {  	v7 =	vmul.f32 v7, v17;
	v17 =	vld [tilespmem:$0x1FCB0];
	v11 =	vmul.f32 v11, v16;
	v16 =	vadd.s32 $0x13, v0  }
0xe4: {  	v10 =	vld.idx.msk [tilespmem:v10+s11+$0x0], $0xffff;
	v16 =	vadd.s32 v16, v5  }
0xe5: {  	v6 =	vadd.f32 v11, v6;
	v11 =	vld.idx.msk [tilespmem:v14+s11+$0x0], $0xffff  }
0xe6: {  	v9 =	vmul.f32 v9, v4;
	v8 =	vmax.f32 v8, $0.0e+00;
	v14 =	vld.idx.msk [tilespmem:v15+s3+$0x0], $0xffff  }
0xe7: {  	v6 =	vadd.f32 v7, v6;
	v7 =	vmul.f32 v8, v18;
	v8 =	vld.idx.msk [tilespmem:v15+s11+$0x0], $0xffff  }
0xe8: {  	v9 =	vadd.f32 v9, v17;
	v17 =	vld [tilespmem:$0x1FCC0]  }
0xe9: {  	v15 =	vadd.s32 $0x14, v0;
	v6 =	vadd.f32 v7, v6;
	v7 =	vld.idx.msk [tilespmem:v16+s3+$0x0], $0xffff  }
0xea: {  	v10 =	vadd.f32 v10, v12;
	v12 =	vadd.s32 v15, v5;
	v15 =	vld.idx.msk [tilespmem:v16+s11+$0x0], $0xffff;
	v16 =	vadd.s32 $0x15, v0  }
0xeb: {  	v11 =	vadd.f32 v11, v13;
	v13 =	vadd.s32 v16, v5;
	v16 =	vld [tilespmem:$0x1FCD0];
	_ =	sdelay $0x2  }
0xec: {  	v10 =	vmul.f32 v10, v4;
	v18 =	vld [tilespmem:$0x1FCE0]  }
0xed: {  	v9 =	vmax.f32 v9, $0.0e+00  }
0xee: {  	v9 =	vmul.f32 v9, v17;
	v17 =	vld [tilespmem:$0x1FCF0];
	v10 =	vadd.f32 v10, v16;
	_ =	sdelay $0x1  }
0xef: {  	v19 =	vmax.f32 v10, $0.0e+00  }
0xf0: {  	v11 =	vmul.f32 v11, v4;
	v6 =	vadd.f32 v9, v6;
	v9 =	vmul.f32 v19, v18;
	v19 =	vld [tilespmem:$0x1FD10]  }
0xf1: {  	v8 =	vadd.f32 v8, v14;
	v16 =	vld.idx.msk [tilespmem:v12+s3+$0x0], $0xffff  }
0xf2: {  	v11 =	vadd.f32 v11, v17;
	v17 =	vld [tilespmem:$0x1FD30]  }
0xf3: {  	v14 =	vadd.s32 $0x16, v0;
	v8 =	vmul.f32 v8, v4;
	v18 =	vld [tilespmem:$0x1FD00]  }
0xf4: {  	v14 =	vadd.s32 v14, v5;
	v7 =	vadd.f32 v15, v7;
	v10 =	vld.idx.msk [tilespmem:v12+s11+$0x0], $0xffff  }
0xf5: {  	v12 =	vadd.s32 $0x17, v0;
	v8 =	vadd.f32 v8, v19;
	v19 =	vld [tilespmem:$0x1FD20]  }
0xf6: {  	v15 =	vld.idx.msk [tilespmem:v13+s3+$0x0], $0xffff;
	v7 =	vmul.f32 v7, v4;
	v12 =	vadd.s32 v12, v5  }
0xf7: {  	v13 =	vld.idx.msk [tilespmem:v13+s11+$0x0], $0xffff;
	v11 =	vmax.f32 v11, $0.0e+00  }
0xf8: {  	v6 =	vadd.f32 v9, v6;
	v7 =	vadd.f32 v7, v17;
	v17 =	vld [tilespmem:$0x1FD40];
	v9 =	vmul.f32 v11, v18  }
0xf9: {  	v10 =	vadd.f32 v10, v16;
	v16 =	vadd.s32 $0x18, v0;
	v11 =	vld.idx.msk [tilespmem:v14+s3+$0x0], $0xffff;
	v8 =	vmax.f32 v8, $0.0e+00  }
0xfa: {  	v18 =	vld [tilespmem:$0x1FD50];
	v6 =	vadd.f32 v9, v6;
	v9 =	vadd.s32 v16, v5;
	v8 =	vmul.f32 v8, v19  }
0xfb: {  	v16 =	vld.idx.msk [tilespmem:v12+s3+$0x0], $0xffff  }
0xfc: {  	v6 =	vadd.f32 v8, v6;
	v8 =	vld.idx.msk [tilespmem:v12+s11+$0x0], $0xffff  }
0xfd: {  	v14 =	vld.idx.msk [tilespmem:v14+s11+$0x0], $0xffff  }
0xfe: {  	v19 =	vadd.f32 v13, v15  }
0xff: {  	v7 =	vmax.f32 v7, $0.0e+00;
	v10 =	vmul.f32 v10, v4;
	v13 =	vld.idx.msk [tilespmem:v9+s3+$0x0], $0xffff  }
0x100: {  	v7 =	vmul.f32 v7, v17;
	v12 =	vmul.f32 v19, v4;
	v19 =	vld [tilespmem:$0x1FD60]  }
0x101: {  	v10 =	vadd.f32 v10, v18;
	v8 =	vadd.f32 v8, v16;
	v16 =	vld [tilespmem:$0x1FD90]  }
0x102: {  	v18 =	vadd.s32 $0x1A, v0;
	v9 =	vld.idx.msk [tilespmem:v9+s11+$0x0], $0xffff;
	v6 =	vadd.f32 v7, v6;
	v7 =	vadd.f32 v14, v11  }
0x103: {  	v14 =	vadd.s32 v18, v5;
	v18 =	vld [tilespmem:$0x1FD70]  }
0x104: {  	v17 =	vadd.s32 $0x19, v0;
	v7 =	vmul.f32 v7, v4  }
0x105: {  	v11 =	vadd.s32 v17, v5;
	v17 =	vld [tilespmem:$0x1FDB0]  }
0x106: {  	v10 =	vmax.f32 v10, $0.0e+00;
	v7 =	vadd.f32 v7, v16;
	v16 =	vld [tilespmem:$0x1FD80]  }
0x107: {  	v15 =	vadd.s32 $0x1B, v0;
	v10 =	vmul.f32 v10, v19;
	v19 =	vld [tilespmem:$0x1FDA0]  }
0x108: {  	v9 =	vadd.f32 v9, v13;
	v12 =	vadd.f32 v12, v18;
	v8 =	vmul.f32 v8, v4;
	v13 =	vld.idx.msk [tilespmem:v14+s3+$0x0], $0xffff  }
0x109: {  	v15 =	vadd.s32 v15, v5;
	v18 =	vld [tilespmem:$0x1FE10]  }
0x10a: {  	v6 =	vadd.f32 v10, v6;
	v10 =	vmax.f32 v12, $0.0e+00;
	v8 =	vadd.f32 v8, v17;
	v17 =	vld [tilespmem:$0x1FDC0]  }
0x10b: {  	v12 =	vld.idx.msk [tilespmem:v11+s3+$0x0], $0xffff;
	v10 =	vmul.f32 v10, v16;
	v16 =	vadd.s32 $0x1C, v0  }
0x10c: {  	v11 =	vld.idx.msk [tilespmem:v11+s11+$0x0], $0xffff;
	v7 =	vmax.f32 v7, $0.0e+00;
	v16 =	vadd.s32 v16, v5  }
0x10d: {  	v7 =	vmul.f32 v7, v19;
	v6 =	vadd.f32 v10, v6;
	v10 =	vld.idx.msk [tilespmem:v14+s11+$0x0], $0xffff  }
0x10e: {  	v8 =	vmax.f32 v8, $0.0e+00;
	v14 =	vld.idx.msk [tilespmem:v15+s3+$0x0], $0xffff  }
0x10f: {  	v6 =	vadd.f32 v7, v6;
	v7 =	vmul.f32 v8, v17;
	v17 =	vld [tilespmem:$0x1FDD0]  }
0x110: {  	v8 =	vld.idx.msk [tilespmem:v15+s11+$0x0], $0xffff  }
0x111: {  	v9 =	vmul.f32 v9, v4;
	v15 =	vadd.s32 $0x1D, v0;
	v6 =	vadd.f32 v7, v6;
	v7 =	vld.idx.msk [tilespmem:v16+s3+$0x0], $0xffff  }
0x112: {  	v11 =	vadd.f32 v11, v12;
	v12 =	vadd.s32 v15, v5;
	v15 =	vld.idx.msk [tilespmem:v16+s11+$0x0], $0xffff;
	v16 =	vadd.s32 $0x1E, v0  }
0x113: {  	v10 =	vadd.f32 v10, v13;
	v13 =	vadd.s32 v16, v5;
	v16 =	vld [tilespmem:$0x1FDF0]  }
0x114: {  	v9 =	vadd.f32 v9, v17;
	v17 =	vld [tilespmem:$0x1FDE0];
	_ =	sdelay $0x1  }
0x115: {  	v10 =	vmul.f32 v10, v4  }
0x116: {  	v19 =	vld [tilespmem:$0x1FE00];
	v11 =	vmul.f32 v11, v4  }
0x117: {  	v9 =	vmax.f32 v9, $0.0e+00;
	v10 =	vadd.f32 v10, v18;
	v18 =	vld [tilespmem:$0x1FE30]  }
0x118: {  	v11 =	vadd.f32 v11, v16;
	v9 =	vmul.f32 v9, v17;
	v17 =	vld [tilespmem:$0x1FE50]  }
0x119: {  	v8 =	vadd.f32 v8, v14;
	v7 =	vadd.f32 v15, v7;
	v16 =	vld.idx.msk [tilespmem:v12+s3+$0x0], $0xffff  }
0x11a: {  	v14 =	vadd.s32 $0x1F, v0;
	v15 =	vld.idx.msk [tilespmem:v13+s3+$0x0], $0xffff;
	v6 =	vadd.f32 v9, v6;
	v9 =	vmax.f32 v11, $0.0e+00  }
0x11b: {  	v14 =	vadd.s32 v14, v5;
	v7 =	vmul.f32 v7, v4;
	v9 =	vmul.f32 v9, v19;
	v19 =	vld [tilespmem:$0x1FE20]  }
0x11c: {  	v11 =	vld.idx.msk [tilespmem:v12+s11+$0x0], $0xffff  }
0x11d: {  	v8 =	vmul.f32 v8, v4;
	v12 =	vadd.s32 $0x20, v0;
	v7 =	vadd.f32 v7, v17;
	v17 =	vld [tilespmem:$0x1FE40]  }
0x11e: {  	v13 =	vld.idx.msk [tilespmem:v13+s11+$0x0], $0xffff;
	v12 =	vadd.s32 v12, v5  }
0x11f: {  	v10 =	vmax.f32 v10, $0.0e+00;
	v8 =	vadd.f32 v8, v18;
	v18 =	vld [tilespmem:$0x1FE60]  }
0x120: {  	v6 =	vadd.f32 v9, v6;
	v9 =	vmul.f32 v10, v19;
	v10 =	vld.idx.msk [tilespmem:v14+s3+$0x0], $0xffff  }
0x121: {  	v8 =	vmax.f32 v8, $0.0e+00;
	v11 =	vadd.f32 v11, v16;
	v14 =	vld.idx.msk [tilespmem:v14+s11+$0x0], $0xffff  }
0x122: {  	v16 =	vadd.s32 $0x21, v0;
	v19 =	vld [tilespmem:$0x1FE70];
	v6 =	vadd.f32 v9, v6;
	v8 =	vmul.f32 v8, v17  }
0x123: {  	v9 =	vadd.s32 v16, v5;
	v16 =	vld.idx.msk [tilespmem:v12+s3+$0x0], $0xffff  }
0x124: {  	v6 =	vadd.f32 v8, v6;
	v8 =	vld.idx.msk [tilespmem:v12+s11+$0x0], $0xffff  }
0x125: {  	v7 =	vmax.f32 v7, $0.0e+00;
	v17 =	vadd.f32 v13, v15  }
0x126: {  	v7 =	vmul.f32 v7, v18  }
0x127: {  	v18 =	vadd.s32 $0x22, v0;
	v11 =	vmul.f32 v11, v4;
	v12 =	vmul.f32 v17, v4;
	v17 =	vld [tilespmem:$0x1FED0]  }
0x128: {  	v6 =	vadd.f32 v7, v6;
	v7 =	vadd.f32 v14, v10;
	v10 =	vadd.s32 v18, v5;
	v18 =	vld [tilespmem:$0x1FE80]  }
0x129: {  	v11 =	vadd.f32 v11, v19;
	v19 =	vadd.s32 $0x23, v0;
	v8 =	vadd.f32 v8, v16;
	v16 =	vld [tilespmem:$0x1FEA0]  }
0x12a: {  	v14 =	vadd.s32 v19, v5;
	v19 =	vld [tilespmem:$0x1FE90]  }
0x12b: {  	v13 =	vld.idx.msk [tilespmem:v9+s3+$0x0], $0xffff;
	v8 =	vmul.f32 v8, v4  }
0x12c: {  	v9 =	vld.idx.msk [tilespmem:v9+s11+$0x0], $0xffff;
	v7 =	vmul.f32 v7, v4  }
0x12d: {  	v8 =	vadd.f32 v8, v17;
	v17 =	vld [tilespmem:$0x1FEC0]  }
0x12e: {  	v7 =	vadd.f32 v7, v16;
	v16 =	vld [tilespmem:$0x1FEB0]  }
0x12f: {  	v11 =	vmax.f32 v11, $0.0e+00  }
0x130: {  	v15 =	vadd.s32 $0x24, v0;
	v11 =	vmul.f32 v11, v18;
	v12 =	vadd.f32 v12, v19;
	v18 =	vld [tilespmem:$0x1FFD0]  }
0x131: {  	v15 =	vadd.s32 v15, v5;
	v9 =	vadd.f32 v9, v13;
	v13 =	vld.idx.msk [tilespmem:v14+s3+$0x0], $0xffff  }
0x132: {  	v6 =	vadd.f32 v11, v6;
	v11 =	vmax.f32 v12, $0.0e+00;
	v12 =	vld.idx.msk [tilespmem:v10+s3+$0x0], $0xffff;
	v7 =	vmax.f32 v7, $0.0e+00  }
0x133: {  	v7 =	vmul.f32 v7, v17;
	v17 =	vld [tilespmem:$0x1FEE0];
	v11 =	vmul.f32 v11, v16;
	v16 =	vadd.s32 $0x25, v0  }
0x134: {  	v10 =	vld.idx.msk [tilespmem:v10+s11+$0x0], $0xffff;
	v16 =	vadd.s32 v16, v5  }
0x135: {  	v6 =	vadd.f32 v11, v6;
	v11 =	vld.idx.msk [tilespmem:v14+s11+$0x0], $0xffff  }
0x136: {  	v9 =	vmul.f32 v9, v4;
	v8 =	vmax.f32 v8, $0.0e+00;
	v14 =	vld.idx.msk [tilespmem:v15+s3+$0x0], $0xffff  }
0x137: {  	v6 =	vadd.f32 v7, v6;
	v7 =	vmul.f32 v8, v18;
	v8 =	vld.idx.msk [tilespmem:v15+s11+$0x0], $0xffff  }
0x138: {  	v9 =	vadd.f32 v9, v17;
	v17 =	vld [tilespmem:$0x1FFE0]  }
0x139: {  	v15 =	vadd.s32 $0x26, v0;
	v6 =	vadd.f32 v7, v6;
	v7 =	vld.idx.msk [tilespmem:v16+s3+$0x0], $0xffff  }
0x13a: {  	v10 =	vadd.f32 v10, v12;
	v12 =	vadd.s32 v15, v5;
	v15 =	vld.idx.msk [tilespmem:v16+s11+$0x0], $0xffff;
	v16 =	vadd.s32 $0x27, v0  }
0x13b: {  	v11 =	vadd.f32 v11, v13;
	v13 =	vadd.s32 v16, v5;
	v16 =	vld [tilespmem:$0x1FEF0];
	_ =	sdelay $0x2  }
0x13c: {  	v10 =	vmul.f32 v10, v4;
	v18 =	vld [tilespmem:$0x1FFF0];
	v9 =	vmax.f32 v9, $0.0e+00  }
0x13d: {  	v9 =	vmul.f32 v9, v17;
	v17 =	vld [tilespmem:$0x1FF00]  }
0x13e: {  	v10 =	vadd.f32 v10, v16  }
0x13f: {  	v8 =	vadd.f32 v8, v14  }
0x140: {  	v14 =	vadd.s32 $0x28, v0;
	v11 =	vmul.f32 v11, v4;
	v16 =	vld.idx.msk [tilespmem:v12+s3+$0x0], $0xffff;
	v19 =	vmax.f32 v10, $0.0e+00  }
0x141: {  	v14 =	vadd.s32 v14, v5;
	v6 =	vadd.f32 v9, v6;
	v9 =	vmul.f32 v19, v18;
	v19 =	vld [tilespmem:$0x1FF10]  }
0x142: {  	v11 =	vadd.f32 v11, v17;
	v17 =	vld [tilespmem:$0x1FF20]  }
0x143: {  	v7 =	vadd.f32 v15, v7;
	v10 =	vld.idx.msk [tilespmem:v12+s11+$0x0], $0xffff  }
0x144: {  	v8 =	vmul.f32 v8, v4;
	v15 =	vld.idx.msk [tilespmem:v13+s3+$0x0], $0xffff;
	v12 =	vadd.s32 $0x29, v0  }
0x145: {  	v13 =	vld.idx.msk [tilespmem:v13+s11+$0x0], $0xffff;
	v7 =	vmul.f32 v7, v4;
	v12 =	vadd.s32 v12, v5;
	v11 =	vmax.f32 v11, $0.0e+00  }
0x146: {  	v6 =	vadd.f32 v9, v6;
	v9 =	vmul.f32 v11, v21;
	v11 =	vld.idx.msk [tilespmem:v14+s3+$0x0], $0xffff;
	v8 =	vadd.f32 v8, v19  }
0x147: {  	v14 =	vld.idx.msk [tilespmem:v14+s11+$0x0], $0xffff;
	v7 =	vadd.f32 v7, v17  }
0x148: {  	v10 =	vadd.f32 v10, v16;
	v16 =	vadd.s32 $0x2A, v0;
	v17 =	vld [tilespmem:$0x1FF30];
	v8 =	vmax.f32 v8, $0.0e+00  }
0x149: {  	v6 =	vadd.f32 v9, v6;
	v9 =	vadd.s32 v16, v5;
	v8 =	vmul.f32 v8, v22  }
0x14a: {  	v16 =	vld.idx.msk [tilespmem:v12+s3+$0x0], $0xffff  }
0x14b: {  	v10 =	vmul.f32 v10, v4;
	v6 =	vadd.f32 v8, v6;
	v8 =	vld.idx.msk [tilespmem:v12+s11+$0x0], $0xffff  }
0x14c: {  	v18 =	vadd.f32 v13, v15;
	v19 =	vadd.s32 $0x2B, v0  }
0x14d: {  	v10 =	vadd.f32 v10, v17;
	v17 =	vadd.f32 v14, v11;
	v11 =	vadd.s32 v19, v5;
	v19 =	vld [tilespmem:$0x1FF40]  }
0x14e: {  	v7 =	vmax.f32 v7, $0.0e+00;
	v13 =	vld.idx.msk [tilespmem:v9+s3+$0x0], $0xffff  }
0x14f: {  	v7 =	vmul.f32 v7, v23;
	v12 =	vmul.f32 v18, v4;
	v18 =	vadd.s32 $0x2C, v0;
	v9 =	vld.idx.msk [tilespmem:v9+s11+$0x0], $0xffff  }
0x150: {  	v14 =	vadd.s32 v18, v5;
	v8 =	vadd.f32 v8, v16;
	v16 =	vld [tilespmem:$0x1FF50]  }
0x151: {  	v10 =	vmax.f32 v10, $0.0e+00;
	v6 =	vadd.f32 v7, v6;
	v7 =	vmul.f32 v17, v4;
	v17 =	vld [tilespmem:$0x1FF60]  }
0x152: {  	v10 =	vmul.f32 v10, v24  }
0x153: {  	v15 =	vadd.s32 $0x2D, v0;
	v12 =	vadd.f32 v12, v19  }
0x154: {  	v15 =	vadd.s32 v15, v5;
	v18 =	vld [tilespmem:$0x1FF90];
	v6 =	vadd.f32 v10, v6;
	v8 =	vmul.f32 v8, v4  }
0x155: {  	v9 =	vadd.f32 v9, v13;
	v13 =	vld.idx.msk [tilespmem:v14+s3+$0x0], $0xffff;
	v7 =	vadd.f32 v7, v16;
	v16 =	vmax.f32 v12, $0.0e+00  }
0x156: {  	v8 =	vadd.f32 v8, v17;
	v17 =	vld [tilespmem:$0x1FF70];
	v10 =	vmul.f32 v16, v25;
	v16 =	vadd.s32 $0x2E, v0  }
0x157: {  	v12 =	vld.idx.msk [tilespmem:v11+s3+$0x0], $0xffff;
	v7 =	vmax.f32 v7, $0.0e+00;
	v16 =	vadd.s32 v16, v5  }
0x158: {  	v11 =	vld.idx.msk [tilespmem:v11+s11+$0x0], $0xffff;
	v6 =	vadd.f32 v10, v6;
	v7 =	vmul.f32 v7, v26  }
0x159: {  	v8 =	vmax.f32 v8, $0.0e+00;
	v10 =	vld.idx.msk [tilespmem:v14+s11+$0x0], $0xffff  }
0x15a: {  	v14 =	vld.idx.msk [tilespmem:v15+s3+$0x0], $0xffff;
	v6 =	vadd.f32 v7, v6;
	v7 =	vmul.f32 v8, v27  }
0x15b: {  	v8 =	vld.idx.msk [tilespmem:v15+s11+$0x0], $0xffff  }
0x15c: {  	v15 =	vadd.s32 $0x2F, v0;
	v6 =	vadd.f32 v7, v6;
	v7 =	vld.idx.msk [tilespmem:v16+s3+$0x0], $0xffff  }
0x15d: {  	v11 =	vadd.f32 v11, v12;
	v12 =	vadd.s32 v15, v5;
	v15 =	vld.idx.msk [tilespmem:v16+s11+$0x0], $0xffff;
	v16 =	vadd.s32 $0x30, v0  }
0x15e: {  	v10 =	vadd.f32 v10, v13;
	v13 =	vadd.s32 v16, v5;
	v16 =	vld [tilespmem:$0x1FF80];
	_ =	sdelay $0x1  }
0x15f: {  	v9 =	vmul.f32 v9, v4;
	v10 =	vmul.f32 v10, v4  }
0x160: {  	v11 =	vmul.f32 v11, v4  }
0x161: {  	v9 =	vadd.f32 v9, v17;
	v10 =	vadd.f32 v10, v18;
	v18 =	vld [tilespmem:$0x1FFA0]  }
0x162: {  	v8 =	vadd.f32 v8, v14;
	v14 =	vadd.s32 $0x31, v0;
	v11 =	vadd.f32 v11, v16;
	v16 =	vld.idx.msk [tilespmem:v12+s3+$0x0], $0xffff  }
0x163: {  	v9 =	vmax.f32 v9, $0.0e+00;
	v14 =	vadd.s32 v14, v5;
	v7 =	vadd.f32 v15, v7;
	v15 =	vld.idx.msk [tilespmem:v13+s3+$0x0], $0xffff  }
0x164: {  	v9 =	vmul.f32 v9, v28;
	v17 =	vmax.f32 v11, $0.0e+00;
	v11 =	vld.idx.msk [tilespmem:v12+s11+$0x0], $0xffff  }
0x165: {  	v19 =	vadd.s32 $0x32, v0;
	v8 =	vmul.f32 v8, v4;
	v13 =	vld.idx.msk [tilespmem:v13+s11+$0x0], $0xffff  }
0x166: {  	v6 =	vadd.f32 v9, v6;
	v12 =	vadd.s32 v19, v5;
	v9 =	vmul.f32 v17, v29;
	v17 =	vld [tilespmem:$0x1FFB0]  }
0x167: {  	v10 =	vmax.f32 v10, $0.0e+00;
	v19 =	vld [tilespmem:$0x1FFC0];
	v8 =	vadd.f32 v8, v18  }
0x168: {  	v7 =	vmul.f32 v7, v4;
	v6 =	vadd.f32 v9, v6;
	v9 =	vmul.f32 v10, v30;
	v10 =	vld.idx.msk [tilespmem:v14+s3+$0x0], $0xffff  }
0x169: {  	v14 =	vld.idx.msk [tilespmem:v14+s11+$0x0], $0xffff;
	v8 =	vmax.f32 v8, $0.0e+00;
	v11 =	vadd.f32 v11, v16;
	v16 =	vadd.s32 $0x33, v0  }
0x16a: {  	v6 =	vadd.f32 v9, v6;
	v8 =	vmul.f32 v8, v31;
	v9 =	vadd.s32 v16, v5  }
0x16b: {  	v18 =	vadd.s32 $0x34, v0;
	v7 =	vadd.f32 v7, v17;
	v16 =	vld.idx.msk [tilespmem:v12+s3+$0x0], $0xffff  }
0x16c: {  	v17 =	vadd.f32 v13, v15;
	v11 =	vmul.f32 v11, v4;
	v6 =	vadd.f32 v8, v6;
	v8 =	vld.idx.msk [tilespmem:v12+s11+$0x0], $0xffff  }
0x16d: {  	v13 =	vadd.s32 v18, v5;
	v18 =	vadd.s32 $0x35, v0;
	v7 =	vmax.f32 v7, $0.0e+00  }
0x16e: {  	v10 =	vadd.f32 v14, v10;
	v17 =	vmul.f32 v17, v4;
	v11 =	vadd.f32 v11, v19  }
0x16f: {  	v14 =	vadd.s32 v18, v5;
	v7 =	vmul.f32 v7, v32;
	v12 =	vld.idx.msk [tilespmem:v9+s3+$0x0], $0xffff  }
0x170: {  	v10 =	vmul.f32 v10, v4;
	v19 =	vmax.f32 v11, $0.0e+00;
	v9 =	vld.idx.msk [tilespmem:v9+s11+$0x0], $0xffff;
	v11 =	vadd.f32 v17, v34  }
0x171: {  	v6 =	vadd.f32 v7, v6;
	v7 =	vmul.f32 v19, v33;
	v8 =	vadd.f32 v8, v16  }
0x172: {  	v18 =	vadd.s32 $0x36, v0;
	v19 =	vmax.f32 v11, $0.0e+00  }
0x173: {  	v11 =	vld.idx.msk [tilespmem:v13+s3+$0x0], $0xffff;
	v6 =	vadd.f32 v7, v6;
	v7 =	vadd.f32 v10, v35;
	v8 =	vmul.f32 v8, v4  }
0x174: {  	v15 =	vadd.s32 v18, v5;
	v13 =	vld.idx.msk [tilespmem:v13+s11+$0x0], $0xffff;
	v10 =	vmul.f32 v19, v50;
	v19 =	vadd.s32 $0x37, v0  }
0x175: {  	v7 =	vmax.f32 v7, $0.0e+00;
	v8 =	vadd.f32 v8, v36;
	v9 =	vadd.f32 v9, v12  }
0x176: {  	v6 =	vadd.f32 v10, v6;
	v10 =	vld.idx.msk [tilespmem:v14+s3+$0x0], $0xffff;
	v12 =	vadd.s32 v19, v5;
	v7 =	vmul.f32 v7, v51  }
0x177: {  	v16 =	vadd.s32 $0x38, v0;
	v14 =	vld.idx.msk [tilespmem:v14+s11+$0x0], $0xffff;
	v8 =	vmax.f32 v8, $0.0e+00;
	v9 =	vmul.f32 v9, v4  }
0x178: {  	v6 =	vadd.f32 v7, v6;
	v7 =	vmul.f32 v8, v52;
	v8 =	vadd.s32 v16, v5  }
0x179: {  	v11 =	vadd.f32 v13, v11;
	v13 =	vld.idx.msk [tilespmem:v15+s3+$0x0], $0xffff;
	v16 =	vadd.s32 $0x39, v0;
	v9 =	vadd.f32 v9, v37  }
0x17a: {  	v6 =	vadd.f32 v7, v6;
	v7 =	vld.idx.msk [tilespmem:v15+s11+$0x0], $0xffff;
	v15 =	vadd.s32 v16, v5  }
0x17b: {  	v17 =	vadd.s32 $0x3A, v0;
	v11 =	vmul.f32 v11, v4;
	v16 =	vld.idx.msk [tilespmem:v12+s3+$0x0], $0xffff;
	v9 =	vmax.f32 v9, $0.0e+00  }
0x17c: {  	v10 =	vadd.f32 v14, v10;
	v12 =	vld.idx.msk [tilespmem:v12+s11+$0x0], $0xffff;
	v14 =	vadd.s32 v17, v5;
	v9 =	vmul.f32 v9, v53  }
0x17d: {  	v18 =	vadd.s32 $0x3B, v0;
	v11 =	vadd.f32 v11, v38;
	v17 =	vld.idx.msk [tilespmem:v8+s3+$0x0], $0xffff  }
0x17e: {  	v8 =	vld.idx.msk [tilespmem:v8+s11+$0x0], $0xffff;
	v6 =	vadd.f32 v9, v6;
	v9 =	vmul.f32 v10, v4;
	v10 =	vadd.s32 v18, v5  }
0x17f: {  	v11 =	vmax.f32 v11, $0.0e+00;
	v18 =	vadd.s32 $0x3C, v0;
	v7 =	vadd.f32 v7, v13;
	v13 =	vld.idx.msk [tilespmem:v15+s3+$0x0], $0xffff  }
0x180: {  	v20 =	vadd.s32 $0x3E, v0;
	v11 =	vmul.f32 v11, v54;
	v15 =	vld.idx.msk [tilespmem:v15+s11+$0x0], $0xffff;
	v18 =	vadd.s32 v18, v5  }
0x181: {  	v19 =	vadd.s32 $0x3D, v0;
	v12 =	vadd.f32 v12, v16;
	v16 =	vld.idx.msk [tilespmem:v14+s3+$0x0], $0xffff;
	v9 =	vadd.f32 v9, v39  }
0x182: {  	v6 =	vadd.f32 v11, v6;
	v11 =	vld.idx.msk [tilespmem:v14+s11+$0x0], $0xffff;
	v14 =	vadd.s32 v19, v5;
	v7 =	vmul.f32 v7, v4  }
0x183: {  	v12 =	vmul.f32 v12, v4;
	v9 =	vmax.f32 v9, $0.0e+00;
	v8 =	vadd.f32 v8, v17;
	v19 =	vld.idx.msk [tilespmem:v10+s3+$0x0], $0xffff  }
0x184: {  	v17 =	vadd.s32 v20, v5;
	v20 =	vadd.s32 $0x3F, v0;
	v7 =	vadd.f32 v7, v40;
	v10 =	vld.idx.msk [tilespmem:v10+s11+$0x0], $0xffff  }
0x185: {  	v9 =	vmul.f32 v9, v55;
	v5 =	vadd.s32 v20, v5;
	v13 =	vadd.f32 v15, v13;
	v15 =	vld.idx.msk [tilespmem:v18+s3+$0x0], $0xffff  }
0x186: {  	v12 =	vadd.f32 v12, v41;
	v8 =	vmul.f32 v8, v4;
	v18 =	vld.idx.msk [tilespmem:v18+s11+$0x0], $0xffff;
	v7 =	vmax.f32 v7, $0.0e+00  }
0x187: {  	v6 =	vadd.f32 v9, v6;
	v16 =	vadd.f32 v11, v16;
	v7 =	vmul.f32 v7, v56  }
0x188: {  	v11 =	vld.idx.msk [tilespmem:v14+s3+$0x0], $0xffff;
	v12 =	vmax.f32 v12, $0.0e+00;
	v8 =	vadd.f32 v8, v42  }
0x189: {  	v14 =	vld.idx.msk [tilespmem:v14+s11+$0x0], $0xffff;
	v13 =	vmul.f32 v13, v4;
	v9 =	vmul.f32 v16, v4;
	v6 =	vadd.f32 v7, v6  }
0x18a: {  	v16 =	vld.idx.msk [tilespmem:v17+s11+$0x0], $0xffff;
	v7 =	vmul.f32 v12, v57;
	v10 =	vadd.f32 v10, v19;
	v8 =	vmax.f32 v8, $0.0e+00  }
0x18b: {  	v12 =	vld.idx.msk [tilespmem:v17+s3+$0x0], $0xffff;
	v13 =	vadd.f32 v13, v43;
	v19 =	vmul.f32 v8, v58;
	v8 =	vadd.f32 v18, v15  }
0x18c: {  	v18 =	vld.idx.msk [tilespmem:v5+s3+$0x0], $0xffff;
	v9 =	vadd.f32 v9, v44;
	v6 =	vadd.f32 v7, v6  }
0x18d: {  	v5 =	vld.idx.msk [tilespmem:v5+s11+$0x0], $0xffff;
	v13 =	vmax.f32 v13, $0.0e+00;
	v10 =	vmul.f32 v10, v4  }
0x18e: {  	v13 =	vmul.f32 v13, v59;
	v9 =	vmax.f32 v9, $0.0e+00;
	v6 =	vadd.f32 v19, v6  }
0x18f: {  	v8 =	vmul.f32 v8, v4;
	v19 =	vadd.f32 v14, v11;
	v10 =	vadd.f32 v10, v45  }
0x190: {  	v9 =	vmul.f32 v9, v60;
	v14 =	vadd.f32 v16, v12;
	v6 =	vadd.f32 v13, v6  }
0x191: {  	v8 =	vadd.f32 v8, v46;
	v10 =	vmax.f32 v10, $0.0e+00;
	v7 =	vmul.f32 v19, v4  }
0x192: {  	v5 =	vadd.f32 v5, v18;
	v16 =	vmul.f32 v10, v61;
	v6 =	vadd.f32 v9, v6  }
0x193: {  	v8 =	vmax.f32 v8, $0.0e+00;
	v17 =	vmul.f32 v14, v4;
	v7 =	vadd.f32 v7, v47  }
0x194: {  	v8 =	vmul.f32 v8, v62;
	v6 =	vadd.f32 v16, v6  }
0x195: {  	v4 =	vmul.f32 v5, v4;
	v18 =	vadd.f32 v17, v48;
	v5 =	vmax.f32 v7, $0.0e+00  }
0x196: {  	v5 =	vmul.f32 v5, v63;
	v6 =	vadd.f32 v8, v6  }
0x197: {  	v4 =	vadd.f32 v4, v49;
	v7 =	vmax.f32 v18, $0.0e+00  }
0x198: {  	v19 =	vmul.f32 v7, v1;
	v5 =	vadd.f32 v5, v6  }
0x199: {  	v4 =	vmax.f32 v4, $0.0e+00  }
0x19a: {  	v4 =	vmul.f32 v4, v2;
	v5 =	vadd.f32 v19, v5;
	_ =	sdelay $0x1  }
0x19b: {  	v4 =	vadd.f32 v4, v5;
	_ =	sdelay $0x1  }
0x19c: {  	v4 =	vadd.f32 v4, v3;
	_ =	sdelay $0x1  }
0x19d: {  	v4 =	vmax.f32 v4, $-5.000000000e+00  }
0x19e: {  	v4 =	vmin.f32 v4, $5.000000000e+00  }
0x19f: {  	v4 =	vsub.f32 $0.0e+00, v4;
	_ =	sdelay $0x1  }
0x1a0: {  	v4 =	vmul.f32 $1.442695020e+00, v4;
	_ =	sdelay $0x1  }
0x1a1: {  	(erf) = vpow2.f32 v4;
	_ =	sdelay $0x8  }
0x1a2: {  	v4 =	vpop (erf)  }
0x1a3: {  	v4 =	vadd.f32 $1.000000000e+00, v4;
	_ =	sdelay $0x1  }
0x1a4: {  	(erf) = vrcp.f32 v4;
	_ =	sdelay $0x7  }
0x1a5: {  	s17 =	sadd.s32 $0x10, s17  }
0x1a6: {  	p1 =	sne.s32 s7, s17;
	v4 =	vpop (erf)  }
.Ltmp0:
0x1a7: {  	v4 =	vmul.f32 $8.999999760e-01, v4;
	(pc) =	sbr.rel @p1 .LBB2_2-.Ltmp0, $3  }
0x1a8: {  	_ = 	snop  }
0x1a9: {  	v4 =	vadd.f32 $1.000000010e-01, v4;
	_ =	sdelay $0x1  }
0x1aa: {  	[tilespmem:s16+$0x0] =	vst v4;
	s16 =	sadd.s32 $0x10, s16  }
0x1ab: {  	s16 =	simm.s32 @p0 $0x0;
	s17 =	simm.s32 @p0 $0xC890  }
0x1ac: {  	[hbm4b:s9+s16] =	stream.linear.scatter @p0 [tilespmem:s17], [sflag:$0x2], $0x50, $0x38;
	[tilespmem:$0xC9D0] =	vst v63  }
0x1ad: {  	s16 =	simm.s32 @p0 $0x2  }
0x1ae: {  	_ =	swait.ge @p0 [sflag:s16], $0x50  }
0x1af: {  	s15 =	sadd.s32 $0x1, s15;
	s17 =	simm.s32 @!p0 $0xC890;
	[sflag:s16] =	ssyncset.done @p0 $0x0  }
0x1b0: {  	p1 =	sne.s32 s15, s10;
	[sflag:s16] =	ssyncadd.s32 @p0 $0xFFFFFFB0;
	s16 =	simm.s32 @!p0 $0x0  }
0x1b1: {  	[hbm4b:s8+s16] =	stream.linear.scatter @!p0 [tilespmem:s17], [sflag:$0x2], $0x140, $0x38;
	[tilespmem:$0xC9D0] =	vst v63  }
.Ltmp1:
0x1b2: {  	_ = 	snop;
	(pc) =	sbr.rel @p1 .LBB2_1-.Ltmp1, $4  }
0x1b3: {  	s16 =	simm.s32 @!p0 $0x2  }
0x1b4: {  	_ =	swait.ge @!p0 [sflag:s16], $0x140  }
0x1b5: {  	[sflag:s16] =	ssyncset.done @!p0 $0x0  }
0x1b6: {  	[sflag:s16] =	ssyncadd.s32 @!p0 $0xFFFFFEC0  }
0x1b7: {  	_ =	sfence.sel $0x180000  }
0x1b8: {  	[bflag:$0x0] =	sbarrier.arrive $0xFFFF  }
0x1b9: {  	p0 =	sne.s32 s0, $0x0;
	_ =	strace $0x9000004A  }
0x1ba: {  	s0 =	sadd.s32 @!p0 $0x100000, s1;
	[bflag:$0x2] =	sbarrier.arrive $0xFFFF  }
0x1bb: {  	[sflag:s0] =	ssyncadd.tile.s32 @!p0 $0x1;
	_ =	shalt  }
.Lfunc_end2:
_tile_overlayer_lowered:
.L_overlay_start_2:
0x1bc: {  	(tag) =	ssettag $0x2  }
0x1bd: {  	s0 =	rddreg [dreg:$0x0];
	s2 =	stileid.u32  }
0x1be: {  	s1 =	rddreg [dreg:$0x1];
	p0 =	sne.s32 s2, $0x0  }
0x1bf: {  	s3 =	rddreg [dreg:$0x2];
	[bflag:$0x3] =	sbarrier.arrive $0xFFFF;
	s2 =	simm.s32 @!p0 $0x1C02  }
0x1c0: {  	[timem:s3], [sflag:s2] =	dma.local @!p0 [hbm:s0], s1  }
0x1c1: {  	s0 =	simm.s32 @!p0 $0x2  }
0x1c2: {  	_ =	swait.ge @!p0 [sflag:s0], s1  }
0x1c3: {  	s1 =	ssub.s32 @!p0 $0x0, s1;
	[sflag:s0] =	ssyncset.done @!p0 $0x0  }
0x1c4: {  	[sflag:s0] =	ssyncadd.s32 @!p0 s1  }
0x1c5: {  	[bflag:$0x3] =	sbarrier.arrive $0xFFFF  }
0x1c6: {  	_ =	shalt  }

</sc_bundles>
